<compile_context>
chip_gen: v7x
topology: tpu7x:2x2x1
jax: 0.10.2.dev20260603
libtpu: 0.0.44.dev20260713+nightly
codegen_flags: <defaults>
</compile_context>

<pallas_src>
import functools

import jax
import jax.numpy as jnp
from jax import lax
from jax.experimental import pallas as pl
from jax.experimental.pallas import tpu as pltpu
from jax.experimental.pallas import tpu_sc as plsc

N = 10000
NP = 10240
E = 320000
H = 128
C = 5
NC = 2
NS = 16
EPT = E // NS
CK = 128
NCHUNK = 160
SPLIT = 4
EPT_PAD = NCHUNK * CK
RPT = NP // NS
BR = 256
GRID = NP // BR

_mesh = plsc.VectorSubcoreMesh(
    core_axis_name="c", subcore_axis_name="s", num_cores=NC, num_subcores=NS)
_sc_params = pltpu.CompilerParams(needs_layout_passes=False,
                                  use_tc_tiling_on_sc=False)


@functools.partial(
    pl.kernel,
    out_type=jax.ShapeDtypeStruct((NC, NS, NP), jnp.float32),
    mesh=_mesh,
    scratch_types=[
        pltpu.VMEM((EPT_PAD,), jnp.int32),
        pltpu.VMEM((NP,), jnp.float32),
    ],
    compiler_params=_sc_params,
)
def _deg_kernel(dstf, znp, degp, idx_v, acc_v):
    c = lax.axis_index("c")
    s = lax.axis_index("s")
    pltpu.sync_copy(dstf.at[c, s], idx_v)
    pltpu.sync_copy(znp, acc_v)
    ones16 = jnp.ones((16,), jnp.float32)

    def sc_body(i, carry):
        idx = idx_v[pl.ds(i * 16, 16)]
        plsc.addupdate_scatter(acc_v, [idx], ones16)
        return carry

    lax.fori_loop(0, EPT_PAD // 16, sc_body, 0, unroll=4)
    pltpu.sync_copy(acc_v, degp.at[c, s])


def _make_agg(with_sigma):
    out_types = [jax.ShapeDtypeStruct((NC, NP, H), jnp.bfloat16)
                 for _ in range(SPLIT)]
    scratch = [
        pltpu.VMEM((EPT_PAD,), jnp.int32),
        pltpu.VMEM((NCHUNK, CK), jnp.int32),
        pltpu.VMEM((CK, H), jnp.bfloat16),
        pltpu.VMEM_SHARED((NP, H), jnp.bfloat16),
    ]
    if with_sigma:
        out_types.append(jax.ShapeDtypeStruct((NC, NS, NP), jnp.float32))
        scratch += [
            pltpu.VMEM((EPT_PAD,), jnp.int32),
            pltpu.VMEM((NP,), jnp.float32),
            pltpu.VMEM((NP,), jnp.float32),
        ]

    def body(*refs):
        if with_sigma:
            (y1, y2, dinvp, srcf, dstc, dstf, zck, znp) = refs[:8]
            p_outs = refs[8:8 + SPLIT]
            sig_out = refs[8 + SPLIT]
            (srcf_v, dstc_v, g0, acc,
             dstf_v, dinv_v, sig_v) = refs[9 + SPLIT:]
        else:
            (y1, y2, srcf, dstc, zck) = refs[:5]
            p_outs = refs[5:5 + SPLIT]
            (srcf_v, dstc_v, g0, acc) = refs[5 + SPLIT:]
        c = lax.axis_index("c")
        s = lax.axis_index("s")
        pltpu.sync_copy(srcf.at[c, s], srcf_v)
        pltpu.sync_copy(dstc.at[c, s], dstc_v)

        NCS = NCHUNK // SPLIT

        def zero_own():
            pltpu.sync_copy(zck, g0)
            for k in range(RPT // CK):
                pltpu.sync_copy(g0, acc.at[pl.ds(s * RPT + k * CK, CK)])

        def sub_pass(t, p_out):
            def edge_loop(y_hbm):
                def body_j(j, carry):
                    pltpu.sync_copy(y_hbm.at[srcf_v.at[pl.ds(j * CK, CK)]],
                                    g0)
                    pltpu.sync_copy(g0, acc.at[dstc_v.at[j]], add=True)
                    return carry
                lax.fori_loop(t * NCS, (t + 1) * NCS, body_j, 0)

            @pl.when(c == 0)
            def _():
                edge_loop(y1)

            @pl.when(c == 1)
            def _():
                edge_loop(y2)

            plsc.subcore_barrier()
            pltpu.sync_copy(acc.at[pl.ds(s * RPT, RPT)],
                            p_out.at[c, pl.ds(s * RPT, RPT)])
            if t < SPLIT - 1:
                zero_own()
                plsc.subcore_barrier()

        zero_own()
        plsc.subcore_barrier()
        for t in range(SPLIT):
            sub_pass(t, p_outs[t])

        if with_sigma:
            pltpu.sync_copy(dstf.at[c, s], dstf_v)
            pltpu.sync_copy(dinvp.at[c], dinv_v)
            pltpu.sync_copy(znp, sig_v)

            def sig_body(i, carry):
                d16 = dstf_v[pl.ds(i * 16, 16)]
                s16 = srcf_v[pl.ds(i * 16, 16)]
                vals = plsc.load_gather(dinv_v, [d16])
                plsc.addupdate_scatter(sig_v, [s16], vals)
                return carry

            lax.fori_loop(0, EPT_PAD // 16, sig_body, 0, unroll=4)
            pltpu.sync_copy(sig_v, sig_out.at[c, s])

    return pl.kernel(
        body,
        out_type=tuple(out_types),
        mesh=_mesh,
        scratch_types=scratch,
        compiler_params=_sc_params,
    )


_agg_sig = _make_agg(True)
_agg = _make_agg(False)


def _tc_b(degp, x1, x2, w1):
    def body(degp_ref, x1_ref, x2_ref, w1_ref,
             dinv_ref, y1_ref, y2_ref):
        i = pl.program_id(0)
        deg = jnp.sum(degp_ref[...], axis=1) + 1.0
        rows = i * BR + lax.broadcasted_iota(jnp.int32, (NC, BR), 1)
        dinv = jnp.where(rows < N, lax.rsqrt(deg), 0.0)
        dinv_ref[...] = dinv
        d1 = dinv[0, :][:, None]
        d2 = dinv[1, :][:, None]
        w = w1_ref[...]
        y1 = d1 * jnp.dot(x1_ref[...], w, preferred_element_type=jnp.float32)
        y2 = d2 * jnp.dot(x2_ref[...], w, preferred_element_type=jnp.float32)
        y1_ref[...] = y1.astype(jnp.bfloat16)
        y2_ref[...] = y2.astype(jnp.bfloat16)

    yspec = pl.BlockSpec((BR, H), lambda i: (i, 0))
    yshape = jax.ShapeDtypeStruct((NP, H), jnp.bfloat16)
    return pl.pallas_call(
        body,
        grid=(GRID,),
        in_specs=[
            pl.BlockSpec((NC, NS, BR), lambda i: (0, 0, i)),
            pl.BlockSpec((BR, H), lambda i: (i, 0)),
            pl.BlockSpec((BR, H), lambda i: (i, 0)),
            pl.BlockSpec((H, H), lambda i: (0, 0)),
        ],
        out_specs=[
            pl.BlockSpec((NC, BR), lambda i: (0, i)),
            yspec, yspec,
        ],
        out_shape=[
            jax.ShapeDtypeStruct((NC, NP), jnp.float32),
            yshape, yshape,
        ],
    )(degp, x1, x2, w1)


def _tc_d(y1, y2, p1s, d1, d2, b, w):
    def body(y1_ref, y2_ref, *rest):
        p_refs = rest[:SPLIT]
        d1_ref, d2_ref, b_ref, w_ref, o1_ref, o2_ref = rest[SPLIT:]
        pv = sum(p_refs[t][...].astype(jnp.float32) for t in range(SPLIT))
        d1v = d1_ref[...]
        d2v = d2_ref[...]
        bv = b_ref[...]
        w_ = w_ref[...]
        a1 = y1_ref[...].astype(jnp.float32) + pv[0]
        a2 = y2_ref[...].astype(jnp.float32) + pv[1]
        h1 = jnp.maximum(d1v * a1 + bv, 0.0)
        h2 = jnp.maximum(d2v * a2 + bv, 0.0)
        o1 = d1v * jnp.dot(h1, w_, preferred_element_type=jnp.float32)
        o2 = d2v * jnp.dot(h2, w_, preferred_element_type=jnp.float32)
        o1_ref[...] = o1.astype(jnp.bfloat16)
        o2_ref[...] = o2.astype(jnp.bfloat16)

    yspec = pl.BlockSpec((BR, H), lambda i: (i, 0))
    yshape = jax.ShapeDtypeStruct((NP, H), jnp.bfloat16)
    return pl.pallas_call(
        body,
        grid=(GRID,),
        in_specs=[yspec, yspec]
        + [pl.BlockSpec((NC, BR, H), lambda i: (0, i, 0))] * SPLIT + [
            pl.BlockSpec((BR, 1), lambda i: (i, 0)),
            pl.BlockSpec((BR, 1), lambda i: (i, 0)),
            pl.BlockSpec((1, H), lambda i: (0, 0)),
            pl.BlockSpec((H, H), lambda i: (0, 0)),
        ],
        out_specs=[yspec, yspec],
        out_shape=[yshape, yshape],
    )(y1, y2, *p1s, d1, d2, b, w)


def _tc_f(y1, y2, p2s, d1, d2, sigp, b):
    def body(y1_ref, y2_ref, *rest):
        p_refs = rest[:SPLIT]
        d1_ref, d2_ref, sigp_ref, b_ref, s_ref = rest[SPLIT:]
        i = pl.program_id(0)
        pv = sum(p_refs[t][...].astype(jnp.float32) for t in range(SPLIT))
        d1v = d1_ref[...]
        d2v = d2_ref[...]
        bv = b_ref[...]
        a1 = y1_ref[...].astype(jnp.float32) + pv[0]
        a2 = y2_ref[...].astype(jnp.float32) + pv[1]
        h1 = jnp.maximum(d1v * a1 + bv, 0.0)
        h2 = jnp.maximum(d2v * a2 + bv, 0.0)
        sig = jnp.sum(sigp_ref[...], axis=1)
        c1 = d1v * sig[0, :][:, None] + d1v * d1v
        c2 = d2v * sig[1, :][:, None] + d2v * d2v
        s1 = jnp.sum(c1 * h1, axis=0)
        s2 = jnp.sum(c2 * h2, axis=0)

        @pl.when(i == 0)
        def _():
            s_ref[...] = jnp.zeros((NC, H), jnp.float32)

        s_ref[...] += jnp.stack([s1, s2])

    yspec = pl.BlockSpec((BR, H), lambda i: (i, 0))
    return pl.pallas_call(
        body,
        grid=(GRID,),
        in_specs=[yspec, yspec]
        + [pl.BlockSpec((NC, BR, H), lambda i: (0, i, 0))] * SPLIT + [
            pl.BlockSpec((BR, 1), lambda i: (i, 0)),
            pl.BlockSpec((BR, 1), lambda i: (i, 0)),
            pl.BlockSpec((NC, NS, BR), lambda i: (0, 0, i)),
            pl.BlockSpec((1, H), lambda i: (0, 0)),
        ],
        out_specs=pl.BlockSpec((NC, H), lambda i: (0, 0)),
        out_shape=jax.ShapeDtypeStruct((NC, H), jnp.float32),
    )(y1, y2, *p2s, d1, d2, sigp, b)


def _tc_g(s_in, w3, b3, wl, bl):
    def body(s_ref, w3_ref, b3_ref, wl_ref, bl_ref, o_ref):
        sv = s_ref[...]
        pooled = jnp.dot((sv[0:1, :] + sv[1:2, :]) * (1.0 / (2 * N)),
                         w3_ref[...], preferred_element_type=jnp.float32)
        pooled = pooled + b3_ref[...]
        o_ref[...] = jnp.dot(pooled, wl_ref[...],
                             preferred_element_type=jnp.float32) + bl_ref[...]

    return pl.pallas_call(
        body,
        out_shape=jax.ShapeDtypeStruct((1, H), jnp.float32),
    )(s_in, w3, b3, wl, bl)


def kernel(x_1, edge_index_1, x_2, edge_index_2,
           W1, b1, W2, b2, W3, b3, Wl, bl):
    x1p = jnp.pad(x_1, ((0, NP - N), (0, 0)))
    x2p = jnp.pad(x_2, ((0, NP - N), (0, 0)))

    def prep(ei):
        a = ei.reshape(2, NS, EPT)
        a = jnp.pad(a, ((0, 0), (0, 0), (0, EPT_PAD - EPT)),
                    constant_values=N)
        return a[0], a[1], a[1].reshape(NS, NCHUNK, CK)

    s1f, d1f, d1c = prep(edge_index_1)
    s2f, d2f, d2c = prep(edge_index_2)
    srcf = jnp.stack([s1f, s2f])
    dstf = jnp.stack([d1f, d2f])
    dstc = jnp.stack([d1c, d2c])
    znp = jnp.zeros((NP,), jnp.float32)
    zck = jnp.zeros((CK, H), jnp.bfloat16)

    degp = _deg_kernel(dstf, znp)
    dinvp, y1, y2 = _tc_b(degp, x1p, x2p, W1)
    aout = _agg_sig(y1, y2, dinvp, srcf, dstc, dstf, zck, znp)
    p1s = aout[:SPLIT]
    sigp = aout[SPLIT]
    d1 = dinvp[0][:, None]
    d2 = dinvp[1][:, None]
    z1, z2 = _tc_d(y1, y2, p1s, d1, d2, b1.reshape(1, H), W2)
    p2s = _agg(z1, z2, srcf, dstc, zck)
    S = _tc_f(z1, z2, p2s, d1, d2, sigp, b2.reshape(1, H))
    wlp = jnp.pad(Wl, ((0, 0), (0, H - C)))
    blp = jnp.pad(bl, (0, H - C)).reshape(1, H)
    o = _tc_g(S, W3, b3.reshape(1, H), wlp, blp)
    return o[:, :C]

# --- scband reference (transcript-rebuilt; emitter-appended) ---
"""Pipeline reference for scband-gcn-10539849744470 (READ-ONLY COPY).

The authoritative reference and input builder live on the scoring server;
editing this copy changes nothing except your own understanding.
"""

import jax, jax.numpy as jnp
import numpy as np

N = 10000
E = 320000
F_IN = 128
H = 128
C = 5


def _gcn_conv(x, src, dst, W, b, n):
    # GCNConv: add self-loops, symmetric normalization, linear transform, scatter-add
    xW = x @ W
    loop = jnp.arange(n, dtype=src.dtype)
    s = jnp.concatenate([src, loop])
    d = jnp.concatenate([dst, loop])
    deg = jnp.zeros((n,), jnp.float32).at[d].add(1.0)
    dinv = jnp.where(deg > 0, 1.0 / jnp.sqrt(deg), 0.0)
    norm = dinv[s] * dinv[d]
    msg = xW[s] * norm[:, None]
    out = jnp.zeros((n, W.shape[1]), jnp.float32).at[d].add(msg)
    return out + b


def setup_inputs(seed: int = 0) -> dict:
    key = jax.random.key(seed)
    ks = jax.random.split(key, 16)
    x_1 = jax.random.normal(ks[0], (N, F_IN), jnp.float32)
    x_2 = jax.random.normal(ks[1], (N, F_IN), jnp.float32)
    edge_index_1 = jax.random.randint(ks[2], (2, E), 0, N, dtype=jnp.int32)
    edge_index_2 = jax.random.randint(ks[3], (2, E), 0, N, dtype=jnp.int32)
    def glorot(k, shape):
        lim = float(np.sqrt(6.0 / (shape[0] + shape[1])))
        return jax.random.uniform(k, shape, jnp.float32, -lim, lim)
    W1 = glorot(ks[4], (F_IN, H)); b1 = jnp.zeros((H,), jnp.float32)
    W2 = glorot(ks[5], (H, H));    b2 = jnp.zeros((H,), jnp.float32)
    W3 = glorot(ks[6], (H, H));    b3 = jnp.zeros((H,), jnp.float32)
    Wl = glorot(ks[7], (H, C));    bl = jnp.zeros((C,), jnp.float32)
    return {"x_1": x_1, "edge_index_1": edge_index_1, "x_2": x_2, "edge_index_2": edge_index_2,
            "W1": W1, "b1": b1, "W2": W2, "b2": b2, "W3": W3, "b3": b3, "Wl": Wl, "bl": bl}


def reference(x_1, edge_index_1, x_2, edge_index_2, W1, b1, W2, b2, W3, b3, Wl, bl):
    s1, d1 = edge_index_1[0], edge_index_1[1]
    s2, d2 = edge_index_2[0], edge_index_2[1]
    # branch 1 (dropout is identity in eval mode)
    h1 = jax.nn.relu(_gcn_conv(x_1, s1, d1, W1, b1, N))
    h1 = jax.nn.relu(_gcn_conv(h1, s1, d1, W2, b2, N))
    h1 = _gcn_conv(h1, s1, d1, W3, b3, N)
    # branch 2 (shared weights)
    h2 = jax.nn.relu(_gcn_conv(x_2, s2, d2, W1, b1, N))
    h2 = jax.nn.relu(_gcn_conv(h2, s2, d2, W2, b2, N))
    h2 = _gcn_conv(h2, s2, d2, W3, b3, N)
    # global mean pool over the single batch (all zeros batch vector)
    x = jnp.concatenate([h1, h2], axis=0)
    pooled = jnp.mean(x, axis=0, keepdims=True)
    return pooled @ Wl + bl

if __name__ == "__main__":
    import jax
    _d = setup_inputs()
    print(jax.jit(kernel)(*tuple(_d.values())))

</pallas_src>

<mosaic_0001>
#map = affine_map<(d0, d1) -> (0, 0, 0)>
#map1 = affine_map<(d0, d1) -> (0)>
module attributes {stable_mosaic.version = 14 : i64} {
  func.func @_deg_kernel(%arg0: i32, %arg1: i32, %arg2: memref<2x16x20480xi32, #tpu.memory_space<hbm>>, %arg3: memref<10240xf32, #tpu.memory_space<hbm>>, %arg4: memref<2x16x10240xf32, #tpu.memory_space<hbm>>, %arg5: memref<20480xi32, #tpu.memory_space<vmem>>, %arg6: memref<10240xf32, #tpu.memory_space<vmem>>) attributes {dimension_semantics = [#tpu.dimension_semantics<core_parallel>, #tpu.dimension_semantics<subcore_parallel>], iteration_bounds = array<i64: 2, 16>, scalar_prefetch = 0 : i64, scratch_operands = 2 : i64, tpu.core_type = #tpu.core_type<sc_vector_subcore>, window_params = [{transform_indices = #map}, {transform_indices = #map1}, {transform_indices = #map}]} {
    "tpu.region"() ({
      %run_scoped3A = tpu.sem_alloc : memref<!tpu.dma_semaphore, #tpu.memory_space<semaphore_mem>>
      %dma_start3A = arith.constant 0 : i32
      %dma_start3A_6 = tpu.memref_slice %arg2[%arg0, %arg1, %dma_start3A] : memref<2x16x20480xi32, #tpu.memory_space<hbm>> -> memref<1x1x20480xi32, #tpu.memory_space<hbm>>
      %dma_start3A_7 = tpu.memref_squeeze %dma_start3A_6 : memref<1x1x20480xi32, #tpu.memory_space<hbm>> -> memref<20480xi32, #tpu.memory_space<hbm>>
      %dma_start3A_8 = arith.constant 0 : i32
      %dma_start3A_9 = tpu.memref_slice %arg2[%arg0, %arg1, %dma_start3A_8] : memref<2x16x20480xi32, #tpu.memory_space<hbm>> -> memref<1x1x20480xi32, #tpu.memory_space<hbm>>
      %dma_start3A_10 = tpu.memref_squeeze %dma_start3A_9 : memref<1x1x20480xi32, #tpu.memory_space<hbm>> -> memref<20480xi32, #tpu.memory_space<hbm>>
      tpu.enqueue_dma source(%dma_start3A_10 : memref<20480xi32, #tpu.memory_space<hbm>>) target(%arg5 : memref<20480xi32, #tpu.memory_space<vmem>>) target_semaphore(%run_scoped3A : memref<!tpu.dma_semaphore, #tpu.memory_space<semaphore_mem>>)
      %dma_wait3A = arith.constant 0 : i32
      %dma_wait3A_11 = tpu.memref_slice %arg2[%arg0, %arg1, %dma_wait3A] : memref<2x16x20480xi32, #tpu.memory_space<hbm>> -> memref<1x1x20480xi32, #tpu.memory_space<hbm>>
      %dma_wait3A_12 = tpu.memref_squeeze %dma_wait3A_11 : memref<1x1x20480xi32, #tpu.memory_space<hbm>> -> memref<20480xi32, #tpu.memory_space<hbm>>
      %dma_wait3A_13 = arith.constant 0 : i32
      %dma_wait3A_14 = tpu.memref_slice %arg2[%arg0, %arg1, %dma_wait3A_13] : memref<2x16x20480xi32, #tpu.memory_space<hbm>> -> memref<1x1x20480xi32, #tpu.memory_space<hbm>>
      %dma_wait3A_15 = tpu.memref_squeeze %dma_wait3A_14 : memref<1x1x20480xi32, #tpu.memory_space<hbm>> -> memref<20480xi32, #tpu.memory_space<hbm>>
      tpu.wait_dma2 semaphore(%run_scoped3A : memref<!tpu.dma_semaphore, #tpu.memory_space<semaphore_mem>>) src(%dma_wait3A_15 : memref<20480xi32, #tpu.memory_space<hbm>>) dst(%arg5 : memref<20480xi32, #tpu.memory_space<vmem>>)
      tpu.yield
    }) : () -> ()
    "tpu.region"() ({
      %run_scoped3A = tpu.sem_alloc : memref<!tpu.dma_semaphore, #tpu.memory_space<semaphore_mem>>
      tpu.enqueue_dma source(%arg3 : memref<10240xf32, #tpu.memory_space<hbm>>) target(%arg6 : memref<10240xf32, #tpu.memory_space<vmem>>) target_semaphore(%run_scoped3A : memref<!tpu.dma_semaphore, #tpu.memory_space<semaphore_mem>>)
      tpu.wait_dma2 semaphore(%run_scoped3A : memref<!tpu.dma_semaphore, #tpu.memory_space<semaphore_mem>>) src(%arg3 : memref<10240xf32, #tpu.memory_space<hbm>>) dst(%arg6 : memref<10240xf32, #tpu.memory_space<vmem>>)
      tpu.yield
    }) : () -> ()
    %broadcast_in_dim3A = arith.constant 1.000000e+00 : f32
    %broadcast_in_dim3A_0 = vector.broadcast %broadcast_in_dim3A : f32 to vector<16xf32>
    %scan3A = arith.constant 0 : i32
    %scan3A_1 = arith.constant 0 : i32
    %scan3A_2 = arith.constant 1280 : i32
    %scan3A_3 = arith.addi %scan3A_1, %scan3A_2 : i32
    %scan3A_4 = arith.constant 4 : i32
    scf.for %scan3A_6 = %scan3A_1 to %scan3A_3 step %scan3A_4  : i32 {
      %mul3A = arith.constant 16 : i32
      %mul3A_7 = arith.muli %scan3A_6, %mul3A : i32
      %get3A = arith.index_cast %mul3A_7 : i32 to index
      %get3A_8 = tpu.vector_load %arg5[%get3A] {strides = array<i32>} : memref<20480xi32, #tpu.memory_space<vmem>>, vector<16xi32>,
      tpu.vector_store_idx %arg6[%get3A_8], %broadcast_in_dim3A_0 {add = true} : memref<10240xf32, #tpu.memory_space<vmem>>[vector<16xi32>], vector<16xf32>,
      %scan3A_9 = arith.constant 1 : i32
      %scan3A_10 = arith.addi %scan3A_6, %scan3A_9 : i32
      %mul3A_11 = arith.constant 16 : i32
      %mul3A_12 = arith.muli %scan3A_10, %mul3A_11 : i32
      %get3A_13 = arith.index_cast %mul3A_12 : i32 to index
      %get3A_14 = tpu.vector_load %arg5[%get3A_13] {strides = array<i32>} : memref<20480xi32, #tpu.memory_space<vmem>>, vector<16xi32>,
      tpu.vector_store_idx %arg6[%get3A_14], %broadcast_in_dim3A_0 {add = true} : memref<10240xf32, #tpu.memory_space<vmem>>[vector<16xi32>], vector<16xf32>,
      %scan3A_15 = arith.constant 2 : i32
      %scan3A_16 = arith.addi %scan3A_6, %scan3A_15 : i32
      %mul3A_17 = arith.constant 16 : i32
      %mul3A_18 = arith.muli %scan3A_16, %mul3A_17 : i32
      %get3A_19 = arith.index_cast %mul3A_18 : i32 to index
      %get3A_20 = tpu.vector_load %arg5[%get3A_19] {strides = array<i32>} : memref<20480xi32, #tpu.memory_space<vmem>>, vector<16xi32>,
      tpu.vector_store_idx %arg6[%get3A_20], %broadcast_in_dim3A_0 {add = true} : memref<10240xf32, #tpu.memory_space<vmem>>[vector<16xi32>], vector<16xf32>,
      %scan3A_21 = arith.constant 3 : i32
      %scan3A_22 = arith.addi %scan3A_6, %scan3A_21 : i32
      %mul3A_23 = arith.constant 16 : i32
      %mul3A_24 = arith.muli %scan3A_22, %mul3A_23 : i32
      %get3A_25 = arith.index_cast %mul3A_24 : i32 to index
      %get3A_26 = tpu.vector_load %arg5[%get3A_25] {strides = array<i32>} : memref<20480xi32, #tpu.memory_space<vmem>>, vector<16xi32>,
      tpu.vector_store_idx %arg6[%get3A_26], %broadcast_in_dim3A_0 {add = true} : memref<10240xf32, #tpu.memory_space<vmem>>[vector<16xi32>], vector<16xf32>,
    }
    %scan3A_5 = arith.constant 1280 : i32
    "tpu.region"() ({
      %run_scoped3A = tpu.sem_alloc : memref<!tpu.dma_semaphore, #tpu.memory_space<semaphore_mem>>
      %dma_start3A = arith.constant 0 : i32
      %dma_start3A_6 = tpu.memref_slice %arg4[%arg0, %arg1, %dma_start3A] : memref<2x16x10240xf32, #tpu.memory_space<hbm>> -> memref<1x1x10240xf32, #tpu.memory_space<hbm>>
      %dma_start3A_7 = tpu.memref_squeeze %dma_start3A_6 : memref<1x1x10240xf32, #tpu.memory_space<hbm>> -> memref<10240xf32, #tpu.memory_space<hbm>>
      %dma_start3A_8 = arith.constant 0 : i32
      %dma_start3A_9 = tpu.memref_slice %arg4[%arg0, %arg1, %dma_start3A_8] : memref<2x16x10240xf32, #tpu.memory_space<hbm>> -> memref<1x1x10240xf32, #tpu.memory_space<hbm>>
      %dma_start3A_10 = tpu.memref_squeeze %dma_start3A_9 : memref<1x1x10240xf32, #tpu.memory_space<hbm>> -> memref<10240xf32, #tpu.memory_space<hbm>>
      tpu.enqueue_dma source(%arg6 : memref<10240xf32, #tpu.memory_space<vmem>>) target(%dma_start3A_10 : memref<10240xf32, #tpu.memory_space<hbm>>) target_semaphore(%run_scoped3A : memref<!tpu.dma_semaphore, #tpu.memory_space<semaphore_mem>>)
      %dma_wait3A = arith.constant 0 : i32
      %dma_wait3A_11 = tpu.memref_slice %arg4[%arg0, %arg1, %dma_wait3A] : memref<2x16x10240xf32, #tpu.memory_space<hbm>> -> memref<1x1x10240xf32, #tpu.memory_space<hbm>>
      %dma_wait3A_12 = tpu.memref_squeeze %dma_wait3A_11 : memref<1x1x10240xf32, #tpu.memory_space<hbm>> -> memref<10240xf32, #tpu.memory_space<hbm>>
      %dma_wait3A_13 = arith.constant 0 : i32
      %dma_wait3A_14 = tpu.memref_slice %arg4[%arg0, %arg1, %dma_wait3A_13] : memref<2x16x10240xf32, #tpu.memory_space<hbm>> -> memref<1x1x10240xf32, #tpu.memory_space<hbm>>
      %dma_wait3A_15 = tpu.memref_squeeze %dma_wait3A_14 : memref<1x1x10240xf32, #tpu.memory_space<hbm>> -> memref<10240xf32, #tpu.memory_space<hbm>>
      tpu.wait_dma2 semaphore(%run_scoped3A : memref<!tpu.dma_semaphore, #tpu.memory_space<semaphore_mem>>) src(%arg6 : memref<10240xf32, #tpu.memory_space<vmem>>) dst(%dma_wait3A_15 : memref<10240xf32, #tpu.memory_space<hbm>>)
      tpu.yield
    }) : () -> ()
    return
  }
}

#map = affine_map<(d0, d1) -> (0, 0)>
#map1 = affine_map<(d0, d1) -> (0, 0, 0)>
#map2 = affine_map<(d0, d1) -> (0, 0, 0, 0)>
module attributes {stable_mosaic.version = 14 : i64} {
  func.func @body(%arg0: i32, %arg1: i32, %arg2: memref<10240x128xbf16, #tpu.memory_space<hbm>>, %arg3: memref<10240x128xbf16, #tpu.memory_space<hbm>>, %arg4: memref<2x16x20480xi32, #tpu.memory_space<hbm>>, %arg5: memref<2x16x160x128xi32, #tpu.memory_space<hbm>>, %arg6: memref<128x128xbf16, #tpu.memory_space<hbm>>, %arg7: memref<2x10240x128xbf16, #tpu.memory_space<hbm>>, %arg8: memref<2x10240x128xbf16, #tpu.memory_space<hbm>>, %arg9: memref<2x10240x128xbf16, #tpu.memory_space<hbm>>, %arg10: memref<2x10240x128xbf16, #tpu.memory_space<hbm>>, %arg11: memref<20480xi32, #tpu.memory_space<vmem>>, %arg12: memref<160x128xi32, #tpu.memory_space<vmem>>, %arg13: memref<128x128xbf16, #tpu.memory_space<vmem>>, %arg14: memref<10240x128xbf16, #tpu.memory_space<vmem_shared>>) attributes {dimension_semantics = [#tpu.dimension_semantics<core_parallel>, #tpu.dimension_semantics<subcore_parallel>], iteration_bounds = array<i64: 2, 16>, scalar_prefetch = 0 : i64, scratch_operands = 4 : i64, tpu.core_type = #tpu.core_type<sc_vector_subcore>, window_params = [{transform_indices = #map}, {transform_indices = #map}, {transform_indices = #map1}, {transform_indices = #map2}, {transform_indices = #map}, {transform_indices = #map1}, {transform_indices = #map1}, {transform_indices = #map1}, {transform_indices = #map1}]} {
    "tpu.region"() ({
      %run_scoped3A = tpu.sem_alloc : memref<!tpu.dma_semaphore, #tpu.memory_space<semaphore_mem>>
      %dma_start3A = arith.constant 0 : i32
      %dma_start3A_138 = tpu.memref_slice %arg4[%arg0, %arg1, %dma_start3A] : memref<2x16x20480xi32, #tpu.memory_space<hbm>> -> memref<1x1x20480xi32, #tpu.memory_space<hbm>>
      %dma_start3A_139 = tpu.memref_squeeze %dma_start3A_138 : memref<1x1x20480xi32, #tpu.memory_space<hbm>> -> memref<20480xi32, #tpu.memory_space<hbm>>
      %dma_start3A_140 = arith.constant 0 : i32
      %dma_start3A_141 = tpu.memref_slice %arg4[%arg0, %arg1, %dma_start3A_140] : memref<2x16x20480xi32, #tpu.memory_space<hbm>> -> memref<1x1x20480xi32, #tpu.memory_space<hbm>>
      %dma_start3A_142 = tpu.memref_squeeze %dma_start3A_141 : memref<1x1x20480xi32, #tpu.memory_space<hbm>> -> memref<20480xi32, #tpu.memory_space<hbm>>
      tpu.enqueue_dma source(%dma_start3A_142 : memref<20480xi32, #tpu.memory_space<hbm>>) target(%arg11 : memref<20480xi32, #tpu.memory_space<vmem>>) target_semaphore(%run_scoped3A : memref<!tpu.dma_semaphore, #tpu.memory_space<semaphore_mem>>)
      %dma_wait3A = arith.constant 0 : i32
      %dma_wait3A_143 = tpu.memref_slice %arg4[%arg0, %arg1, %dma_wait3A] : memref<2x16x20480xi32, #tpu.memory_space<hbm>> -> memref<1x1x20480xi32, #tpu.memory_space<hbm>>
      %dma_wait3A_144 = tpu.memref_squeeze %dma_wait3A_143 : memref<1x1x20480xi32, #tpu.memory_space<hbm>> -> memref<20480xi32, #tpu.memory_space<hbm>>
      %dma_wait3A_145 = arith.constant 0 : i32
      %dma_wait3A_146 = tpu.memref_slice %arg4[%arg0, %arg1, %dma_wait3A_145] : memref<2x16x20480xi32, #tpu.memory_space<hbm>> -> memref<1x1x20480xi32, #tpu.memory_space<hbm>>
      %dma_wait3A_147 = tpu.memref_squeeze %dma_wait3A_146 : memref<1x1x20480xi32, #tpu.memory_space<hbm>> -> memref<20480xi32, #tpu.memory_space<hbm>>
      tpu.wait_dma2 semaphore(%run_scoped3A : memref<!tpu.dma_semaphore, #tpu.memory_space<semaphore_mem>>) src(%dma_wait3A_147 : memref<20480xi32, #tpu.memory_space<hbm>>) dst(%arg11 : memref<20480xi32, #tpu.memory_space<vmem>>)
      tpu.yield
    }) : () -> ()
    "tpu.region"() ({
      %run_scoped3A = tpu.sem_alloc : memref<!tpu.dma_semaphore, #tpu.memory_space<semaphore_mem>>
      %dma_start3A = arith.constant 0 : i32
      %dma_start3A_138 = arith.constant 0 : i32
      %dma_start3A_139 = tpu.memref_slice %arg5[%arg0, %arg1, %dma_start3A, %dma_start3A_138] : memref<2x16x160x128xi32, #tpu.memory_space<hbm>> -> memref<1x1x160x128xi32, #tpu.memory_space<hbm>>
      %dma_start3A_140 = tpu.memref_squeeze %dma_start3A_139 : memref<1x1x160x128xi32, #tpu.memory_space<hbm>> -> memref<160x128xi32, #tpu.memory_space<hbm>>
      %dma_start3A_141 = arith.constant 0 : i32
      %dma_start3A_142 = arith.constant 0 : i32
      %dma_start3A_143 = tpu.memref_slice %arg5[%arg0, %arg1, %dma_start3A_141, %dma_start3A_142] : memref<2x16x160x128xi32, #tpu.memory_space<hbm>> -> memref<1x1x160x128xi32, #tpu.memory_space<hbm>>
      %dma_start3A_144 = tpu.memref_squeeze %dma_start3A_143 : memref<1x1x160x128xi32, #tpu.memory_space<hbm>> -> memref<160x128xi32, #tpu.memory_space<hbm>>
      tpu.enqueue_dma source(%dma_start3A_144 : memref<160x128xi32, #tpu.memory_space<hbm>>) target(%arg12 : memref<160x128xi32, #tpu.memory_space<vmem>>) target_semaphore(%run_scoped3A : memref<!tpu.dma_semaphore, #tpu.memory_space<semaphore_mem>>)
      %dma_wait3A = arith.constant 0 : i32
      %dma_wait3A_145 = arith.constant 0 : i32
      %dma_wait3A_146 = tpu.memref_slice %arg5[%arg0, %arg1, %dma_wait3A, %dma_wait3A_145] : memref<2x16x160x128xi32, #tpu.memory_space<hbm>> -> memref<1x1x160x128xi32, #tpu.memory_space<hbm>>
      %dma_wait3A_147 = tpu.memref_squeeze %dma_wait3A_146 : memref<1x1x160x128xi32, #tpu.memory_space<hbm>> -> memref<160x128xi32, #tpu.memory_space<hbm>>
      %dma_wait3A_148 = arith.constant 0 : i32
      %dma_wait3A_149 = arith.constant 0 : i32
      %dma_wait3A_150 = tpu.memref_slice %arg5[%arg0, %arg1, %dma_wait3A_148, %dma_wait3A_149] : memref<2x16x160x128xi32, #tpu.memory_space<hbm>> -> memref<1x1x160x128xi32, #tpu.memory_space<hbm>>
      %dma_wait3A_151 = tpu.memref_squeeze %dma_wait3A_150 : memref<1x1x160x128xi32, #tpu.memory_space<hbm>> -> memref<160x128xi32, #tpu.memory_space<hbm>>
      tpu.wait_dma2 semaphore(%run_scoped3A : memref<!tpu.dma_semaphore, #tpu.memory_space<semaphore_mem>>) src(%dma_wait3A_151 : memref<160x128xi32, #tpu.memory_space<hbm>>) dst(%arg12 : memref<160x128xi32, #tpu.memory_space<vmem>>)
      tpu.yield
    }) : () -> ()
    "tpu.region"() ({
      %run_scoped3A = tpu.sem_alloc : memref<!tpu.dma_semaphore, #tpu.memory_space<semaphore_mem>>
      tpu.enqueue_dma source(%arg6 : memref<128x128xbf16, #tpu.memory_space<hbm>>) target(%arg13 : memref<128x128xbf16, #tpu.memory_space<vmem>>) target_semaphore(%run_scoped3A : memref<!tpu.dma_semaphore, #tpu.memory_space<semaphore_mem>>)
      tpu.wait_dma2 semaphore(%run_scoped3A : memref<!tpu.dma_semaphore, #tpu.memory_space<semaphore_mem>>) src(%arg6 : memref<128x128xbf16, #tpu.memory_space<hbm>>) dst(%arg13 : memref<128x128xbf16, #tpu.memory_space<vmem>>)
      tpu.yield
    }) : () -> ()
    %mul3A = arith.constant 640 : i32
    %mul3A_0 = arith.muli %arg1, %mul3A : i32
    %add3A = arith.constant 0 : i32
    %add3A_1 = arith.addi %mul3A_0, %add3A : i32
    "tpu.region"() ({
      %run_scoped3A = tpu.sem_alloc : memref<!tpu.dma_semaphore, #tpu.memory_space<semaphore_mem>>
      %dma_start3A = arith.constant 0 : i32
      %dma_start3A_138 = tpu.memref_slice %arg14[%add3A_1, %dma_start3A] : memref<10240x128xbf16, #tpu.memory_space<vmem_shared>> -> memref<128x128xbf16, #tpu.memory_space<vmem_shared>>
      %dma_start3A_139 = arith.constant 0 : i32
      %dma_start3A_140 = tpu.memref_slice %arg14[%add3A_1, %dma_start3A_139] : memref<10240x128xbf16, #tpu.memory_space<vmem_shared>> -> memref<128x128xbf16, #tpu.memory_space<vmem_shared>>
      tpu.enqueue_dma source(%arg13 : memref<128x128xbf16, #tpu.memory_space<vmem>>) target(%dma_start3A_140 : memref<128x128xbf16, #tpu.memory_space<vmem_shared>>) target_semaphore(%run_scoped3A : memref<!tpu.dma_semaphore, #tpu.memory_space<semaphore_mem>>)
      %dma_wait3A = arith.constant 0 : i32
      %dma_wait3A_141 = tpu.memref_slice %arg14[%add3A_1, %dma_wait3A] : memref<10240x128xbf16, #tpu.memory_space<vmem_shared>> -> memref<128x128xbf16, #tpu.memory_space<vmem_shared>>
      %dma_wait3A_142 = arith.constant 0 : i32
      %dma_wait3A_143 = tpu.memref_slice %arg14[%add3A_1, %dma_wait3A_142] : memref<10240x128xbf16, #tpu.memory_space<vmem_shared>> -> memref<128x128xbf16, #tpu.memory_space<vmem_shared>>
      tpu.wait_dma2 semaphore(%run_scoped3A : memref<!tpu.dma_semaphore, #tpu.memory_space<semaphore_mem>>) src(%arg13 : memref<128x128xbf16, #tpu.memory_space<vmem>>) dst(%dma_wait3A_143 : memref<128x128xbf16, #tpu.memory_space<vmem_shared>>)
      tpu.yield
    }) : () -> ()
    %mul3A_2 = arith.constant 640 : i32
    %mul3A_3 = arith.muli %arg1, %mul3A_2 : i32
    %add3A_4 = arith.constant 128 : i32
    %add3A_5 = arith.addi %mul3A_3, %add3A_4 : i32
    "tpu.region"() ({
      %run_scoped3A = tpu.sem_alloc : memref<!tpu.dma_semaphore, #tpu.memory_space<semaphore_mem>>
      %dma_start3A = arith.constant 0 : i32
      %dma_start3A_138 = tpu.memref_slice %arg14[%add3A_5, %dma_start3A] : memref<10240x128xbf16, #tpu.memory_space<vmem_shared>> -> memref<128x128xbf16, #tpu.memory_space<vmem_shared>>
      %dma_start3A_139 = arith.constant 0 : i32
      %dma_start3A_140 = tpu.memref_slice %arg14[%add3A_5, %dma_start3A_139] : memref<10240x128xbf16, #tpu.memory_space<vmem_shared>> -> memref<128x128xbf16, #tpu.memory_space<vmem_shared>>
      tpu.enqueue_dma source(%arg13 : memref<128x128xbf16, #tpu.memory_space<vmem>>) target(%dma_start3A_140 : memref<128x128xbf16, #tpu.memory_space<vmem_shared>>) target_semaphore(%run_scoped3A : memref<!tpu.dma_semaphore, #tpu.memory_space<semaphore_mem>>)
      %dma_wait3A = arith.constant 0 : i32
      %dma_wait3A_141 = tpu.memref_slice %arg14[%add3A_5, %dma_wait3A] : memref<10240x128xbf16, #tpu.memory_space<vmem_shared>> -> memref<128x128xbf16, #tpu.memory_space<vmem_shared>>
      %dma_wait3A_142 = arith.constant 0 : i32
      %dma_wait3A_143 = tpu.memref_slice %arg14[%add3A_5, %dma_wait3A_142] : memref<10240x128xbf16, #tpu.memory_space<vmem_shared>> -> memref<128x128xbf16, #tpu.memory_space<vmem_shared>>
      tpu.wait_dma2 semaphore(%run_scoped3A : memref<!tpu.dma_semaphore, #tpu.memory_space<semaphore_mem>>) src(%arg13 : memref<128x128xbf16, #tpu.memory_space<vmem>>) dst(%dma_wait3A_143 : memref<128x128xbf16, #tpu.memory_space<vmem_shared>>)
      tpu.yield
    }) : () -> ()
    %mul3A_6 = arith.constant 640 : i32
    %mul3A_7 = arith.muli %arg1, %mul3A_6 : i32
    %add3A_8 = arith.constant 256 : i32
    %add3A_9 = arith.addi %mul3A_7, %add3A_8 : i32
    "tpu.region"() ({
      %run_scoped3A = tpu.sem_alloc : memref<!tpu.dma_semaphore, #tpu.memory_space<semaphore_mem>>
      %dma_start3A = arith.constant 0 : i32
      %dma_start3A_138 = tpu.memref_slice %arg14[%add3A_9, %dma_start3A] : memref<10240x128xbf16, #tpu.memory_space<vmem_shared>> -> memref<128x128xbf16, #tpu.memory_space<vmem_shared>>
      %dma_start3A_139 = arith.constant 0 : i32
      %dma_start3A_140 = tpu.memref_slice %arg14[%add3A_9, %dma_start3A_139] : memref<10240x128xbf16, #tpu.memory_space<vmem_shared>> -> memref<128x128xbf16, #tpu.memory_space<vmem_shared>>
      tpu.enqueue_dma source(%arg13 : memref<128x128xbf16, #tpu.memory_space<vmem>>) target(%dma_start3A_140 : memref<128x128xbf16, #tpu.memory_space<vmem_shared>>) target_semaphore(%run_scoped3A : memref<!tpu.dma_semaphore, #tpu.memory_space<semaphore_mem>>)
      %dma_wait3A = arith.constant 0 : i32
      %dma_wait3A_141 = tpu.memref_slice %arg14[%add3A_9, %dma_wait3A] : memref<10240x128xbf16, #tpu.memory_space<vmem_shared>> -> memref<128x128xbf16, #tpu.memory_space<vmem_shared>>
      %dma_wait3A_142 = arith.constant 0 : i32
      %dma_wait3A_143 = tpu.memref_slice %arg14[%add3A_9, %dma_wait3A_142] : memref<10240x128xbf16, #tpu.memory_space<vmem_shared>> -> memref<128x128xbf16, #tpu.memory_space<vmem_shared>>
      tpu.wait_dma2 semaphore(%run_scoped3A : memref<!tpu.dma_semaphore, #tpu.memory_space<semaphore_mem>>) src(%arg13 : memref<128x128xbf16, #tpu.memory_space<vmem>>) dst(%dma_wait3A_143 : memref<128x128xbf16, #tpu.memory_space<vmem_shared>>)
      tpu.yield
    }) : () -> ()
    %mul3A_10 = arith.constant 640 : i32
    %mul3A_11 = arith.muli %arg1, %mul3A_10 : i32
    %add3A_12 = arith.constant 384 : i32
    %add3A_13 = arith.addi %mul3A_11, %add3A_12 : i32
    "tpu.region"() ({
      %run_scoped3A = tpu.sem_alloc : memref<!tpu.dma_semaphore, #tpu.memory_space<semaphore_mem>>
      %dma_start3A = arith.constant 0 : i32
      %dma_start3A_138 = tpu.memref_slice %arg14[%add3A_13, %dma_start3A] : memref<10240x128xbf16, #tpu.memory_space<vmem_shared>> -> memref<128x128xbf16, #tpu.memory_space<vmem_shared>>
      %dma_start3A_139 = arith.constant 0 : i32
      %dma_start3A_140 = tpu.memref_slice %arg14[%add3A_13, %dma_start3A_139] : memref<10240x128xbf16, #tpu.memory_space<vmem_shared>> -> memref<128x128xbf16, #tpu.memory_space<vmem_shared>>
      tpu.enqueue_dma source(%arg13 : memref<128x128xbf16, #tpu.memory_space<vmem>>) target(%dma_start3A_140 : memref<128x128xbf16, #tpu.memory_space<vmem_shared>>) target_semaphore(%run_scoped3A : memref<!tpu.dma_semaphore, #tpu.memory_space<semaphore_mem>>)
      %dma_wait3A = arith.constant 0 : i32
      %dma_wait3A_141 = tpu.memref_slice %arg14[%add3A_13, %dma_wait3A] : memref<10240x128xbf16, #tpu.memory_space<vmem_shared>> -> memref<128x128xbf16, #tpu.memory_space<vmem_shared>>
      %dma_wait3A_142 = arith.constant 0 : i32
      %dma_wait3A_143 = tpu.memref_slice %arg14[%add3A_13, %dma_wait3A_142] : memref<10240x128xbf16, #tpu.memory_space<vmem_shared>> -> memref<128x128xbf16, #tpu.memory_space<vmem_shared>>
      tpu.wait_dma2 semaphore(%run_scoped3A : memref<!tpu.dma_semaphore, #tpu.memory_space<semaphore_mem>>) src(%arg13 : memref<128x128xbf16, #tpu.memory_space<vmem>>) dst(%dma_wait3A_143 : memref<128x128xbf16, #tpu.memory_space<vmem_shared>>)
      tpu.yield
    }) : () -> ()
    %mul3A_14 = arith.constant 640 : i32
    %mul3A_15 = arith.muli %arg1, %mul3A_14 : i32
    %add3A_16 = arith.constant 512 : i32
    %add3A_17 = arith.addi %mul3A_15, %add3A_16 : i32
    "tpu.region"() ({
      %run_scoped3A = tpu.sem_alloc : memref<!tpu.dma_semaphore, #tpu.memory_space<semaphore_mem>>
      %dma_start3A = arith.constant 0 : i32
      %dma_start3A_138 = tpu.memref_slice %arg14[%add3A_17, %dma_start3A] : memref<10240x128xbf16, #tpu.memory_space<vmem_shared>> -> memref<128x128xbf16, #tpu.memory_space<vmem_shared>>
      %dma_start3A_139 = arith.constant 0 : i32
      %dma_start3A_140 = tpu.memref_slice %arg14[%add3A_17, %dma_start3A_139] : memref<10240x128xbf16, #tpu.memory_space<vmem_shared>> -> memref<128x128xbf16, #tpu.memory_space<vmem_shared>>
      tpu.enqueue_dma source(%arg13 : memref<128x128xbf16, #tpu.memory_space<vmem>>) target(%dma_start3A_140 : memref<128x128xbf16, #tpu.memory_space<vmem_shared>>) target_semaphore(%run_scoped3A : memref<!tpu.dma_semaphore, #tpu.memory_space<semaphore_mem>>)
      %dma_wait3A = arith.constant 0 : i32
      %dma_wait3A_141 = tpu.memref_slice %arg14[%add3A_17, %dma_wait3A] : memref<10240x128xbf16, #tpu.memory_space<vmem_shared>> -> memref<128x128xbf16, #tpu.memory_space<vmem_shared>>
      %dma_wait3A_142 = arith.constant 0 : i32
      %dma_wait3A_143 = tpu.memref_slice %arg14[%add3A_17, %dma_wait3A_142] : memref<10240x128xbf16, #tpu.memory_space<vmem_shared>> -> memref<128x128xbf16, #tpu.memory_space<vmem_shared>>
      tpu.wait_dma2 semaphore(%run_scoped3A : memref<!tpu.dma_semaphore, #tpu.memory_space<semaphore_mem>>) src(%arg13 : memref<128x128xbf16, #tpu.memory_space<vmem>>) dst(%dma_wait3A_143 : memref<128x128xbf16, #tpu.memory_space<vmem_shared>>)
      tpu.yield
    }) : () -> ()
    %barrier3A = arith.constant 0 : index
    tpu.barrier barrier_id(%barrier3A)
    %eq3A = arith.constant 0 : i32
    %eq3A_18 = arith.cmpi eq, %arg0, %eq3A : i32
    %convert_element_type3A = arith.extui %eq3A_18 : i1 to i32
    %cond3A = arith.constant 0 : i32
    %cond3A_19 = arith.cmpi ne, %convert_element_type3A, %cond3A : i32
    scf.if %cond3A_19 {
      %scan3A = arith.constant 0 : i32
      %scan3A_138 = arith.constant 0 : i32
      %scan3A_139 = arith.constant 40 : i32
      %scan3A_140 = arith.addi %scan3A_138, %scan3A_139 : i32
      %scan3A_141 = arith.constant 1 : i32
      scf.for %scan3A_143 = %scan3A_138 to %scan3A_140 step %scan3A_141  : i32 {
        %mul3A_144 = arith.constant 128 : i32
        %mul3A_145 = arith.muli %scan3A_143, %mul3A_144 : i32
        "tpu.region"() ({
          %run_scoped3A = tpu.sem_alloc : memref<!tpu.dma_semaphore, #tpu.memory_space<semaphore_mem>>
          %dma_start3A = tpu.memref_slice %arg11[%mul3A_145] : memref<20480xi32, #tpu.memory_space<vmem>> -> memref<128xi32, #tpu.memory_space<vmem>>
          %dma_start3A_146 = arith.constant 0 : i32
          %dma_start3A_147 = arith.constant 0 : i32
          %dma_start3A_148 = tpu.memref_slice %arg2[%dma_start3A_146, %dma_start3A_147] : memref<10240x128xbf16, #tpu.memory_space<hbm>> -> memref<10240x128xbf16, #tpu.memory_space<hbm>>
          tpu.enqueue_indirect_dma source(%dma_start3A_148 : memref<10240x128xbf16, #tpu.memory_space<hbm>>) target(%arg13 : memref<128x128xbf16, #tpu.memory_space<vmem>>) offsets(%dma_start3A : memref<128xi32, #tpu.memory_space<vmem>>) semaphore(%run_scoped3A : memref<!tpu.dma_semaphore, #tpu.memory_space<semaphore_mem>>)
          %dma_wait3A = tpu.memref_slice %arg11[%mul3A_145] : memref<20480xi32, #tpu.memory_space<vmem>> -> memref<128xi32, #tpu.memory_space<vmem>>
          %dma_wait3A_149 = arith.constant 0 : i32
          %dma_wait3A_150 = arith.constant 0 : i32
          %dma_wait3A_151 = tpu.memref_slice %arg2[%dma_wait3A_149, %dma_wait3A_150] : memref<10240x128xbf16, #tpu.memory_space<hbm>> -> memref<10240x128xbf16, #tpu.memory_space<hbm>>
          tpu.wait_indirect_dma semaphore(%run_scoped3A : memref<!tpu.dma_semaphore, #tpu.memory_space<semaphore_mem>>) src(%dma_wait3A_151 : memref<10240x128xbf16, #tpu.memory_space<hbm>>) dst(%arg13 : memref<128x128xbf16, #tpu.memory_space<vmem>>)
          tpu.yield
        }) : () -> ()
        "tpu.region"() ({
          %run_scoped3A = tpu.sem_alloc : memref<!tpu.dma_semaphore, #tpu.memory_space<semaphore_mem>>
          %dma_start3A = arith.constant 0 : i32
          %dma_start3A_146 = tpu.memref_slice %arg12[%scan3A_143, %dma_start3A] : memref<160x128xi32, #tpu.memory_space<vmem>> -> memref<1x128xi32, #tpu.memory_space<vmem>>
          %dma_start3A_147 = tpu.memref_squeeze %dma_start3A_146 : memref<1x128xi32, #tpu.memory_space<vmem>> -> memref<128xi32, #tpu.memory_space<vmem>>
          %dma_start3A_148 = arith.constant 0 : i32
          %dma_start3A_149 = arith.constant 0 : i32
          %dma_start3A_150 = tpu.memref_slice %arg14[%dma_start3A_148, %dma_start3A_149] : memref<10240x128xbf16, #tpu.memory_space<vmem_shared>> -> memref<10240x128xbf16, #tpu.memory_space<vmem_shared>>
          tpu.enqueue_indirect_dma source(%arg13 : memref<128x128xbf16, #tpu.memory_space<vmem>>) target(%dma_start3A_150 : memref<10240x128xbf16, #tpu.memory_space<vmem_shared>>) offsets(%dma_start3A_147 : memref<128xi32, #tpu.memory_space<vmem>>) semaphore(%run_scoped3A : memref<!tpu.dma_semaphore, #tpu.memory_space<semaphore_mem>>) {add = true}
          %dma_wait3A = arith.constant 0 : i32
          %dma_wait3A_151 = tpu.memref_slice %arg12[%scan3A_143, %dma_wait3A] : memref<160x128xi32, #tpu.memory_space<vmem>> -> memref<1x128xi32, #tpu.memory_space<vmem>>
          %dma_wait3A_152 = tpu.memref_squeeze %dma_wait3A_151 : memref<1x128xi32, #tpu.memory_space<vmem>> -> memref<128xi32, #tpu.memory_space<vmem>>
          %dma_wait3A_153 = arith.constant 0 : i32
          %dma_wait3A_154 = arith.constant 0 : i32
          %dma_wait3A_155 = tpu.memref_slice %arg14[%dma_wait3A_153, %dma_wait3A_154] : memref<10240x128xbf16, #tpu.memory_space<vmem_shared>> -> memref<10240x128xbf16, #tpu.memory_space<vmem_shared>>
          tpu.wait_indirect_dma semaphore(%run_scoped3A : memref<!tpu.dma_semaphore, #tpu.memory_space<semaphore_mem>>) src(%arg13 : memref<128x128xbf16, #tpu.memory_space<vmem>>) dst(%dma_wait3A_155 : memref<10240x128xbf16, #tpu.memory_space<vmem_shared>>)
          tpu.yield
        }) : () -> ()
      }
      %scan3A_142 = arith.constant 40 : i32
    } else {
    }
    %eq3A_20 = arith.constant 1 : i32
    %eq3A_21 = arith.cmpi eq, %arg0, %eq3A_20 : i32
    %convert_element_type3A_22 = arith.extui %eq3A_21 : i1 to i32
    %cond3A_23 = arith.constant 0 : i32
    %cond3A_24 = arith.cmpi ne, %convert_element_type3A_22, %cond3A_23 : i32
    scf.if %cond3A_24 {
      %scan3A = arith.constant 0 : i32
      %scan3A_138 = arith.constant 0 : i32
      %scan3A_139 = arith.constant 40 : i32
      %scan3A_140 = arith.addi %scan3A_138, %scan3A_139 : i32
      %scan3A_141 = arith.constant 1 : i32
      scf.for %scan3A_143 = %scan3A_138 to %scan3A_140 step %scan3A_141  : i32 {
        %mul3A_144 = arith.constant 128 : i32
        %mul3A_145 = arith.muli %scan3A_143, %mul3A_144 : i32
        "tpu.region"() ({
          %run_scoped3A = tpu.sem_alloc : memref<!tpu.dma_semaphore, #tpu.memory_space<semaphore_mem>>
          %dma_start3A = tpu.memref_slice %arg11[%mul3A_145] : memref<20480xi32, #tpu.memory_space<vmem>> -> memref<128xi32, #tpu.memory_space<vmem>>
          %dma_start3A_146 = arith.constant 0 : i32
          %dma_start3A_147 = arith.constant 0 : i32
          %dma_start3A_148 = tpu.memref_slice %arg3[%dma_start3A_146, %dma_start3A_147] : memref<10240x128xbf16, #tpu.memory_space<hbm>> -> memref<10240x128xbf16, #tpu.memory_space<hbm>>
          tpu.enqueue_indirect_dma source(%dma_start3A_148 : memref<10240x128xbf16, #tpu.memory_space<hbm>>) target(%arg13 : memref<128x128xbf16, #tpu.memory_space<vmem>>) offsets(%dma_start3A : memref<128xi32, #tpu.memory_space<vmem>>) semaphore(%run_scoped3A : memref<!tpu.dma_semaphore, #tpu.memory_space<semaphore_mem>>)
          %dma_wait3A = tpu.memref_slice %arg11[%mul3A_145] : memref<20480xi32, #tpu.memory_space<vmem>> -> memref<128xi32, #tpu.memory_space<vmem>>
          %dma_wait3A_149 = arith.constant 0 : i32
          %dma_wait3A_150 = arith.constant 0 : i32
          %dma_wait3A_151 = tpu.memref_slice %arg3[%dma_wait3A_149, %dma_wait3A_150] : memref<10240x128xbf16, #tpu.memory_space<hbm>> -> memref<10240x128xbf16, #tpu.memory_space<hbm>>
          tpu.wait_indirect_dma semaphore(%run_scoped3A : memref<!tpu.dma_semaphore, #tpu.memory_space<semaphore_mem>>) src(%dma_wait3A_151 : memref<10240x128xbf16, #tpu.memory_space<hbm>>) dst(%arg13 : memref<128x128xbf16, #tpu.memory_space<vmem>>)
          tpu.yield
        }) : () -> ()
        "tpu.region"() ({
          %run_scoped3A = tpu.sem_alloc : memref<!tpu.dma_semaphore, #tpu.memory_space<semaphore_mem>>
          %dma_start3A = arith.constant 0 : i32
          %dma_start3A_146 = tpu.memref_slice %arg12[%scan3A_143, %dma_start3A] : memref<160x128xi32, #tpu.memory_space<vmem>> -> memref<1x128xi32, #tpu.memory_space<vmem>>
          %dma_start3A_147 = tpu.memref_squeeze %dma_start3A_146 : memref<1x128xi32, #tpu.memory_space<vmem>> -> memref<128xi32, #tpu.memory_space<vmem>>
          %dma_start3A_148 = arith.constant 0 : i32
          %dma_start3A_149 = arith.constant 0 : i32
          %dma_start3A_150 = tpu.memref_slice %arg14[%dma_start3A_148, %dma_start3A_149] : memref<10240x128xbf16, #tpu.memory_space<vmem_shared>> -> memref<10240x128xbf16, #tpu.memory_space<vmem_shared>>
          tpu.enqueue_indirect_dma source(%arg13 : memref<128x128xbf16, #tpu.memory_space<vmem>>) target(%dma_start3A_150 : memref<10240x128xbf16, #tpu.memory_space<vmem_shared>>) offsets(%dma_start3A_147 : memref<128xi32, #tpu.memory_space<vmem>>) semaphore(%run_scoped3A : memref<!tpu.dma_semaphore, #tpu.memory_space<semaphore_mem>>) {add = true}
          %dma_wait3A = arith.constant 0 : i32
          %dma_wait3A_151 = tpu.memref_slice %arg12[%scan3A_143, %dma_wait3A] : memref<160x128xi32, #tpu.memory_space<vmem>> -> memref<1x128xi32, #tpu.memory_space<vmem>>
          %dma_wait3A_152 = tpu.memref_squeeze %dma_wait3A_151 : memref<1x128xi32, #tpu.memory_space<vmem>> -> memref<128xi32, #tpu.memory_space<vmem>>
          %dma_wait3A_153 = arith.constant 0 : i32
          %dma_wait3A_154 = arith.constant 0 : i32
          %dma_wait3A_155 = tpu.memref_slice %arg14[%dma_wait3A_153, %dma_wait3A_154] : memref<10240x128xbf16, #tpu.memory_space<vmem_shared>> -> memref<10240x128xbf16, #tpu.memory_space<vmem_shared>>
          tpu.wait_indirect_dma semaphore(%run_scoped3A : memref<!tpu.dma_semaphore, #tpu.memory_space<semaphore_mem>>) src(%arg13 : memref<128x128xbf16, #tpu.memory_space<vmem>>) dst(%dma_wait3A_155 : memref<10240x128xbf16, #tpu.memory_space<vmem_shared>>)
          tpu.yield
        }) : () -> ()
      }
      %scan3A_142 = arith.constant 40 : i32
    } else {
    }
    %barrier3A_25 = arith.constant 0 : index
    tpu.barrier barrier_id(%barrier3A_25)
    %mul3A_26 = arith.constant 640 : i32
    %mul3A_27 = arith.muli %arg1, %mul3A_26 : i32
    %mul3A_28 = arith.constant 640 : i32
    %mul3A_29 = arith.muli %arg1, %mul3A_28 : i32
    "tpu.region"() ({
      %run_scoped3A = tpu.sem_alloc : memref<!tpu.dma_semaphore, #tpu.memory_space<semaphore_mem>>
      %dma_start3A = arith.constant 0 : i32
      %dma_start3A_138 = tpu.memref_slice %arg7[%arg0, %mul3A_29, %dma_start3A] : memref<2x10240x128xbf16, #tpu.memory_space<hbm>> -> memref<1x640x128xbf16, #tpu.memory_space<hbm>>
      %dma_start3A_139 = tpu.memref_squeeze %dma_start3A_138 : memref<1x640x128xbf16, #tpu.memory_space<hbm>> -> memref<640x128xbf16, #tpu.memory_space<hbm>>
      %dma_start3A_140 = arith.constant 0 : i32
      %dma_start3A_141 = tpu.memref_slice %arg14[%mul3A_27, %dma_start3A_140] : memref<10240x128xbf16, #tpu.memory_space<vmem_shared>> -> memref<640x128xbf16, #tpu.memory_space<vmem_shared>>
      tpu.enqueue_dma source(%dma_start3A_141 : memref<640x128xbf16, #tpu.memory_space<vmem_shared>>) target(%dma_start3A_139 : memref<640x128xbf16, #tpu.memory_space<hbm>>) target_semaphore(%run_scoped3A : memref<!tpu.dma_semaphore, #tpu.memory_space<semaphore_mem>>)
      %dma_wait3A = arith.constant 0 : i32
      %dma_wait3A_142 = tpu.memref_slice %arg7[%arg0, %mul3A_29, %dma_wait3A] : memref<2x10240x128xbf16, #tpu.memory_space<hbm>> -> memref<1x640x128xbf16, #tpu.memory_space<hbm>>
      %dma_wait3A_143 = tpu.memref_squeeze %dma_wait3A_142 : memref<1x640x128xbf16, #tpu.memory_space<hbm>> -> memref<640x128xbf16, #tpu.memory_space<hbm>>
      %dma_wait3A_144 = arith.constant 0 : i32
      %dma_wait3A_145 = tpu.memref_slice %arg14[%mul3A_27, %dma_wait3A_144] : memref<10240x128xbf16, #tpu.memory_space<vmem_shared>> -> memref<640x128xbf16, #tpu.memory_space<vmem_shared>>
      tpu.wait_dma2 semaphore(%run_scoped3A : memref<!tpu.dma_semaphore, #tpu.memory_space<semaphore_mem>>) src(%dma_wait3A_145 : memref<640x128xbf16, #tpu.memory_space<vmem_shared>>) dst(%dma_wait3A_143 : memref<640x128xbf16, #tpu.memory_space<hbm>>)
      tpu.yield
    }) : () -> ()
    "tpu.region"() ({
      %run_scoped3A = tpu.sem_alloc : memref<!tpu.dma_semaphore, #tpu.memory_space<semaphore_mem>>
      tpu.enqueue_dma source(%arg6 : memref<128x128xbf16, #tpu.memory_space<hbm>>) target(%arg13 : memref<128x128xbf16, #tpu.memory_space<vmem>>) target_semaphore(%run_scoped3A : memref<!tpu.dma_semaphore, #tpu.memory_space<semaphore_mem>>)
      tpu.wait_dma2 semaphore(%run_scoped3A : memref<!tpu.dma_semaphore, #tpu.memory_space<semaphore_mem>>) src(%arg6 : memref<128x128xbf16, #tpu.memory_space<hbm>>) dst(%arg13 : memref<128x128xbf16, #tpu.memory_space<vmem>>)
      tpu.yield
    }) : () -> ()
    %mul3A_30 = arith.constant 640 : i32
    %mul3A_31 = arith.muli %arg1, %mul3A_30 : i32
    %add3A_32 = arith.constant 0 : i32
    %add3A_33 = arith.addi %mul3A_31, %add3A_32 : i32
    "tpu.region"() ({
      %run_scoped3A = tpu.sem_alloc : memref<!tpu.dma_semaphore, #tpu.memory_space<semaphore_mem>>
      %dma_start3A = arith.constant 0 : i32
      %dma_start3A_138 = tpu.memref_slice %arg14[%add3A_33, %dma_start3A] : memref<10240x128xbf16, #tpu.memory_space<vmem_shared>> -> memref<128x128xbf16, #tpu.memory_space<vmem_shared>>
      %dma_start3A_139 = arith.constant 0 : i32
      %dma_start3A_140 = tpu.memref_slice %arg14[%add3A_33, %dma_start3A_139] : memref<10240x128xbf16, #tpu.memory_space<vmem_shared>> -> memref<128x128xbf16, #tpu.memory_space<vmem_shared>>
      tpu.enqueue_dma source(%arg13 : memref<128x128xbf16, #tpu.memory_space<vmem>>) target(%dma_start3A_140 : memref<128x128xbf16, #tpu.memory_space<vmem_shared>>) target_semaphore(%run_scoped3A : memref<!tpu.dma_semaphore, #tpu.memory_space<semaphore_mem>>)
      %dma_wait3A = arith.constant 0 : i32
      %dma_wait3A_141 = tpu.memref_slice %arg14[%add3A_33, %dma_wait3A] : memref<10240x128xbf16, #tpu.memory_space<vmem_shared>> -> memref<128x128xbf16, #tpu.memory_space<vmem_shared>>
      %dma_wait3A_142 = arith.constant 0 : i32
      %dma_wait3A_143 = tpu.memref_slice %arg14[%add3A_33, %dma_wait3A_142] : memref<10240x128xbf16, #tpu.memory_space<vmem_shared>> -> memref<128x128xbf16, #tpu.memory_space<vmem_shared>>
      tpu.wait_dma2 semaphore(%run_scoped3A : memref<!tpu.dma_semaphore, #tpu.memory_space<semaphore_mem>>) src(%arg13 : memref<128x128xbf16, #tpu.memory_space<vmem>>) dst(%dma_wait3A_143 : memref<128x128xbf16, #tpu.memory_space<vmem_shared>>)
      tpu.yield
    }) : () -> ()
    %mul3A_34 = arith.constant 640 : i32
    %mul3A_35 = arith.muli %arg1, %mul3A_34 : i32
    %add3A_36 = arith.constant 128 : i32
    %add3A_37 = arith.addi %mul3A_35, %add3A_36 : i32
    "tpu.region"() ({
      %run_scoped3A = tpu.sem_alloc : memref<!tpu.dma_semaphore, #tpu.memory_space<semaphore_mem>>
      %dma_start3A = arith.constant 0 : i32
      %dma_start3A_138 = tpu.memref_slice %arg14[%add3A_37, %dma_start3A] : memref<10240x128xbf16, #tpu.memory_space<vmem_shared>> -> memref<128x128xbf16, #tpu.memory_space<vmem_shared>>
      %dma_start3A_139 = arith.constant 0 : i32
      %dma_start3A_140 = tpu.memref_slice %arg14[%add3A_37, %dma_start3A_139] : memref<10240x128xbf16, #tpu.memory_space<vmem_shared>> -> memref<128x128xbf16, #tpu.memory_space<vmem_shared>>
      tpu.enqueue_dma source(%arg13 : memref<128x128xbf16, #tpu.memory_space<vmem>>) target(%dma_start3A_140 : memref<128x128xbf16, #tpu.memory_space<vmem_shared>>) target_semaphore(%run_scoped3A : memref<!tpu.dma_semaphore, #tpu.memory_space<semaphore_mem>>)
      %dma_wait3A = arith.constant 0 : i32
      %dma_wait3A_141 = tpu.memref_slice %arg14[%add3A_37, %dma_wait3A] : memref<10240x128xbf16, #tpu.memory_space<vmem_shared>> -> memref<128x128xbf16, #tpu.memory_space<vmem_shared>>
      %dma_wait3A_142 = arith.constant 0 : i32
      %dma_wait3A_143 = tpu.memref_slice %arg14[%add3A_37, %dma_wait3A_142] : memref<10240x128xbf16, #tpu.memory_space<vmem_shared>> -> memref<128x128xbf16, #tpu.memory_space<vmem_shared>>
      tpu.wait_dma2 semaphore(%run_scoped3A : memref<!tpu.dma_semaphore, #tpu.memory_space<semaphore_mem>>) src(%arg13 : memref<128x128xbf16, #tpu.memory_space<vmem>>) dst(%dma_wait3A_143 : memref<128x128xbf16, #tpu.memory_space<vmem_shared>>)
      tpu.yield
    }) : () -> ()
    %mul3A_38 = arith.constant 640 : i32
    %mul3A_39 = arith.muli %arg1, %mul3A_38 : i32
    %add3A_40 = arith.constant 256 : i32
    %add3A_41 = arith.addi %mul3A_39, %add3A_40 : i32
    "tpu.region"() ({
      %run_scoped3A = tpu.sem_alloc : memref<!tpu.dma_semaphore, #tpu.memory_space<semaphore_mem>>
      %dma_start3A = arith.constant 0 : i32
      %dma_start3A_138 = tpu.memref_slice %arg14[%add3A_41, %dma_start3A] : memref<10240x128xbf16, #tpu.memory_space<vmem_shared>> -> memref<128x128xbf16, #tpu.memory_space<vmem_shared>>
      %dma_start3A_139 = arith.constant 0 : i32
      %dma_start3A_140 = tpu.memref_slice %arg14[%add3A_41, %dma_start3A_139] : memref<10240x128xbf16, #tpu.memory_space<vmem_shared>> -> memref<128x128xbf16, #tpu.memory_space<vmem_shared>>
      tpu.enqueue_dma source(%arg13 : memref<128x128xbf16, #tpu.memory_space<vmem>>) target(%dma_start3A_140 : memref<128x128xbf16, #tpu.memory_space<vmem_shared>>) target_semaphore(%run_scoped3A : memref<!tpu.dma_semaphore, #tpu.memory_space<semaphore_mem>>)
      %dma_wait3A = arith.constant 0 : i32
      %dma_wait3A_141 = tpu.memref_slice %arg14[%add3A_41, %dma_wait3A] : memref<10240x128xbf16, #tpu.memory_space<vmem_shared>> -> memref<128x128xbf16, #tpu.memory_space<vmem_shared>>
      %dma_wait3A_142 = arith.constant 0 : i32
      %dma_wait3A_143 = tpu.memref_slice %arg14[%add3A_41, %dma_wait3A_142] : memref<10240x128xbf16, #tpu.memory_space<vmem_shared>> -> memref<128x128xbf16, #tpu.memory_space<vmem_shared>>
      tpu.wait_dma2 semaphore(%run_scoped3A : memref<!tpu.dma_semaphore, #tpu.memory_space<semaphore_mem>>) src(%arg13 : memref<128x128xbf16, #tpu.memory_space<vmem>>) dst(%dma_wait3A_143 : memref<128x128xbf16, #tpu.memory_space<vmem_shared>>)
      tpu.yield
    }) : () -> ()
    %mul3A_42 = arith.constant 640 : i32
    %mul3A_43 = arith.muli %arg1, %mul3A_42 : i32
    %add3A_44 = arith.constant 384 : i32
    %add3A_45 = arith.addi %mul3A_43, %add3A_44 : i32
    "tpu.region"() ({
      %run_scoped3A = tpu.sem_alloc : memref<!tpu.dma_semaphore, #tpu.memory_space<semaphore_mem>>
      %dma_start3A = arith.constant 0 : i32
      %dma_start3A_138 = tpu.memref_slice %arg14[%add3A_45, %dma_start3A] : memref<10240x128xbf16, #tpu.memory_space<vmem_shared>> -> memref<128x128xbf16, #tpu.memory_space<vmem_shared>>
      %dma_start3A_139 = arith.constant 0 : i32
      %dma_start3A_140 = tpu.memref_slice %arg14[%add3A_45, %dma_start3A_139] : memref<10240x128xbf16, #tpu.memory_space<vmem_shared>> -> memref<128x128xbf16, #tpu.memory_space<vmem_shared>>
      tpu.enqueue_dma source(%arg13 : memref<128x128xbf16, #tpu.memory_space<vmem>>) target(%dma_start3A_140 : memref<128x128xbf16, #tpu.memory_space<vmem_shared>>) target_semaphore(%run_scoped3A : memref<!tpu.dma_semaphore, #tpu.memory_space<semaphore_mem>>)
      %dma_wait3A = arith.constant 0 : i32
      %dma_wait3A_141 = tpu.memref_slice %arg14[%add3A_45, %dma_wait3A] : memref<10240x128xbf16, #tpu.memory_space<vmem_shared>> -> memref<128x128xbf16, #tpu.memory_space<vmem_shared>>
      %dma_wait3A_142 = arith.constant 0 : i32
      %dma_wait3A_143 = tpu.memref_slice %arg14[%add3A_45, %dma_wait3A_142] : memref<10240x128xbf16, #tpu.memory_space<vmem_shared>> -> memref<128x128xbf16, #tpu.memory_space<vmem_shared>>
      tpu.wait_dma2 semaphore(%run_scoped3A : memref<!tpu.dma_semaphore, #tpu.memory_space<semaphore_mem>>) src(%arg13 : memref<128x128xbf16, #tpu.memory_space<vmem>>) dst(%dma_wait3A_143 : memref<128x128xbf16, #tpu.memory_space<vmem_shared>>)
      tpu.yield
    }) : () -> ()
    %mul3A_46 = arith.constant 640 : i32
    %mul3A_47 = arith.muli %arg1, %mul3A_46 : i32
    %add3A_48 = arith.constant 512 : i32
    %add3A_49 = arith.addi %mul3A_47, %add3A_48 : i32
    "tpu.region"() ({
      %run_scoped3A = tpu.sem_alloc : memref<!tpu.dma_semaphore, #tpu.memory_space<semaphore_mem>>
      %dma_start3A = arith.constant 0 : i32
      %dma_start3A_138 = tpu.memref_slice %arg14[%add3A_49, %dma_start3A] : memref<10240x128xbf16, #tpu.memory_space<vmem_shared>> -> memref<128x128xbf16, #tpu.memory_space<vmem_shared>>
      %dma_start3A_139 = arith.constant 0 : i32
      %dma_start3A_140 = tpu.memref_slice %arg14[%add3A_49, %dma_start3A_139] : memref<10240x128xbf16, #tpu.memory_space<vmem_shared>> -> memref<128x128xbf16, #tpu.memory_space<vmem_shared>>
      tpu.enqueue_dma source(%arg13 : memref<128x128xbf16, #tpu.memory_space<vmem>>) target(%dma_start3A_140 : memref<128x128xbf16, #tpu.memory_space<vmem_shared>>) target_semaphore(%run_scoped3A : memref<!tpu.dma_semaphore, #tpu.memory_space<semaphore_mem>>)
      %dma_wait3A = arith.constant 0 : i32
      %dma_wait3A_141 = tpu.memref_slice %arg14[%add3A_49, %dma_wait3A] : memref<10240x128xbf16, #tpu.memory_space<vmem_shared>> -> memref<128x128xbf16, #tpu.memory_space<vmem_shared>>
      %dma_wait3A_142 = arith.constant 0 : i32
      %dma_wait3A_143 = tpu.memref_slice %arg14[%add3A_49, %dma_wait3A_142] : memref<10240x128xbf16, #tpu.memory_space<vmem_shared>> -> memref<128x128xbf16, #tpu.memory_space<vmem_shared>>
      tpu.wait_dma2 semaphore(%run_scoped3A : memref<!tpu.dma_semaphore, #tpu.memory_space<semaphore_mem>>) src(%arg13 : memref<128x128xbf16, #tpu.memory_space<vmem>>) dst(%dma_wait3A_143 : memref<128x128xbf16, #tpu.memory_space<vmem_shared>>)
      tpu.yield
    }) : () -> ()
    %barrier3A_50 = arith.constant 0 : index
    tpu.barrier barrier_id(%barrier3A_50)
    %eq3A_51 = arith.constant 0 : i32
    %eq3A_52 = arith.cmpi eq, %arg0, %eq3A_51 : i32
    %convert_element_type3A_53 = arith.extui %eq3A_52 : i1 to i32
    %cond3A_54 = arith.constant 0 : i32
    %cond3A_55 = arith.cmpi ne, %convert_element_type3A_53, %cond3A_54 : i32
    scf.if %cond3A_55 {
      %scan3A = arith.constant 0 : i32
      %scan3A_138 = arith.constant 40 : i32
      %scan3A_139 = arith.constant 40 : i32
      %scan3A_140 = arith.addi %scan3A_138, %scan3A_139 : i32
      %scan3A_141 = arith.constant 1 : i32
      scf.for %scan3A_143 = %scan3A_138 to %scan3A_140 step %scan3A_141  : i32 {
        %mul3A_144 = arith.constant 128 : i32
        %mul3A_145 = arith.muli %scan3A_143, %mul3A_144 : i32
        "tpu.region"() ({
          %run_scoped3A = tpu.sem_alloc : memref<!tpu.dma_semaphore, #tpu.memory_space<semaphore_mem>>
          %dma_start3A = tpu.memref_slice %arg11[%mul3A_145] : memref<20480xi32, #tpu.memory_space<vmem>> -> memref<128xi32, #tpu.memory_space<vmem>>
          %dma_start3A_146 = arith.constant 0 : i32
          %dma_start3A_147 = arith.constant 0 : i32
          %dma_start3A_148 = tpu.memref_slice %arg2[%dma_start3A_146, %dma_start3A_147] : memref<10240x128xbf16, #tpu.memory_space<hbm>> -> memref<10240x128xbf16, #tpu.memory_space<hbm>>
          tpu.enqueue_indirect_dma source(%dma_start3A_148 : memref<10240x128xbf16, #tpu.memory_space<hbm>>) target(%arg13 : memref<128x128xbf16, #tpu.memory_space<vmem>>) offsets(%dma_start3A : memref<128xi32, #tpu.memory_space<vmem>>) semaphore(%run_scoped3A : memref<!tpu.dma_semaphore, #tpu.memory_space<semaphore_mem>>)
          %dma_wait3A = tpu.memref_slice %arg11[%mul3A_145] : memref<20480xi32, #tpu.memory_space<vmem>> -> memref<128xi32, #tpu.memory_space<vmem>>
          %dma_wait3A_149 = arith.constant 0 : i32
          %dma_wait3A_150 = arith.constant 0 : i32
          %dma_wait3A_151 = tpu.memref_slice %arg2[%dma_wait3A_149, %dma_wait3A_150] : memref<10240x128xbf16, #tpu.memory_space<hbm>> -> memref<10240x128xbf16, #tpu.memory_space<hbm>>
          tpu.wait_indirect_dma semaphore(%run_scoped3A : memref<!tpu.dma_semaphore, #tpu.memory_space<semaphore_mem>>) src(%dma_wait3A_151 : memref<10240x128xbf16, #tpu.memory_space<hbm>>) dst(%arg13 : memref<128x128xbf16, #tpu.memory_space<vmem>>)
          tpu.yield
        }) : () -> ()
        "tpu.region"() ({
          %run_scoped3A = tpu.sem_alloc : memref<!tpu.dma_semaphore, #tpu.memory_space<semaphore_mem>>
          %dma_start3A = arith.constant 0 : i32
          %dma_start3A_146 = tpu.memref_slice %arg12[%scan3A_143, %dma_start3A] : memref<160x128xi32, #tpu.memory_space<vmem>> -> memref<1x128xi32, #tpu.memory_space<vmem>>
          %dma_start3A_147 = tpu.memref_squeeze %dma_start3A_146 : memref<1x128xi32, #tpu.memory_space<vmem>> -> memref<128xi32, #tpu.memory_space<vmem>>
          %dma_start3A_148 = arith.constant 0 : i32
          %dma_start3A_149 = arith.constant 0 : i32
          %dma_start3A_150 = tpu.memref_slice %arg14[%dma_start3A_148, %dma_start3A_149] : memref<10240x128xbf16, #tpu.memory_space<vmem_shared>> -> memref<10240x128xbf16, #tpu.memory_space<vmem_shared>>
          tpu.enqueue_indirect_dma source(%arg13 : memref<128x128xbf16, #tpu.memory_space<vmem>>) target(%dma_start3A_150 : memref<10240x128xbf16, #tpu.memory_space<vmem_shared>>) offsets(%dma_start3A_147 : memref<128xi32, #tpu.memory_space<vmem>>) semaphore(%run_scoped3A : memref<!tpu.dma_semaphore, #tpu.memory_space<semaphore_mem>>) {add = true}
          %dma_wait3A = arith.constant 0 : i32
          %dma_wait3A_151 = tpu.memref_slice %arg12[%scan3A_143, %dma_wait3A] : memref<160x128xi32, #tpu.memory_space<vmem>> -> memref<1x128xi32, #tpu.memory_space<vmem>>
          %dma_wait3A_152 = tpu.memref_squeeze %dma_wait3A_151 : memref<1x128xi32, #tpu.memory_space<vmem>> -> memref<128xi32, #tpu.memory_space<vmem>>
          %dma_wait3A_153 = arith.constant 0 : i32
          %dma_wait3A_154 = arith.constant 0 : i32
          %dma_wait3A_155 = tpu.memref_slice %arg14[%dma_wait3A_153, %dma_wait3A_154] : memref<10240x128xbf16, #tpu.memory_space<vmem_shared>> -> memref<10240x128xbf16, #tpu.memory_space<vmem_shared>>
          tpu.wait_indirect_dma semaphore(%run_scoped3A : memref<!tpu.dma_semaphore, #tpu.memory_space<semaphore_mem>>) src(%arg13 : memref<128x128xbf16, #tpu.memory_space<vmem>>) dst(%dma_wait3A_155 : memref<10240x128xbf16, #tpu.memory_space<vmem_shared>>)
          tpu.yield
        }) : () -> ()
      }
      %scan3A_142 = arith.constant 40 : i32
    } else {
    }
    %eq3A_56 = arith.constant 1 : i32
    %eq3A_57 = arith.cmpi eq, %arg0, %eq3A_56 : i32
    %convert_element_type3A_58 = arith.extui %eq3A_57 : i1 to i32
    %cond3A_59 = arith.constant 0 : i32
    %cond3A_60 = arith.cmpi ne, %convert_element_type3A_58, %cond3A_59 : i32
    scf.if %cond3A_60 {
      %scan3A = arith.constant 0 : i32
      %scan3A_138 = arith.constant 40 : i32
      %scan3A_139 = arith.constant 40 : i32
      %scan3A_140 = arith.addi %scan3A_138, %scan3A_139 : i32
      %scan3A_141 = arith.constant 1 : i32
      scf.for %scan3A_143 = %scan3A_138 to %scan3A_140 step %scan3A_141  : i32 {
        %mul3A_144 = arith.constant 128 : i32
        %mul3A_145 = arith.muli %scan3A_143, %mul3A_144 : i32
        "tpu.region"() ({
          %run_scoped3A = tpu.sem_alloc : memref<!tpu.dma_semaphore, #tpu.memory_space<semaphore_mem>>
          %dma_start3A = tpu.memref_slice %arg11[%mul3A_145] : memref<20480xi32, #tpu.memory_space<vmem>> -> memref<128xi32, #tpu.memory_space<vmem>>
          %dma_start3A_146 = arith.constant 0 : i32
          %dma_start3A_147 = arith.constant 0 : i32
          %dma_start3A_148 = tpu.memref_slice %arg3[%dma_start3A_146, %dma_start3A_147] : memref<10240x128xbf16, #tpu.memory_space<hbm>> -> memref<10240x128xbf16, #tpu.memory_space<hbm>>
          tpu.enqueue_indirect_dma source(%dma_start3A_148 : memref<10240x128xbf16, #tpu.memory_space<hbm>>) target(%arg13 : memref<128x128xbf16, #tpu.memory_space<vmem>>) offsets(%dma_start3A : memref<128xi32, #tpu.memory_space<vmem>>) semaphore(%run_scoped3A : memref<!tpu.dma_semaphore, #tpu.memory_space<semaphore_mem>>)
          %dma_wait3A = tpu.memref_slice %arg11[%mul3A_145] : memref<20480xi32, #tpu.memory_space<vmem>> -> memref<128xi32, #tpu.memory_space<vmem>>
          %dma_wait3A_149 = arith.constant 0 : i32
          %dma_wait3A_150 = arith.constant 0 : i32
          %dma_wait3A_151 = tpu.memref_slice %arg3[%dma_wait3A_149, %dma_wait3A_150] : memref<10240x128xbf16, #tpu.memory_space<hbm>> -> memref<10240x128xbf16, #tpu.memory_space<hbm>>
          tpu.wait_indirect_dma semaphore(%run_scoped3A : memref<!tpu.dma_semaphore, #tpu.memory_space<semaphore_mem>>) src(%dma_wait3A_151 : memref<10240x128xbf16, #tpu.memory_space<hbm>>) dst(%arg13 : memref<128x128xbf16, #tpu.memory_space<vmem>>)
          tpu.yield
        }) : () -> ()
        "tpu.region"() ({
          %run_scoped3A = tpu.sem_alloc : memref<!tpu.dma_semaphore, #tpu.memory_space<semaphore_mem>>
          %dma_start3A = arith.constant 0 : i32
          %dma_start3A_146 = tpu.memref_slice %arg12[%scan3A_143, %dma_start3A] : memref<160x128xi32, #tpu.memory_space<vmem>> -> memref<1x128xi32, #tpu.memory_space<vmem>>
          %dma_start3A_147 = tpu.memref_squeeze %dma_start3A_146 : memref<1x128xi32, #tpu.memory_space<vmem>> -> memref<128xi32, #tpu.memory_space<vmem>>
          %dma_start3A_148 = arith.constant 0 : i32
          %dma_start3A_149 = arith.constant 0 : i32
          %dma_start3A_150 = tpu.memref_slice %arg14[%dma_start3A_148, %dma_start3A_149] : memref<10240x128xbf16, #tpu.memory_space<vmem_shared>> -> memref<10240x128xbf16, #tpu.memory_space<vmem_shared>>
          tpu.enqueue_indirect_dma source(%arg13 : memref<128x128xbf16, #tpu.memory_space<vmem>>) target(%dma_start3A_150 : memref<10240x128xbf16, #tpu.memory_space<vmem_shared>>) offsets(%dma_start3A_147 : memref<128xi32, #tpu.memory_space<vmem>>) semaphore(%run_scoped3A : memref<!tpu.dma_semaphore, #tpu.memory_space<semaphore_mem>>) {add = true}
          %dma_wait3A = arith.constant 0 : i32
          %dma_wait3A_151 = tpu.memref_slice %arg12[%scan3A_143, %dma_wait3A] : memref<160x128xi32, #tpu.memory_space<vmem>> -> memref<1x128xi32, #tpu.memory_space<vmem>>
          %dma_wait3A_152 = tpu.memref_squeeze %dma_wait3A_151 : memref<1x128xi32, #tpu.memory_space<vmem>> -> memref<128xi32, #tpu.memory_space<vmem>>
          %dma_wait3A_153 = arith.constant 0 : i32
          %dma_wait3A_154 = arith.constant 0 : i32
          %dma_wait3A_155 = tpu.memref_slice %arg14[%dma_wait3A_153, %dma_wait3A_154] : memref<10240x128xbf16, #tpu.memory_space<vmem_shared>> -> memref<10240x128xbf16, #tpu.memory_space<vmem_shared>>
          tpu.wait_indirect_dma semaphore(%run_scoped3A : memref<!tpu.dma_semaphore, #tpu.memory_space<semaphore_mem>>) src(%arg13 : memref<128x128xbf16, #tpu.memory_space<vmem>>) dst(%dma_wait3A_155 : memref<10240x128xbf16, #tpu.memory_space<vmem_shared>>)
          tpu.yield
        }) : () -> ()
      }
      %scan3A_142 = arith.constant 40 : i32
    } else {
    }
    %barrier3A_61 = arith.constant 0 : index
    tpu.barrier barrier_id(%barrier3A_61)
    %mul3A_62 = arith.constant 640 : i32
    %mul3A_63 = arith.muli %arg1, %mul3A_62 : i32
    %mul3A_64 = arith.constant 640 : i32
    %mul3A_65 = arith.muli %arg1, %mul3A_64 : i32
    "tpu.region"() ({
      %run_scoped3A = tpu.sem_alloc : memref<!tpu.dma_semaphore, #tpu.memory_space<semaphore_mem>>
      %dma_start3A = arith.constant 0 : i32
      %dma_start3A_138 = tpu.memref_slice %arg8[%arg0, %mul3A_65, %dma_start3A] : memref<2x10240x128xbf16, #tpu.memory_space<hbm>> -> memref<1x640x128xbf16, #tpu.memory_space<hbm>>
      %dma_start3A_139 = tpu.memref_squeeze %dma_start3A_138 : memref<1x640x128xbf16, #tpu.memory_space<hbm>> -> memref<640x128xbf16, #tpu.memory_space<hbm>>
      %dma_start3A_140 = arith.constant 0 : i32
      %dma_start3A_141 = tpu.memref_slice %arg14[%mul3A_63, %dma_start3A_140] : memref<10240x128xbf16, #tpu.memory_space<vmem_shared>> -> memref<640x128xbf16, #tpu.memory_space<vmem_shared>>
      tpu.enqueue_dma source(%dma_start3A_141 : memref<640x128xbf16, #tpu.memory_space<vmem_shared>>) target(%dma_start3A_139 : memref<640x128xbf16, #tpu.memory_space<hbm>>) target_semaphore(%run_scoped3A : memref<!tpu.dma_semaphore, #tpu.memory_space<semaphore_mem>>)
      %dma_wait3A = arith.constant 0 : i32
      %dma_wait3A_142 = tpu.memref_slice %arg8[%arg0, %mul3A_65, %dma_wait3A] : memref<2x10240x128xbf16, #tpu.memory_space<hbm>> -> memref<1x640x128xbf16, #tpu.memory_space<hbm>>
      %dma_wait3A_143 = tpu.memref_squeeze %dma_wait3A_142 : memref<1x640x128xbf16, #tpu.memory_space<hbm>> -> memref<640x128xbf16, #tpu.memory_space<hbm>>
      %dma_wait3A_144 = arith.constant 0 : i32
      %dma_wait3A_145 = tpu.memref_slice %arg14[%mul3A_63, %dma_wait3A_144] : memref<10240x128xbf16, #tpu.memory_space<vmem_shared>> -> memref<640x128xbf16, #tpu.memory_space<vmem_shared>>
      tpu.wait_dma2 semaphore(%run_scoped3A : memref<!tpu.dma_semaphore, #tpu.memory_space<semaphore_mem>>) src(%dma_wait3A_145 : memref<640x128xbf16, #tpu.memory_space<vmem_shared>>) dst(%dma_wait3A_143 : memref<640x128xbf16, #tpu.memory_space<hbm>>)
      tpu.yield
    }) : () -> ()
    "tpu.region"() ({
      %run_scoped3A = tpu.sem_alloc : memref<!tpu.dma_semaphore, #tpu.memory_space<semaphore_mem>>
      tpu.enqueue_dma source(%arg6 : memref<128x128xbf16, #tpu.memory_space<hbm>>) target(%arg13 : memref<128x128xbf16, #tpu.memory_space<vmem>>) target_semaphore(%run_scoped3A : memref<!tpu.dma_semaphore, #tpu.memory_space<semaphore_mem>>)
      tpu.wait_dma2 semaphore(%run_scoped3A : memref<!tpu.dma_semaphore, #tpu.memory_space<semaphore_mem>>) src(%arg6 : memref<128x128xbf16, #tpu.memory_space<hbm>>) dst(%arg13 : memref<128x128xbf16, #tpu.memory_space<vmem>>)
      tpu.yield
    }) : () -> ()
    %mul3A_66 = arith.constant 640 : i32
    %mul3A_67 = arith.muli %arg1, %mul3A_66 : i32
    %add3A_68 = arith.constant 0 : i32
    %add3A_69 = arith.addi %mul3A_67, %add3A_68 : i32
    "tpu.region"() ({
      %run_scoped3A = tpu.sem_alloc : memref<!tpu.dma_semaphore, #tpu.memory_space<semaphore_mem>>
      %dma_start3A = arith.constant 0 : i32
      %dma_start3A_138 = tpu.memref_slice %arg14[%add3A_69, %dma_start3A] : memref<10240x128xbf16, #tpu.memory_space<vmem_shared>> -> memref<128x128xbf16, #tpu.memory_space<vmem_shared>>
      %dma_start3A_139 = arith.constant 0 : i32
      %dma_start3A_140 = tpu.memref_slice %arg14[%add3A_69, %dma_start3A_139] : memref<10240x128xbf16, #tpu.memory_space<vmem_shared>> -> memref<128x128xbf16, #tpu.memory_space<vmem_shared>>
      tpu.enqueue_dma source(%arg13 : memref<128x128xbf16, #tpu.memory_space<vmem>>) target(%dma_start3A_140 : memref<128x128xbf16, #tpu.memory_space<vmem_shared>>) target_semaphore(%run_scoped3A : memref<!tpu.dma_semaphore, #tpu.memory_space<semaphore_mem>>)
      %dma_wait3A = arith.constant 0 : i32
      %dma_wait3A_141 = tpu.memref_slice %arg14[%add3A_69, %dma_wait3A] : memref<10240x128xbf16, #tpu.memory_space<vmem_shared>> -> memref<128x128xbf16, #tpu.memory_space<vmem_shared>>
      %dma_wait3A_142 = arith.constant 0 : i32
      %dma_wait3A_143 = tpu.memref_slice %arg14[%add3A_69, %dma_wait3A_142] : memref<10240x128xbf16, #tpu.memory_space<vmem_shared>> -> memref<128x128xbf16, #tpu.memory_space<vmem_shared>>
      tpu.wait_dma2 semaphore(%run_scoped3A : memref<!tpu.dma_semaphore, #tpu.memory_space<semaphore_mem>>) src(%arg13 : memref<128x128xbf16, #tpu.memory_space<vmem>>) dst(%dma_wait3A_143 : memref<128x128xbf16, #tpu.memory_space<vmem_shared>>)
      tpu.yield
    }) : () -> ()
    %mul3A_70 = arith.constant 640 : i32
    %mul3A_71 = arith.muli %arg1, %mul3A_70 : i32
    %add3A_72 = arith.constant 128 : i32
    %add3A_73 = arith.addi %mul3A_71, %add3A_72 : i32
    "tpu.region"() ({
      %run_scoped3A = tpu.sem_alloc : memref<!tpu.dma_semaphore, #tpu.memory_space<semaphore_mem>>
      %dma_start3A = arith.constant 0 : i32
      %dma_start3A_138 = tpu.memref_slice %arg14[%add3A_73, %dma_start3A] : memref<10240x128xbf16, #tpu.memory_space<vmem_shared>> -> memref<128x128xbf16, #tpu.memory_space<vmem_shared>>
      %dma_start3A_139 = arith.constant 0 : i32
      %dma_start3A_140 = tpu.memref_slice %arg14[%add3A_73, %dma_start3A_139] : memref<10240x128xbf16, #tpu.memory_space<vmem_shared>> -> memref<128x128xbf16, #tpu.memory_space<vmem_shared>>
      tpu.enqueue_dma source(%arg13 : memref<128x128xbf16, #tpu.memory_space<vmem>>) target(%dma_start3A_140 : memref<128x128xbf16, #tpu.memory_space<vmem_shared>>) target_semaphore(%run_scoped3A : memref<!tpu.dma_semaphore, #tpu.memory_space<semaphore_mem>>)
      %dma_wait3A = arith.constant 0 : i32
      %dma_wait3A_141 = tpu.memref_slice %arg14[%add3A_73, %dma_wait3A] : memref<10240x128xbf16, #tpu.memory_space<vmem_shared>> -> memref<128x128xbf16, #tpu.memory_space<vmem_shared>>
      %dma_wait3A_142 = arith.constant 0 : i32
      %dma_wait3A_143 = tpu.memref_slice %arg14[%add3A_73, %dma_wait3A_142] : memref<10240x128xbf16, #tpu.memory_space<vmem_shared>> -> memref<128x128xbf16, #tpu.memory_space<vmem_shared>>
      tpu.wait_dma2 semaphore(%run_scoped3A : memref<!tpu.dma_semaphore, #tpu.memory_space<semaphore_mem>>) src(%arg13 : memref<128x128xbf16, #tpu.memory_space<vmem>>) dst(%dma_wait3A_143 : memref<128x128xbf16, #tpu.memory_space<vmem_shared>>)
      tpu.yield
    }) : () -> ()
    %mul3A_74 = arith.constant 640 : i32
    %mul3A_75 = arith.muli %arg1, %mul3A_74 : i32
    %add3A_76 = arith.constant 256 : i32
    %add3A_77 = arith.addi %mul3A_75, %add3A_76 : i32
    "tpu.region"() ({
      %run_scoped3A = tpu.sem_alloc : memref<!tpu.dma_semaphore, #tpu.memory_space<semaphore_mem>>
      %dma_start3A = arith.constant 0 : i32
      %dma_start3A_138 = tpu.memref_slice %arg14[%add3A_77, %dma_start3A] : memref<10240x128xbf16, #tpu.memory_space<vmem_shared>> -> memref<128x128xbf16, #tpu.memory_space<vmem_shared>>
      %dma_start3A_139 = arith.constant 0 : i32
      %dma_start3A_140 = tpu.memref_slice %arg14[%add3A_77, %dma_start3A_139] : memref<10240x128xbf16, #tpu.memory_space<vmem_shared>> -> memref<128x128xbf16, #tpu.memory_space<vmem_shared>>
      tpu.enqueue_dma source(%arg13 : memref<128x128xbf16, #tpu.memory_space<vmem>>) target(%dma_start3A_140 : memref<128x128xbf16, #tpu.memory_space<vmem_shared>>) target_semaphore(%run_scoped3A : memref<!tpu.dma_semaphore, #tpu.memory_space<semaphore_mem>>)
      %dma_wait3A = arith.constant 0 : i32
      %dma_wait3A_141 = tpu.memref_slice %arg14[%add3A_77, %dma_wait3A] : memref<10240x128xbf16, #tpu.memory_space<vmem_shared>> -> memref<128x128xbf16, #tpu.memory_space<vmem_shared>>
      %dma_wait3A_142 = arith.constant 0 : i32
      %dma_wait3A_143 = tpu.memref_slice %arg14[%add3A_77, %dma_wait3A_142] : memref<10240x128xbf16, #tpu.memory_space<vmem_shared>> -> memref<128x128xbf16, #tpu.memory_space<vmem_shared>>
      tpu.wait_dma2 semaphore(%run_scoped3A : memref<!tpu.dma_semaphore, #tpu.memory_space<semaphore_mem>>) src(%arg13 : memref<128x128xbf16, #tpu.memory_space<vmem>>) dst(%dma_wait3A_143 : memref<128x128xbf16, #tpu.memory_space<vmem_shared>>)
      tpu.yield
    }) : () -> ()
    %mul3A_78 = arith.constant 640 : i32
    %mul3A_79 = arith.muli %arg1, %mul3A_78 : i32
    %add3A_80 = arith.constant 384 : i32
    %add3A_81 = arith.addi %mul3A_79, %add3A_80 : i32
    "tpu.region"() ({
      %run_scoped3A = tpu.sem_alloc : memref<!tpu.dma_semaphore, #tpu.memory_space<semaphore_mem>>
      %dma_start3A = arith.constant 0 : i32
      %dma_start3A_138 = tpu.memref_slice %arg14[%add3A_81, %dma_start3A] : memref<10240x128xbf16, #tpu.memory_space<vmem_shared>> -> memref<128x128xbf16, #tpu.memory_space<vmem_shared>>
      %dma_start3A_139 = arith.constant 0 : i32
      %dma_start3A_140 = tpu.memref_slice %arg14[%add3A_81, %dma_start3A_139] : memref<10240x128xbf16, #tpu.memory_space<vmem_shared>> -> memref<128x128xbf16, #tpu.memory_space<vmem_shared>>
      tpu.enqueue_dma source(%arg13 : memref<128x128xbf16, #tpu.memory_space<vmem>>) target(%dma_start3A_140 : memref<128x128xbf16, #tpu.memory_space<vmem_shared>>) target_semaphore(%run_scoped3A : memref<!tpu.dma_semaphore, #tpu.memory_space<semaphore_mem>>)
      %dma_wait3A = arith.constant 0 : i32
      %dma_wait3A_141 = tpu.memref_slice %arg14[%add3A_81, %dma_wait3A] : memref<10240x128xbf16, #tpu.memory_space<vmem_shared>> -> memref<128x128xbf16, #tpu.memory_space<vmem_shared>>
      %dma_wait3A_142 = arith.constant 0 : i32
      %dma_wait3A_143 = tpu.memref_slice %arg14[%add3A_81, %dma_wait3A_142] : memref<10240x128xbf16, #tpu.memory_space<vmem_shared>> -> memref<128x128xbf16, #tpu.memory_space<vmem_shared>>
      tpu.wait_dma2 semaphore(%run_scoped3A : memref<!tpu.dma_semaphore, #tpu.memory_space<semaphore_mem>>) src(%arg13 : memref<128x128xbf16, #tpu.memory_space<vmem>>) dst(%dma_wait3A_143 : memref<128x128xbf16, #tpu.memory_space<vmem_shared>>)
      tpu.yield
    }) : () -> ()
    %mul3A_82 = arith.constant 640 : i32
    %mul3A_83 = arith.muli %arg1, %mul3A_82 : i32
    %add3A_84 = arith.constant 512 : i32
    %add3A_85 = arith.addi %mul3A_83, %add3A_84 : i32
    "tpu.region"() ({
      %run_scoped3A = tpu.sem_alloc : memref<!tpu.dma_semaphore, #tpu.memory_space<semaphore_mem>>
      %dma_start3A = arith.constant 0 : i32
      %dma_start3A_138 = tpu.memref_slice %arg14[%add3A_85, %dma_start3A] : memref<10240x128xbf16, #tpu.memory_space<vmem_shared>> -> memref<128x128xbf16, #tpu.memory_space<vmem_shared>>
      %dma_start3A_139 = arith.constant 0 : i32
      %dma_start3A_140 = tpu.memref_slice %arg14[%add3A_85, %dma_start3A_139] : memref<10240x128xbf16, #tpu.memory_space<vmem_shared>> -> memref<128x128xbf16, #tpu.memory_space<vmem_shared>>
      tpu.enqueue_dma source(%arg13 : memref<128x128xbf16, #tpu.memory_space<vmem>>) target(%dma_start3A_140 : memref<128x128xbf16, #tpu.memory_space<vmem_shared>>) target_semaphore(%run_scoped3A : memref<!tpu.dma_semaphore, #tpu.memory_space<semaphore_mem>>)
      %dma_wait3A = arith.constant 0 : i32
      %dma_wait3A_141 = tpu.memref_slice %arg14[%add3A_85, %dma_wait3A] : memref<10240x128xbf16, #tpu.memory_space<vmem_shared>> -> memref<128x128xbf16, #tpu.memory_space<vmem_shared>>
      %dma_wait3A_142 = arith.constant 0 : i32
      %dma_wait3A_143 = tpu.memref_slice %arg14[%add3A_85, %dma_wait3A_142] : memref<10240x128xbf16, #tpu.memory_space<vmem_shared>> -> memref<128x128xbf16, #tpu.memory_space<vmem_shared>>
      tpu.wait_dma2 semaphore(%run_scoped3A : memref<!tpu.dma_semaphore, #tpu.memory_space<semaphore_mem>>) src(%arg13 : memref<128x128xbf16, #tpu.memory_space<vmem>>) dst(%dma_wait3A_143 : memref<128x128xbf16, #tpu.memory_space<vmem_shared>>)
      tpu.yield
    }) : () -> ()
    %barrier3A_86 = arith.constant 0 : index
    tpu.barrier barrier_id(%barrier3A_86)
    %eq3A_87 = arith.constant 0 : i32
    %eq3A_88 = arith.cmpi eq, %arg0, %eq3A_87 : i32
    %convert_element_type3A_89 = arith.extui %eq3A_88 : i1 to i32
    %cond3A_90 = arith.constant 0 : i32
    %cond3A_91 = arith.cmpi ne, %convert_element_type3A_89, %cond3A_90 : i32
    scf.if %cond3A_91 {
      %scan3A = arith.constant 0 : i32
      %scan3A_138 = arith.constant 80 : i32
      %scan3A_139 = arith.constant 40 : i32
      %scan3A_140 = arith.addi %scan3A_138, %scan3A_139 : i32
      %scan3A_141 = arith.constant 1 : i32
      scf.for %scan3A_143 = %scan3A_138 to %scan3A_140 step %scan3A_141  : i32 {
        %mul3A_144 = arith.constant 128 : i32
        %mul3A_145 = arith.muli %scan3A_143, %mul3A_144 : i32
        "tpu.region"() ({
          %run_scoped3A = tpu.sem_alloc : memref<!tpu.dma_semaphore, #tpu.memory_space<semaphore_mem>>
          %dma_start3A = tpu.memref_slice %arg11[%mul3A_145] : memref<20480xi32, #tpu.memory_space<vmem>> -> memref<128xi32, #tpu.memory_space<vmem>>
          %dma_start3A_146 = arith.constant 0 : i32
          %dma_start3A_147 = arith.constant 0 : i32
          %dma_start3A_148 = tpu.memref_slice %arg2[%dma_start3A_146, %dma_start3A_147] : memref<10240x128xbf16, #tpu.memory_space<hbm>> -> memref<10240x128xbf16, #tpu.memory_space<hbm>>
          tpu.enqueue_indirect_dma source(%dma_start3A_148 : memref<10240x128xbf16, #tpu.memory_space<hbm>>) target(%arg13 : memref<128x128xbf16, #tpu.memory_space<vmem>>) offsets(%dma_start3A : memref<128xi32, #tpu.memory_space<vmem>>) semaphore(%run_scoped3A : memref<!tpu.dma_semaphore, #tpu.memory_space<semaphore_mem>>)
          %dma_wait3A = tpu.memref_slice %arg11[%mul3A_145] : memref<20480xi32, #tpu.memory_space<vmem>> -> memref<128xi32, #tpu.memory_space<vmem>>
          %dma_wait3A_149 = arith.constant 0 : i32
          %dma_wait3A_150 = arith.constant 0 : i32
          %dma_wait3A_151 = tpu.memref_slice %arg2[%dma_wait3A_149, %dma_wait3A_150] : memref<10240x128xbf16, #tpu.memory_space<hbm>> -> memref<10240x128xbf16, #tpu.memory_space<hbm>>
          tpu.wait_indirect_dma semaphore(%run_scoped3A : memref<!tpu.dma_semaphore, #tpu.memory_space<semaphore_mem>>) src(%dma_wait3A_151 : memref<10240x128xbf16, #tpu.memory_space<hbm>>) dst(%arg13 : memref<128x128xbf16, #tpu.memory_space<vmem>>)
          tpu.yield
        }) : () -> ()
        "tpu.region"() ({
          %run_scoped3A = tpu.sem_alloc : memref<!tpu.dma_semaphore, #tpu.memory_space<semaphore_mem>>
          %dma_start3A = arith.constant 0 : i32
          %dma_start3A_146 = tpu.memref_slice %arg12[%scan3A_143, %dma_start3A] : memref<160x128xi32, #tpu.memory_space<vmem>> -> memref<1x128xi32, #tpu.memory_space<vmem>>
          %dma_start3A_147 = tpu.memref_squeeze %dma_start3A_146 : memref<1x128xi32, #tpu.memory_space<vmem>> -> memref<128xi32, #tpu.memory_space<vmem>>
          %dma_start3A_148 = arith.constant 0 : i32
          %dma_start3A_149 = arith.constant 0 : i32
          %dma_start3A_150 = tpu.memref_slice %arg14[%dma_start3A_148, %dma_start3A_149] : memref<10240x128xbf16, #tpu.memory_space<vmem_shared>> -> memref<10240x128xbf16, #tpu.memory_space<vmem_shared>>
          tpu.enqueue_indirect_dma source(%arg13 : memref<128x128xbf16, #tpu.memory_space<vmem>>) target(%dma_start3A_150 : memref<10240x128xbf16, #tpu.memory_space<vmem_shared>>) offsets(%dma_start3A_147 : memref<128xi32, #tpu.memory_space<vmem>>) semaphore(%run_scoped3A : memref<!tpu.dma_semaphore, #tpu.memory_space<semaphore_mem>>) {add = true}
          %dma_wait3A = arith.constant 0 : i32
          %dma_wait3A_151 = tpu.memref_slice %arg12[%scan3A_143, %dma_wait3A] : memref<160x128xi32, #tpu.memory_space<vmem>> -> memref<1x128xi32, #tpu.memory_space<vmem>>
          %dma_wait3A_152 = tpu.memref_squeeze %dma_wait3A_151 : memref<1x128xi32, #tpu.memory_space<vmem>> -> memref<128xi32, #tpu.memory_space<vmem>>
          %dma_wait3A_153 = arith.constant 0 : i32
          %dma_wait3A_154 = arith.constant 0 : i32
          %dma_wait3A_155 = tpu.memref_slice %arg14[%dma_wait3A_153, %dma_wait3A_154] : memref<10240x128xbf16, #tpu.memory_space<vmem_shared>> -> memref<10240x128xbf16, #tpu.memory_space<vmem_shared>>
          tpu.wait_indirect_dma semaphore(%run_scoped3A : memref<!tpu.dma_semaphore, #tpu.memory_space<semaphore_mem>>) src(%arg13 : memref<128x128xbf16, #tpu.memory_space<vmem>>) dst(%dma_wait3A_155 : memref<10240x128xbf16, #tpu.memory_space<vmem_shared>>)
          tpu.yield
        }) : () -> ()
      }
      %scan3A_142 = arith.constant 40 : i32
    } else {
    }
    %eq3A_92 = arith.constant 1 : i32
    %eq3A_93 = arith.cmpi eq, %arg0, %eq3A_92 : i32
    %convert_element_type3A_94 = arith.extui %eq3A_93 : i1 to i32
    %cond3A_95 = arith.constant 0 : i32
    %cond3A_96 = arith.cmpi ne, %convert_element_type3A_94, %cond3A_95 : i32
    scf.if %cond3A_96 {
      %scan3A = arith.constant 0 : i32
      %scan3A_138 = arith.constant 80 : i32
      %scan3A_139 = arith.constant 40 : i32
      %scan3A_140 = arith.addi %scan3A_138, %scan3A_139 : i32
      %scan3A_141 = arith.constant 1 : i32
      scf.for %scan3A_143 = %scan3A_138 to %scan3A_140 step %scan3A_141  : i32 {
        %mul3A_144 = arith.constant 128 : i32
        %mul3A_145 = arith.muli %scan3A_143, %mul3A_144 : i32
        "tpu.region"() ({
          %run_scoped3A = tpu.sem_alloc : memref<!tpu.dma_semaphore, #tpu.memory_space<semaphore_mem>>
          %dma_start3A = tpu.memref_slice %arg11[%mul3A_145] : memref<20480xi32, #tpu.memory_space<vmem>> -> memref<128xi32, #tpu.memory_space<vmem>>
          %dma_start3A_146 = arith.constant 0 : i32
          %dma_start3A_147 = arith.constant 0 : i32
          %dma_start3A_148 = tpu.memref_slice %arg3[%dma_start3A_146, %dma_start3A_147] : memref<10240x128xbf16, #tpu.memory_space<hbm>> -> memref<10240x128xbf16, #tpu.memory_space<hbm>>
          tpu.enqueue_indirect_dma source(%dma_start3A_148 : memref<10240x128xbf16, #tpu.memory_space<hbm>>) target(%arg13 : memref<128x128xbf16, #tpu.memory_space<vmem>>) offsets(%dma_start3A : memref<128xi32, #tpu.memory_space<vmem>>) semaphore(%run_scoped3A : memref<!tpu.dma_semaphore, #tpu.memory_space<semaphore_mem>>)
          %dma_wait3A = tpu.memref_slice %arg11[%mul3A_145] : memref<20480xi32, #tpu.memory_space<vmem>> -> memref<128xi32, #tpu.memory_space<vmem>>
          %dma_wait3A_149 = arith.constant 0 : i32
          %dma_wait3A_150 = arith.constant 0 : i32
          %dma_wait3A_151 = tpu.memref_slice %arg3[%dma_wait3A_149, %dma_wait3A_150] : memref<10240x128xbf16, #tpu.memory_space<hbm>> -> memref<10240x128xbf16, #tpu.memory_space<hbm>>
          tpu.wait_indirect_dma semaphore(%run_scoped3A : memref<!tpu.dma_semaphore, #tpu.memory_space<semaphore_mem>>) src(%dma_wait3A_151 : memref<10240x128xbf16, #tpu.memory_space<hbm>>) dst(%arg13 : memref<128x128xbf16, #tpu.memory_space<vmem>>)
          tpu.yield
        }) : () -> ()
        "tpu.region"() ({
          %run_scoped3A = tpu.sem_alloc : memref<!tpu.dma_semaphore, #tpu.memory_space<semaphore_mem>>
          %dma_start3A = arith.constant 0 : i32
          %dma_start3A_146 = tpu.memref_slice %arg12[%scan3A_143, %dma_start3A] : memref<160x128xi32, #tpu.memory_space<vmem>> -> memref<1x128xi32, #tpu.memory_space<vmem>>
          %dma_start3A_147 = tpu.memref_squeeze %dma_start3A_146 : memref<1x128xi32, #tpu.memory_space<vmem>> -> memref<128xi32, #tpu.memory_space<vmem>>
          %dma_start3A_148 = arith.constant 0 : i32
          %dma_start3A_149 = arith.constant 0 : i32
          %dma_start3A_150 = tpu.memref_slice %arg14[%dma_start3A_148, %dma_start3A_149] : memref<10240x128xbf16, #tpu.memory_space<vmem_shared>> -> memref<10240x128xbf16, #tpu.memory_space<vmem_shared>>
          tpu.enqueue_indirect_dma source(%arg13 : memref<128x128xbf16, #tpu.memory_space<vmem>>) target(%dma_start3A_150 : memref<10240x128xbf16, #tpu.memory_space<vmem_shared>>) offsets(%dma_start3A_147 : memref<128xi32, #tpu.memory_space<vmem>>) semaphore(%run_scoped3A : memref<!tpu.dma_semaphore, #tpu.memory_space<semaphore_mem>>) {add = true}
          %dma_wait3A = arith.constant 0 : i32
          %dma_wait3A_151 = tpu.memref_slice %arg12[%scan3A_143, %dma_wait3A] : memref<160x128xi32, #tpu.memory_space<vmem>> -> memref<1x128xi32, #tpu.memory_space<vmem>>
          %dma_wait3A_152 = tpu.memref_squeeze %dma_wait3A_151 : memref<1x128xi32, #tpu.memory_space<vmem>> -> memref<128xi32, #tpu.memory_space<vmem>>
          %dma_wait3A_153 = arith.constant 0 : i32
          %dma_wait3A_154 = arith.constant 0 : i32
          %dma_wait3A_155 = tpu.memref_slice %arg14[%dma_wait3A_153, %dma_wait3A_154] : memref<10240x128xbf16, #tpu.memory_space<vmem_shared>> -> memref<10240x128xbf16, #tpu.memory_space<vmem_shared>>
          tpu.wait_indirect_dma semaphore(%run_scoped3A : memref<!tpu.dma_semaphore, #tpu.memory_space<semaphore_mem>>) src(%arg13 : memref<128x128xbf16, #tpu.memory_space<vmem>>) dst(%dma_wait3A_155 : memref<10240x128xbf16, #tpu.memory_space<vmem_shared>>)
          tpu.yield
        }) : () -> ()
      }
      %scan3A_142 = arith.constant 40 : i32
    } else {
    }
    %barrier3A_97 = arith.constant 0 : index
    tpu.barrier barrier_id(%barrier3A_97)
    %mul3A_98 = arith.constant 640 : i32
    %mul3A_99 = arith.muli %arg1, %mul3A_98 : i32
    %mul3A_100 = arith.constant 640 : i32
    %mul3A_101 = arith.muli %arg1, %mul3A_100 : i32
    "tpu.region"() ({
      %run_scoped3A = tpu.sem_alloc : memref<!tpu.dma_semaphore, #tpu.memory_space<semaphore_mem>>
      %dma_start3A = arith.constant 0 : i32
      %dma_start3A_138 = tpu.memref_slice %arg9[%arg0, %mul3A_101, %dma_start3A] : memref<2x10240x128xbf16, #tpu.memory_space<hbm>> -> memref<1x640x128xbf16, #tpu.memory_space<hbm>>
      %dma_start3A_139 = tpu.memref_squeeze %dma_start3A_138 : memref<1x640x128xbf16, #tpu.memory_space<hbm>> -> memref<640x128xbf16, #tpu.memory_space<hbm>>
      %dma_start3A_140 = arith.constant 0 : i32
      %dma_start3A_141 = tpu.memref_slice %arg14[%mul3A_99, %dma_start3A_140] : memref<10240x128xbf16, #tpu.memory_space<vmem_shared>> -> memref<640x128xbf16, #tpu.memory_space<vmem_shared>>
      tpu.enqueue_dma source(%dma_start3A_141 : memref<640x128xbf16, #tpu.memory_space<vmem_shared>>) target(%dma_start3A_139 : memref<640x128xbf16, #tpu.memory_space<hbm>>) target_semaphore(%run_scoped3A : memref<!tpu.dma_semaphore, #tpu.memory_space<semaphore_mem>>)
      %dma_wait3A = arith.constant 0 : i32
      %dma_wait3A_142 = tpu.memref_slice %arg9[%arg0, %mul3A_101, %dma_wait3A] : memref<2x10240x128xbf16, #tpu.memory_space<hbm>> -> memref<1x640x128xbf16, #tpu.memory_space<hbm>>
      %dma_wait3A_143 = tpu.memref_squeeze %dma_wait3A_142 : memref<1x640x128xbf16, #tpu.memory_space<hbm>> -> memref<640x128xbf16, #tpu.memory_space<hbm>>
      %dma_wait3A_144 = arith.constant 0 : i32
      %dma_wait3A_145 = tpu.memref_slice %arg14[%mul3A_99, %dma_wait3A_144] : memref<10240x128xbf16, #tpu.memory_space<vmem_shared>> -> memref<640x128xbf16, #tpu.memory_space<vmem_shared>>
      tpu.wait_dma2 semaphore(%run_scoped3A : memref<!tpu.dma_semaphore, #tpu.memory_space<semaphore_mem>>) src(%dma_wait3A_145 : memref<640x128xbf16, #tpu.memory_space<vmem_shared>>) dst(%dma_wait3A_143 : memref<640x128xbf16, #tpu.memory_space<hbm>>)
      tpu.yield
    }) : () -> ()
    "tpu.region"() ({
      %run_scoped3A = tpu.sem_alloc : memref<!tpu.dma_semaphore, #tpu.memory_space<semaphore_mem>>
      tpu.enqueue_dma source(%arg6 : memref<128x128xbf16, #tpu.memory_space<hbm>>) target(%arg13 : memref<128x128xbf16, #tpu.memory_space<vmem>>) target_semaphore(%run_scoped3A : memref<!tpu.dma_semaphore, #tpu.memory_space<semaphore_mem>>)
      tpu.wait_dma2 semaphore(%run_scoped3A : memref<!tpu.dma_semaphore, #tpu.memory_space<semaphore_mem>>) src(%arg6 : memref<128x128xbf16, #tpu.memory_space<hbm>>) dst(%arg13 : memref<128x128xbf16, #tpu.memory_space<vmem>>)
      tpu.yield
    }) : () -> ()
    %mul3A_102 = arith.constant 640 : i32
    %mul3A_103 = arith.muli %arg1, %mul3A_102 : i32
    %add3A_104 = arith.constant 0 : i32
    %add3A_105 = arith.addi %mul3A_103, %add3A_104 : i32
    "tpu.region"() ({
      %run_scoped3A = tpu.sem_alloc : memref<!tpu.dma_semaphore, #tpu.memory_space<semaphore_mem>>
      %dma_start3A = arith.constant 0 : i32
      %dma_start3A_138 = tpu.memref_slice %arg14[%add3A_105, %dma_start3A] : memref<10240x128xbf16, #tpu.memory_space<vmem_shared>> -> memref<128x128xbf16, #tpu.memory_space<vmem_shared>>
      %dma_start3A_139 = arith.constant 0 : i32
      %dma_start3A_140 = tpu.memref_slice %arg14[%add3A_105, %dma_start3A_139] : memref<10240x128xbf16, #tpu.memory_space<vmem_shared>> -> memref<128x128xbf16, #tpu.memory_space<vmem_shared>>
      tpu.enqueue_dma source(%arg13 : memref<128x128xbf16, #tpu.memory_space<vmem>>) target(%dma_start3A_140 : memref<128x128xbf16, #tpu.memory_space<vmem_shared>>) target_semaphore(%run_scoped3A : memref<!tpu.dma_semaphore, #tpu.memory_space<semaphore_mem>>)
      %dma_wait3A = arith.constant 0 : i32
      %dma_wait3A_141 = tpu.memref_slice %arg14[%add3A_105, %dma_wait3A] : memref<10240x128xbf16, #tpu.memory_space<vmem_shared>> -> memref<128x128xbf16, #tpu.memory_space<vmem_shared>>
      %dma_wait3A_142 = arith.constant 0 : i32
      %dma_wait3A_143 = tpu.memref_slice %arg14[%add3A_105, %dma_wait3A_142] : memref<10240x128xbf16, #tpu.memory_space<vmem_shared>> -> memref<128x128xbf16, #tpu.memory_space<vmem_shared>>
      tpu.wait_dma2 semaphore(%run_scoped3A : memref<!tpu.dma_semaphore, #tpu.memory_space<semaphore_mem>>) src(%arg13 : memref<128x128xbf16, #tpu.memory_space<vmem>>) dst(%dma_wait3A_143 : memref<128x128xbf16, #tpu.memory_space<vmem_shared>>)
      tpu.yield
    }) : () -> ()
    %mul3A_106 = arith.constant 640 : i32
    %mul3A_107 = arith.muli %arg1, %mul3A_106 : i32
    %add3A_108 = arith.constant 128 : i32
    %add3A_109 = arith.addi %mul3A_107, %add3A_108 : i32
    "tpu.region"() ({
      %run_scoped3A = tpu.sem_alloc : memref<!tpu.dma_semaphore, #tpu.memory_space<semaphore_mem>>
      %dma_start3A = arith.constant 0 : i32
      %dma_start3A_138 = tpu.memref_slice %arg14[%add3A_109, %dma_start3A] : memref<10240x128xbf16, #tpu.memory_space<vmem_shared>> -> memref<128x128xbf16, #tpu.memory_space<vmem_shared>>
      %dma_start3A_139 = arith.constant 0 : i32
      %dma_start3A_140 = tpu.memref_slice %arg14[%add3A_109, %dma_start3A_139] : memref<10240x128xbf16, #tpu.memory_space<vmem_shared>> -> memref<128x128xbf16, #tpu.memory_space<vmem_shared>>
      tpu.enqueue_dma source(%arg13 : memref<128x128xbf16, #tpu.memory_space<vmem>>) target(%dma_start3A_140 : memref<128x128xbf16, #tpu.memory_space<vmem_shared>>) target_semaphore(%run_scoped3A : memref<!tpu.dma_semaphore, #tpu.memory_space<semaphore_mem>>)
      %dma_wait3A = arith.constant 0 : i32
      %dma_wait3A_141 = tpu.memref_slice %arg14[%add3A_109, %dma_wait3A] : memref<10240x128xbf16, #tpu.memory_space<vmem_shared>> -> memref<128x128xbf16, #tpu.memory_space<vmem_shared>>
      %dma_wait3A_142 = arith.constant 0 : i32
      %dma_wait3A_143 = tpu.memref_slice %arg14[%add3A_109, %dma_wait3A_142] : memref<10240x128xbf16, #tpu.memory_space<vmem_shared>> -> memref<128x128xbf16, #tpu.memory_space<vmem_shared>>
      tpu.wait_dma2 semaphore(%run_scoped3A : memref<!tpu.dma_semaphore, #tpu.memory_space<semaphore_mem>>) src(%arg13 : memref<128x128xbf16, #tpu.memory_space<vmem>>) dst(%dma_wait3A_143 : memref<128x128xbf16, #tpu.memory_space<vmem_shared>>)
      tpu.yield
    }) : () -> ()
    %mul3A_110 = arith.constant 640 : i32
    %mul3A_111 = arith.muli %arg1, %mul3A_110 : i32
    %add3A_112 = arith.constant 256 : i32
    %add3A_113 = arith.addi %mul3A_111, %add3A_112 : i32
    "tpu.region"() ({
      %run_scoped3A = tpu.sem_alloc : memref<!tpu.dma_semaphore, #tpu.memory_space<semaphore_mem>>
      %dma_start3A = arith.constant 0 : i32
      %dma_start3A_138 = tpu.memref_slice %arg14[%add3A_113, %dma_start3A] : memref<10240x128xbf16, #tpu.memory_space<vmem_shared>> -> memref<128x128xbf16, #tpu.memory_space<vmem_shared>>
      %dma_start3A_139 = arith.constant 0 : i32
      %dma_start3A_140 = tpu.memref_slice %arg14[%add3A_113, %dma_start3A_139] : memref<10240x128xbf16, #tpu.memory_space<vmem_shared>> -> memref<128x128xbf16, #tpu.memory_space<vmem_shared>>
      tpu.enqueue_dma source(%arg13 : memref<128x128xbf16, #tpu.memory_space<vmem>>) target(%dma_start3A_140 : memref<128x128xbf16, #tpu.memory_space<vmem_shared>>) target_semaphore(%run_scoped3A : memref<!tpu.dma_semaphore, #tpu.memory_space<semaphore_mem>>)
      %dma_wait3A = arith.constant 0 : i32
      %dma_wait3A_141 = tpu.memref_slice %arg14[%add3A_113, %dma_wait3A] : memref<10240x128xbf16, #tpu.memory_space<vmem_shared>> -> memref<128x128xbf16, #tpu.memory_space<vmem_shared>>
      %dma_wait3A_142 = arith.constant 0 : i32
      %dma_wait3A_143 = tpu.memref_slice %arg14[%add3A_113, %dma_wait3A_142] : memref<10240x128xbf16, #tpu.memory_space<vmem_shared>> -> memref<128x128xbf16, #tpu.memory_space<vmem_shared>>
      tpu.wait_dma2 semaphore(%run_scoped3A : memref<!tpu.dma_semaphore, #tpu.memory_space<semaphore_mem>>) src(%arg13 : memref<128x128xbf16, #tpu.memory_space<vmem>>) dst(%dma_wait3A_143 : memref<128x128xbf16, #tpu.memory_space<vmem_shared>>)
      tpu.yield
    }) : () -> ()
    %mul3A_114 = arith.constant 640 : i32
    %mul3A_115 = arith.muli %arg1, %mul3A_114 : i32
    %add3A_116 = arith.constant 384 : i32
    %add3A_117 = arith.addi %mul3A_115, %add3A_116 : i32
    "tpu.region"() ({
      %run_scoped3A = tpu.sem_alloc : memref<!tpu.dma_semaphore, #tpu.memory_space<semaphore_mem>>
      %dma_start3A = arith.constant 0 : i32
      %dma_start3A_138 = tpu.memref_slice %arg14[%add3A_117, %dma_start3A] : memref<10240x128xbf16, #tpu.memory_space<vmem_shared>> -> memref<128x128xbf16, #tpu.memory_space<vmem_shared>>
      %dma_start3A_139 = arith.constant 0 : i32
      %dma_start3A_140 = tpu.memref_slice %arg14[%add3A_117, %dma_start3A_139] : memref<10240x128xbf16, #tpu.memory_space<vmem_shared>> -> memref<128x128xbf16, #tpu.memory_space<vmem_shared>>
      tpu.enqueue_dma source(%arg13 : memref<128x128xbf16, #tpu.memory_space<vmem>>) target(%dma_start3A_140 : memref<128x128xbf16, #tpu.memory_space<vmem_shared>>) target_semaphore(%run_scoped3A : memref<!tpu.dma_semaphore, #tpu.memory_space<semaphore_mem>>)
      %dma_wait3A = arith.constant 0 : i32
      %dma_wait3A_141 = tpu.memref_slice %arg14[%add3A_117, %dma_wait3A] : memref<10240x128xbf16, #tpu.memory_space<vmem_shared>> -> memref<128x128xbf16, #tpu.memory_space<vmem_shared>>
      %dma_wait3A_142 = arith.constant 0 : i32
      %dma_wait3A_143 = tpu.memref_slice %arg14[%add3A_117, %dma_wait3A_142] : memref<10240x128xbf16, #tpu.memory_space<vmem_shared>> -> memref<128x128xbf16, #tpu.memory_space<vmem_shared>>
      tpu.wait_dma2 semaphore(%run_scoped3A : memref<!tpu.dma_semaphore, #tpu.memory_space<semaphore_mem>>) src(%arg13 : memref<128x128xbf16, #tpu.memory_space<vmem>>) dst(%dma_wait3A_143 : memref<128x128xbf16, #tpu.memory_space<vmem_shared>>)
      tpu.yield
    }) : () -> ()
    %mul3A_118 = arith.constant 640 : i32
    %mul3A_119 = arith.muli %arg1, %mul3A_118 : i32
    %add3A_120 = arith.constant 512 : i32
    %add3A_121 = arith.addi %mul3A_119, %add3A_120 : i32
    "tpu.region"() ({
      %run_scoped3A = tpu.sem_alloc : memref<!tpu.dma_semaphore, #tpu.memory_space<semaphore_mem>>
      %dma_start3A = arith.constant 0 : i32
      %dma_start3A_138 = tpu.memref_slice %arg14[%add3A_121, %dma_start3A] : memref<10240x128xbf16, #tpu.memory_space<vmem_shared>> -> memref<128x128xbf16, #tpu.memory_space<vmem_shared>>
      %dma_start3A_139 = arith.constant 0 : i32
      %dma_start3A_140 = tpu.memref_slice %arg14[%add3A_121, %dma_start3A_139] : memref<10240x128xbf16, #tpu.memory_space<vmem_shared>> -> memref<128x128xbf16, #tpu.memory_space<vmem_shared>>
      tpu.enqueue_dma source(%arg13 : memref<128x128xbf16, #tpu.memory_space<vmem>>) target(%dma_start3A_140 : memref<128x128xbf16, #tpu.memory_space<vmem_shared>>) target_semaphore(%run_scoped3A : memref<!tpu.dma_semaphore, #tpu.memory_space<semaphore_mem>>)
      %dma_wait3A = arith.constant 0 : i32
      %dma_wait3A_141 = tpu.memref_slice %arg14[%add3A_121, %dma_wait3A] : memref<10240x128xbf16, #tpu.memory_space<vmem_shared>> -> memref<128x128xbf16, #tpu.memory_space<vmem_shared>>
      %dma_wait3A_142 = arith.constant 0 : i32
      %dma_wait3A_143 = tpu.memref_slice %arg14[%add3A_121, %dma_wait3A_142] : memref<10240x128xbf16, #tpu.memory_space<vmem_shared>> -> memref<128x128xbf16, #tpu.memory_space<vmem_shared>>
      tpu.wait_dma2 semaphore(%run_scoped3A : memref<!tpu.dma_semaphore, #tpu.memory_space<semaphore_mem>>) src(%arg13 : memref<128x128xbf16, #tpu.memory_space<vmem>>) dst(%dma_wait3A_143 : memref<128x128xbf16, #tpu.memory_space<vmem_shared>>)
      tpu.yield
    }) : () -> ()
    %barrier3A_122 = arith.constant 0 : index
    tpu.barrier barrier_id(%barrier3A_122)
    %eq3A_123 = arith.constant 0 : i32
    %eq3A_124 = arith.cmpi eq, %arg0, %eq3A_123 : i32
    %convert_element_type3A_125 = arith.extui %eq3A_124 : i1 to i32
    %cond3A_126 = arith.constant 0 : i32
    %cond3A_127 = arith.cmpi ne, %convert_element_type3A_125, %cond3A_126 : i32
    scf.if %cond3A_127 {
      %scan3A = arith.constant 0 : i32
      %scan3A_138 = arith.constant 120 : i32
      %scan3A_139 = arith.constant 40 : i32
      %scan3A_140 = arith.addi %scan3A_138, %scan3A_139 : i32
      %scan3A_141 = arith.constant 1 : i32
      scf.for %scan3A_143 = %scan3A_138 to %scan3A_140 step %scan3A_141  : i32 {
        %mul3A_144 = arith.constant 128 : i32
        %mul3A_145 = arith.muli %scan3A_143, %mul3A_144 : i32
        "tpu.region"() ({
          %run_scoped3A = tpu.sem_alloc : memref<!tpu.dma_semaphore, #tpu.memory_space<semaphore_mem>>
          %dma_start3A = tpu.memref_slice %arg11[%mul3A_145] : memref<20480xi32, #tpu.memory_space<vmem>> -> memref<128xi32, #tpu.memory_space<vmem>>
          %dma_start3A_146 = arith.constant 0 : i32
          %dma_start3A_147 = arith.constant 0 : i32
          %dma_start3A_148 = tpu.memref_slice %arg2[%dma_start3A_146, %dma_start3A_147] : memref<10240x128xbf16, #tpu.memory_space<hbm>> -> memref<10240x128xbf16, #tpu.memory_space<hbm>>
          tpu.enqueue_indirect_dma source(%dma_start3A_148 : memref<10240x128xbf16, #tpu.memory_space<hbm>>) target(%arg13 : memref<128x128xbf16, #tpu.memory_space<vmem>>) offsets(%dma_start3A : memref<128xi32, #tpu.memory_space<vmem>>) semaphore(%run_scoped3A : memref<!tpu.dma_semaphore, #tpu.memory_space<semaphore_mem>>)
          %dma_wait3A = tpu.memref_slice %arg11[%mul3A_145] : memref<20480xi32, #tpu.memory_space<vmem>> -> memref<128xi32, #tpu.memory_space<vmem>>
          %dma_wait3A_149 = arith.constant 0 : i32
          %dma_wait3A_150 = arith.constant 0 : i32
          %dma_wait3A_151 = tpu.memref_slice %arg2[%dma_wait3A_149, %dma_wait3A_150] : memref<10240x128xbf16, #tpu.memory_space<hbm>> -> memref<10240x128xbf16, #tpu.memory_space<hbm>>
          tpu.wait_indirect_dma semaphore(%run_scoped3A : memref<!tpu.dma_semaphore, #tpu.memory_space<semaphore_mem>>) src(%dma_wait3A_151 : memref<10240x128xbf16, #tpu.memory_space<hbm>>) dst(%arg13 : memref<128x128xbf16, #tpu.memory_space<vmem>>)
          tpu.yield
        }) : () -> ()
        "tpu.region"() ({
          %run_scoped3A = tpu.sem_alloc : memref<!tpu.dma_semaphore, #tpu.memory_space<semaphore_mem>>
          %dma_start3A = arith.constant 0 : i32
          %dma_start3A_146 = tpu.memref_slice %arg12[%scan3A_143, %dma_start3A] : memref<160x128xi32, #tpu.memory_space<vmem>> -> memref<1x128xi32, #tpu.memory_space<vmem>>
          %dma_start3A_147 = tpu.memref_squeeze %dma_start3A_146 : memref<1x128xi32, #tpu.memory_space<vmem>> -> memref<128xi32, #tpu.memory_space<vmem>>
          %dma_start3A_148 = arith.constant 0 : i32
          %dma_start3A_149 = arith.constant 0 : i32
          %dma_start3A_150 = tpu.memref_slice %arg14[%dma_start3A_148, %dma_start3A_149] : memref<10240x128xbf16, #tpu.memory_space<vmem_shared>> -> memref<10240x128xbf16, #tpu.memory_space<vmem_shared>>
          tpu.enqueue_indirect_dma source(%arg13 : memref<128x128xbf16, #tpu.memory_space<vmem>>) target(%dma_start3A_150 : memref<10240x128xbf16, #tpu.memory_space<vmem_shared>>) offsets(%dma_start3A_147 : memref<128xi32, #tpu.memory_space<vmem>>) semaphore(%run_scoped3A : memref<!tpu.dma_semaphore, #tpu.memory_space<semaphore_mem>>) {add = true}
          %dma_wait3A = arith.constant 0 : i32
          %dma_wait3A_151 = tpu.memref_slice %arg12[%scan3A_143, %dma_wait3A] : memref<160x128xi32, #tpu.memory_space<vmem>> -> memref<1x128xi32, #tpu.memory_space<vmem>>
          %dma_wait3A_152 = tpu.memref_squeeze %dma_wait3A_151 : memref<1x128xi32, #tpu.memory_space<vmem>> -> memref<128xi32, #tpu.memory_space<vmem>>
          %dma_wait3A_153 = arith.constant 0 : i32
          %dma_wait3A_154 = arith.constant 0 : i32
          %dma_wait3A_155 = tpu.memref_slice %arg14[%dma_wait3A_153, %dma_wait3A_154] : memref<10240x128xbf16, #tpu.memory_space<vmem_shared>> -> memref<10240x128xbf16, #tpu.memory_space<vmem_shared>>
          tpu.wait_indirect_dma semaphore(%run_scoped3A : memref<!tpu.dma_semaphore, #tpu.memory_space<semaphore_mem>>) src(%arg13 : memref<128x128xbf16, #tpu.memory_space<vmem>>) dst(%dma_wait3A_155 : memref<10240x128xbf16, #tpu.memory_space<vmem_shared>>)
          tpu.yield
        }) : () -> ()
      }
      %scan3A_142 = arith.constant 40 : i32
    } else {
    }
    %eq3A_128 = arith.constant 1 : i32
    %eq3A_129 = arith.cmpi eq, %arg0, %eq3A_128 : i32
    %convert_element_type3A_130 = arith.extui %eq3A_129 : i1 to i32
    %cond3A_131 = arith.constant 0 : i32
    %cond3A_132 = arith.cmpi ne, %convert_element_type3A_130, %cond3A_131 : i32
    scf.if %cond3A_132 {
      %scan3A = arith.constant 0 : i32
      %scan3A_138 = arith.constant 120 : i32
      %scan3A_139 = arith.constant 40 : i32
      %scan3A_140 = arith.addi %scan3A_138, %scan3A_139 : i32
      %scan3A_141 = arith.constant 1 : i32
      scf.for %scan3A_143 = %scan3A_138 to %scan3A_140 step %scan3A_141  : i32 {
        %mul3A_144 = arith.constant 128 : i32
        %mul3A_145 = arith.muli %scan3A_143, %mul3A_144 : i32
        "tpu.region"() ({
          %run_scoped3A = tpu.sem_alloc : memref<!tpu.dma_semaphore, #tpu.memory_space<semaphore_mem>>
          %dma_start3A = tpu.memref_slice %arg11[%mul3A_145] : memref<20480xi32, #tpu.memory_space<vmem>> -> memref<128xi32, #tpu.memory_space<vmem>>
          %dma_start3A_146 = arith.constant 0 : i32
          %dma_start3A_147 = arith.constant 0 : i32
          %dma_start3A_148 = tpu.memref_slice %arg3[%dma_start3A_146, %dma_start3A_147] : memref<10240x128xbf16, #tpu.memory_space<hbm>> -> memref<10240x128xbf16, #tpu.memory_space<hbm>>
          tpu.enqueue_indirect_dma source(%dma_start3A_148 : memref<10240x128xbf16, #tpu.memory_space<hbm>>) target(%arg13 : memref<128x128xbf16, #tpu.memory_space<vmem>>) offsets(%dma_start3A : memref<128xi32, #tpu.memory_space<vmem>>) semaphore(%run_scoped3A : memref<!tpu.dma_semaphore, #tpu.memory_space<semaphore_mem>>)
          %dma_wait3A = tpu.memref_slice %arg11[%mul3A_145] : memref<20480xi32, #tpu.memory_space<vmem>> -> memref<128xi32, #tpu.memory_space<vmem>>
          %dma_wait3A_149 = arith.constant 0 : i32
          %dma_wait3A_150 = arith.constant 0 : i32
          %dma_wait3A_151 = tpu.memref_slice %arg3[%dma_wait3A_149, %dma_wait3A_150] : memref<10240x128xbf16, #tpu.memory_space<hbm>> -> memref<10240x128xbf16, #tpu.memory_space<hbm>>
          tpu.wait_indirect_dma semaphore(%run_scoped3A : memref<!tpu.dma_semaphore, #tpu.memory_space<semaphore_mem>>) src(%dma_wait3A_151 : memref<10240x128xbf16, #tpu.memory_space<hbm>>) dst(%arg13 : memref<128x128xbf16, #tpu.memory_space<vmem>>)
          tpu.yield
        }) : () -> ()
        "tpu.region"() ({
          %run_scoped3A = tpu.sem_alloc : memref<!tpu.dma_semaphore, #tpu.memory_space<semaphore_mem>>
          %dma_start3A = arith.constant 0 : i32
          %dma_start3A_146 = tpu.memref_slice %arg12[%scan3A_143, %dma_start3A] : memref<160x128xi32, #tpu.memory_space<vmem>> -> memref<1x128xi32, #tpu.memory_space<vmem>>
          %dma_start3A_147 = tpu.memref_squeeze %dma_start3A_146 : memref<1x128xi32, #tpu.memory_space<vmem>> -> memref<128xi32, #tpu.memory_space<vmem>>
          %dma_start3A_148 = arith.constant 0 : i32
          %dma_start3A_149 = arith.constant 0 : i32
          %dma_start3A_150 = tpu.memref_slice %arg14[%dma_start3A_148, %dma_start3A_149] : memref<10240x128xbf16, #tpu.memory_space<vmem_shared>> -> memref<10240x128xbf16, #tpu.memory_space<vmem_shared>>
          tpu.enqueue_indirect_dma source(%arg13 : memref<128x128xbf16, #tpu.memory_space<vmem>>) target(%dma_start3A_150 : memref<10240x128xbf16, #tpu.memory_space<vmem_shared>>) offsets(%dma_start3A_147 : memref<128xi32, #tpu.memory_space<vmem>>) semaphore(%run_scoped3A : memref<!tpu.dma_semaphore, #tpu.memory_space<semaphore_mem>>) {add = true}
          %dma_wait3A = arith.constant 0 : i32
          %dma_wait3A_151 = tpu.memref_slice %arg12[%scan3A_143, %dma_wait3A] : memref<160x128xi32, #tpu.memory_space<vmem>> -> memref<1x128xi32, #tpu.memory_space<vmem>>
          %dma_wait3A_152 = tpu.memref_squeeze %dma_wait3A_151 : memref<1x128xi32, #tpu.memory_space<vmem>> -> memref<128xi32, #tpu.memory_space<vmem>>
          %dma_wait3A_153 = arith.constant 0 : i32
          %dma_wait3A_154 = arith.constant 0 : i32
          %dma_wait3A_155 = tpu.memref_slice %arg14[%dma_wait3A_153, %dma_wait3A_154] : memref<10240x128xbf16, #tpu.memory_space<vmem_shared>> -> memref<10240x128xbf16, #tpu.memory_space<vmem_shared>>
          tpu.wait_indirect_dma semaphore(%run_scoped3A : memref<!tpu.dma_semaphore, #tpu.memory_space<semaphore_mem>>) src(%arg13 : memref<128x128xbf16, #tpu.memory_space<vmem>>) dst(%dma_wait3A_155 : memref<10240x128xbf16, #tpu.memory_space<vmem_shared>>)
          tpu.yield
        }) : () -> ()
      }
      %scan3A_142 = arith.constant 40 : i32
    } else {
    }
    %barrier3A_133 = arith.constant 0 : index
    tpu.barrier barrier_id(%barrier3A_133)
    %mul3A_134 = arith.constant 640 : i32
    %mul3A_135 = arith.muli %arg1, %mul3A_134 : i32
    %mul3A_136 = arith.constant 640 : i32
    %mul3A_137 = arith.muli %arg1, %mul3A_136 : i32
    "tpu.region"() ({
      %run_scoped3A = tpu.sem_alloc : memref<!tpu.dma_semaphore, #tpu.memory_space<semaphore_mem>>
      %dma_start3A = arith.constant 0 : i32
      %dma_start3A_138 = tpu.memref_slice %arg10[%arg0, %mul3A_137, %dma_start3A] : memref<2x10240x128xbf16, #tpu.memory_space<hbm>> -> memref<1x640x128xbf16, #tpu.memory_space<hbm>>
      %dma_start3A_139 = tpu.memref_squeeze %dma_start3A_138 : memref<1x640x128xbf16, #tpu.memory_space<hbm>> -> memref<640x128xbf16, #tpu.memory_space<hbm>>
      %dma_start3A_140 = arith.constant 0 : i32
      %dma_start3A_141 = tpu.memref_slice %arg14[%mul3A_135, %dma_start3A_140] : memref<10240x128xbf16, #tpu.memory_space<vmem_shared>> -> memref<640x128xbf16, #tpu.memory_space<vmem_shared>>
      tpu.enqueue_dma source(%dma_start3A_141 : memref<640x128xbf16, #tpu.memory_space<vmem_shared>>) target(%dma_start3A_139 : memref<640x128xbf16, #tpu.memory_space<hbm>>) target_semaphore(%run_scoped3A : memref<!tpu.dma_semaphore, #tpu.memory_space<semaphore_mem>>)
      %dma_wait3A = arith.constant 0 : i32
      %dma_wait3A_142 = tpu.memref_slice %arg10[%arg0, %mul3A_137, %dma_wait3A] : memref<2x10240x128xbf16, #tpu.memory_space<hbm>> -> memref<1x640x128xbf16, #tpu.memory_space<hbm>>
      %dma_wait3A_143 = tpu.memref_squeeze %dma_wait3A_142 : memref<1x640x128xbf16, #tpu.memory_space<hbm>> -> memref<640x128xbf16, #tpu.memory_space<hbm>>
      %dma_wait3A_144 = arith.constant 0 : i32
      %dma_wait3A_145 = tpu.memref_slice %arg14[%mul3A_135, %dma_wait3A_144] : memref<10240x128xbf16, #tpu.memory_space<vmem_shared>> -> memref<640x128xbf16, #tpu.memory_space<vmem_shared>>
      tpu.wait_dma2 semaphore(%run_scoped3A : memref<!tpu.dma_semaphore, #tpu.memory_space<semaphore_mem>>) src(%dma_wait3A_145 : memref<640x128xbf16, #tpu.memory_space<vmem_shared>>) dst(%dma_wait3A_143 : memref<640x128xbf16, #tpu.memory_space<hbm>>)
      tpu.yield
    }) : () -> ()
    return
  }
}

#map = affine_map<(d0, d1) -> (0, 0)>
#map1 = affine_map<(d0, d1) -> (0, 0, 0)>
#map2 = affine_map<(d0, d1) -> (0, 0, 0, 0)>
#map3 = affine_map<(d0, d1) -> (0)>
module attributes {stable_mosaic.version = 14 : i64} {
  func.func @body(%arg0: i32, %arg1: i32, %arg2: memref<10240x128xbf16, #tpu.memory_space<hbm>>, %arg3: memref<10240x128xbf16, #tpu.memory_space<hbm>>, %arg4: memref<2x10240xf32, #tpu.memory_space<hbm>>, %arg5: memref<2x16x20480xi32, #tpu.memory_space<hbm>>, %arg6: memref<2x16x160x128xi32, #tpu.memory_space<hbm>>, %arg7: memref<2x16x20480xi32, #tpu.memory_space<hbm>>, %arg8: memref<128x128xbf16, #tpu.memory_space<hbm>>, %arg9: memref<10240xf32, #tpu.memory_space<hbm>>, %arg10: memref<2x10240x128xbf16, #tpu.memory_space<hbm>>, %arg11: memref<2x10240x128xbf16, #tpu.memory_space<hbm>>, %arg12: memref<2x10240x128xbf16, #tpu.memory_space<hbm>>, %arg13: memref<2x10240x128xbf16, #tpu.memory_space<hbm>>, %arg14: memref<2x16x10240xf32, #tpu.memory_space<hbm>>, %arg15: memref<20480xi32, #tpu.memory_space<vmem>>, %arg16: memref<160x128xi32, #tpu.memory_space<vmem>>, %arg17: memref<128x128xbf16, #tpu.memory_space<vmem>>, %arg18: memref<10240x128xbf16, #tpu.memory_space<vmem_shared>>, %arg19: memref<20480xi32, #tpu.memory_space<vmem>>, %arg20: memref<10240xf32, #tpu.memory_space<vmem>>, %arg21: memref<10240xf32, #tpu.memory_space<vmem>>) attributes {dimension_semantics = [#tpu.dimension_semantics<core_parallel>, #tpu.dimension_semantics<subcore_parallel>], iteration_bounds = array<i64: 2, 16>, scalar_prefetch = 0 : i64, scratch_operands = 7 : i64, tpu.core_type = #tpu.core_type<sc_vector_subcore>, window_params = [{transform_indices = #map}, {transform_indices = #map}, {transform_indices = #map}, {transform_indices = #map1}, {transform_indices = #map2}, {transform_indices = #map1}, {transform_indices = #map}, {transform_indices = #map3}, {transform_indices = #map1}, {transform_indices = #map1}, {transform_indices = #map1}, {transform_indices = #map1}, {transform_indices = #map1}]} {
    "tpu.region"() ({
      %run_scoped3A = tpu.sem_alloc : memref<!tpu.dma_semaphore, #tpu.memory_space<semaphore_mem>>
      %dma_start3A = arith.constant 0 : i32
      %dma_start3A_143 = tpu.memref_slice %arg5[%arg0, %arg1, %dma_start3A] : memref<2x16x20480xi32, #tpu.memory_space<hbm>> -> memref<1x1x20480xi32, #tpu.memory_space<hbm>>
      %dma_start3A_144 = tpu.memref_squeeze %dma_start3A_143 : memref<1x1x20480xi32, #tpu.memory_space<hbm>> -> memref<20480xi32, #tpu.memory_space<hbm>>
      %dma_start3A_145 = arith.constant 0 : i32
      %dma_start3A_146 = tpu.memref_slice %arg5[%arg0, %arg1, %dma_start3A_145] : memref<2x16x20480xi32, #tpu.memory_space<hbm>> -> memref<1x1x20480xi32, #tpu.memory_space<hbm>>
      %dma_start3A_147 = tpu.memref_squeeze %dma_start3A_146 : memref<1x1x20480xi32, #tpu.memory_space<hbm>> -> memref<20480xi32, #tpu.memory_space<hbm>>
      tpu.enqueue_dma source(%dma_start3A_147 : memref<20480xi32, #tpu.memory_space<hbm>>) target(%arg15 : memref<20480xi32, #tpu.memory_space<vmem>>) target_semaphore(%run_scoped3A : memref<!tpu.dma_semaphore, #tpu.memory_space<semaphore_mem>>)
      %dma_wait3A = arith.constant 0 : i32
      %dma_wait3A_148 = tpu.memref_slice %arg5[%arg0, %arg1, %dma_wait3A] : memref<2x16x20480xi32, #tpu.memory_space<hbm>> -> memref<1x1x20480xi32, #tpu.memory_space<hbm>>
      %dma_wait3A_149 = tpu.memref_squeeze %dma_wait3A_148 : memref<1x1x20480xi32, #tpu.memory_space<hbm>> -> memref<20480xi32, #tpu.memory_space<hbm>>
      %dma_wait3A_150 = arith.constant 0 : i32
      %dma_wait3A_151 = tpu.memref_slice %arg5[%arg0, %arg1, %dma_wait3A_150] : memref<2x16x20480xi32, #tpu.memory_space<hbm>> -> memref<1x1x20480xi32, #tpu.memory_space<hbm>>
      %dma_wait3A_152 = tpu.memref_squeeze %dma_wait3A_151 : memref<1x1x20480xi32, #tpu.memory_space<hbm>> -> memref<20480xi32, #tpu.memory_space<hbm>>
      tpu.wait_dma2 semaphore(%run_scoped3A : memref<!tpu.dma_semaphore, #tpu.memory_space<semaphore_mem>>) src(%dma_wait3A_152 : memref<20480xi32, #tpu.memory_space<hbm>>) dst(%arg15 : memref<20480xi32, #tpu.memory_space<vmem>>)
      tpu.yield
    }) : () -> ()
    "tpu.region"() ({
      %run_scoped3A = tpu.sem_alloc : memref<!tpu.dma_semaphore, #tpu.memory_space<semaphore_mem>>
      %dma_start3A = arith.constant 0 : i32
      %dma_start3A_143 = arith.constant 0 : i32
      %dma_start3A_144 = tpu.memref_slice %arg6[%arg0, %arg1, %dma_start3A, %dma_start3A_143] : memref<2x16x160x128xi32, #tpu.memory_space<hbm>> -> memref<1x1x160x128xi32, #tpu.memory_space<hbm>>
      %dma_start3A_145 = tpu.memref_squeeze %dma_start3A_144 : memref<1x1x160x128xi32, #tpu.memory_space<hbm>> -> memref<160x128xi32, #tpu.memory_space<hbm>>
      %dma_start3A_146 = arith.constant 0 : i32
      %dma_start3A_147 = arith.constant 0 : i32
      %dma_start3A_148 = tpu.memref_slice %arg6[%arg0, %arg1, %dma_start3A_146, %dma_start3A_147] : memref<2x16x160x128xi32, #tpu.memory_space<hbm>> -> memref<1x1x160x128xi32, #tpu.memory_space<hbm>>
      %dma_start3A_149 = tpu.memref_squeeze %dma_start3A_148 : memref<1x1x160x128xi32, #tpu.memory_space<hbm>> -> memref<160x128xi32, #tpu.memory_space<hbm>>
      tpu.enqueue_dma source(%dma_start3A_149 : memref<160x128xi32, #tpu.memory_space<hbm>>) target(%arg16 : memref<160x128xi32, #tpu.memory_space<vmem>>) target_semaphore(%run_scoped3A : memref<!tpu.dma_semaphore, #tpu.memory_space<semaphore_mem>>)
      %dma_wait3A = arith.constant 0 : i32
      %dma_wait3A_150 = arith.constant 0 : i32
      %dma_wait3A_151 = tpu.memref_slice %arg6[%arg0, %arg1, %dma_wait3A, %dma_wait3A_150] : memref<2x16x160x128xi32, #tpu.memory_space<hbm>> -> memref<1x1x160x128xi32, #tpu.memory_space<hbm>>
      %dma_wait3A_152 = tpu.memref_squeeze %dma_wait3A_151 : memref<1x1x160x128xi32, #tpu.memory_space<hbm>> -> memref<160x128xi32, #tpu.memory_space<hbm>>
      %dma_wait3A_153 = arith.constant 0 : i32
      %dma_wait3A_154 = arith.constant 0 : i32
      %dma_wait3A_155 = tpu.memref_slice %arg6[%arg0, %arg1, %dma_wait3A_153, %dma_wait3A_154] : memref<2x16x160x128xi32, #tpu.memory_space<hbm>> -> memref<1x1x160x128xi32, #tpu.memory_space<hbm>>
      %dma_wait3A_156 = tpu.memref_squeeze %dma_wait3A_155 : memref<1x1x160x128xi32, #tpu.memory_space<hbm>> -> memref<160x128xi32, #tpu.memory_space<hbm>>
      tpu.wait_dma2 semaphore(%run_scoped3A : memref<!tpu.dma_semaphore, #tpu.memory_space<semaphore_mem>>) src(%dma_wait3A_156 : memref<160x128xi32, #tpu.memory_space<hbm>>) dst(%arg16 : memref<160x128xi32, #tpu.memory_space<vmem>>)
      tpu.yield
    }) : () -> ()
    "tpu.region"() ({
      %run_scoped3A = tpu.sem_alloc : memref<!tpu.dma_semaphore, #tpu.memory_space<semaphore_mem>>
      tpu.enqueue_dma source(%arg8 : memref<128x128xbf16, #tpu.memory_space<hbm>>) target(%arg17 : memref<128x128xbf16, #tpu.memory_space<vmem>>) target_semaphore(%run_scoped3A : memref<!tpu.dma_semaphore, #tpu.memory_space<semaphore_mem>>)
      tpu.wait_dma2 semaphore(%run_scoped3A : memref<!tpu.dma_semaphore, #tpu.memory_space<semaphore_mem>>) src(%arg8 : memref<128x128xbf16, #tpu.memory_space<hbm>>) dst(%arg17 : memref<128x128xbf16, #tpu.memory_space<vmem>>)
      tpu.yield
    }) : () -> ()
    %mul3A = arith.constant 640 : i32
    %mul3A_0 = arith.muli %arg1, %mul3A : i32
    %add3A = arith.constant 0 : i32
    %add3A_1 = arith.addi %mul3A_0, %add3A : i32
    "tpu.region"() ({
      %run_scoped3A = tpu.sem_alloc : memref<!tpu.dma_semaphore, #tpu.memory_space<semaphore_mem>>
      %dma_start3A = arith.constant 0 : i32
      %dma_start3A_143 = tpu.memref_slice %arg18[%add3A_1, %dma_start3A] : memref<10240x128xbf16, #tpu.memory_space<vmem_shared>> -> memref<128x128xbf16, #tpu.memory_space<vmem_shared>>
      %dma_start3A_144 = arith.constant 0 : i32
      %dma_start3A_145 = tpu.memref_slice %arg18[%add3A_1, %dma_start3A_144] : memref<10240x128xbf16, #tpu.memory_space<vmem_shared>> -> memref<128x128xbf16, #tpu.memory_space<vmem_shared>>
      tpu.enqueue_dma source(%arg17 : memref<128x128xbf16, #tpu.memory_space<vmem>>) target(%dma_start3A_145 : memref<128x128xbf16, #tpu.memory_space<vmem_shared>>) target_semaphore(%run_scoped3A : memref<!tpu.dma_semaphore, #tpu.memory_space<semaphore_mem>>)
      %dma_wait3A = arith.constant 0 : i32
      %dma_wait3A_146 = tpu.memref_slice %arg18[%add3A_1, %dma_wait3A] : memref<10240x128xbf16, #tpu.memory_space<vmem_shared>> -> memref<128x128xbf16, #tpu.memory_space<vmem_shared>>
      %dma_wait3A_147 = arith.constant 0 : i32
      %dma_wait3A_148 = tpu.memref_slice %arg18[%add3A_1, %dma_wait3A_147] : memref<10240x128xbf16, #tpu.memory_space<vmem_shared>> -> memref<128x128xbf16, #tpu.memory_space<vmem_shared>>
      tpu.wait_dma2 semaphore(%run_scoped3A : memref<!tpu.dma_semaphore, #tpu.memory_space<semaphore_mem>>) src(%arg17 : memref<128x128xbf16, #tpu.memory_space<vmem>>) dst(%dma_wait3A_148 : memref<128x128xbf16, #tpu.memory_space<vmem_shared>>)
      tpu.yield
    }) : () -> ()
    %mul3A_2 = arith.constant 640 : i32
    %mul3A_3 = arith.muli %arg1, %mul3A_2 : i32
    %add3A_4 = arith.constant 128 : i32
    %add3A_5 = arith.addi %mul3A_3, %add3A_4 : i32
    "tpu.region"() ({
      %run_scoped3A = tpu.sem_alloc : memref<!tpu.dma_semaphore, #tpu.memory_space<semaphore_mem>>
      %dma_start3A = arith.constant 0 : i32
      %dma_start3A_143 = tpu.memref_slice %arg18[%add3A_5, %dma_start3A] : memref<10240x128xbf16, #tpu.memory_space<vmem_shared>> -> memref<128x128xbf16, #tpu.memory_space<vmem_shared>>
      %dma_start3A_144 = arith.constant 0 : i32
      %dma_start3A_145 = tpu.memref_slice %arg18[%add3A_5, %dma_start3A_144] : memref<10240x128xbf16, #tpu.memory_space<vmem_shared>> -> memref<128x128xbf16, #tpu.memory_space<vmem_shared>>
      tpu.enqueue_dma source(%arg17 : memref<128x128xbf16, #tpu.memory_space<vmem>>) target(%dma_start3A_145 : memref<128x128xbf16, #tpu.memory_space<vmem_shared>>) target_semaphore(%run_scoped3A : memref<!tpu.dma_semaphore, #tpu.memory_space<semaphore_mem>>)
      %dma_wait3A = arith.constant 0 : i32
      %dma_wait3A_146 = tpu.memref_slice %arg18[%add3A_5, %dma_wait3A] : memref<10240x128xbf16, #tpu.memory_space<vmem_shared>> -> memref<128x128xbf16, #tpu.memory_space<vmem_shared>>
      %dma_wait3A_147 = arith.constant 0 : i32
      %dma_wait3A_148 = tpu.memref_slice %arg18[%add3A_5, %dma_wait3A_147] : memref<10240x128xbf16, #tpu.memory_space<vmem_shared>> -> memref<128x128xbf16, #tpu.memory_space<vmem_shared>>
      tpu.wait_dma2 semaphore(%run_scoped3A : memref<!tpu.dma_semaphore, #tpu.memory_space<semaphore_mem>>) src(%arg17 : memref<128x128xbf16, #tpu.memory_space<vmem>>) dst(%dma_wait3A_148 : memref<128x128xbf16, #tpu.memory_space<vmem_shared>>)
      tpu.yield
    }) : () -> ()
    %mul3A_6 = arith.constant 640 : i32
    %mul3A_7 = arith.muli %arg1, %mul3A_6 : i32
    %add3A_8 = arith.constant 256 : i32
    %add3A_9 = arith.addi %mul3A_7, %add3A_8 : i32
    "tpu.region"() ({
      %run_scoped3A = tpu.sem_alloc : memref<!tpu.dma_semaphore, #tpu.memory_space<semaphore_mem>>
      %dma_start3A = arith.constant 0 : i32
      %dma_start3A_143 = tpu.memref_slice %arg18[%add3A_9, %dma_start3A] : memref<10240x128xbf16, #tpu.memory_space<vmem_shared>> -> memref<128x128xbf16, #tpu.memory_space<vmem_shared>>
      %dma_start3A_144 = arith.constant 0 : i32
      %dma_start3A_145 = tpu.memref_slice %arg18[%add3A_9, %dma_start3A_144] : memref<10240x128xbf16, #tpu.memory_space<vmem_shared>> -> memref<128x128xbf16, #tpu.memory_space<vmem_shared>>
      tpu.enqueue_dma source(%arg17 : memref<128x128xbf16, #tpu.memory_space<vmem>>) target(%dma_start3A_145 : memref<128x128xbf16, #tpu.memory_space<vmem_shared>>) target_semaphore(%run_scoped3A : memref<!tpu.dma_semaphore, #tpu.memory_space<semaphore_mem>>)
      %dma_wait3A = arith.constant 0 : i32
      %dma_wait3A_146 = tpu.memref_slice %arg18[%add3A_9, %dma_wait3A] : memref<10240x128xbf16, #tpu.memory_space<vmem_shared>> -> memref<128x128xbf16, #tpu.memory_space<vmem_shared>>
      %dma_wait3A_147 = arith.constant 0 : i32
      %dma_wait3A_148 = tpu.memref_slice %arg18[%add3A_9, %dma_wait3A_147] : memref<10240x128xbf16, #tpu.memory_space<vmem_shared>> -> memref<128x128xbf16, #tpu.memory_space<vmem_shared>>
      tpu.wait_dma2 semaphore(%run_scoped3A : memref<!tpu.dma_semaphore, #tpu.memory_space<semaphore_mem>>) src(%arg17 : memref<128x128xbf16, #tpu.memory_space<vmem>>) dst(%dma_wait3A_148 : memref<128x128xbf16, #tpu.memory_space<vmem_shared>>)
      tpu.yield
    }) : () -> ()
    %mul3A_10 = arith.constant 640 : i32
    %mul3A_11 = arith.muli %arg1, %mul3A_10 : i32
    %add3A_12 = arith.constant 384 : i32
    %add3A_13 = arith.addi %mul3A_11, %add3A_12 : i32
    "tpu.region"() ({
      %run_scoped3A = tpu.sem_alloc : memref<!tpu.dma_semaphore, #tpu.memory_space<semaphore_mem>>
      %dma_start3A = arith.constant 0 : i32
      %dma_start3A_143 = tpu.memref_slice %arg18[%add3A_13, %dma_start3A] : memref<10240x128xbf16, #tpu.memory_space<vmem_shared>> -> memref<128x128xbf16, #tpu.memory_space<vmem_shared>>
      %dma_start3A_144 = arith.constant 0 : i32
      %dma_start3A_145 = tpu.memref_slice %arg18[%add3A_13, %dma_start3A_144] : memref<10240x128xbf16, #tpu.memory_space<vmem_shared>> -> memref<128x128xbf16, #tpu.memory_space<vmem_shared>>
      tpu.enqueue_dma source(%arg17 : memref<128x128xbf16, #tpu.memory_space<vmem>>) target(%dma_start3A_145 : memref<128x128xbf16, #tpu.memory_space<vmem_shared>>) target_semaphore(%run_scoped3A : memref<!tpu.dma_semaphore, #tpu.memory_space<semaphore_mem>>)
      %dma_wait3A = arith.constant 0 : i32
      %dma_wait3A_146 = tpu.memref_slice %arg18[%add3A_13, %dma_wait3A] : memref<10240x128xbf16, #tpu.memory_space<vmem_shared>> -> memref<128x128xbf16, #tpu.memory_space<vmem_shared>>
      %dma_wait3A_147 = arith.constant 0 : i32
      %dma_wait3A_148 = tpu.memref_slice %arg18[%add3A_13, %dma_wait3A_147] : memref<10240x128xbf16, #tpu.memory_space<vmem_shared>> -> memref<128x128xbf16, #tpu.memory_space<vmem_shared>>
      tpu.wait_dma2 semaphore(%run_scoped3A : memref<!tpu.dma_semaphore, #tpu.memory_space<semaphore_mem>>) src(%arg17 : memref<128x128xbf16, #tpu.memory_space<vmem>>) dst(%dma_wait3A_148 : memref<128x128xbf16, #tpu.memory_space<vmem_shared>>)
      tpu.yield
    }) : () -> ()
    %mul3A_14 = arith.constant 640 : i32
    %mul3A_15 = arith.muli %arg1, %mul3A_14 : i32
    %add3A_16 = arith.constant 512 : i32
    %add3A_17 = arith.addi %mul3A_15, %add3A_16 : i32
    "tpu.region"() ({
      %run_scoped3A = tpu.sem_alloc : memref<!tpu.dma_semaphore, #tpu.memory_space<semaphore_mem>>
      %dma_start3A = arith.constant 0 : i32
      %dma_start3A_143 = tpu.memref_slice %arg18[%add3A_17, %dma_start3A] : memref<10240x128xbf16, #tpu.memory_space<vmem_shared>> -> memref<128x128xbf16, #tpu.memory_space<vmem_shared>>
      %dma_start3A_144 = arith.constant 0 : i32
      %dma_start3A_145 = tpu.memref_slice %arg18[%add3A_17, %dma_start3A_144] : memref<10240x128xbf16, #tpu.memory_space<vmem_shared>> -> memref<128x128xbf16, #tpu.memory_space<vmem_shared>>
      tpu.enqueue_dma source(%arg17 : memref<128x128xbf16, #tpu.memory_space<vmem>>) target(%dma_start3A_145 : memref<128x128xbf16, #tpu.memory_space<vmem_shared>>) target_semaphore(%run_scoped3A : memref<!tpu.dma_semaphore, #tpu.memory_space<semaphore_mem>>)
      %dma_wait3A = arith.constant 0 : i32
      %dma_wait3A_146 = tpu.memref_slice %arg18[%add3A_17, %dma_wait3A] : memref<10240x128xbf16, #tpu.memory_space<vmem_shared>> -> memref<128x128xbf16, #tpu.memory_space<vmem_shared>>
      %dma_wait3A_147 = arith.constant 0 : i32
      %dma_wait3A_148 = tpu.memref_slice %arg18[%add3A_17, %dma_wait3A_147] : memref<10240x128xbf16, #tpu.memory_space<vmem_shared>> -> memref<128x128xbf16, #tpu.memory_space<vmem_shared>>
      tpu.wait_dma2 semaphore(%run_scoped3A : memref<!tpu.dma_semaphore, #tpu.memory_space<semaphore_mem>>) src(%arg17 : memref<128x128xbf16, #tpu.memory_space<vmem>>) dst(%dma_wait3A_148 : memref<128x128xbf16, #tpu.memory_space<vmem_shared>>)
      tpu.yield
    }) : () -> ()
    %barrier3A = arith.constant 0 : index
    tpu.barrier barrier_id(%barrier3A)
    %eq3A = arith.constant 0 : i32
    %eq3A_18 = arith.cmpi eq, %arg0, %eq3A : i32
    %convert_element_type3A = arith.extui %eq3A_18 : i1 to i32
    %cond3A = arith.constant 0 : i32
    %cond3A_19 = arith.cmpi ne, %convert_element_type3A, %cond3A : i32
    scf.if %cond3A_19 {
      %scan3A_143 = arith.constant 0 : i32
      %scan3A_144 = arith.constant 0 : i32
      %scan3A_145 = arith.constant 40 : i32
      %scan3A_146 = arith.addi %scan3A_144, %scan3A_145 : i32
      %scan3A_147 = arith.constant 1 : i32
      scf.for %scan3A_149 = %scan3A_144 to %scan3A_146 step %scan3A_147  : i32 {
        %mul3A_150 = arith.constant 128 : i32
        %mul3A_151 = arith.muli %scan3A_149, %mul3A_150 : i32
        "tpu.region"() ({
          %run_scoped3A = tpu.sem_alloc : memref<!tpu.dma_semaphore, #tpu.memory_space<semaphore_mem>>
          %dma_start3A = tpu.memref_slice %arg15[%mul3A_151] : memref<20480xi32, #tpu.memory_space<vmem>> -> memref<128xi32, #tpu.memory_space<vmem>>
          %dma_start3A_152 = arith.constant 0 : i32
          %dma_start3A_153 = arith.constant 0 : i32
          %dma_start3A_154 = tpu.memref_slice %arg2[%dma_start3A_152, %dma_start3A_153] : memref<10240x128xbf16, #tpu.memory_space<hbm>> -> memref<10240x128xbf16, #tpu.memory_space<hbm>>
          tpu.enqueue_indirect_dma source(%dma_start3A_154 : memref<10240x128xbf16, #tpu.memory_space<hbm>>) target(%arg17 : memref<128x128xbf16, #tpu.memory_space<vmem>>) offsets(%dma_start3A : memref<128xi32, #tpu.memory_space<vmem>>) semaphore(%run_scoped3A : memref<!tpu.dma_semaphore, #tpu.memory_space<semaphore_mem>>)
          %dma_wait3A = tpu.memref_slice %arg15[%mul3A_151] : memref<20480xi32, #tpu.memory_space<vmem>> -> memref<128xi32, #tpu.memory_space<vmem>>
          %dma_wait3A_155 = arith.constant 0 : i32
          %dma_wait3A_156 = arith.constant 0 : i32
          %dma_wait3A_157 = tpu.memref_slice %arg2[%dma_wait3A_155, %dma_wait3A_156] : memref<10240x128xbf16, #tpu.memory_space<hbm>> -> memref<10240x128xbf16, #tpu.memory_space<hbm>>
          tpu.wait_indirect_dma semaphore(%run_scoped3A : memref<!tpu.dma_semaphore, #tpu.memory_space<semaphore_mem>>) src(%dma_wait3A_157 : memref<10240x128xbf16, #tpu.memory_space<hbm>>) dst(%arg17 : memref<128x128xbf16, #tpu.memory_space<vmem>>)
          tpu.yield
        }) : () -> ()
        "tpu.region"() ({
          %run_scoped3A = tpu.sem_alloc : memref<!tpu.dma_semaphore, #tpu.memory_space<semaphore_mem>>
          %dma_start3A = arith.constant 0 : i32
          %dma_start3A_152 = tpu.memref_slice %arg16[%scan3A_149, %dma_start3A] : memref<160x128xi32, #tpu.memory_space<vmem>> -> memref<1x128xi32, #tpu.memory_space<vmem>>
          %dma_start3A_153 = tpu.memref_squeeze %dma_start3A_152 : memref<1x128xi32, #tpu.memory_space<vmem>> -> memref<128xi32, #tpu.memory_space<vmem>>
          %dma_start3A_154 = arith.constant 0 : i32
          %dma_start3A_155 = arith.constant 0 : i32
          %dma_start3A_156 = tpu.memref_slice %arg18[%dma_start3A_154, %dma_start3A_155] : memref<10240x128xbf16, #tpu.memory_space<vmem_shared>> -> memref<10240x128xbf16, #tpu.memory_space<vmem_shared>>
          tpu.enqueue_indirect_dma source(%arg17 : memref<128x128xbf16, #tpu.memory_space<vmem>>) target(%dma_start3A_156 : memref<10240x128xbf16, #tpu.memory_space<vmem_shared>>) offsets(%dma_start3A_153 : memref<128xi32, #tpu.memory_space<vmem>>) semaphore(%run_scoped3A : memref<!tpu.dma_semaphore, #tpu.memory_space<semaphore_mem>>) {add = true}
          %dma_wait3A = arith.constant 0 : i32
          %dma_wait3A_157 = tpu.memref_slice %arg16[%scan3A_149, %dma_wait3A] : memref<160x128xi32, #tpu.memory_space<vmem>> -> memref<1x128xi32, #tpu.memory_space<vmem>>
          %dma_wait3A_158 = tpu.memref_squeeze %dma_wait3A_157 : memref<1x128xi32, #tpu.memory_space<vmem>> -> memref<128xi32, #tpu.memory_space<vmem>>
          %dma_wait3A_159 = arith.constant 0 : i32
          %dma_wait3A_160 = arith.constant 0 : i32
          %dma_wait3A_161 = tpu.memref_slice %arg18[%dma_wait3A_159, %dma_wait3A_160] : memref<10240x128xbf16, #tpu.memory_space<vmem_shared>> -> memref<10240x128xbf16, #tpu.memory_space<vmem_shared>>
          tpu.wait_indirect_dma semaphore(%run_scoped3A : memref<!tpu.dma_semaphore, #tpu.memory_space<semaphore_mem>>) src(%arg17 : memref<128x128xbf16, #tpu.memory_space<vmem>>) dst(%dma_wait3A_161 : memref<10240x128xbf16, #tpu.memory_space<vmem_shared>>)
          tpu.yield
        }) : () -> ()
      }
      %scan3A_148 = arith.constant 40 : i32
    } else {
    }
    %eq3A_20 = arith.constant 1 : i32
    %eq3A_21 = arith.cmpi eq, %arg0, %eq3A_20 : i32
    %convert_element_type3A_22 = arith.extui %eq3A_21 : i1 to i32
    %cond3A_23 = arith.constant 0 : i32
    %cond3A_24 = arith.cmpi ne, %convert_element_type3A_22, %cond3A_23 : i32
    scf.if %cond3A_24 {
      %scan3A_143 = arith.constant 0 : i32
      %scan3A_144 = arith.constant 0 : i32
      %scan3A_145 = arith.constant 40 : i32
      %scan3A_146 = arith.addi %scan3A_144, %scan3A_145 : i32
      %scan3A_147 = arith.constant 1 : i32
      scf.for %scan3A_149 = %scan3A_144 to %scan3A_146 step %scan3A_147  : i32 {
        %mul3A_150 = arith.constant 128 : i32
        %mul3A_151 = arith.muli %scan3A_149, %mul3A_150 : i32
        "tpu.region"() ({
          %run_scoped3A = tpu.sem_alloc : memref<!tpu.dma_semaphore, #tpu.memory_space<semaphore_mem>>
          %dma_start3A = tpu.memref_slice %arg15[%mul3A_151] : memref<20480xi32, #tpu.memory_space<vmem>> -> memref<128xi32, #tpu.memory_space<vmem>>
          %dma_start3A_152 = arith.constant 0 : i32
          %dma_start3A_153 = arith.constant 0 : i32
          %dma_start3A_154 = tpu.memref_slice %arg3[%dma_start3A_152, %dma_start3A_153] : memref<10240x128xbf16, #tpu.memory_space<hbm>> -> memref<10240x128xbf16, #tpu.memory_space<hbm>>
          tpu.enqueue_indirect_dma source(%dma_start3A_154 : memref<10240x128xbf16, #tpu.memory_space<hbm>>) target(%arg17 : memref<128x128xbf16, #tpu.memory_space<vmem>>) offsets(%dma_start3A : memref<128xi32, #tpu.memory_space<vmem>>) semaphore(%run_scoped3A : memref<!tpu.dma_semaphore, #tpu.memory_space<semaphore_mem>>)
          %dma_wait3A = tpu.memref_slice %arg15[%mul3A_151] : memref<20480xi32, #tpu.memory_space<vmem>> -> memref<128xi32, #tpu.memory_space<vmem>>
          %dma_wait3A_155 = arith.constant 0 : i32
          %dma_wait3A_156 = arith.constant 0 : i32
          %dma_wait3A_157 = tpu.memref_slice %arg3[%dma_wait3A_155, %dma_wait3A_156] : memref<10240x128xbf16, #tpu.memory_space<hbm>> -> memref<10240x128xbf16, #tpu.memory_space<hbm>>
          tpu.wait_indirect_dma semaphore(%run_scoped3A : memref<!tpu.dma_semaphore, #tpu.memory_space<semaphore_mem>>) src(%dma_wait3A_157 : memref<10240x128xbf16, #tpu.memory_space<hbm>>) dst(%arg17 : memref<128x128xbf16, #tpu.memory_space<vmem>>)
          tpu.yield
        }) : () -> ()
        "tpu.region"() ({
          %run_scoped3A = tpu.sem_alloc : memref<!tpu.dma_semaphore, #tpu.memory_space<semaphore_mem>>
          %dma_start3A = arith.constant 0 : i32
          %dma_start3A_152 = tpu.memref_slice %arg16[%scan3A_149, %dma_start3A] : memref<160x128xi32, #tpu.memory_space<vmem>> -> memref<1x128xi32, #tpu.memory_space<vmem>>
          %dma_start3A_153 = tpu.memref_squeeze %dma_start3A_152 : memref<1x128xi32, #tpu.memory_space<vmem>> -> memref<128xi32, #tpu.memory_space<vmem>>
          %dma_start3A_154 = arith.constant 0 : i32
          %dma_start3A_155 = arith.constant 0 : i32
          %dma_start3A_156 = tpu.memref_slice %arg18[%dma_start3A_154, %dma_start3A_155] : memref<10240x128xbf16, #tpu.memory_space<vmem_shared>> -> memref<10240x128xbf16, #tpu.memory_space<vmem_shared>>
          tpu.enqueue_indirect_dma source(%arg17 : memref<128x128xbf16, #tpu.memory_space<vmem>>) target(%dma_start3A_156 : memref<10240x128xbf16, #tpu.memory_space<vmem_shared>>) offsets(%dma_start3A_153 : memref<128xi32, #tpu.memory_space<vmem>>) semaphore(%run_scoped3A : memref<!tpu.dma_semaphore, #tpu.memory_space<semaphore_mem>>) {add = true}
          %dma_wait3A = arith.constant 0 : i32
          %dma_wait3A_157 = tpu.memref_slice %arg16[%scan3A_149, %dma_wait3A] : memref<160x128xi32, #tpu.memory_space<vmem>> -> memref<1x128xi32, #tpu.memory_space<vmem>>
          %dma_wait3A_158 = tpu.memref_squeeze %dma_wait3A_157 : memref<1x128xi32, #tpu.memory_space<vmem>> -> memref<128xi32, #tpu.memory_space<vmem>>
          %dma_wait3A_159 = arith.constant 0 : i32
          %dma_wait3A_160 = arith.constant 0 : i32
          %dma_wait3A_161 = tpu.memref_slice %arg18[%dma_wait3A_159, %dma_wait3A_160] : memref<10240x128xbf16, #tpu.memory_space<vmem_shared>> -> memref<10240x128xbf16, #tpu.memory_space<vmem_shared>>
          tpu.wait_indirect_dma semaphore(%run_scoped3A : memref<!tpu.dma_semaphore, #tpu.memory_space<semaphore_mem>>) src(%arg17 : memref<128x128xbf16, #tpu.memory_space<vmem>>) dst(%dma_wait3A_161 : memref<10240x128xbf16, #tpu.memory_space<vmem_shared>>)
          tpu.yield
        }) : () -> ()
      }
      %scan3A_148 = arith.constant 40 : i32
    } else {
    }
    %barrier3A_25 = arith.constant 0 : index
    tpu.barrier barrier_id(%barrier3A_25)
    %mul3A_26 = arith.constant 640 : i32
    %mul3A_27 = arith.muli %arg1, %mul3A_26 : i32
    %mul3A_28 = arith.constant 640 : i32
    %mul3A_29 = arith.muli %arg1, %mul3A_28 : i32
    "tpu.region"() ({
      %run_scoped3A = tpu.sem_alloc : memref<!tpu.dma_semaphore, #tpu.memory_space<semaphore_mem>>
      %dma_start3A = arith.constant 0 : i32
      %dma_start3A_143 = tpu.memref_slice %arg10[%arg0, %mul3A_29, %dma_start3A] : memref<2x10240x128xbf16, #tpu.memory_space<hbm>> -> memref<1x640x128xbf16, #tpu.memory_space<hbm>>
      %dma_start3A_144 = tpu.memref_squeeze %dma_start3A_143 : memref<1x640x128xbf16, #tpu.memory_space<hbm>> -> memref<640x128xbf16, #tpu.memory_space<hbm>>
      %dma_start3A_145 = arith.constant 0 : i32
      %dma_start3A_146 = tpu.memref_slice %arg18[%mul3A_27, %dma_start3A_145] : memref<10240x128xbf16, #tpu.memory_space<vmem_shared>> -> memref<640x128xbf16, #tpu.memory_space<vmem_shared>>
      tpu.enqueue_dma source(%dma_start3A_146 : memref<640x128xbf16, #tpu.memory_space<vmem_shared>>) target(%dma_start3A_144 : memref<640x128xbf16, #tpu.memory_space<hbm>>) target_semaphore(%run_scoped3A : memref<!tpu.dma_semaphore, #tpu.memory_space<semaphore_mem>>)
      %dma_wait3A = arith.constant 0 : i32
      %dma_wait3A_147 = tpu.memref_slice %arg10[%arg0, %mul3A_29, %dma_wait3A] : memref<2x10240x128xbf16, #tpu.memory_space<hbm>> -> memref<1x640x128xbf16, #tpu.memory_space<hbm>>
      %dma_wait3A_148 = tpu.memref_squeeze %dma_wait3A_147 : memref<1x640x128xbf16, #tpu.memory_space<hbm>> -> memref<640x128xbf16, #tpu.memory_space<hbm>>
      %dma_wait3A_149 = arith.constant 0 : i32
      %dma_wait3A_150 = tpu.memref_slice %arg18[%mul3A_27, %dma_wait3A_149] : memref<10240x128xbf16, #tpu.memory_space<vmem_shared>> -> memref<640x128xbf16, #tpu.memory_space<vmem_shared>>
      tpu.wait_dma2 semaphore(%run_scoped3A : memref<!tpu.dma_semaphore, #tpu.memory_space<semaphore_mem>>) src(%dma_wait3A_150 : memref<640x128xbf16, #tpu.memory_space<vmem_shared>>) dst(%dma_wait3A_148 : memref<640x128xbf16, #tpu.memory_space<hbm>>)
      tpu.yield
    }) : () -> ()
    "tpu.region"() ({
      %run_scoped3A = tpu.sem_alloc : memref<!tpu.dma_semaphore, #tpu.memory_space<semaphore_mem>>
      tpu.enqueue_dma source(%arg8 : memref<128x128xbf16, #tpu.memory_space<hbm>>) target(%arg17 : memref<128x128xbf16, #tpu.memory_space<vmem>>) target_semaphore(%run_scoped3A : memref<!tpu.dma_semaphore, #tpu.memory_space<semaphore_mem>>)
      tpu.wait_dma2 semaphore(%run_scoped3A : memref<!tpu.dma_semaphore, #tpu.memory_space<semaphore_mem>>) src(%arg8 : memref<128x128xbf16, #tpu.memory_space<hbm>>) dst(%arg17 : memref<128x128xbf16, #tpu.memory_space<vmem>>)
      tpu.yield
    }) : () -> ()
    %mul3A_30 = arith.constant 640 : i32
    %mul3A_31 = arith.muli %arg1, %mul3A_30 : i32
    %add3A_32 = arith.constant 0 : i32
    %add3A_33 = arith.addi %mul3A_31, %add3A_32 : i32
    "tpu.region"() ({
      %run_scoped3A = tpu.sem_alloc : memref<!tpu.dma_semaphore, #tpu.memory_space<semaphore_mem>>
      %dma_start3A = arith.constant 0 : i32
      %dma_start3A_143 = tpu.memref_slice %arg18[%add3A_33, %dma_start3A] : memref<10240x128xbf16, #tpu.memory_space<vmem_shared>> -> memref<128x128xbf16, #tpu.memory_space<vmem_shared>>
      %dma_start3A_144 = arith.constant 0 : i32
      %dma_start3A_145 = tpu.memref_slice %arg18[%add3A_33, %dma_start3A_144] : memref<10240x128xbf16, #tpu.memory_space<vmem_shared>> -> memref<128x128xbf16, #tpu.memory_space<vmem_shared>>
      tpu.enqueue_dma source(%arg17 : memref<128x128xbf16, #tpu.memory_space<vmem>>) target(%dma_start3A_145 : memref<128x128xbf16, #tpu.memory_space<vmem_shared>>) target_semaphore(%run_scoped3A : memref<!tpu.dma_semaphore, #tpu.memory_space<semaphore_mem>>)
      %dma_wait3A = arith.constant 0 : i32
      %dma_wait3A_146 = tpu.memref_slice %arg18[%add3A_33, %dma_wait3A] : memref<10240x128xbf16, #tpu.memory_space<vmem_shared>> -> memref<128x128xbf16, #tpu.memory_space<vmem_shared>>
      %dma_wait3A_147 = arith.constant 0 : i32
      %dma_wait3A_148 = tpu.memref_slice %arg18[%add3A_33, %dma_wait3A_147] : memref<10240x128xbf16, #tpu.memory_space<vmem_shared>> -> memref<128x128xbf16, #tpu.memory_space<vmem_shared>>
      tpu.wait_dma2 semaphore(%run_scoped3A : memref<!tpu.dma_semaphore, #tpu.memory_space<semaphore_mem>>) src(%arg17 : memref<128x128xbf16, #tpu.memory_space<vmem>>) dst(%dma_wait3A_148 : memref<128x128xbf16, #tpu.memory_space<vmem_shared>>)
      tpu.yield
    }) : () -> ()
    %mul3A_34 = arith.constant 640 : i32
    %mul3A_35 = arith.muli %arg1, %mul3A_34 : i32
    %add3A_36 = arith.constant 128 : i32
    %add3A_37 = arith.addi %mul3A_35, %add3A_36 : i32
    "tpu.region"() ({
      %run_scoped3A = tpu.sem_alloc : memref<!tpu.dma_semaphore, #tpu.memory_space<semaphore_mem>>
      %dma_start3A = arith.constant 0 : i32
      %dma_start3A_143 = tpu.memref_slice %arg18[%add3A_37, %dma_start3A] : memref<10240x128xbf16, #tpu.memory_space<vmem_shared>> -> memref<128x128xbf16, #tpu.memory_space<vmem_shared>>
      %dma_start3A_144 = arith.constant 0 : i32
      %dma_start3A_145 = tpu.memref_slice %arg18[%add3A_37, %dma_start3A_144] : memref<10240x128xbf16, #tpu.memory_space<vmem_shared>> -> memref<128x128xbf16, #tpu.memory_space<vmem_shared>>
      tpu.enqueue_dma source(%arg17 : memref<128x128xbf16, #tpu.memory_space<vmem>>) target(%dma_start3A_145 : memref<128x128xbf16, #tpu.memory_space<vmem_shared>>) target_semaphore(%run_scoped3A : memref<!tpu.dma_semaphore, #tpu.memory_space<semaphore_mem>>)
      %dma_wait3A = arith.constant 0 : i32
      %dma_wait3A_146 = tpu.memref_slice %arg18[%add3A_37, %dma_wait3A] : memref<10240x128xbf16, #tpu.memory_space<vmem_shared>> -> memref<128x128xbf16, #tpu.memory_space<vmem_shared>>
      %dma_wait3A_147 = arith.constant 0 : i32
      %dma_wait3A_148 = tpu.memref_slice %arg18[%add3A_37, %dma_wait3A_147] : memref<10240x128xbf16, #tpu.memory_space<vmem_shared>> -> memref<128x128xbf16, #tpu.memory_space<vmem_shared>>
      tpu.wait_dma2 semaphore(%run_scoped3A : memref<!tpu.dma_semaphore, #tpu.memory_space<semaphore_mem>>) src(%arg17 : memref<128x128xbf16, #tpu.memory_space<vmem>>) dst(%dma_wait3A_148 : memref<128x128xbf16, #tpu.memory_space<vmem_shared>>)
      tpu.yield
    }) : () -> ()
    %mul3A_38 = arith.constant 640 : i32
    %mul3A_39 = arith.muli %arg1, %mul3A_38 : i32
    %add3A_40 = arith.constant 256 : i32
    %add3A_41 = arith.addi %mul3A_39, %add3A_40 : i32
    "tpu.region"() ({
      %run_scoped3A = tpu.sem_alloc : memref<!tpu.dma_semaphore, #tpu.memory_space<semaphore_mem>>
      %dma_start3A = arith.constant 0 : i32
      %dma_start3A_143 = tpu.memref_slice %arg18[%add3A_41, %dma_start3A] : memref<10240x128xbf16, #tpu.memory_space<vmem_shared>> -> memref<128x128xbf16, #tpu.memory_space<vmem_shared>>
      %dma_start3A_144 = arith.constant 0 : i32
      %dma_start3A_145 = tpu.memref_slice %arg18[%add3A_41, %dma_start3A_144] : memref<10240x128xbf16, #tpu.memory_space<vmem_shared>> -> memref<128x128xbf16, #tpu.memory_space<vmem_shared>>
      tpu.enqueue_dma source(%arg17 : memref<128x128xbf16, #tpu.memory_space<vmem>>) target(%dma_start3A_145 : memref<128x128xbf16, #tpu.memory_space<vmem_shared>>) target_semaphore(%run_scoped3A : memref<!tpu.dma_semaphore, #tpu.memory_space<semaphore_mem>>)
      %dma_wait3A = arith.constant 0 : i32
      %dma_wait3A_146 = tpu.memref_slice %arg18[%add3A_41, %dma_wait3A] : memref<10240x128xbf16, #tpu.memory_space<vmem_shared>> -> memref<128x128xbf16, #tpu.memory_space<vmem_shared>>
      %dma_wait3A_147 = arith.constant 0 : i32
      %dma_wait3A_148 = tpu.memref_slice %arg18[%add3A_41, %dma_wait3A_147] : memref<10240x128xbf16, #tpu.memory_space<vmem_shared>> -> memref<128x128xbf16, #tpu.memory_space<vmem_shared>>
      tpu.wait_dma2 semaphore(%run_scoped3A : memref<!tpu.dma_semaphore, #tpu.memory_space<semaphore_mem>>) src(%arg17 : memref<128x128xbf16, #tpu.memory_space<vmem>>) dst(%dma_wait3A_148 : memref<128x128xbf16, #tpu.memory_space<vmem_shared>>)
      tpu.yield
    }) : () -> ()
    %mul3A_42 = arith.constant 640 : i32
    %mul3A_43 = arith.muli %arg1, %mul3A_42 : i32
    %add3A_44 = arith.constant 384 : i32
    %add3A_45 = arith.addi %mul3A_43, %add3A_44 : i32
    "tpu.region"() ({
      %run_scoped3A = tpu.sem_alloc : memref<!tpu.dma_semaphore, #tpu.memory_space<semaphore_mem>>
      %dma_start3A = arith.constant 0 : i32
      %dma_start3A_143 = tpu.memref_slice %arg18[%add3A_45, %dma_start3A] : memref<10240x128xbf16, #tpu.memory_space<vmem_shared>> -> memref<128x128xbf16, #tpu.memory_space<vmem_shared>>
      %dma_start3A_144 = arith.constant 0 : i32
      %dma_start3A_145 = tpu.memref_slice %arg18[%add3A_45, %dma_start3A_144] : memref<10240x128xbf16, #tpu.memory_space<vmem_shared>> -> memref<128x128xbf16, #tpu.memory_space<vmem_shared>>
      tpu.enqueue_dma source(%arg17 : memref<128x128xbf16, #tpu.memory_space<vmem>>) target(%dma_start3A_145 : memref<128x128xbf16, #tpu.memory_space<vmem_shared>>) target_semaphore(%run_scoped3A : memref<!tpu.dma_semaphore, #tpu.memory_space<semaphore_mem>>)
      %dma_wait3A = arith.constant 0 : i32
      %dma_wait3A_146 = tpu.memref_slice %arg18[%add3A_45, %dma_wait3A] : memref<10240x128xbf16, #tpu.memory_space<vmem_shared>> -> memref<128x128xbf16, #tpu.memory_space<vmem_shared>>
      %dma_wait3A_147 = arith.constant 0 : i32
      %dma_wait3A_148 = tpu.memref_slice %arg18[%add3A_45, %dma_wait3A_147] : memref<10240x128xbf16, #tpu.memory_space<vmem_shared>> -> memref<128x128xbf16, #tpu.memory_space<vmem_shared>>
      tpu.wait_dma2 semaphore(%run_scoped3A : memref<!tpu.dma_semaphore, #tpu.memory_space<semaphore_mem>>) src(%arg17 : memref<128x128xbf16, #tpu.memory_space<vmem>>) dst(%dma_wait3A_148 : memref<128x128xbf16, #tpu.memory_space<vmem_shared>>)
      tpu.yield
    }) : () -> ()
    %mul3A_46 = arith.constant 640 : i32
    %mul3A_47 = arith.muli %arg1, %mul3A_46 : i32
    %add3A_48 = arith.constant 512 : i32
    %add3A_49 = arith.addi %mul3A_47, %add3A_48 : i32
    "tpu.region"() ({
      %run_scoped3A = tpu.sem_alloc : memref<!tpu.dma_semaphore, #tpu.memory_space<semaphore_mem>>
      %dma_start3A = arith.constant 0 : i32
      %dma_start3A_143 = tpu.memref_slice %arg18[%add3A_49, %dma_start3A] : memref<10240x128xbf16, #tpu.memory_space<vmem_shared>> -> memref<128x128xbf16, #tpu.memory_space<vmem_shared>>
      %dma_start3A_144 = arith.constant 0 : i32
      %dma_start3A_145 = tpu.memref_slice %arg18[%add3A_49, %dma_start3A_144] : memref<10240x128xbf16, #tpu.memory_space<vmem_shared>> -> memref<128x128xbf16, #tpu.memory_space<vmem_shared>>
      tpu.enqueue_dma source(%arg17 : memref<128x128xbf16, #tpu.memory_space<vmem>>) target(%dma_start3A_145 : memref<128x128xbf16, #tpu.memory_space<vmem_shared>>) target_semaphore(%run_scoped3A : memref<!tpu.dma_semaphore, #tpu.memory_space<semaphore_mem>>)
      %dma_wait3A = arith.constant 0 : i32
      %dma_wait3A_146 = tpu.memref_slice %arg18[%add3A_49, %dma_wait3A] : memref<10240x128xbf16, #tpu.memory_space<vmem_shared>> -> memref<128x128xbf16, #tpu.memory_space<vmem_shared>>
      %dma_wait3A_147 = arith.constant 0 : i32
      %dma_wait3A_148 = tpu.memref_slice %arg18[%add3A_49, %dma_wait3A_147] : memref<10240x128xbf16, #tpu.memory_space<vmem_shared>> -> memref<128x128xbf16, #tpu.memory_space<vmem_shared>>
      tpu.wait_dma2 semaphore(%run_scoped3A : memref<!tpu.dma_semaphore, #tpu.memory_space<semaphore_mem>>) src(%arg17 : memref<128x128xbf16, #tpu.memory_space<vmem>>) dst(%dma_wait3A_148 : memref<128x128xbf16, #tpu.memory_space<vmem_shared>>)
      tpu.yield
    }) : () -> ()
    %barrier3A_50 = arith.constant 0 : index
    tpu.barrier barrier_id(%barrier3A_50)
    %eq3A_51 = arith.constant 0 : i32
    %eq3A_52 = arith.cmpi eq, %arg0, %eq3A_51 : i32
    %convert_element_type3A_53 = arith.extui %eq3A_52 : i1 to i32
    %cond3A_54 = arith.constant 0 : i32
    %cond3A_55 = arith.cmpi ne, %convert_element_type3A_53, %cond3A_54 : i32
    scf.if %cond3A_55 {
      %scan3A_143 = arith.constant 0 : i32
      %scan3A_144 = arith.constant 40 : i32
      %scan3A_145 = arith.constant 40 : i32
      %scan3A_146 = arith.addi %scan3A_144, %scan3A_145 : i32
      %scan3A_147 = arith.constant 1 : i32
      scf.for %scan3A_149 = %scan3A_144 to %scan3A_146 step %scan3A_147  : i32 {
        %mul3A_150 = arith.constant 128 : i32
        %mul3A_151 = arith.muli %scan3A_149, %mul3A_150 : i32
        "tpu.region"() ({
          %run_scoped3A = tpu.sem_alloc : memref<!tpu.dma_semaphore, #tpu.memory_space<semaphore_mem>>
          %dma_start3A = tpu.memref_slice %arg15[%mul3A_151] : memref<20480xi32, #tpu.memory_space<vmem>> -> memref<128xi32, #tpu.memory_space<vmem>>
          %dma_start3A_152 = arith.constant 0 : i32
          %dma_start3A_153 = arith.constant 0 : i32
          %dma_start3A_154 = tpu.memref_slice %arg2[%dma_start3A_152, %dma_start3A_153] : memref<10240x128xbf16, #tpu.memory_space<hbm>> -> memref<10240x128xbf16, #tpu.memory_space<hbm>>
          tpu.enqueue_indirect_dma source(%dma_start3A_154 : memref<10240x128xbf16, #tpu.memory_space<hbm>>) target(%arg17 : memref<128x128xbf16, #tpu.memory_space<vmem>>) offsets(%dma_start3A : memref<128xi32, #tpu.memory_space<vmem>>) semaphore(%run_scoped3A : memref<!tpu.dma_semaphore, #tpu.memory_space<semaphore_mem>>)
          %dma_wait3A = tpu.memref_slice %arg15[%mul3A_151] : memref<20480xi32, #tpu.memory_space<vmem>> -> memref<128xi32, #tpu.memory_space<vmem>>
          %dma_wait3A_155 = arith.constant 0 : i32
          %dma_wait3A_156 = arith.constant 0 : i32
          %dma_wait3A_157 = tpu.memref_slice %arg2[%dma_wait3A_155, %dma_wait3A_156] : memref<10240x128xbf16, #tpu.memory_space<hbm>> -> memref<10240x128xbf16, #tpu.memory_space<hbm>>
          tpu.wait_indirect_dma semaphore(%run_scoped3A : memref<!tpu.dma_semaphore, #tpu.memory_space<semaphore_mem>>) src(%dma_wait3A_157 : memref<10240x128xbf16, #tpu.memory_space<hbm>>) dst(%arg17 : memref<128x128xbf16, #tpu.memory_space<vmem>>)
          tpu.yield
        }) : () -> ()
        "tpu.region"() ({
          %run_scoped3A = tpu.sem_alloc : memref<!tpu.dma_semaphore, #tpu.memory_space<semaphore_mem>>
          %dma_start3A = arith.constant 0 : i32
          %dma_start3A_152 = tpu.memref_slice %arg16[%scan3A_149, %dma_start3A] : memref<160x128xi32, #tpu.memory_space<vmem>> -> memref<1x128xi32, #tpu.memory_space<vmem>>
          %dma_start3A_153 = tpu.memref_squeeze %dma_start3A_152 : memref<1x128xi32, #tpu.memory_space<vmem>> -> memref<128xi32, #tpu.memory_space<vmem>>
          %dma_start3A_154 = arith.constant 0 : i32
          %dma_start3A_155 = arith.constant 0 : i32
          %dma_start3A_156 = tpu.memref_slice %arg18[%dma_start3A_154, %dma_start3A_155] : memref<10240x128xbf16, #tpu.memory_space<vmem_shared>> -> memref<10240x128xbf16, #tpu.memory_space<vmem_shared>>
          tpu.enqueue_indirect_dma source(%arg17 : memref<128x128xbf16, #tpu.memory_space<vmem>>) target(%dma_start3A_156 : memref<10240x128xbf16, #tpu.memory_space<vmem_shared>>) offsets(%dma_start3A_153 : memref<128xi32, #tpu.memory_space<vmem>>) semaphore(%run_scoped3A : memref<!tpu.dma_semaphore, #tpu.memory_space<semaphore_mem>>) {add = true}
          %dma_wait3A = arith.constant 0 : i32
          %dma_wait3A_157 = tpu.memref_slice %arg16[%scan3A_149, %dma_wait3A] : memref<160x128xi32, #tpu.memory_space<vmem>> -> memref<1x128xi32, #tpu.memory_space<vmem>>
          %dma_wait3A_158 = tpu.memref_squeeze %dma_wait3A_157 : memref<1x128xi32, #tpu.memory_space<vmem>> -> memref<128xi32, #tpu.memory_space<vmem>>
          %dma_wait3A_159 = arith.constant 0 : i32
          %dma_wait3A_160 = arith.constant 0 : i32
          %dma_wait3A_161 = tpu.memref_slice %arg18[%dma_wait3A_159, %dma_wait3A_160] : memref<10240x128xbf16, #tpu.memory_space<vmem_shared>> -> memref<10240x128xbf16, #tpu.memory_space<vmem_shared>>
          tpu.wait_indirect_dma semaphore(%run_scoped3A : memref<!tpu.dma_semaphore, #tpu.memory_space<semaphore_mem>>) src(%arg17 : memref<128x128xbf16, #tpu.memory_space<vmem>>) dst(%dma_wait3A_161 : memref<10240x128xbf16, #tpu.memory_space<vmem_shared>>)
          tpu.yield
        }) : () -> ()
      }
      %scan3A_148 = arith.constant 40 : i32
    } else {
    }
    %eq3A_56 = arith.constant 1 : i32
    %eq3A_57 = arith.cmpi eq, %arg0, %eq3A_56 : i32
    %convert_element_type3A_58 = arith.extui %eq3A_57 : i1 to i32
    %cond3A_59 = arith.constant 0 : i32
    %cond3A_60 = arith.cmpi ne, %convert_element_type3A_58, %cond3A_59 : i32
    scf.if %cond3A_60 {
      %scan3A_143 = arith.constant 0 : i32
      %scan3A_144 = arith.constant 40 : i32
      %scan3A_145 = arith.constant 40 : i32
      %scan3A_146 = arith.addi %scan3A_144, %scan3A_145 : i32
      %scan3A_147 = arith.constant 1 : i32
      scf.for %scan3A_149 = %scan3A_144 to %scan3A_146 step %scan3A_147  : i32 {
        %mul3A_150 = arith.constant 128 : i32
        %mul3A_151 = arith.muli %scan3A_149, %mul3A_150 : i32
        "tpu.region"() ({
          %run_scoped3A = tpu.sem_alloc : memref<!tpu.dma_semaphore, #tpu.memory_space<semaphore_mem>>
          %dma_start3A = tpu.memref_slice %arg15[%mul3A_151] : memref<20480xi32, #tpu.memory_space<vmem>> -> memref<128xi32, #tpu.memory_space<vmem>>
          %dma_start3A_152 = arith.constant 0 : i32
          %dma_start3A_153 = arith.constant 0 : i32
          %dma_start3A_154 = tpu.memref_slice %arg3[%dma_start3A_152, %dma_start3A_153] : memref<10240x128xbf16, #tpu.memory_space<hbm>> -> memref<10240x128xbf16, #tpu.memory_space<hbm>>
          tpu.enqueue_indirect_dma source(%dma_start3A_154 : memref<10240x128xbf16, #tpu.memory_space<hbm>>) target(%arg17 : memref<128x128xbf16, #tpu.memory_space<vmem>>) offsets(%dma_start3A : memref<128xi32, #tpu.memory_space<vmem>>) semaphore(%run_scoped3A : memref<!tpu.dma_semaphore, #tpu.memory_space<semaphore_mem>>)
          %dma_wait3A = tpu.memref_slice %arg15[%mul3A_151] : memref<20480xi32, #tpu.memory_space<vmem>> -> memref<128xi32, #tpu.memory_space<vmem>>
          %dma_wait3A_155 = arith.constant 0 : i32
          %dma_wait3A_156 = arith.constant 0 : i32
          %dma_wait3A_157 = tpu.memref_slice %arg3[%dma_wait3A_155, %dma_wait3A_156] : memref<10240x128xbf16, #tpu.memory_space<hbm>> -> memref<10240x128xbf16, #tpu.memory_space<hbm>>
          tpu.wait_indirect_dma semaphore(%run_scoped3A : memref<!tpu.dma_semaphore, #tpu.memory_space<semaphore_mem>>) src(%dma_wait3A_157 : memref<10240x128xbf16, #tpu.memory_space<hbm>>) dst(%arg17 : memref<128x128xbf16, #tpu.memory_space<vmem>>)
          tpu.yield
        }) : () -> ()
        "tpu.region"() ({
          %run_scoped3A = tpu.sem_alloc : memref<!tpu.dma_semaphore, #tpu.memory_space<semaphore_mem>>
          %dma_start3A = arith.constant 0 : i32
          %dma_start3A_152 = tpu.memref_slice %arg16[%scan3A_149, %dma_start3A] : memref<160x128xi32, #tpu.memory_space<vmem>> -> memref<1x128xi32, #tpu.memory_space<vmem>>
          %dma_start3A_153 = tpu.memref_squeeze %dma_start3A_152 : memref<1x128xi32, #tpu.memory_space<vmem>> -> memref<128xi32, #tpu.memory_space<vmem>>
          %dma_start3A_154 = arith.constant 0 : i32
          %dma_start3A_155 = arith.constant 0 : i32
          %dma_start3A_156 = tpu.memref_slice %arg18[%dma_start3A_154, %dma_start3A_155] : memref<10240x128xbf16, #tpu.memory_space<vmem_shared>> -> memref<10240x128xbf16, #tpu.memory_space<vmem_shared>>
          tpu.enqueue_indirect_dma source(%arg17 : memref<128x128xbf16, #tpu.memory_space<vmem>>) target(%dma_start3A_156 : memref<10240x128xbf16, #tpu.memory_space<vmem_shared>>) offsets(%dma_start3A_153 : memref<128xi32, #tpu.memory_space<vmem>>) semaphore(%run_scoped3A : memref<!tpu.dma_semaphore, #tpu.memory_space<semaphore_mem>>) {add = true}
          %dma_wait3A = arith.constant 0 : i32
          %dma_wait3A_157 = tpu.memref_slice %arg16[%scan3A_149, %dma_wait3A] : memref<160x128xi32, #tpu.memory_space<vmem>> -> memref<1x128xi32, #tpu.memory_space<vmem>>
          %dma_wait3A_158 = tpu.memref_squeeze %dma_wait3A_157 : memref<1x128xi32, #tpu.memory_space<vmem>> -> memref<128xi32, #tpu.memory_space<vmem>>
          %dma_wait3A_159 = arith.constant 0 : i32
          %dma_wait3A_160 = arith.constant 0 : i32
          %dma_wait3A_161 = tpu.memref_slice %arg18[%dma_wait3A_159, %dma_wait3A_160] : memref<10240x128xbf16, #tpu.memory_space<vmem_shared>> -> memref<10240x128xbf16, #tpu.memory_space<vmem_shared>>
          tpu.wait_indirect_dma semaphore(%run_scoped3A : memref<!tpu.dma_semaphore, #tpu.memory_space<semaphore_mem>>) src(%arg17 : memref<128x128xbf16, #tpu.memory_space<vmem>>) dst(%dma_wait3A_161 : memref<10240x128xbf16, #tpu.memory_space<vmem_shared>>)
          tpu.yield
        }) : () -> ()
      }
      %scan3A_148 = arith.constant 40 : i32
    } else {
    }
    %barrier3A_61 = arith.constant 0 : index
    tpu.barrier barrier_id(%barrier3A_61)
    %mul3A_62 = arith.constant 640 : i32
    %mul3A_63 = arith.muli %arg1, %mul3A_62 : i32
    %mul3A_64 = arith.constant 640 : i32
    %mul3A_65 = arith.muli %arg1, %mul3A_64 : i32
    "tpu.region"() ({
      %run_scoped3A = tpu.sem_alloc : memref<!tpu.dma_semaphore, #tpu.memory_space<semaphore_mem>>
      %dma_start3A = arith.constant 0 : i32
      %dma_start3A_143 = tpu.memref_slice %arg11[%arg0, %mul3A_65, %dma_start3A] : memref<2x10240x128xbf16, #tpu.memory_space<hbm>> -> memref<1x640x128xbf16, #tpu.memory_space<hbm>>
      %dma_start3A_144 = tpu.memref_squeeze %dma_start3A_143 : memref<1x640x128xbf16, #tpu.memory_space<hbm>> -> memref<640x128xbf16, #tpu.memory_space<hbm>>
      %dma_start3A_145 = arith.constant 0 : i32
      %dma_start3A_146 = tpu.memref_slice %arg18[%mul3A_63, %dma_start3A_145] : memref<10240x128xbf16, #tpu.memory_space<vmem_shared>> -> memref<640x128xbf16, #tpu.memory_space<vmem_shared>>
      tpu.enqueue_dma source(%dma_start3A_146 : memref<640x128xbf16, #tpu.memory_space<vmem_shared>>) target(%dma_start3A_144 : memref<640x128xbf16, #tpu.memory_space<hbm>>) target_semaphore(%run_scoped3A : memref<!tpu.dma_semaphore, #tpu.memory_space<semaphore_mem>>)
      %dma_wait3A = arith.constant 0 : i32
      %dma_wait3A_147 = tpu.memref_slice %arg11[%arg0, %mul3A_65, %dma_wait3A] : memref<2x10240x128xbf16, #tpu.memory_space<hbm>> -> memref<1x640x128xbf16, #tpu.memory_space<hbm>>
      %dma_wait3A_148 = tpu.memref_squeeze %dma_wait3A_147 : memref<1x640x128xbf16, #tpu.memory_space<hbm>> -> memref<640x128xbf16, #tpu.memory_space<hbm>>
      %dma_wait3A_149 = arith.constant 0 : i32
      %dma_wait3A_150 = tpu.memref_slice %arg18[%mul3A_63, %dma_wait3A_149] : memref<10240x128xbf16, #tpu.memory_space<vmem_shared>> -> memref<640x128xbf16, #tpu.memory_space<vmem_shared>>
      tpu.wait_dma2 semaphore(%run_scoped3A : memref<!tpu.dma_semaphore, #tpu.memory_space<semaphore_mem>>) src(%dma_wait3A_150 : memref<640x128xbf16, #tpu.memory_space<vmem_shared>>) dst(%dma_wait3A_148 : memref<640x128xbf16, #tpu.memory_space<hbm>>)
      tpu.yield
    }) : () -> ()
    "tpu.region"() ({
      %run_scoped3A = tpu.sem_alloc : memref<!tpu.dma_semaphore, #tpu.memory_space<semaphore_mem>>
      tpu.enqueue_dma source(%arg8 : memref<128x128xbf16, #tpu.memory_space<hbm>>) target(%arg17 : memref<128x128xbf16, #tpu.memory_space<vmem>>) target_semaphore(%run_scoped3A : memref<!tpu.dma_semaphore, #tpu.memory_space<semaphore_mem>>)
      tpu.wait_dma2 semaphore(%run_scoped3A : memref<!tpu.dma_semaphore, #tpu.memory_space<semaphore_mem>>) src(%arg8 : memref<128x128xbf16, #tpu.memory_space<hbm>>) dst(%arg17 : memref<128x128xbf16, #tpu.memory_space<vmem>>)
      tpu.yield
    }) : () -> ()
    %mul3A_66 = arith.constant 640 : i32
    %mul3A_67 = arith.muli %arg1, %mul3A_66 : i32
    %add3A_68 = arith.constant 0 : i32
    %add3A_69 = arith.addi %mul3A_67, %add3A_68 : i32
    "tpu.region"() ({
      %run_scoped3A = tpu.sem_alloc : memref<!tpu.dma_semaphore, #tpu.memory_space<semaphore_mem>>
      %dma_start3A = arith.constant 0 : i32
      %dma_start3A_143 = tpu.memref_slice %arg18[%add3A_69, %dma_start3A] : memref<10240x128xbf16, #tpu.memory_space<vmem_shared>> -> memref<128x128xbf16, #tpu.memory_space<vmem_shared>>
      %dma_start3A_144 = arith.constant 0 : i32
      %dma_start3A_145 = tpu.memref_slice %arg18[%add3A_69, %dma_start3A_144] : memref<10240x128xbf16, #tpu.memory_space<vmem_shared>> -> memref<128x128xbf16, #tpu.memory_space<vmem_shared>>
      tpu.enqueue_dma source(%arg17 : memref<128x128xbf16, #tpu.memory_space<vmem>>) target(%dma_start3A_145 : memref<128x128xbf16, #tpu.memory_space<vmem_shared>>) target_semaphore(%run_scoped3A : memref<!tpu.dma_semaphore, #tpu.memory_space<semaphore_mem>>)
      %dma_wait3A = arith.constant 0 : i32
      %dma_wait3A_146 = tpu.memref_slice %arg18[%add3A_69, %dma_wait3A] : memref<10240x128xbf16, #tpu.memory_space<vmem_shared>> -> memref<128x128xbf16, #tpu.memory_space<vmem_shared>>
      %dma_wait3A_147 = arith.constant 0 : i32
      %dma_wait3A_148 = tpu.memref_slice %arg18[%add3A_69, %dma_wait3A_147] : memref<10240x128xbf16, #tpu.memory_space<vmem_shared>> -> memref<128x128xbf16, #tpu.memory_space<vmem_shared>>
      tpu.wait_dma2 semaphore(%run_scoped3A : memref<!tpu.dma_semaphore, #tpu.memory_space<semaphore_mem>>) src(%arg17 : memref<128x128xbf16, #tpu.memory_space<vmem>>) dst(%dma_wait3A_148 : memref<128x128xbf16, #tpu.memory_space<vmem_shared>>)
      tpu.yield
    }) : () -> ()
    %mul3A_70 = arith.constant 640 : i32
    %mul3A_71 = arith.muli %arg1, %mul3A_70 : i32
    %add3A_72 = arith.constant 128 : i32
    %add3A_73 = arith.addi %mul3A_71, %add3A_72 : i32
    "tpu.region"() ({
      %run_scoped3A = tpu.sem_alloc : memref<!tpu.dma_semaphore, #tpu.memory_space<semaphore_mem>>
      %dma_start3A = arith.constant 0 : i32
      %dma_start3A_143 = tpu.memref_slice %arg18[%add3A_73, %dma_start3A] : memref<10240x128xbf16, #tpu.memory_space<vmem_shared>> -> memref<128x128xbf16, #tpu.memory_space<vmem_shared>>
      %dma_start3A_144 = arith.constant 0 : i32
      %dma_start3A_145 = tpu.memref_slice %arg18[%add3A_73, %dma_start3A_144] : memref<10240x128xbf16, #tpu.memory_space<vmem_shared>> -> memref<128x128xbf16, #tpu.memory_space<vmem_shared>>
      tpu.enqueue_dma source(%arg17 : memref<128x128xbf16, #tpu.memory_space<vmem>>) target(%dma_start3A_145 : memref<128x128xbf16, #tpu.memory_space<vmem_shared>>) target_semaphore(%run_scoped3A : memref<!tpu.dma_semaphore, #tpu.memory_space<semaphore_mem>>)
      %dma_wait3A = arith.constant 0 : i32
      %dma_wait3A_146 = tpu.memref_slice %arg18[%add3A_73, %dma_wait3A] : memref<10240x128xbf16, #tpu.memory_space<vmem_shared>> -> memref<128x128xbf16, #tpu.memory_space<vmem_shared>>
      %dma_wait3A_147 = arith.constant 0 : i32
      %dma_wait3A_148 = tpu.memref_slice %arg18[%add3A_73, %dma_wait3A_147] : memref<10240x128xbf16, #tpu.memory_space<vmem_shared>> -> memref<128x128xbf16, #tpu.memory_space<vmem_shared>>
      tpu.wait_dma2 semaphore(%run_scoped3A : memref<!tpu.dma_semaphore, #tpu.memory_space<semaphore_mem>>) src(%arg17 : memref<128x128xbf16, #tpu.memory_space<vmem>>) dst(%dma_wait3A_148 : memref<128x128xbf16, #tpu.memory_space<vmem_shared>>)
      tpu.yield
    }) : () -> ()
    %mul3A_74 = arith.constant 640 : i32
    %mul3A_75 = arith.muli %arg1, %mul3A_74 : i32
    %add3A_76 = arith.constant 256 : i32
    %add3A_77 = arith.addi %mul3A_75, %add3A_76 : i32
    "tpu.region"() ({
      %run_scoped3A = tpu.sem_alloc : memref<!tpu.dma_semaphore, #tpu.memory_space<semaphore_mem>>
      %dma_start3A = arith.constant 0 : i32
      %dma_start3A_143 = tpu.memref_slice %arg18[%add3A_77, %dma_start3A] : memref<10240x128xbf16, #tpu.memory_space<vmem_shared>> -> memref<128x128xbf16, #tpu.memory_space<vmem_shared>>
      %dma_start3A_144 = arith.constant 0 : i32
      %dma_start3A_145 = tpu.memref_slice %arg18[%add3A_77, %dma_start3A_144] : memref<10240x128xbf16, #tpu.memory_space<vmem_shared>> -> memref<128x128xbf16, #tpu.memory_space<vmem_shared>>
      tpu.enqueue_dma source(%arg17 : memref<128x128xbf16, #tpu.memory_space<vmem>>) target(%dma_start3A_145 : memref<128x128xbf16, #tpu.memory_space<vmem_shared>>) target_semaphore(%run_scoped3A : memref<!tpu.dma_semaphore, #tpu.memory_space<semaphore_mem>>)
      %dma_wait3A = arith.constant 0 : i32
      %dma_wait3A_146 = tpu.memref_slice %arg18[%add3A_77, %dma_wait3A] : memref<10240x128xbf16, #tpu.memory_space<vmem_shared>> -> memref<128x128xbf16, #tpu.memory_space<vmem_shared>>
      %dma_wait3A_147 = arith.constant 0 : i32
      %dma_wait3A_148 = tpu.memref_slice %arg18[%add3A_77, %dma_wait3A_147] : memref<10240x128xbf16, #tpu.memory_space<vmem_shared>> -> memref<128x128xbf16, #tpu.memory_space<vmem_shared>>
      tpu.wait_dma2 semaphore(%run_scoped3A : memref<!tpu.dma_semaphore, #tpu.memory_space<semaphore_mem>>) src(%arg17 : memref<128x128xbf16, #tpu.memory_space<vmem>>) dst(%dma_wait3A_148 : memref<128x128xbf16, #tpu.memory_space<vmem_shared>>)
      tpu.yield
    }) : () -> ()
    %mul3A_78 = arith.constant 640 : i32
    %mul3A_79 = arith.muli %arg1, %mul3A_78 : i32
    %add3A_80 = arith.constant 384 : i32
    %add3A_81 = arith.addi %mul3A_79, %add3A_80 : i32
    "tpu.region"() ({
      %run_scoped3A = tpu.sem_alloc : memref<!tpu.dma_semaphore, #tpu.memory_space<semaphore_mem>>
      %dma_start3A = arith.constant 0 : i32
      %dma_start3A_143 = tpu.memref_slice %arg18[%add3A_81, %dma_start3A] : memref<10240x128xbf16, #tpu.memory_space<vmem_shared>> -> memref<128x128xbf16, #tpu.memory_space<vmem_shared>>
      %dma_start3A_144 = arith.constant 0 : i32
      %dma_start3A_145 = tpu.memref_slice %arg18[%add3A_81, %dma_start3A_144] : memref<10240x128xbf16, #tpu.memory_space<vmem_shared>> -> memref<128x128xbf16, #tpu.memory_space<vmem_shared>>
      tpu.enqueue_dma source(%arg17 : memref<128x128xbf16, #tpu.memory_space<vmem>>) target(%dma_start3A_145 : memref<128x128xbf16, #tpu.memory_space<vmem_shared>>) target_semaphore(%run_scoped3A : memref<!tpu.dma_semaphore, #tpu.memory_space<semaphore_mem>>)
      %dma_wait3A = arith.constant 0 : i32
      %dma_wait3A_146 = tpu.memref_slice %arg18[%add3A_81, %dma_wait3A] : memref<10240x128xbf16, #tpu.memory_space<vmem_shared>> -> memref<128x128xbf16, #tpu.memory_space<vmem_shared>>
      %dma_wait3A_147 = arith.constant 0 : i32
      %dma_wait3A_148 = tpu.memref_slice %arg18[%add3A_81, %dma_wait3A_147] : memref<10240x128xbf16, #tpu.memory_space<vmem_shared>> -> memref<128x128xbf16, #tpu.memory_space<vmem_shared>>
      tpu.wait_dma2 semaphore(%run_scoped3A : memref<!tpu.dma_semaphore, #tpu.memory_space<semaphore_mem>>) src(%arg17 : memref<128x128xbf16, #tpu.memory_space<vmem>>) dst(%dma_wait3A_148 : memref<128x128xbf16, #tpu.memory_space<vmem_shared>>)
      tpu.yield
    }) : () -> ()
    %mul3A_82 = arith.constant 640 : i32
    %mul3A_83 = arith.muli %arg1, %mul3A_82 : i32
    %add3A_84 = arith.constant 512 : i32
    %add3A_85 = arith.addi %mul3A_83, %add3A_84 : i32
    "tpu.region"() ({
      %run_scoped3A = tpu.sem_alloc : memref<!tpu.dma_semaphore, #tpu.memory_space<semaphore_mem>>
      %dma_start3A = arith.constant 0 : i32
      %dma_start3A_143 = tpu.memref_slice %arg18[%add3A_85, %dma_start3A] : memref<10240x128xbf16, #tpu.memory_space<vmem_shared>> -> memref<128x128xbf16, #tpu.memory_space<vmem_shared>>
      %dma_start3A_144 = arith.constant 0 : i32
      %dma_start3A_145 = tpu.memref_slice %arg18[%add3A_85, %dma_start3A_144] : memref<10240x128xbf16, #tpu.memory_space<vmem_shared>> -> memref<128x128xbf16, #tpu.memory_space<vmem_shared>>
      tpu.enqueue_dma source(%arg17 : memref<128x128xbf16, #tpu.memory_space<vmem>>) target(%dma_start3A_145 : memref<128x128xbf16, #tpu.memory_space<vmem_shared>>) target_semaphore(%run_scoped3A : memref<!tpu.dma_semaphore, #tpu.memory_space<semaphore_mem>>)
      %dma_wait3A = arith.constant 0 : i32
      %dma_wait3A_146 = tpu.memref_slice %arg18[%add3A_85, %dma_wait3A] : memref<10240x128xbf16, #tpu.memory_space<vmem_shared>> -> memref<128x128xbf16, #tpu.memory_space<vmem_shared>>
      %dma_wait3A_147 = arith.constant 0 : i32
      %dma_wait3A_148 = tpu.memref_slice %arg18[%add3A_85, %dma_wait3A_147] : memref<10240x128xbf16, #tpu.memory_space<vmem_shared>> -> memref<128x128xbf16, #tpu.memory_space<vmem_shared>>
      tpu.wait_dma2 semaphore(%run_scoped3A : memref<!tpu.dma_semaphore, #tpu.memory_space<semaphore_mem>>) src(%arg17 : memref<128x128xbf16, #tpu.memory_space<vmem>>) dst(%dma_wait3A_148 : memref<128x128xbf16, #tpu.memory_space<vmem_shared>>)
      tpu.yield
    }) : () -> ()
    %barrier3A_86 = arith.constant 0 : index
    tpu.barrier barrier_id(%barrier3A_86)
    %eq3A_87 = arith.constant 0 : i32
    %eq3A_88 = arith.cmpi eq, %arg0, %eq3A_87 : i32
    %convert_element_type3A_89 = arith.extui %eq3A_88 : i1 to i32
    %cond3A_90 = arith.constant 0 : i32
    %cond3A_91 = arith.cmpi ne, %convert_element_type3A_89, %cond3A_90 : i32
    scf.if %cond3A_91 {
      %scan3A_143 = arith.constant 0 : i32
      %scan3A_144 = arith.constant 80 : i32
      %scan3A_145 = arith.constant 40 : i32
      %scan3A_146 = arith.addi %scan3A_144, %scan3A_145 : i32
      %scan3A_147 = arith.constant 1 : i32
      scf.for %scan3A_149 = %scan3A_144 to %scan3A_146 step %scan3A_147  : i32 {
        %mul3A_150 = arith.constant 128 : i32
        %mul3A_151 = arith.muli %scan3A_149, %mul3A_150 : i32
        "tpu.region"() ({
          %run_scoped3A = tpu.sem_alloc : memref<!tpu.dma_semaphore, #tpu.memory_space<semaphore_mem>>
          %dma_start3A = tpu.memref_slice %arg15[%mul3A_151] : memref<20480xi32, #tpu.memory_space<vmem>> -> memref<128xi32, #tpu.memory_space<vmem>>
          %dma_start3A_152 = arith.constant 0 : i32
          %dma_start3A_153 = arith.constant 0 : i32
          %dma_start3A_154 = tpu.memref_slice %arg2[%dma_start3A_152, %dma_start3A_153] : memref<10240x128xbf16, #tpu.memory_space<hbm>> -> memref<10240x128xbf16, #tpu.memory_space<hbm>>
          tpu.enqueue_indirect_dma source(%dma_start3A_154 : memref<10240x128xbf16, #tpu.memory_space<hbm>>) target(%arg17 : memref<128x128xbf16, #tpu.memory_space<vmem>>) offsets(%dma_start3A : memref<128xi32, #tpu.memory_space<vmem>>) semaphore(%run_scoped3A : memref<!tpu.dma_semaphore, #tpu.memory_space<semaphore_mem>>)
          %dma_wait3A = tpu.memref_slice %arg15[%mul3A_151] : memref<20480xi32, #tpu.memory_space<vmem>> -> memref<128xi32, #tpu.memory_space<vmem>>
          %dma_wait3A_155 = arith.constant 0 : i32
          %dma_wait3A_156 = arith.constant 0 : i32
          %dma_wait3A_157 = tpu.memref_slice %arg2[%dma_wait3A_155, %dma_wait3A_156] : memref<10240x128xbf16, #tpu.memory_space<hbm>> -> memref<10240x128xbf16, #tpu.memory_space<hbm>>
          tpu.wait_indirect_dma semaphore(%run_scoped3A : memref<!tpu.dma_semaphore, #tpu.memory_space<semaphore_mem>>) src(%dma_wait3A_157 : memref<10240x128xbf16, #tpu.memory_space<hbm>>) dst(%arg17 : memref<128x128xbf16, #tpu.memory_space<vmem>>)
          tpu.yield
        }) : () -> ()
        "tpu.region"() ({
          %run_scoped3A = tpu.sem_alloc : memref<!tpu.dma_semaphore, #tpu.memory_space<semaphore_mem>>
          %dma_start3A = arith.constant 0 : i32
          %dma_start3A_152 = tpu.memref_slice %arg16[%scan3A_149, %dma_start3A] : memref<160x128xi32, #tpu.memory_space<vmem>> -> memref<1x128xi32, #tpu.memory_space<vmem>>
          %dma_start3A_153 = tpu.memref_squeeze %dma_start3A_152 : memref<1x128xi32, #tpu.memory_space<vmem>> -> memref<128xi32, #tpu.memory_space<vmem>>
          %dma_start3A_154 = arith.constant 0 : i32
          %dma_start3A_155 = arith.constant 0 : i32
          %dma_start3A_156 = tpu.memref_slice %arg18[%dma_start3A_154, %dma_start3A_155] : memref<10240x128xbf16, #tpu.memory_space<vmem_shared>> -> memref<10240x128xbf16, #tpu.memory_space<vmem_shared>>
          tpu.enqueue_indirect_dma source(%arg17 : memref<128x128xbf16, #tpu.memory_space<vmem>>) target(%dma_start3A_156 : memref<10240x128xbf16, #tpu.memory_space<vmem_shared>>) offsets(%dma_start3A_153 : memref<128xi32, #tpu.memory_space<vmem>>) semaphore(%run_scoped3A : memref<!tpu.dma_semaphore, #tpu.memory_space<semaphore_mem>>) {add = true}
          %dma_wait3A = arith.constant 0 : i32
          %dma_wait3A_157 = tpu.memref_slice %arg16[%scan3A_149, %dma_wait3A] : memref<160x128xi32, #tpu.memory_space<vmem>> -> memref<1x128xi32, #tpu.memory_space<vmem>>
          %dma_wait3A_158 = tpu.memref_squeeze %dma_wait3A_157 : memref<1x128xi32, #tpu.memory_space<vmem>> -> memref<128xi32, #tpu.memory_space<vmem>>
          %dma_wait3A_159 = arith.constant 0 : i32
          %dma_wait3A_160 = arith.constant 0 : i32
          %dma_wait3A_161 = tpu.memref_slice %arg18[%dma_wait3A_159, %dma_wait3A_160] : memref<10240x128xbf16, #tpu.memory_space<vmem_shared>> -> memref<10240x128xbf16, #tpu.memory_space<vmem_shared>>
          tpu.wait_indirect_dma semaphore(%run_scoped3A : memref<!tpu.dma_semaphore, #tpu.memory_space<semaphore_mem>>) src(%arg17 : memref<128x128xbf16, #tpu.memory_space<vmem>>) dst(%dma_wait3A_161 : memref<10240x128xbf16, #tpu.memory_space<vmem_shared>>)
          tpu.yield
        }) : () -> ()
      }
      %scan3A_148 = arith.constant 40 : i32
    } else {
    }
    %eq3A_92 = arith.constant 1 : i32
    %eq3A_93 = arith.cmpi eq, %arg0, %eq3A_92 : i32
    %convert_element_type3A_94 = arith.extui %eq3A_93 : i1 to i32
    %cond3A_95 = arith.constant 0 : i32
    %cond3A_96 = arith.cmpi ne, %convert_element_type3A_94, %cond3A_95 : i32
    scf.if %cond3A_96 {
      %scan3A_143 = arith.constant 0 : i32
      %scan3A_144 = arith.constant 80 : i32
      %scan3A_145 = arith.constant 40 : i32
      %scan3A_146 = arith.addi %scan3A_144, %scan3A_145 : i32
      %scan3A_147 = arith.constant 1 : i32
      scf.for %scan3A_149 = %scan3A_144 to %scan3A_146 step %scan3A_147  : i32 {
        %mul3A_150 = arith.constant 128 : i32
        %mul3A_151 = arith.muli %scan3A_149, %mul3A_150 : i32
        "tpu.region"() ({
          %run_scoped3A = tpu.sem_alloc : memref<!tpu.dma_semaphore, #tpu.memory_space<semaphore_mem>>
          %dma_start3A = tpu.memref_slice %arg15[%mul3A_151] : memref<20480xi32, #tpu.memory_space<vmem>> -> memref<128xi32, #tpu.memory_space<vmem>>
          %dma_start3A_152 = arith.constant 0 : i32
          %dma_start3A_153 = arith.constant 0 : i32
          %dma_start3A_154 = tpu.memref_slice %arg3[%dma_start3A_152, %dma_start3A_153] : memref<10240x128xbf16, #tpu.memory_space<hbm>> -> memref<10240x128xbf16, #tpu.memory_space<hbm>>
          tpu.enqueue_indirect_dma source(%dma_start3A_154 : memref<10240x128xbf16, #tpu.memory_space<hbm>>) target(%arg17 : memref<128x128xbf16, #tpu.memory_space<vmem>>) offsets(%dma_start3A : memref<128xi32, #tpu.memory_space<vmem>>) semaphore(%run_scoped3A : memref<!tpu.dma_semaphore, #tpu.memory_space<semaphore_mem>>)
          %dma_wait3A = tpu.memref_slice %arg15[%mul3A_151] : memref<20480xi32, #tpu.memory_space<vmem>> -> memref<128xi32, #tpu.memory_space<vmem>>
          %dma_wait3A_155 = arith.constant 0 : i32
          %dma_wait3A_156 = arith.constant 0 : i32
          %dma_wait3A_157 = tpu.memref_slice %arg3[%dma_wait3A_155, %dma_wait3A_156] : memref<10240x128xbf16, #tpu.memory_space<hbm>> -> memref<10240x128xbf16, #tpu.memory_space<hbm>>
          tpu.wait_indirect_dma semaphore(%run_scoped3A : memref<!tpu.dma_semaphore, #tpu.memory_space<semaphore_mem>>) src(%dma_wait3A_157 : memref<10240x128xbf16, #tpu.memory_space<hbm>>) dst(%arg17 : memref<128x128xbf16, #tpu.memory_space<vmem>>)
          tpu.yield
        }) : () -> ()
        "tpu.region"() ({
          %run_scoped3A = tpu.sem_alloc : memref<!tpu.dma_semaphore, #tpu.memory_space<semaphore_mem>>
          %dma_start3A = arith.constant 0 : i32
          %dma_start3A_152 = tpu.memref_slice %arg16[%scan3A_149, %dma_start3A] : memref<160x128xi32, #tpu.memory_space<vmem>> -> memref<1x128xi32, #tpu.memory_space<vmem>>
          %dma_start3A_153 = tpu.memref_squeeze %dma_start3A_152 : memref<1x128xi32, #tpu.memory_space<vmem>> -> memref<128xi32, #tpu.memory_space<vmem>>
          %dma_start3A_154 = arith.constant 0 : i32
          %dma_start3A_155 = arith.constant 0 : i32
          %dma_start3A_156 = tpu.memref_slice %arg18[%dma_start3A_154, %dma_start3A_155] : memref<10240x128xbf16, #tpu.memory_space<vmem_shared>> -> memref<10240x128xbf16, #tpu.memory_space<vmem_shared>>
          tpu.enqueue_indirect_dma source(%arg17 : memref<128x128xbf16, #tpu.memory_space<vmem>>) target(%dma_start3A_156 : memref<10240x128xbf16, #tpu.memory_space<vmem_shared>>) offsets(%dma_start3A_153 : memref<128xi32, #tpu.memory_space<vmem>>) semaphore(%run_scoped3A : memref<!tpu.dma_semaphore, #tpu.memory_space<semaphore_mem>>) {add = true}
          %dma_wait3A = arith.constant 0 : i32
          %dma_wait3A_157 = tpu.memref_slice %arg16[%scan3A_149, %dma_wait3A] : memref<160x128xi32, #tpu.memory_space<vmem>> -> memref<1x128xi32, #tpu.memory_space<vmem>>
          %dma_wait3A_158 = tpu.memref_squeeze %dma_wait3A_157 : memref<1x128xi32, #tpu.memory_space<vmem>> -> memref<128xi32, #tpu.memory_space<vmem>>
          %dma_wait3A_159 = arith.constant 0 : i32
          %dma_wait3A_160 = arith.constant 0 : i32
          %dma_wait3A_161 = tpu.memref_slice %arg18[%dma_wait3A_159, %dma_wait3A_160] : memref<10240x128xbf16, #tpu.memory_space<vmem_shared>> -> memref<10240x128xbf16, #tpu.memory_space<vmem_shared>>
          tpu.wait_indirect_dma semaphore(%run_scoped3A : memref<!tpu.dma_semaphore, #tpu.memory_space<semaphore_mem>>) src(%arg17 : memref<128x128xbf16, #tpu.memory_space<vmem>>) dst(%dma_wait3A_161 : memref<10240x128xbf16, #tpu.memory_space<vmem_shared>>)
          tpu.yield
        }) : () -> ()
      }
      %scan3A_148 = arith.constant 40 : i32
    } else {
    }
    %barrier3A_97 = arith.constant 0 : index
    tpu.barrier barrier_id(%barrier3A_97)
    %mul3A_98 = arith.constant 640 : i32
    %mul3A_99 = arith.muli %arg1, %mul3A_98 : i32
    %mul3A_100 = arith.constant 640 : i32
    %mul3A_101 = arith.muli %arg1, %mul3A_100 : i32
    "tpu.region"() ({
      %run_scoped3A = tpu.sem_alloc : memref<!tpu.dma_semaphore, #tpu.memory_space<semaphore_mem>>
      %dma_start3A = arith.constant 0 : i32
      %dma_start3A_143 = tpu.memref_slice %arg12[%arg0, %mul3A_101, %dma_start3A] : memref<2x10240x128xbf16, #tpu.memory_space<hbm>> -> memref<1x640x128xbf16, #tpu.memory_space<hbm>>
      %dma_start3A_144 = tpu.memref_squeeze %dma_start3A_143 : memref<1x640x128xbf16, #tpu.memory_space<hbm>> -> memref<640x128xbf16, #tpu.memory_space<hbm>>
      %dma_start3A_145 = arith.constant 0 : i32
      %dma_start3A_146 = tpu.memref_slice %arg18[%mul3A_99, %dma_start3A_145] : memref<10240x128xbf16, #tpu.memory_space<vmem_shared>> -> memref<640x128xbf16, #tpu.memory_space<vmem_shared>>
      tpu.enqueue_dma source(%dma_start3A_146 : memref<640x128xbf16, #tpu.memory_space<vmem_shared>>) target(%dma_start3A_144 : memref<640x128xbf16, #tpu.memory_space<hbm>>) target_semaphore(%run_scoped3A : memref<!tpu.dma_semaphore, #tpu.memory_space<semaphore_mem>>)
      %dma_wait3A = arith.constant 0 : i32
      %dma_wait3A_147 = tpu.memref_slice %arg12[%arg0, %mul3A_101, %dma_wait3A] : memref<2x10240x128xbf16, #tpu.memory_space<hbm>> -> memref<1x640x128xbf16, #tpu.memory_space<hbm>>
      %dma_wait3A_148 = tpu.memref_squeeze %dma_wait3A_147 : memref<1x640x128xbf16, #tpu.memory_space<hbm>> -> memref<640x128xbf16, #tpu.memory_space<hbm>>
      %dma_wait3A_149 = arith.constant 0 : i32
      %dma_wait3A_150 = tpu.memref_slice %arg18[%mul3A_99, %dma_wait3A_149] : memref<10240x128xbf16, #tpu.memory_space<vmem_shared>> -> memref<640x128xbf16, #tpu.memory_space<vmem_shared>>
      tpu.wait_dma2 semaphore(%run_scoped3A : memref<!tpu.dma_semaphore, #tpu.memory_space<semaphore_mem>>) src(%dma_wait3A_150 : memref<640x128xbf16, #tpu.memory_space<vmem_shared>>) dst(%dma_wait3A_148 : memref<640x128xbf16, #tpu.memory_space<hbm>>)
      tpu.yield
    }) : () -> ()
    "tpu.region"() ({
      %run_scoped3A = tpu.sem_alloc : memref<!tpu.dma_semaphore, #tpu.memory_space<semaphore_mem>>
      tpu.enqueue_dma source(%arg8 : memref<128x128xbf16, #tpu.memory_space<hbm>>) target(%arg17 : memref<128x128xbf16, #tpu.memory_space<vmem>>) target_semaphore(%run_scoped3A : memref<!tpu.dma_semaphore, #tpu.memory_space<semaphore_mem>>)
      tpu.wait_dma2 semaphore(%run_scoped3A : memref<!tpu.dma_semaphore, #tpu.memory_space<semaphore_mem>>) src(%arg8 : memref<128x128xbf16, #tpu.memory_space<hbm>>) dst(%arg17 : memref<128x128xbf16, #tpu.memory_space<vmem>>)
      tpu.yield
    }) : () -> ()
    %mul3A_102 = arith.constant 640 : i32
    %mul3A_103 = arith.muli %arg1, %mul3A_102 : i32
    %add3A_104 = arith.constant 0 : i32
    %add3A_105 = arith.addi %mul3A_103, %add3A_104 : i32
    "tpu.region"() ({
      %run_scoped3A = tpu.sem_alloc : memref<!tpu.dma_semaphore, #tpu.memory_space<semaphore_mem>>
      %dma_start3A = arith.constant 0 : i32
      %dma_start3A_143 = tpu.memref_slice %arg18[%add3A_105, %dma_start3A] : memref<10240x128xbf16, #tpu.memory_space<vmem_shared>> -> memref<128x128xbf16, #tpu.memory_space<vmem_shared>>
      %dma_start3A_144 = arith.constant 0 : i32
      %dma_start3A_145 = tpu.memref_slice %arg18[%add3A_105, %dma_start3A_144] : memref<10240x128xbf16, #tpu.memory_space<vmem_shared>> -> memref<128x128xbf16, #tpu.memory_space<vmem_shared>>
      tpu.enqueue_dma source(%arg17 : memref<128x128xbf16, #tpu.memory_space<vmem>>) target(%dma_start3A_145 : memref<128x128xbf16, #tpu.memory_space<vmem_shared>>) target_semaphore(%run_scoped3A : memref<!tpu.dma_semaphore, #tpu.memory_space<semaphore_mem>>)
      %dma_wait3A = arith.constant 0 : i32
      %dma_wait3A_146 = tpu.memref_slice %arg18[%add3A_105, %dma_wait3A] : memref<10240x128xbf16, #tpu.memory_space<vmem_shared>> -> memref<128x128xbf16, #tpu.memory_space<vmem_shared>>
      %dma_wait3A_147 = arith.constant 0 : i32
      %dma_wait3A_148 = tpu.memref_slice %arg18[%add3A_105, %dma_wait3A_147] : memref<10240x128xbf16, #tpu.memory_space<vmem_shared>> -> memref<128x128xbf16, #tpu.memory_space<vmem_shared>>
      tpu.wait_dma2 semaphore(%run_scoped3A : memref<!tpu.dma_semaphore, #tpu.memory_space<semaphore_mem>>) src(%arg17 : memref<128x128xbf16, #tpu.memory_space<vmem>>) dst(%dma_wait3A_148 : memref<128x128xbf16, #tpu.memory_space<vmem_shared>>)
      tpu.yield
    }) : () -> ()
    %mul3A_106 = arith.constant 640 : i32
    %mul3A_107 = arith.muli %arg1, %mul3A_106 : i32
    %add3A_108 = arith.constant 128 : i32
    %add3A_109 = arith.addi %mul3A_107, %add3A_108 : i32
    "tpu.region"() ({
      %run_scoped3A = tpu.sem_alloc : memref<!tpu.dma_semaphore, #tpu.memory_space<semaphore_mem>>
      %dma_start3A = arith.constant 0 : i32
      %dma_start3A_143 = tpu.memref_slice %arg18[%add3A_109, %dma_start3A] : memref<10240x128xbf16, #tpu.memory_space<vmem_shared>> -> memref<128x128xbf16, #tpu.memory_space<vmem_shared>>
      %dma_start3A_144 = arith.constant 0 : i32
      %dma_start3A_145 = tpu.memref_slice %arg18[%add3A_109, %dma_start3A_144] : memref<10240x128xbf16, #tpu.memory_space<vmem_shared>> -> memref<128x128xbf16, #tpu.memory_space<vmem_shared>>
      tpu.enqueue_dma source(%arg17 : memref<128x128xbf16, #tpu.memory_space<vmem>>) target(%dma_start3A_145 : memref<128x128xbf16, #tpu.memory_space<vmem_shared>>) target_semaphore(%run_scoped3A : memref<!tpu.dma_semaphore, #tpu.memory_space<semaphore_mem>>)
      %dma_wait3A = arith.constant 0 : i32
      %dma_wait3A_146 = tpu.memref_slice %arg18[%add3A_109, %dma_wait3A] : memref<10240x128xbf16, #tpu.memory_space<vmem_shared>> -> memref<128x128xbf16, #tpu.memory_space<vmem_shared>>
      %dma_wait3A_147 = arith.constant 0 : i32
      %dma_wait3A_148 = tpu.memref_slice %arg18[%add3A_109, %dma_wait3A_147] : memref<10240x128xbf16, #tpu.memory_space<vmem_shared>> -> memref<128x128xbf16, #tpu.memory_space<vmem_shared>>
      tpu.wait_dma2 semaphore(%run_scoped3A : memref<!tpu.dma_semaphore, #tpu.memory_space<semaphore_mem>>) src(%arg17 : memref<128x128xbf16, #tpu.memory_space<vmem>>) dst(%dma_wait3A_148 : memref<128x128xbf16, #tpu.memory_space<vmem_shared>>)
      tpu.yield
    }) : () -> ()
    %mul3A_110 = arith.constant 640 : i32
    %mul3A_111 = arith.muli %arg1, %mul3A_110 : i32
    %add3A_112 = arith.constant 256 : i32
    %add3A_113 = arith.addi %mul3A_111, %add3A_112 : i32
    "tpu.region"() ({
      %run_scoped3A = tpu.sem_alloc : memref<!tpu.dma_semaphore, #tpu.memory_space<semaphore_mem>>
      %dma_start3A = arith.constant 0 : i32
      %dma_start3A_143 = tpu.memref_slice %arg18[%add3A_113, %dma_start3A] : memref<10240x128xbf16, #tpu.memory_space<vmem_shared>> -> memref<128x128xbf16, #tpu.memory_space<vmem_shared>>
      %dma_start3A_144 = arith.constant 0 : i32
      %dma_start3A_145 = tpu.memref_slice %arg18[%add3A_113, %dma_start3A_144] : memref<10240x128xbf16, #tpu.memory_space<vmem_shared>> -> memref<128x128xbf16, #tpu.memory_space<vmem_shared>>
      tpu.enqueue_dma source(%arg17 : memref<128x128xbf16, #tpu.memory_space<vmem>>) target(%dma_start3A_145 : memref<128x128xbf16, #tpu.memory_space<vmem_shared>>) target_semaphore(%run_scoped3A : memref<!tpu.dma_semaphore, #tpu.memory_space<semaphore_mem>>)
      %dma_wait3A = arith.constant 0 : i32
      %dma_wait3A_146 = tpu.memref_slice %arg18[%add3A_113, %dma_wait3A] : memref<10240x128xbf16, #tpu.memory_space<vmem_shared>> -> memref<128x128xbf16, #tpu.memory_space<vmem_shared>>
      %dma_wait3A_147 = arith.constant 0 : i32
      %dma_wait3A_148 = tpu.memref_slice %arg18[%add3A_113, %dma_wait3A_147] : memref<10240x128xbf16, #tpu.memory_space<vmem_shared>> -> memref<128x128xbf16, #tpu.memory_space<vmem_shared>>
      tpu.wait_dma2 semaphore(%run_scoped3A : memref<!tpu.dma_semaphore, #tpu.memory_space<semaphore_mem>>) src(%arg17 : memref<128x128xbf16, #tpu.memory_space<vmem>>) dst(%dma_wait3A_148 : memref<128x128xbf16, #tpu.memory_space<vmem_shared>>)
      tpu.yield
    }) : () -> ()
    %mul3A_114 = arith.constant 640 : i32
    %mul3A_115 = arith.muli %arg1, %mul3A_114 : i32
    %add3A_116 = arith.constant 384 : i32
    %add3A_117 = arith.addi %mul3A_115, %add3A_116 : i32
    "tpu.region"() ({
      %run_scoped3A = tpu.sem_alloc : memref<!tpu.dma_semaphore, #tpu.memory_space<semaphore_mem>>
      %dma_start3A = arith.constant 0 : i32
      %dma_start3A_143 = tpu.memref_slice %arg18[%add3A_117, %dma_start3A] : memref<10240x128xbf16, #tpu.memory_space<vmem_shared>> -> memref<128x128xbf16, #tpu.memory_space<vmem_shared>>
      %dma_start3A_144 = arith.constant 0 : i32
      %dma_start3A_145 = tpu.memref_slice %arg18[%add3A_117, %dma_start3A_144] : memref<10240x128xbf16, #tpu.memory_space<vmem_shared>> -> memref<128x128xbf16, #tpu.memory_space<vmem_shared>>
      tpu.enqueue_dma source(%arg17 : memref<128x128xbf16, #tpu.memory_space<vmem>>) target(%dma_start3A_145 : memref<128x128xbf16, #tpu.memory_space<vmem_shared>>) target_semaphore(%run_scoped3A : memref<!tpu.dma_semaphore, #tpu.memory_space<semaphore_mem>>)
      %dma_wait3A = arith.constant 0 : i32
      %dma_wait3A_146 = tpu.memref_slice %arg18[%add3A_117, %dma_wait3A] : memref<10240x128xbf16, #tpu.memory_space<vmem_shared>> -> memref<128x128xbf16, #tpu.memory_space<vmem_shared>>
      %dma_wait3A_147 = arith.constant 0 : i32
      %dma_wait3A_148 = tpu.memref_slice %arg18[%add3A_117, %dma_wait3A_147] : memref<10240x128xbf16, #tpu.memory_space<vmem_shared>> -> memref<128x128xbf16, #tpu.memory_space<vmem_shared>>
      tpu.wait_dma2 semaphore(%run_scoped3A : memref<!tpu.dma_semaphore, #tpu.memory_space<semaphore_mem>>) src(%arg17 : memref<128x128xbf16, #tpu.memory_space<vmem>>) dst(%dma_wait3A_148 : memref<128x128xbf16, #tpu.memory_space<vmem_shared>>)
      tpu.yield
    }) : () -> ()
    %mul3A_118 = arith.constant 640 : i32
    %mul3A_119 = arith.muli %arg1, %mul3A_118 : i32
    %add3A_120 = arith.constant 512 : i32
    %add3A_121 = arith.addi %mul3A_119, %add3A_120 : i32
    "tpu.region"() ({
      %run_scoped3A = tpu.sem_alloc : memref<!tpu.dma_semaphore, #tpu.memory_space<semaphore_mem>>
      %dma_start3A = arith.constant 0 : i32
      %dma_start3A_143 = tpu.memref_slice %arg18[%add3A_121, %dma_start3A] : memref<10240x128xbf16, #tpu.memory_space<vmem_shared>> -> memref<128x128xbf16, #tpu.memory_space<vmem_shared>>
      %dma_start3A_144 = arith.constant 0 : i32
      %dma_start3A_145 = tpu.memref_slice %arg18[%add3A_121, %dma_start3A_144] : memref<10240x128xbf16, #tpu.memory_space<vmem_shared>> -> memref<128x128xbf16, #tpu.memory_space<vmem_shared>>
      tpu.enqueue_dma source(%arg17 : memref<128x128xbf16, #tpu.memory_space<vmem>>) target(%dma_start3A_145 : memref<128x128xbf16, #tpu.memory_space<vmem_shared>>) target_semaphore(%run_scoped3A : memref<!tpu.dma_semaphore, #tpu.memory_space<semaphore_mem>>)
      %dma_wait3A = arith.constant 0 : i32
      %dma_wait3A_146 = tpu.memref_slice %arg18[%add3A_121, %dma_wait3A] : memref<10240x128xbf16, #tpu.memory_space<vmem_shared>> -> memref<128x128xbf16, #tpu.memory_space<vmem_shared>>
      %dma_wait3A_147 = arith.constant 0 : i32
      %dma_wait3A_148 = tpu.memref_slice %arg18[%add3A_121, %dma_wait3A_147] : memref<10240x128xbf16, #tpu.memory_space<vmem_shared>> -> memref<128x128xbf16, #tpu.memory_space<vmem_shared>>
      tpu.wait_dma2 semaphore(%run_scoped3A : memref<!tpu.dma_semaphore, #tpu.memory_space<semaphore_mem>>) src(%arg17 : memref<128x128xbf16, #tpu.memory_space<vmem>>) dst(%dma_wait3A_148 : memref<128x128xbf16, #tpu.memory_space<vmem_shared>>)
      tpu.yield
    }) : () -> ()
    %barrier3A_122 = arith.constant 0 : index
    tpu.barrier barrier_id(%barrier3A_122)
    %eq3A_123 = arith.constant 0 : i32
    %eq3A_124 = arith.cmpi eq, %arg0, %eq3A_123 : i32
    %convert_element_type3A_125 = arith.extui %eq3A_124 : i1 to i32
    %cond3A_126 = arith.constant 0 : i32
    %cond3A_127 = arith.cmpi ne, %convert_element_type3A_125, %cond3A_126 : i32
    scf.if %cond3A_127 {
      %scan3A_143 = arith.constant 0 : i32
      %scan3A_144 = arith.constant 120 : i32
      %scan3A_145 = arith.constant 40 : i32
      %scan3A_146 = arith.addi %scan3A_144, %scan3A_145 : i32
      %scan3A_147 = arith.constant 1 : i32
      scf.for %scan3A_149 = %scan3A_144 to %scan3A_146 step %scan3A_147  : i32 {
        %mul3A_150 = arith.constant 128 : i32
        %mul3A_151 = arith.muli %scan3A_149, %mul3A_150 : i32
        "tpu.region"() ({
          %run_scoped3A = tpu.sem_alloc : memref<!tpu.dma_semaphore, #tpu.memory_space<semaphore_mem>>
          %dma_start3A = tpu.memref_slice %arg15[%mul3A_151] : memref<20480xi32, #tpu.memory_space<vmem>> -> memref<128xi32, #tpu.memory_space<vmem>>
          %dma_start3A_152 = arith.constant 0 : i32
          %dma_start3A_153 = arith.constant 0 : i32
          %dma_start3A_154 = tpu.memref_slice %arg2[%dma_start3A_152, %dma_start3A_153] : memref<10240x128xbf16, #tpu.memory_space<hbm>> -> memref<10240x128xbf16, #tpu.memory_space<hbm>>
          tpu.enqueue_indirect_dma source(%dma_start3A_154 : memref<10240x128xbf16, #tpu.memory_space<hbm>>) target(%arg17 : memref<128x128xbf16, #tpu.memory_space<vmem>>) offsets(%dma_start3A : memref<128xi32, #tpu.memory_space<vmem>>) semaphore(%run_scoped3A : memref<!tpu.dma_semaphore, #tpu.memory_space<semaphore_mem>>)
          %dma_wait3A = tpu.memref_slice %arg15[%mul3A_151] : memref<20480xi32, #tpu.memory_space<vmem>> -> memref<128xi32, #tpu.memory_space<vmem>>
          %dma_wait3A_155 = arith.constant 0 : i32
          %dma_wait3A_156 = arith.constant 0 : i32
          %dma_wait3A_157 = tpu.memref_slice %arg2[%dma_wait3A_155, %dma_wait3A_156] : memref<10240x128xbf16, #tpu.memory_space<hbm>> -> memref<10240x128xbf16, #tpu.memory_space<hbm>>
          tpu.wait_indirect_dma semaphore(%run_scoped3A : memref<!tpu.dma_semaphore, #tpu.memory_space<semaphore_mem>>) src(%dma_wait3A_157 : memref<10240x128xbf16, #tpu.memory_space<hbm>>) dst(%arg17 : memref<128x128xbf16, #tpu.memory_space<vmem>>)
          tpu.yield
        }) : () -> ()
        "tpu.region"() ({
          %run_scoped3A = tpu.sem_alloc : memref<!tpu.dma_semaphore, #tpu.memory_space<semaphore_mem>>
          %dma_start3A = arith.constant 0 : i32
          %dma_start3A_152 = tpu.memref_slice %arg16[%scan3A_149, %dma_start3A] : memref<160x128xi32, #tpu.memory_space<vmem>> -> memref<1x128xi32, #tpu.memory_space<vmem>>
          %dma_start3A_153 = tpu.memref_squeeze %dma_start3A_152 : memref<1x128xi32, #tpu.memory_space<vmem>> -> memref<128xi32, #tpu.memory_space<vmem>>
          %dma_start3A_154 = arith.constant 0 : i32
          %dma_start3A_155 = arith.constant 0 : i32
          %dma_start3A_156 = tpu.memref_slice %arg18[%dma_start3A_154, %dma_start3A_155] : memref<10240x128xbf16, #tpu.memory_space<vmem_shared>> -> memref<10240x128xbf16, #tpu.memory_space<vmem_shared>>
          tpu.enqueue_indirect_dma source(%arg17 : memref<128x128xbf16, #tpu.memory_space<vmem>>) target(%dma_start3A_156 : memref<10240x128xbf16, #tpu.memory_space<vmem_shared>>) offsets(%dma_start3A_153 : memref<128xi32, #tpu.memory_space<vmem>>) semaphore(%run_scoped3A : memref<!tpu.dma_semaphore, #tpu.memory_space<semaphore_mem>>) {add = true}
          %dma_wait3A = arith.constant 0 : i32
          %dma_wait3A_157 = tpu.memref_slice %arg16[%scan3A_149, %dma_wait3A] : memref<160x128xi32, #tpu.memory_space<vmem>> -> memref<1x128xi32, #tpu.memory_space<vmem>>
          %dma_wait3A_158 = tpu.memref_squeeze %dma_wait3A_157 : memref<1x128xi32, #tpu.memory_space<vmem>> -> memref<128xi32, #tpu.memory_space<vmem>>
          %dma_wait3A_159 = arith.constant 0 : i32
          %dma_wait3A_160 = arith.constant 0 : i32
          %dma_wait3A_161 = tpu.memref_slice %arg18[%dma_wait3A_159, %dma_wait3A_160] : memref<10240x128xbf16, #tpu.memory_space<vmem_shared>> -> memref<10240x128xbf16, #tpu.memory_space<vmem_shared>>
          tpu.wait_indirect_dma semaphore(%run_scoped3A : memref<!tpu.dma_semaphore, #tpu.memory_space<semaphore_mem>>) src(%arg17 : memref<128x128xbf16, #tpu.memory_space<vmem>>) dst(%dma_wait3A_161 : memref<10240x128xbf16, #tpu.memory_space<vmem_shared>>)
          tpu.yield
        }) : () -> ()
      }
      %scan3A_148 = arith.constant 40 : i32
    } else {
    }
    %eq3A_128 = arith.constant 1 : i32
    %eq3A_129 = arith.cmpi eq, %arg0, %eq3A_128 : i32
    %convert_element_type3A_130 = arith.extui %eq3A_129 : i1 to i32
    %cond3A_131 = arith.constant 0 : i32
    %cond3A_132 = arith.cmpi ne, %convert_element_type3A_130, %cond3A_131 : i32
    scf.if %cond3A_132 {
      %scan3A_143 = arith.constant 0 : i32
      %scan3A_144 = arith.constant 120 : i32
      %scan3A_145 = arith.constant 40 : i32
      %scan3A_146 = arith.addi %scan3A_144, %scan3A_145 : i32
      %scan3A_147 = arith.constant 1 : i32
      scf.for %scan3A_149 = %scan3A_144 to %scan3A_146 step %scan3A_147  : i32 {
        %mul3A_150 = arith.constant 128 : i32
        %mul3A_151 = arith.muli %scan3A_149, %mul3A_150 : i32
        "tpu.region"() ({
          %run_scoped3A = tpu.sem_alloc : memref<!tpu.dma_semaphore, #tpu.memory_space<semaphore_mem>>
          %dma_start3A = tpu.memref_slice %arg15[%mul3A_151] : memref<20480xi32, #tpu.memory_space<vmem>> -> memref<128xi32, #tpu.memory_space<vmem>>
          %dma_start3A_152 = arith.constant 0 : i32
          %dma_start3A_153 = arith.constant 0 : i32
          %dma_start3A_154 = tpu.memref_slice %arg3[%dma_start3A_152, %dma_start3A_153] : memref<10240x128xbf16, #tpu.memory_space<hbm>> -> memref<10240x128xbf16, #tpu.memory_space<hbm>>
          tpu.enqueue_indirect_dma source(%dma_start3A_154 : memref<10240x128xbf16, #tpu.memory_space<hbm>>) target(%arg17 : memref<128x128xbf16, #tpu.memory_space<vmem>>) offsets(%dma_start3A : memref<128xi32, #tpu.memory_space<vmem>>) semaphore(%run_scoped3A : memref<!tpu.dma_semaphore, #tpu.memory_space<semaphore_mem>>)
          %dma_wait3A = tpu.memref_slice %arg15[%mul3A_151] : memref<20480xi32, #tpu.memory_space<vmem>> -> memref<128xi32, #tpu.memory_space<vmem>>
          %dma_wait3A_155 = arith.constant 0 : i32
          %dma_wait3A_156 = arith.constant 0 : i32
          %dma_wait3A_157 = tpu.memref_slice %arg3[%dma_wait3A_155, %dma_wait3A_156] : memref<10240x128xbf16, #tpu.memory_space<hbm>> -> memref<10240x128xbf16, #tpu.memory_space<hbm>>
          tpu.wait_indirect_dma semaphore(%run_scoped3A : memref<!tpu.dma_semaphore, #tpu.memory_space<semaphore_mem>>) src(%dma_wait3A_157 : memref<10240x128xbf16, #tpu.memory_space<hbm>>) dst(%arg17 : memref<128x128xbf16, #tpu.memory_space<vmem>>)
          tpu.yield
        }) : () -> ()
        "tpu.region"() ({
          %run_scoped3A = tpu.sem_alloc : memref<!tpu.dma_semaphore, #tpu.memory_space<semaphore_mem>>
          %dma_start3A = arith.constant 0 : i32
          %dma_start3A_152 = tpu.memref_slice %arg16[%scan3A_149, %dma_start3A] : memref<160x128xi32, #tpu.memory_space<vmem>> -> memref<1x128xi32, #tpu.memory_space<vmem>>
          %dma_start3A_153 = tpu.memref_squeeze %dma_start3A_152 : memref<1x128xi32, #tpu.memory_space<vmem>> -> memref<128xi32, #tpu.memory_space<vmem>>
          %dma_start3A_154 = arith.constant 0 : i32
          %dma_start3A_155 = arith.constant 0 : i32
          %dma_start3A_156 = tpu.memref_slice %arg18[%dma_start3A_154, %dma_start3A_155] : memref<10240x128xbf16, #tpu.memory_space<vmem_shared>> -> memref<10240x128xbf16, #tpu.memory_space<vmem_shared>>
          tpu.enqueue_indirect_dma source(%arg17 : memref<128x128xbf16, #tpu.memory_space<vmem>>) target(%dma_start3A_156 : memref<10240x128xbf16, #tpu.memory_space<vmem_shared>>) offsets(%dma_start3A_153 : memref<128xi32, #tpu.memory_space<vmem>>) semaphore(%run_scoped3A : memref<!tpu.dma_semaphore, #tpu.memory_space<semaphore_mem>>) {add = true}
          %dma_wait3A = arith.constant 0 : i32
          %dma_wait3A_157 = tpu.memref_slice %arg16[%scan3A_149, %dma_wait3A] : memref<160x128xi32, #tpu.memory_space<vmem>> -> memref<1x128xi32, #tpu.memory_space<vmem>>
          %dma_wait3A_158 = tpu.memref_squeeze %dma_wait3A_157 : memref<1x128xi32, #tpu.memory_space<vmem>> -> memref<128xi32, #tpu.memory_space<vmem>>
          %dma_wait3A_159 = arith.constant 0 : i32
          %dma_wait3A_160 = arith.constant 0 : i32
          %dma_wait3A_161 = tpu.memref_slice %arg18[%dma_wait3A_159, %dma_wait3A_160] : memref<10240x128xbf16, #tpu.memory_space<vmem_shared>> -> memref<10240x128xbf16, #tpu.memory_space<vmem_shared>>
          tpu.wait_indirect_dma semaphore(%run_scoped3A : memref<!tpu.dma_semaphore, #tpu.memory_space<semaphore_mem>>) src(%arg17 : memref<128x128xbf16, #tpu.memory_space<vmem>>) dst(%dma_wait3A_161 : memref<10240x128xbf16, #tpu.memory_space<vmem_shared>>)
          tpu.yield
        }) : () -> ()
      }
      %scan3A_148 = arith.constant 40 : i32
    } else {
    }
    %barrier3A_133 = arith.constant 0 : index
    tpu.barrier barrier_id(%barrier3A_133)
    %mul3A_134 = arith.constant 640 : i32
    %mul3A_135 = arith.muli %arg1, %mul3A_134 : i32
    %mul3A_136 = arith.constant 640 : i32
    %mul3A_137 = arith.muli %arg1, %mul3A_136 : i32
    "tpu.region"() ({
      %run_scoped3A = tpu.sem_alloc : memref<!tpu.dma_semaphore, #tpu.memory_space<semaphore_mem>>
      %dma_start3A = arith.constant 0 : i32
      %dma_start3A_143 = tpu.memref_slice %arg13[%arg0, %mul3A_137, %dma_start3A] : memref<2x10240x128xbf16, #tpu.memory_space<hbm>> -> memref<1x640x128xbf16, #tpu.memory_space<hbm>>
      %dma_start3A_144 = tpu.memref_squeeze %dma_start3A_143 : memref<1x640x128xbf16, #tpu.memory_space<hbm>> -> memref<640x128xbf16, #tpu.memory_space<hbm>>
      %dma_start3A_145 = arith.constant 0 : i32
      %dma_start3A_146 = tpu.memref_slice %arg18[%mul3A_135, %dma_start3A_145] : memref<10240x128xbf16, #tpu.memory_space<vmem_shared>> -> memref<640x128xbf16, #tpu.memory_space<vmem_shared>>
      tpu.enqueue_dma source(%dma_start3A_146 : memref<640x128xbf16, #tpu.memory_space<vmem_shared>>) target(%dma_start3A_144 : memref<640x128xbf16, #tpu.memory_space<hbm>>) target_semaphore(%run_scoped3A : memref<!tpu.dma_semaphore, #tpu.memory_space<semaphore_mem>>)
      %dma_wait3A = arith.constant 0 : i32
      %dma_wait3A_147 = tpu.memref_slice %arg13[%arg0, %mul3A_137, %dma_wait3A] : memref<2x10240x128xbf16, #tpu.memory_space<hbm>> -> memref<1x640x128xbf16, #tpu.memory_space<hbm>>
      %dma_wait3A_148 = tpu.memref_squeeze %dma_wait3A_147 : memref<1x640x128xbf16, #tpu.memory_space<hbm>> -> memref<640x128xbf16, #tpu.memory_space<hbm>>
      %dma_wait3A_149 = arith.constant 0 : i32
      %dma_wait3A_150 = tpu.memref_slice %arg18[%mul3A_135, %dma_wait3A_149] : memref<10240x128xbf16, #tpu.memory_space<vmem_shared>> -> memref<640x128xbf16, #tpu.memory_space<vmem_shared>>
      tpu.wait_dma2 semaphore(%run_scoped3A : memref<!tpu.dma_semaphore, #tpu.memory_space<semaphore_mem>>) src(%dma_wait3A_150 : memref<640x128xbf16, #tpu.memory_space<vmem_shared>>) dst(%dma_wait3A_148 : memref<640x128xbf16, #tpu.memory_space<hbm>>)
      tpu.yield
    }) : () -> ()
    "tpu.region"() ({
      %run_scoped3A = tpu.sem_alloc : memref<!tpu.dma_semaphore, #tpu.memory_space<semaphore_mem>>
      %dma_start3A = arith.constant 0 : i32
      %dma_start3A_143 = tpu.memref_slice %arg7[%arg0, %arg1, %dma_start3A] : memref<2x16x20480xi32, #tpu.memory_space<hbm>> -> memref<1x1x20480xi32, #tpu.memory_space<hbm>>
      %dma_start3A_144 = tpu.memref_squeeze %dma_start3A_143 : memref<1x1x20480xi32, #tpu.memory_space<hbm>> -> memref<20480xi32, #tpu.memory_space<hbm>>
      %dma_start3A_145 = arith.constant 0 : i32
      %dma_start3A_146 = tpu.memref_slice %arg7[%arg0, %arg1, %dma_start3A_145] : memref<2x16x20480xi32, #tpu.memory_space<hbm>> -> memref<1x1x20480xi32, #tpu.memory_space<hbm>>
      %dma_start3A_147 = tpu.memref_squeeze %dma_start3A_146 : memref<1x1x20480xi32, #tpu.memory_space<hbm>> -> memref<20480xi32, #tpu.memory_space<hbm>>
      tpu.enqueue_dma source(%dma_start3A_147 : memref<20480xi32, #tpu.memory_space<hbm>>) target(%arg19 : memref<20480xi32, #tpu.memory_space<vmem>>) target_semaphore(%run_scoped3A : memref<!tpu.dma_semaphore, #tpu.memory_space<semaphore_mem>>)
      %dma_wait3A = arith.constant 0 : i32
      %dma_wait3A_148 = tpu.memref_slice %arg7[%arg0, %arg1, %dma_wait3A] : memref<2x16x20480xi32, #tpu.memory_space<hbm>> -> memref<1x1x20480xi32, #tpu.memory_space<hbm>>
      %dma_wait3A_149 = tpu.memref_squeeze %dma_wait3A_148 : memref<1x1x20480xi32, #tpu.memory_space<hbm>> -> memref<20480xi32, #tpu.memory_space<hbm>>
      %dma_wait3A_150 = arith.constant 0 : i32
      %dma_wait3A_151 = tpu.memref_slice %arg7[%arg0, %arg1, %dma_wait3A_150] : memref<2x16x20480xi32, #tpu.memory_space<hbm>> -> memref<1x1x20480xi32, #tpu.memory_space<hbm>>
      %dma_wait3A_152 = tpu.memref_squeeze %dma_wait3A_151 : memref<1x1x20480xi32, #tpu.memory_space<hbm>> -> memref<20480xi32, #tpu.memory_space<hbm>>
      tpu.wait_dma2 semaphore(%run_scoped3A : memref<!tpu.dma_semaphore, #tpu.memory_space<semaphore_mem>>) src(%dma_wait3A_152 : memref<20480xi32, #tpu.memory_space<hbm>>) dst(%arg19 : memref<20480xi32, #tpu.memory_space<vmem>>)
      tpu.yield
    }) : () -> ()
    "tpu.region"() ({
      %run_scoped3A = tpu.sem_alloc : memref<!tpu.dma_semaphore, #tpu.memory_space<semaphore_mem>>
      %dma_start3A = arith.constant 0 : i32
      %dma_start3A_143 = tpu.memref_slice %arg4[%arg0, %dma_start3A] : memref<2x10240xf32, #tpu.memory_space<hbm>> -> memref<1x10240xf32, #tpu.memory_space<hbm>>
      %dma_start3A_144 = tpu.memref_squeeze %dma_start3A_143 : memref<1x10240xf32, #tpu.memory_space<hbm>> -> memref<10240xf32, #tpu.memory_space<hbm>>
      %dma_start3A_145 = arith.constant 0 : i32
      %dma_start3A_146 = tpu.memref_slice %arg4[%arg0, %dma_start3A_145] : memref<2x10240xf32, #tpu.memory_space<hbm>> -> memref<1x10240xf32, #tpu.memory_space<hbm>>
      %dma_start3A_147 = tpu.memref_squeeze %dma_start3A_146 : memref<1x10240xf32, #tpu.memory_space<hbm>> -> memref<10240xf32, #tpu.memory_space<hbm>>
      tpu.enqueue_dma source(%dma_start3A_147 : memref<10240xf32, #tpu.memory_space<hbm>>) target(%arg20 : memref<10240xf32, #tpu.memory_space<vmem>>) target_semaphore(%run_scoped3A : memref<!tpu.dma_semaphore, #tpu.memory_space<semaphore_mem>>)
      %dma_wait3A = arith.constant 0 : i32
      %dma_wait3A_148 = tpu.memref_slice %arg4[%arg0, %dma_wait3A] : memref<2x10240xf32, #tpu.memory_space<hbm>> -> memref<1x10240xf32, #tpu.memory_space<hbm>>
      %dma_wait3A_149 = tpu.memref_squeeze %dma_wait3A_148 : memref<1x10240xf32, #tpu.memory_space<hbm>> -> memref<10240xf32, #tpu.memory_space<hbm>>
      %dma_wait3A_150 = arith.constant 0 : i32
      %dma_wait3A_151 = tpu.memref_slice %arg4[%arg0, %dma_wait3A_150] : memref<2x10240xf32, #tpu.memory_space<hbm>> -> memref<1x10240xf32, #tpu.memory_space<hbm>>
      %dma_wait3A_152 = tpu.memref_squeeze %dma_wait3A_151 : memref<1x10240xf32, #tpu.memory_space<hbm>> -> memref<10240xf32, #tpu.memory_space<hbm>>
      tpu.wait_dma2 semaphore(%run_scoped3A : memref<!tpu.dma_semaphore, #tpu.memory_space<semaphore_mem>>) src(%dma_wait3A_152 : memref<10240xf32, #tpu.memory_space<hbm>>) dst(%arg20 : memref<10240xf32, #tpu.memory_space<vmem>>)
      tpu.yield
    }) : () -> ()
    "tpu.region"() ({
      %run_scoped3A = tpu.sem_alloc : memref<!tpu.dma_semaphore, #tpu.memory_space<semaphore_mem>>
      tpu.enqueue_dma source(%arg9 : memref<10240xf32, #tpu.memory_space<hbm>>) target(%arg21 : memref<10240xf32, #tpu.memory_space<vmem>>) target_semaphore(%run_scoped3A : memref<!tpu.dma_semaphore, #tpu.memory_space<semaphore_mem>>)
      tpu.wait_dma2 semaphore(%run_scoped3A : memref<!tpu.dma_semaphore, #tpu.memory_space<semaphore_mem>>) src(%arg9 : memref<10240xf32, #tpu.memory_space<hbm>>) dst(%arg21 : memref<10240xf32, #tpu.memory_space<vmem>>)
      tpu.yield
    }) : () -> ()
    %scan3A = arith.constant 0 : i32
    %scan3A_138 = arith.constant 0 : i32
    %scan3A_139 = arith.constant 1280 : i32
    %scan3A_140 = arith.addi %scan3A_138, %scan3A_139 : i32
    %scan3A_141 = arith.constant 4 : i32
    scf.for %scan3A_143 = %scan3A_138 to %scan3A_140 step %scan3A_141  : i32 {
      %mul3A_144 = arith.constant 16 : i32
      %mul3A_145 = arith.muli %scan3A_143, %mul3A_144 : i32
      %get3A = arith.index_cast %mul3A_145 : i32 to index
      %get3A_146 = tpu.vector_load %arg19[%get3A] {strides = array<i32>} : memref<20480xi32, #tpu.memory_space<vmem>>, vector<16xi32>,
      %mul3A_147 = arith.constant 16 : i32
      %mul3A_148 = arith.muli %scan3A_143, %mul3A_147 : i32
      %get3A_149 = arith.index_cast %mul3A_148 : i32 to index
      %get3A_150 = tpu.vector_load %arg15[%get3A_149] {strides = array<i32>} : memref<20480xi32, #tpu.memory_space<vmem>>, vector<16xi32>,
      %gather3A = tpu.vector_load_idx %arg20[%get3A_146] : memref<10240xf32, #tpu.memory_space<vmem>>[vector<16xi32>], vector<16xf32>,
      tpu.vector_store_idx %arg21[%get3A_150], %gather3A {add = true} : memref<10240xf32, #tpu.memory_space<vmem>>[vector<16xi32>], vector<16xf32>,
      %scan3A_151 = arith.constant 1 : i32
      %scan3A_152 = arith.addi %scan3A_143, %scan3A_151 : i32
      %mul3A_153 = arith.constant 16 : i32
      %mul3A_154 = arith.muli %scan3A_152, %mul3A_153 : i32
      %get3A_155 = arith.index_cast %mul3A_154 : i32 to index
      %get3A_156 = tpu.vector_load %arg19[%get3A_155] {strides = array<i32>} : memref<20480xi32, #tpu.memory_space<vmem>>, vector<16xi32>,
      %mul3A_157 = arith.constant 16 : i32
      %mul3A_158 = arith.muli %scan3A_152, %mul3A_157 : i32
      %get3A_159 = arith.index_cast %mul3A_158 : i32 to index
      %get3A_160 = tpu.vector_load %arg15[%get3A_159] {strides = array<i32>} : memref<20480xi32, #tpu.memory_space<vmem>>, vector<16xi32>,
      %gather3A_161 = tpu.vector_load_idx %arg20[%get3A_156] : memref<10240xf32, #tpu.memory_space<vmem>>[vector<16xi32>], vector<16xf32>,
      tpu.vector_store_idx %arg21[%get3A_160], %gather3A_161 {add = true} : memref<10240xf32, #tpu.memory_space<vmem>>[vector<16xi32>], vector<16xf32>,
      %scan3A_162 = arith.constant 2 : i32
      %scan3A_163 = arith.addi %scan3A_143, %scan3A_162 : i32
      %mul3A_164 = arith.constant 16 : i32
      %mul3A_165 = arith.muli %scan3A_163, %mul3A_164 : i32
      %get3A_166 = arith.index_cast %mul3A_165 : i32 to index
      %get3A_167 = tpu.vector_load %arg19[%get3A_166] {strides = array<i32>} : memref<20480xi32, #tpu.memory_space<vmem>>, vector<16xi32>,
      %mul3A_168 = arith.constant 16 : i32
      %mul3A_169 = arith.muli %scan3A_163, %mul3A_168 : i32
      %get3A_170 = arith.index_cast %mul3A_169 : i32 to index
      %get3A_171 = tpu.vector_load %arg15[%get3A_170] {strides = array<i32>} : memref<20480xi32, #tpu.memory_space<vmem>>, vector<16xi32>,
      %gather3A_172 = tpu.vector_load_idx %arg20[%get3A_167] : memref<10240xf32, #tpu.memory_space<vmem>>[vector<16xi32>], vector<16xf32>,
      tpu.vector_store_idx %arg21[%get3A_171], %gather3A_172 {add = true} : memref<10240xf32, #tpu.memory_space<vmem>>[vector<16xi32>], vector<16xf32>,
      %scan3A_173 = arith.constant 3 : i32
      %scan3A_174 = arith.addi %scan3A_143, %scan3A_173 : i32
      %mul3A_175 = arith.constant 16 : i32
      %mul3A_176 = arith.muli %scan3A_174, %mul3A_175 : i32
      %get3A_177 = arith.index_cast %mul3A_176 : i32 to index
      %get3A_178 = tpu.vector_load %arg19[%get3A_177] {strides = array<i32>} : memref<20480xi32, #tpu.memory_space<vmem>>, vector<16xi32>,
      %mul3A_179 = arith.constant 16 : i32
      %mul3A_180 = arith.muli %scan3A_174, %mul3A_179 : i32
      %get3A_181 = arith.index_cast %mul3A_180 : i32 to index
      %get3A_182 = tpu.vector_load %arg15[%get3A_181] {strides = array<i32>} : memref<20480xi32, #tpu.memory_space<vmem>>, vector<16xi32>,
      %gather3A_183 = tpu.vector_load_idx %arg20[%get3A_178] : memref<10240xf32, #tpu.memory_space<vmem>>[vector<16xi32>], vector<16xf32>,
      tpu.vector_store_idx %arg21[%get3A_182], %gather3A_183 {add = true} : memref<10240xf32, #tpu.memory_space<vmem>>[vector<16xi32>], vector<16xf32>,
    }
    %scan3A_142 = arith.constant 1280 : i32
    "tpu.region"() ({
      %run_scoped3A = tpu.sem_alloc : memref<!tpu.dma_semaphore, #tpu.memory_space<semaphore_mem>>
      %dma_start3A = arith.constant 0 : i32
      %dma_start3A_143 = tpu.memref_slice %arg14[%arg0, %arg1, %dma_start3A] : memref<2x16x10240xf32, #tpu.memory_space<hbm>> -> memref<1x1x10240xf32, #tpu.memory_space<hbm>>
      %dma_start3A_144 = tpu.memref_squeeze %dma_start3A_143 : memref<1x1x10240xf32, #tpu.memory_space<hbm>> -> memref<10240xf32, #tpu.memory_space<hbm>>
      %dma_start3A_145 = arith.constant 0 : i32
      %dma_start3A_146 = tpu.memref_slice %arg14[%arg0, %arg1, %dma_start3A_145] : memref<2x16x10240xf32, #tpu.memory_space<hbm>> -> memref<1x1x10240xf32, #tpu.memory_space<hbm>>
      %dma_start3A_147 = tpu.memref_squeeze %dma_start3A_146 : memref<1x1x10240xf32, #tpu.memory_space<hbm>> -> memref<10240xf32, #tpu.memory_space<hbm>>
      tpu.enqueue_dma source(%arg21 : memref<10240xf32, #tpu.memory_space<vmem>>) target(%dma_start3A_147 : memref<10240xf32, #tpu.memory_space<hbm>>) target_semaphore(%run_scoped3A : memref<!tpu.dma_semaphore, #tpu.memory_space<semaphore_mem>>)
      %dma_wait3A = arith.constant 0 : i32
      %dma_wait3A_148 = tpu.memref_slice %arg14[%arg0, %arg1, %dma_wait3A] : memref<2x16x10240xf32, #tpu.memory_space<hbm>> -> memref<1x1x10240xf32, #tpu.memory_space<hbm>>
      %dma_wait3A_149 = tpu.memref_squeeze %dma_wait3A_148 : memref<1x1x10240xf32, #tpu.memory_space<hbm>> -> memref<10240xf32, #tpu.memory_space<hbm>>
      %dma_wait3A_150 = arith.constant 0 : i32
      %dma_wait3A_151 = tpu.memref_slice %arg14[%arg0, %arg1, %dma_wait3A_150] : memref<2x16x10240xf32, #tpu.memory_space<hbm>> -> memref<1x1x10240xf32, #tpu.memory_space<hbm>>
      %dma_wait3A_152 = tpu.memref_squeeze %dma_wait3A_151 : memref<1x1x10240xf32, #tpu.memory_space<hbm>> -> memref<10240xf32, #tpu.memory_space<hbm>>
      tpu.wait_dma2 semaphore(%run_scoped3A : memref<!tpu.dma_semaphore, #tpu.memory_space<semaphore_mem>>) src(%arg21 : memref<10240xf32, #tpu.memory_space<vmem>>) dst(%dma_wait3A_152 : memref<10240xf32, #tpu.memory_space<hbm>>)
      tpu.yield
    }) : () -> ()
    return
  }
}

module attributes {stable_mosaic.version = 14 : i64} {
  func.func @body(%arg0: i32, %arg1: memref<2x16x256xf32, #tpu.memory_space<vmem>>, %arg2: memref<256x128xf32, #tpu.memory_space<vmem>>, %arg3: memref<256x128xf32, #tpu.memory_space<vmem>>, %arg4: memref<128x128xf32, #tpu.memory_space<vmem>>, %arg5: memref<2x256xf32, #tpu.memory_space<vmem>>, %arg6: memref<256x128xbf16, #tpu.memory_space<vmem>>, %arg7: memref<256x128xbf16, #tpu.memory_space<vmem>>) attributes {dimension_semantics = [#tpu.dimension_semantics<arbitrary>], iteration_bounds = array<i64: 40>, scalar_prefetch = 0 : i64, scratch_operands = 0 : i64, tpu.core_type = #tpu.core_type<tc>, window_params = [{transform_indices = @transform_0, window_bounds = array<i64: 2, 16, 256>}, {transform_indices = @transform_1, window_bounds = array<i64: 256, 128>}, {transform_indices = @transform_2, window_bounds = array<i64: 256, 128>}, {pipeline_mode = #tpu.pipeline_mode<synchronous>, transform_indices = @transform_3, window_bounds = array<i64: 128, 128>}, {transform_indices = @transform_4, window_bounds = array<i64: 2, 256>}, {transform_indices = @transform_5, window_bounds = array<i64: 256, 128>}, {transform_indices = @transform_6, window_bounds = array<i64: 256, 128>}]} {
    %get3A = arith.constant 0 : index
    %get3A_0 = arith.constant 0 : index
    %get3A_1 = arith.constant 0 : index
    %get3A_2 = vector.load %arg1[%get3A, %get3A_0, %get3A_1] : memref<2x16x256xf32, #tpu.memory_space<vmem>>, vector<2x16x256xf32>
    %reduce_sum3A = arith.constant dense<0.000000e+00> : vector<2x256xf32>
    %reduce_sum3A_3 = vector.multi_reduction <add>, %get3A_2, %reduce_sum3A [1] : vector<2x16x256xf32> to vector<2x256xf32>
    %add3A = arith.constant 1.000000e+00 : f32
    %add3A_4 = vector.broadcast %add3A : f32 to vector<2x256xf32>
    %add3A_5 = arith.addf %reduce_sum3A_3, %add3A_4 : vector<2x256xf32>
    %mul3A = arith.constant 256 : i32
    %mul3A_6 = arith.muli %arg0, %mul3A : i32
    %iota3A = tpu.iota {dimensions = array<i32: 1>} : vector<2x256xi32>
    %add3A_7 = vector.broadcast %mul3A_6 : i32 to vector<2x256xi32>
    %add3A_8 = arith.addi %add3A_7, %iota3A : vector<2x256xi32>
    %lt3A = arith.constant 10000 : i32
    %lt3A_9 = vector.broadcast %lt3A : i32 to vector<2x256xi32>
    %lt3A_10 = arith.cmpi slt, %add3A_8, %lt3A_9 : vector<2x256xi32>
    %rsqrt3A = math.rsqrt %add3A_5 : vector<2x256xf32>
    %jit3A = arith.constant 0.000000e+00 : f32
    %broadcast_in_dim3A = vector.broadcast %jit3A : f32 to vector<2x256xf32>
    %select_n3A = arith.select %lt3A_10, %rsqrt3A, %broadcast_in_dim3A : vector<2x256xi1>, vector<2x256xf32>
    %swap3A = arith.constant 0 : index
    %swap3A_11 = arith.constant 0 : index
    %swap3A_12 = vector.load %arg5[%swap3A, %swap3A_11] : memref<2x256xf32, #tpu.memory_space<vmem>>, vector<2x256xf32>
    tpu.vector_store %arg5[%swap3A, %swap3A_11], %select_n3A {strides = array<i32>} : memref<2x256xf32, #tpu.memory_space<vmem>>, vector<2x256xf32>,
    %slice3A = vector.extract_strided_slice %select_n3A {offsets = [0, 0], sizes = [1, 256], strides = [1, 1]} : vector<2x256xf32> to vector<1x256xf32>
    %squeeze3A = vector.shape_cast %slice3A : vector<1x256xf32> to vector<256xf32>
    %broadcast_in_dim3A_13 = vector.shape_cast %squeeze3A : vector<256xf32> to vector<256x1xf32>
    %slice3A_14 = vector.extract_strided_slice %select_n3A {offsets = [1, 0], sizes = [1, 256], strides = [1, 1]} : vector<2x256xf32> to vector<1x256xf32>
    %squeeze3A_15 = vector.shape_cast %slice3A_14 : vector<1x256xf32> to vector<256xf32>
    %broadcast_in_dim3A_16 = vector.shape_cast %squeeze3A_15 : vector<256xf32> to vector<256x1xf32>
    %get3A_17 = arith.constant 0 : index
    %get3A_18 = arith.constant 0 : index
    %get3A_19 = vector.load %arg4[%get3A_17, %get3A_18] : memref<128x128xf32, #tpu.memory_space<vmem>>, vector<128x128xf32>
    %get3A_20 = arith.constant 0 : index
    %get3A_21 = arith.constant 0 : index
    %get3A_22 = vector.load %arg2[%get3A_20, %get3A_21] : memref<256x128xf32, #tpu.memory_space<vmem>>, vector<256x128xf32>
    %dot_general3A = arith.constant dense<0.000000e+00> : vector<256x128xf32>
    %dot_general3A_23 = tpu.matmul %get3A_22, %get3A_19, %dot_general3A {dimension_numbers = #tpu.dot_dimension_numbers<[1], [0], [0], [1], [0, 0, 1, 1], [], []>, transpose_lhs_hint = false} : vector<256x128xf32>, vector<128x128xf32>, vector<256x128xf32> -> vector<256x128xf32>
    %mul3A_24 = vector.broadcast %broadcast_in_dim3A_13 : vector<256x1xf32> to vector<256x128xf32>
    %mul3A_25 = arith.mulf %mul3A_24, %dot_general3A_23 : vector<256x128xf32>
    %get3A_26 = arith.constant 0 : index
    %get3A_27 = arith.constant 0 : index
    %get3A_28 = vector.load %arg3[%get3A_26, %get3A_27] : memref<256x128xf32, #tpu.memory_space<vmem>>, vector<256x128xf32>
    %dot_general3A_29 = arith.constant dense<0.000000e+00> : vector<256x128xf32>
    %dot_general3A_30 = tpu.matmul %get3A_28, %get3A_19, %dot_general3A_29 {dimension_numbers = #tpu.dot_dimension_numbers<[1], [0], [0], [1], [0, 0, 1, 1], [], []>, transpose_lhs_hint = false} : vector<256x128xf32>, vector<128x128xf32>, vector<256x128xf32> -> vector<256x128xf32>
    %mul3A_31 = vector.broadcast %broadcast_in_dim3A_16 : vector<256x1xf32> to vector<256x128xf32>
    %mul3A_32 = arith.mulf %mul3A_31, %dot_general3A_30 : vector<256x128xf32>
    %convert_element_type3A = arith.truncf %mul3A_25 : vector<256x128xf32> to vector<256x128xbf16>
    %swap3A_33 = arith.constant 0 : index
    %swap3A_34 = arith.constant 0 : index
    %swap3A_35 = vector.load %arg6[%swap3A_33, %swap3A_34] : memref<256x128xbf16, #tpu.memory_space<vmem>>, vector<256x128xbf16>
    tpu.vector_store %arg6[%swap3A_33, %swap3A_34], %convert_element_type3A {strides = array<i32>} : memref<256x128xbf16, #tpu.memory_space<vmem>>, vector<256x128xbf16>,
    %convert_element_type3A_36 = arith.truncf %mul3A_32 : vector<256x128xf32> to vector<256x128xbf16>
    %swap3A_37 = arith.constant 0 : index
    %swap3A_38 = arith.constant 0 : index
    %swap3A_39 = vector.load %arg7[%swap3A_37, %swap3A_38] : memref<256x128xbf16, #tpu.memory_space<vmem>>, vector<256x128xbf16>
    tpu.vector_store %arg7[%swap3A_37, %swap3A_38], %convert_element_type3A_36 {strides = array<i32>} : memref<256x128xbf16, #tpu.memory_space<vmem>>, vector<256x128xbf16>,
    return
  }
  func.func @transform_0(%arg0: i32) -> (i32, i32, i32) {
    %c0_i32 = arith.constant 0 : i32
    %c0_i32_0 = arith.constant 0 : i32
    %c0_i32_1 = arith.constant 0 : i32
    return %c0_i32, %c0_i32_0, %arg0 : i32, i32, i32
  }
  func.func @transform_1(%arg0: i32) -> (i32, i32) {
    %c0_i32 = arith.constant 0 : i32
    %c0_i32_0 = arith.constant 0 : i32
    return %arg0, %c0_i32 : i32, i32
  }
  func.func @transform_2(%arg0: i32) -> (i32, i32) {
    %c0_i32 = arith.constant 0 : i32
    %c0_i32_0 = arith.constant 0 : i32
    return %arg0, %c0_i32 : i32, i32
  }
  func.func @transform_3(%arg0: i32) -> (i32, i32) {
    %c0_i32 = arith.constant 0 : i32
    %c0_i32_0 = arith.constant 0 : i32
    %c0_i32_1 = arith.constant 0 : i32
    return %c0_i32, %c0_i32_0 : i32, i32
  }
  func.func @transform_4(%arg0: i32) -> (i32, i32) {
    %c0_i32 = arith.constant 0 : i32
    %c0_i32_0 = arith.constant 0 : i32
    return %c0_i32, %arg0 : i32, i32
  }
  func.func @transform_5(%arg0: i32) -> (i32, i32) {
    %c0_i32 = arith.constant 0 : i32
    %c0_i32_0 = arith.constant 0 : i32
    return %arg0, %c0_i32 : i32, i32
  }
  func.func @transform_6(%arg0: i32) -> (i32, i32) {
    %c0_i32 = arith.constant 0 : i32
    %c0_i32_0 = arith.constant 0 : i32
    return %arg0, %c0_i32 : i32, i32
  }
}

module attributes {stable_mosaic.version = 14 : i64} {
  func.func @body(%arg0: i32, %arg1: memref<256x128xbf16, #tpu.memory_space<vmem>>, %arg2: memref<256x128xbf16, #tpu.memory_space<vmem>>, %arg3: memref<2x256x128xbf16, #tpu.memory_space<vmem>>, %arg4: memref<2x256x128xbf16, #tpu.memory_space<vmem>>, %arg5: memref<2x256x128xbf16, #tpu.memory_space<vmem>>, %arg6: memref<2x256x128xbf16, #tpu.memory_space<vmem>>, %arg7: memref<256x1xf32, #tpu.memory_space<vmem>>, %arg8: memref<256x1xf32, #tpu.memory_space<vmem>>, %arg9: memref<1x128xf32, #tpu.memory_space<vmem>>, %arg10: memref<128x128xf32, #tpu.memory_space<vmem>>, %arg11: memref<256x128xbf16, #tpu.memory_space<vmem>>, %arg12: memref<256x128xbf16, #tpu.memory_space<vmem>>) attributes {dimension_semantics = [#tpu.dimension_semantics<arbitrary>], iteration_bounds = array<i64: 40>, scalar_prefetch = 0 : i64, scratch_operands = 0 : i64, tpu.core_type = #tpu.core_type<tc>, window_params = [{transform_indices = @transform_0, window_bounds = array<i64: 256, 128>}, {transform_indices = @transform_1, window_bounds = array<i64: 256, 128>}, {transform_indices = @transform_2, window_bounds = array<i64: 2, 256, 128>}, {transform_indices = @transform_3, window_bounds = array<i64: 2, 256, 128>}, {transform_indices = @transform_4, window_bounds = array<i64: 2, 256, 128>}, {transform_indices = @transform_5, window_bounds = array<i64: 2, 256, 128>}, {transform_indices = @transform_6, window_bounds = array<i64: 256, 1>}, {transform_indices = @transform_7, window_bounds = array<i64: 256, 1>}, {pipeline_mode = #tpu.pipeline_mode<synchronous>, transform_indices = @transform_8, window_bounds = array<i64: 1, 128>}, {pipeline_mode = #tpu.pipeline_mode<synchronous>, transform_indices = @transform_9, window_bounds = array<i64: 128, 128>}, {transform_indices = @transform_10, window_bounds = array<i64: 256, 128>}, {transform_indices = @transform_11, window_bounds = array<i64: 256, 128>}]} {
    %get3A = arith.constant 0 : index
    %get3A_0 = arith.constant 0 : index
    %get3A_1 = arith.constant 0 : index
    %get3A_2 = vector.load %arg3[%get3A, %get3A_0, %get3A_1] : memref<2x256x128xbf16, #tpu.memory_space<vmem>>, vector<2x256x128xbf16>
    %convert_element_type3A = arith.extf %get3A_2 : vector<2x256x128xbf16> to vector<2x256x128xf32>
    %add3A = arith.constant 0.000000e+00 : f32
    %add3A_3 = vector.broadcast %add3A : f32 to vector<2x256x128xf32>
    %add3A_4 = arith.addf %add3A_3, %convert_element_type3A : vector<2x256x128xf32>
    %get3A_5 = arith.constant 0 : index
    %get3A_6 = arith.constant 0 : index
    %get3A_7 = arith.constant 0 : index
    %get3A_8 = vector.load %arg4[%get3A_5, %get3A_6, %get3A_7] : memref<2x256x128xbf16, #tpu.memory_space<vmem>>, vector<2x256x128xbf16>
    %convert_element_type3A_9 = arith.extf %get3A_8 : vector<2x256x128xbf16> to vector<2x256x128xf32>
    %add3A_10 = arith.addf %add3A_4, %convert_element_type3A_9 : vector<2x256x128xf32>
    %get3A_11 = arith.constant 0 : index
    %get3A_12 = arith.constant 0 : index
    %get3A_13 = arith.constant 0 : index
    %get3A_14 = vector.load %arg5[%get3A_11, %get3A_12, %get3A_13] : memref<2x256x128xbf16, #tpu.memory_space<vmem>>, vector<2x256x128xbf16>
    %convert_element_type3A_15 = arith.extf %get3A_14 : vector<2x256x128xbf16> to vector<2x256x128xf32>
    %add3A_16 = arith.addf %add3A_10, %convert_element_type3A_15 : vector<2x256x128xf32>
    %get3A_17 = arith.constant 0 : index
    %get3A_18 = arith.constant 0 : index
    %get3A_19 = arith.constant 0 : index
    %get3A_20 = vector.load %arg6[%get3A_17, %get3A_18, %get3A_19] : memref<2x256x128xbf16, #tpu.memory_space<vmem>>, vector<2x256x128xbf16>
    %convert_element_type3A_21 = arith.extf %get3A_20 : vector<2x256x128xbf16> to vector<2x256x128xf32>
    %add3A_22 = arith.addf %add3A_16, %convert_element_type3A_21 : vector<2x256x128xf32>
    %get3A_23 = arith.constant 0 : index
    %get3A_24 = arith.constant 0 : index
    %get3A_25 = vector.load %arg7[%get3A_23, %get3A_24] : memref<256x1xf32, #tpu.memory_space<vmem>>, vector<256x1xf32>
    %get3A_26 = arith.constant 0 : index
    %get3A_27 = arith.constant 0 : index
    %get3A_28 = vector.load %arg8[%get3A_26, %get3A_27] : memref<256x1xf32, #tpu.memory_space<vmem>>, vector<256x1xf32>
    %get3A_29 = arith.constant 0 : index
    %get3A_30 = arith.constant 0 : index
    %get3A_31 = vector.load %arg9[%get3A_29, %get3A_30] : memref<1x128xf32, #tpu.memory_space<vmem>>, vector<1x128xf32>
    %get3A_32 = arith.constant 0 : index
    %get3A_33 = arith.constant 0 : index
    %get3A_34 = vector.load %arg10[%get3A_32, %get3A_33] : memref<128x128xf32, #tpu.memory_space<vmem>>, vector<128x128xf32>
    %get3A_35 = arith.constant 0 : index
    %get3A_36 = arith.constant 0 : index
    %get3A_37 = vector.load %arg1[%get3A_35, %get3A_36] : memref<256x128xbf16, #tpu.memory_space<vmem>>, vector<256x128xbf16>
    %convert_element_type3A_38 = arith.extf %get3A_37 : vector<256x128xbf16> to vector<256x128xf32>
    %slice3A = vector.extract_strided_slice %add3A_22 {offsets = [0, 0, 0], sizes = [1, 256, 128], strides = [1, 1, 1]} : vector<2x256x128xf32> to vector<1x256x128xf32>
    %squeeze3A = vector.shape_cast %slice3A : vector<1x256x128xf32> to vector<256x128xf32>
    %add3A_39 = arith.addf %convert_element_type3A_38, %squeeze3A : vector<256x128xf32>
    %get3A_40 = arith.constant 0 : index
    %get3A_41 = arith.constant 0 : index
    %get3A_42 = vector.load %arg2[%get3A_40, %get3A_41] : memref<256x128xbf16, #tpu.memory_space<vmem>>, vector<256x128xbf16>
    %convert_element_type3A_43 = arith.extf %get3A_42 : vector<256x128xbf16> to vector<256x128xf32>
    %slice3A_44 = vector.extract_strided_slice %add3A_22 {offsets = [1, 0, 0], sizes = [1, 256, 128], strides = [1, 1, 1]} : vector<2x256x128xf32> to vector<1x256x128xf32>
    %squeeze3A_45 = vector.shape_cast %slice3A_44 : vector<1x256x128xf32> to vector<256x128xf32>
    %add3A_46 = arith.addf %convert_element_type3A_43, %squeeze3A_45 : vector<256x128xf32>
    %mul3A = vector.broadcast %get3A_25 : vector<256x1xf32> to vector<256x128xf32>
    %mul3A_47 = arith.mulf %mul3A, %add3A_39 : vector<256x128xf32>
    %add3A_48 = vector.broadcast %get3A_31 : vector<1x128xf32> to vector<256x128xf32>
    %add3A_49 = arith.addf %mul3A_47, %add3A_48 : vector<256x128xf32>
    %max3A = arith.constant 0.000000e+00 : f32
    %max3A_50 = vector.broadcast %max3A : f32 to vector<256x128xf32>
    %max3A_51 = arith.maximumf %add3A_49, %max3A_50 : vector<256x128xf32>
    %mul3A_52 = vector.broadcast %get3A_28 : vector<256x1xf32> to vector<256x128xf32>
    %mul3A_53 = arith.mulf %mul3A_52, %add3A_46 : vector<256x128xf32>
    %add3A_54 = vector.broadcast %get3A_31 : vector<1x128xf32> to vector<256x128xf32>
    %add3A_55 = arith.addf %mul3A_53, %add3A_54 : vector<256x128xf32>
    %max3A_56 = arith.constant 0.000000e+00 : f32
    %max3A_57 = vector.broadcast %max3A_56 : f32 to vector<256x128xf32>
    %max3A_58 = arith.maximumf %add3A_55, %max3A_57 : vector<256x128xf32>
    %dot_general3A = arith.constant dense<0.000000e+00> : vector<256x128xf32>
    %dot_general3A_59 = tpu.matmul %max3A_51, %get3A_34, %dot_general3A {dimension_numbers = #tpu.dot_dimension_numbers<[1], [0], [0], [1], [0, 0, 1, 1], [], []>, transpose_lhs_hint = false} : vector<256x128xf32>, vector<128x128xf32>, vector<256x128xf32> -> vector<256x128xf32>
    %mul3A_60 = vector.broadcast %get3A_25 : vector<256x1xf32> to vector<256x128xf32>
    %mul3A_61 = arith.mulf %mul3A_60, %dot_general3A_59 : vector<256x128xf32>
    %dot_general3A_62 = arith.constant dense<0.000000e+00> : vector<256x128xf32>
    %dot_general3A_63 = tpu.matmul %max3A_58, %get3A_34, %dot_general3A_62 {dimension_numbers = #tpu.dot_dimension_numbers<[1], [0], [0], [1], [0, 0, 1, 1], [], []>, transpose_lhs_hint = false} : vector<256x128xf32>, vector<128x128xf32>, vector<256x128xf32> -> vector<256x128xf32>
    %mul3A_64 = vector.broadcast %get3A_28 : vector<256x1xf32> to vector<256x128xf32>
    %mul3A_65 = arith.mulf %mul3A_64, %dot_general3A_63 : vector<256x128xf32>
    %convert_element_type3A_66 = arith.truncf %mul3A_61 : vector<256x128xf32> to vector<256x128xbf16>
    %swap3A = arith.constant 0 : index
    %swap3A_67 = arith.constant 0 : index
    %swap3A_68 = vector.load %arg11[%swap3A, %swap3A_67] : memref<256x128xbf16, #tpu.memory_space<vmem>>, vector<256x128xbf16>
    tpu.vector_store %arg11[%swap3A, %swap3A_67], %convert_element_type3A_66 {strides = array<i32>} : memref<256x128xbf16, #tpu.memory_space<vmem>>, vector<256x128xbf16>,
    %convert_element_type3A_69 = arith.truncf %mul3A_65 : vector<256x128xf32> to vector<256x128xbf16>
    %swap3A_70 = arith.constant 0 : index
    %swap3A_71 = arith.constant 0 : index
    %swap3A_72 = vector.load %arg12[%swap3A_70, %swap3A_71] : memref<256x128xbf16, #tpu.memory_space<vmem>>, vector<256x128xbf16>
    tpu.vector_store %arg12[%swap3A_70, %swap3A_71], %convert_element_type3A_69 {strides = array<i32>} : memref<256x128xbf16, #tpu.memory_space<vmem>>, vector<256x128xbf16>,
    return
  }
  func.func @transform_0(%arg0: i32) -> (i32, i32) {
    %c0_i32 = arith.constant 0 : i32
    %c0_i32_0 = arith.constant 0 : i32
    return %arg0, %c0_i32 : i32, i32
  }
  func.func @transform_1(%arg0: i32) -> (i32, i32) {
    %c0_i32 = arith.constant 0 : i32
    %c0_i32_0 = arith.constant 0 : i32
    return %arg0, %c0_i32 : i32, i32
  }
  func.func @transform_2(%arg0: i32) -> (i32, i32, i32) {
    %c0_i32 = arith.constant 0 : i32
    %c0_i32_0 = arith.constant 0 : i32
    %c0_i32_1 = arith.constant 0 : i32
    return %c0_i32, %arg0, %c0_i32_0 : i32, i32, i32
  }
  func.func @transform_3(%arg0: i32) -> (i32, i32, i32) {
    %c0_i32 = arith.constant 0 : i32
    %c0_i32_0 = arith.constant 0 : i32
    %c0_i32_1 = arith.constant 0 : i32
    return %c0_i32, %arg0, %c0_i32_0 : i32, i32, i32
  }
  func.func @transform_4(%arg0: i32) -> (i32, i32, i32) {
    %c0_i32 = arith.constant 0 : i32
    %c0_i32_0 = arith.constant 0 : i32
    %c0_i32_1 = arith.constant 0 : i32
    return %c0_i32, %arg0, %c0_i32_0 : i32, i32, i32
  }
  func.func @transform_5(%arg0: i32) -> (i32, i32, i32) {
    %c0_i32 = arith.constant 0 : i32
    %c0_i32_0 = arith.constant 0 : i32
    %c0_i32_1 = arith.constant 0 : i32
    return %c0_i32, %arg0, %c0_i32_0 : i32, i32, i32
  }
  func.func @transform_6(%arg0: i32) -> (i32, i32) {
    %c0_i32 = arith.constant 0 : i32
    %c0_i32_0 = arith.constant 0 : i32
    return %arg0, %c0_i32 : i32, i32
  }
  func.func @transform_7(%arg0: i32) -> (i32, i32) {
    %c0_i32 = arith.constant 0 : i32
    %c0_i32_0 = arith.constant 0 : i32
    return %arg0, %c0_i32 : i32, i32
  }
  func.func @transform_8(%arg0: i32) -> (i32, i32) {
    %c0_i32 = arith.constant 0 : i32
    %c0_i32_0 = arith.constant 0 : i32
    %c0_i32_1 = arith.constant 0 : i32
    return %c0_i32, %c0_i32_0 : i32, i32
  }
  func.func @transform_9(%arg0: i32) -> (i32, i32) {
    %c0_i32 = arith.constant 0 : i32
    %c0_i32_0 = arith.constant 0 : i32
    %c0_i32_1 = arith.constant 0 : i32
    return %c0_i32, %c0_i32_0 : i32, i32
  }
  func.func @transform_10(%arg0: i32) -> (i32, i32) {
    %c0_i32 = arith.constant 0 : i32
    %c0_i32_0 = arith.constant 0 : i32
    return %arg0, %c0_i32 : i32, i32
  }
  func.func @transform_11(%arg0: i32) -> (i32, i32) {
    %c0_i32 = arith.constant 0 : i32
    %c0_i32_0 = arith.constant 0 : i32
    return %arg0, %c0_i32 : i32, i32
  }
}

module attributes {stable_mosaic.version = 14 : i64} {
  func.func @body(%arg0: i32, %arg1: memref<256x128xbf16, #tpu.memory_space<vmem>>, %arg2: memref<256x128xbf16, #tpu.memory_space<vmem>>, %arg3: memref<2x256x128xbf16, #tpu.memory_space<vmem>>, %arg4: memref<2x256x128xbf16, #tpu.memory_space<vmem>>, %arg5: memref<2x256x128xbf16, #tpu.memory_space<vmem>>, %arg6: memref<2x256x128xbf16, #tpu.memory_space<vmem>>, %arg7: memref<256x1xf32, #tpu.memory_space<vmem>>, %arg8: memref<256x1xf32, #tpu.memory_space<vmem>>, %arg9: memref<2x16x256xf32, #tpu.memory_space<vmem>>, %arg10: memref<1x128xf32, #tpu.memory_space<vmem>>, %arg11: memref<2x128xf32, #tpu.memory_space<vmem>>) attributes {dimension_semantics = [#tpu.dimension_semantics<arbitrary>], iteration_bounds = array<i64: 40>, scalar_prefetch = 0 : i64, scratch_operands = 0 : i64, tpu.core_type = #tpu.core_type<tc>, window_params = [{transform_indices = @transform_0, window_bounds = array<i64: 256, 128>}, {transform_indices = @transform_1, window_bounds = array<i64: 256, 128>}, {transform_indices = @transform_2, window_bounds = array<i64: 2, 256, 128>}, {transform_indices = @transform_3, window_bounds = array<i64: 2, 256, 128>}, {transform_indices = @transform_4, window_bounds = array<i64: 2, 256, 128>}, {transform_indices = @transform_5, window_bounds = array<i64: 2, 256, 128>}, {transform_indices = @transform_6, window_bounds = array<i64: 256, 1>}, {transform_indices = @transform_7, window_bounds = array<i64: 256, 1>}, {transform_indices = @transform_8, window_bounds = array<i64: 2, 16, 256>}, {pipeline_mode = #tpu.pipeline_mode<synchronous>, transform_indices = @transform_9, window_bounds = array<i64: 1, 128>}, {pipeline_mode = #tpu.pipeline_mode<synchronous>, transform_indices = @transform_10, window_bounds = array<i64: 2, 128>}]} {
    %get3A = arith.constant 0 : index
    %get3A_0 = arith.constant 0 : index
    %get3A_1 = arith.constant 0 : index
    %get3A_2 = vector.load %arg3[%get3A, %get3A_0, %get3A_1] : memref<2x256x128xbf16, #tpu.memory_space<vmem>>, vector<2x256x128xbf16>
    %convert_element_type3A = arith.extf %get3A_2 : vector<2x256x128xbf16> to vector<2x256x128xf32>
    %add3A = arith.constant 0.000000e+00 : f32
    %add3A_3 = vector.broadcast %add3A : f32 to vector<2x256x128xf32>
    %add3A_4 = arith.addf %add3A_3, %convert_element_type3A : vector<2x256x128xf32>
    %get3A_5 = arith.constant 0 : index
    %get3A_6 = arith.constant 0 : index
    %get3A_7 = arith.constant 0 : index
    %get3A_8 = vector.load %arg4[%get3A_5, %get3A_6, %get3A_7] : memref<2x256x128xbf16, #tpu.memory_space<vmem>>, vector<2x256x128xbf16>
    %convert_element_type3A_9 = arith.extf %get3A_8 : vector<2x256x128xbf16> to vector<2x256x128xf32>
    %add3A_10 = arith.addf %add3A_4, %convert_element_type3A_9 : vector<2x256x128xf32>
    %get3A_11 = arith.constant 0 : index
    %get3A_12 = arith.constant 0 : index
    %get3A_13 = arith.constant 0 : index
    %get3A_14 = vector.load %arg5[%get3A_11, %get3A_12, %get3A_13] : memref<2x256x128xbf16, #tpu.memory_space<vmem>>, vector<2x256x128xbf16>
    %convert_element_type3A_15 = arith.extf %get3A_14 : vector<2x256x128xbf16> to vector<2x256x128xf32>
    %add3A_16 = arith.addf %add3A_10, %convert_element_type3A_15 : vector<2x256x128xf32>
    %get3A_17 = arith.constant 0 : index
    %get3A_18 = arith.constant 0 : index
    %get3A_19 = arith.constant 0 : index
    %get3A_20 = vector.load %arg6[%get3A_17, %get3A_18, %get3A_19] : memref<2x256x128xbf16, #tpu.memory_space<vmem>>, vector<2x256x128xbf16>
    %convert_element_type3A_21 = arith.extf %get3A_20 : vector<2x256x128xbf16> to vector<2x256x128xf32>
    %add3A_22 = arith.addf %add3A_16, %convert_element_type3A_21 : vector<2x256x128xf32>
    %get3A_23 = arith.constant 0 : index
    %get3A_24 = arith.constant 0 : index
    %get3A_25 = vector.load %arg7[%get3A_23, %get3A_24] : memref<256x1xf32, #tpu.memory_space<vmem>>, vector<256x1xf32>
    %get3A_26 = arith.constant 0 : index
    %get3A_27 = arith.constant 0 : index
    %get3A_28 = vector.load %arg8[%get3A_26, %get3A_27] : memref<256x1xf32, #tpu.memory_space<vmem>>, vector<256x1xf32>
    %get3A_29 = arith.constant 0 : index
    %get3A_30 = arith.constant 0 : index
    %get3A_31 = vector.load %arg10[%get3A_29, %get3A_30] : memref<1x128xf32, #tpu.memory_space<vmem>>, vector<1x128xf32>
    %get3A_32 = arith.constant 0 : index
    %get3A_33 = arith.constant 0 : index
    %get3A_34 = vector.load %arg1[%get3A_32, %get3A_33] : memref<256x128xbf16, #tpu.memory_space<vmem>>, vector<256x128xbf16>
    %convert_element_type3A_35 = arith.extf %get3A_34 : vector<256x128xbf16> to vector<256x128xf32>
    %slice3A = vector.extract_strided_slice %add3A_22 {offsets = [0, 0, 0], sizes = [1, 256, 128], strides = [1, 1, 1]} : vector<2x256x128xf32> to vector<1x256x128xf32>
    %squeeze3A = vector.shape_cast %slice3A : vector<1x256x128xf32> to vector<256x128xf32>
    %add3A_36 = arith.addf %convert_element_type3A_35, %squeeze3A : vector<256x128xf32>
    %get3A_37 = arith.constant 0 : index
    %get3A_38 = arith.constant 0 : index
    %get3A_39 = vector.load %arg2[%get3A_37, %get3A_38] : memref<256x128xbf16, #tpu.memory_space<vmem>>, vector<256x128xbf16>
    %convert_element_type3A_40 = arith.extf %get3A_39 : vector<256x128xbf16> to vector<256x128xf32>
    %slice3A_41 = vector.extract_strided_slice %add3A_22 {offsets = [1, 0, 0], sizes = [1, 256, 128], strides = [1, 1, 1]} : vector<2x256x128xf32> to vector<1x256x128xf32>
    %squeeze3A_42 = vector.shape_cast %slice3A_41 : vector<1x256x128xf32> to vector<256x128xf32>
    %add3A_43 = arith.addf %convert_element_type3A_40, %squeeze3A_42 : vector<256x128xf32>
    %mul3A = vector.broadcast %get3A_25 : vector<256x1xf32> to vector<256x128xf32>
    %mul3A_44 = arith.mulf %mul3A, %add3A_36 : vector<256x128xf32>
    %add3A_45 = vector.broadcast %get3A_31 : vector<1x128xf32> to vector<256x128xf32>
    %add3A_46 = arith.addf %mul3A_44, %add3A_45 : vector<256x128xf32>
    %max3A = arith.constant 0.000000e+00 : f32
    %max3A_47 = vector.broadcast %max3A : f32 to vector<256x128xf32>
    %max3A_48 = arith.maximumf %add3A_46, %max3A_47 : vector<256x128xf32>
    %mul3A_49 = vector.broadcast %get3A_28 : vector<256x1xf32> to vector<256x128xf32>
    %mul3A_50 = arith.mulf %mul3A_49, %add3A_43 : vector<256x128xf32>
    %add3A_51 = vector.broadcast %get3A_31 : vector<1x128xf32> to vector<256x128xf32>
    %add3A_52 = arith.addf %mul3A_50, %add3A_51 : vector<256x128xf32>
    %max3A_53 = arith.constant 0.000000e+00 : f32
    %max3A_54 = vector.broadcast %max3A_53 : f32 to vector<256x128xf32>
    %max3A_55 = arith.maximumf %add3A_52, %max3A_54 : vector<256x128xf32>
    %get3A_56 = arith.constant 0 : index
    %get3A_57 = arith.constant 0 : index
    %get3A_58 = arith.constant 0 : index
    %get3A_59 = vector.load %arg9[%get3A_56, %get3A_57, %get3A_58] : memref<2x16x256xf32, #tpu.memory_space<vmem>>, vector<2x16x256xf32>
    %reduce_sum3A = arith.constant dense<0.000000e+00> : vector<2x256xf32>
    %reduce_sum3A_60 = vector.multi_reduction <add>, %get3A_59, %reduce_sum3A [1] : vector<2x16x256xf32> to vector<2x256xf32>
    %slice3A_61 = vector.extract_strided_slice %reduce_sum3A_60 {offsets = [0, 0], sizes = [1, 256], strides = [1, 1]} : vector<2x256xf32> to vector<1x256xf32>
    %squeeze3A_62 = vector.shape_cast %slice3A_61 : vector<1x256xf32> to vector<256xf32>
    %broadcast_in_dim3A = vector.shape_cast %squeeze3A_62 : vector<256xf32> to vector<256x1xf32>
    %mul3A_63 = arith.mulf %get3A_25, %broadcast_in_dim3A : vector<256x1xf32>
    %mul3A_64 = arith.mulf %get3A_25, %get3A_25 : vector<256x1xf32>
    %add3A_65 = arith.addf %mul3A_63, %mul3A_64 : vector<256x1xf32>
    %slice3A_66 = vector.extract_strided_slice %reduce_sum3A_60 {offsets = [1, 0], sizes = [1, 256], strides = [1, 1]} : vector<2x256xf32> to vector<1x256xf32>
    %squeeze3A_67 = vector.shape_cast %slice3A_66 : vector<1x256xf32> to vector<256xf32>
    %broadcast_in_dim3A_68 = vector.shape_cast %squeeze3A_67 : vector<256xf32> to vector<256x1xf32>
    %mul3A_69 = arith.mulf %get3A_28, %broadcast_in_dim3A_68 : vector<256x1xf32>
    %mul3A_70 = arith.mulf %get3A_28, %get3A_28 : vector<256x1xf32>
    %add3A_71 = arith.addf %mul3A_69, %mul3A_70 : vector<256x1xf32>
    %mul3A_72 = vector.broadcast %add3A_65 : vector<256x1xf32> to vector<256x128xf32>
    %mul3A_73 = arith.mulf %mul3A_72, %max3A_48 : vector<256x128xf32>
    %reduce_sum3A_74 = arith.constant dense<0.000000e+00> : vector<128xf32>
    %reduce_sum3A_75 = vector.multi_reduction <add>, %mul3A_73, %reduce_sum3A_74 [0] : vector<256x128xf32> to vector<128xf32>
    %mul3A_76 = vector.broadcast %add3A_71 : vector<256x1xf32> to vector<256x128xf32>
    %mul3A_77 = arith.mulf %mul3A_76, %max3A_55 : vector<256x128xf32>
    %reduce_sum3A_78 = arith.constant dense<0.000000e+00> : vector<128xf32>
    %reduce_sum3A_79 = vector.multi_reduction <add>, %mul3A_77, %reduce_sum3A_78 [0] : vector<256x128xf32> to vector<128xf32>
    %eq3A = arith.constant 0 : i32
    %eq3A_80 = arith.cmpi eq, %arg0, %eq3A : i32
    %convert_element_type3A_81 = arith.extui %eq3A_80 : i1 to i32
    %cond3A = arith.constant 0 : i32
    %cond3A_82 = arith.cmpi ne, %convert_element_type3A_81, %cond3A : i32
    scf.if %cond3A_82 {
      %broadcast_in_dim3A_91 = arith.constant 0.000000e+00 : f32
      %broadcast_in_dim3A_92 = vector.broadcast %broadcast_in_dim3A_91 : f32 to vector<2x128xf32>
      %swap3A_93 = arith.constant 0 : index
      %swap3A_94 = arith.constant 0 : index
      %swap3A_95 = vector.load %arg11[%swap3A_93, %swap3A_94] : memref<2x128xf32, #tpu.memory_space<vmem>>, vector<2x128xf32>
      tpu.vector_store %arg11[%swap3A_93, %swap3A_94], %broadcast_in_dim3A_92 {strides = array<i32>} : memref<2x128xf32, #tpu.memory_space<vmem>>, vector<2x128xf32>,
    } else {
    }
    %get3A_83 = arith.constant 0 : index
    %get3A_84 = arith.constant 0 : index
    %get3A_85 = vector.load %arg11[%get3A_83, %get3A_84] : memref<2x128xf32, #tpu.memory_space<vmem>>, vector<2x128xf32>
    %stack3A = vector.shape_cast %reduce_sum3A_75 : vector<128xf32> to vector<1x128xf32>
    %stack3A_86 = vector.shape_cast %reduce_sum3A_79 : vector<128xf32> to vector<1x128xf32>
    %stack3A_87 = tpu.concatenate %stack3A, %stack3A_86 in 0 : vector<1x128xf32>, vector<1x128xf32> -> vector<2x128xf32>
    %add3A_88 = arith.addf %get3A_85, %stack3A_87 : vector<2x128xf32>
    %swap3A = arith.constant 0 : index
    %swap3A_89 = arith.constant 0 : index
    %swap3A_90 = vector.load %arg11[%swap3A, %swap3A_89] : memref<2x128xf32, #tpu.memory_space<vmem>>, vector<2x128xf32>
    tpu.vector_store %arg11[%swap3A, %swap3A_89], %add3A_88 {strides = array<i32>} : memref<2x128xf32, #tpu.memory_space<vmem>>, vector<2x128xf32>,
    return
  }
  func.func @transform_0(%arg0: i32) -> (i32, i32) {
    %c0_i32 = arith.constant 0 : i32
    %c0_i32_0 = arith.constant 0 : i32
    return %arg0, %c0_i32 : i32, i32
  }
  func.func @transform_1(%arg0: i32) -> (i32, i32) {
    %c0_i32 = arith.constant 0 : i32
    %c0_i32_0 = arith.constant 0 : i32
    return %arg0, %c0_i32 : i32, i32
  }
  func.func @transform_2(%arg0: i32) -> (i32, i32, i32) {
    %c0_i32 = arith.constant 0 : i32
    %c0_i32_0 = arith.constant 0 : i32
    %c0_i32_1 = arith.constant 0 : i32
    return %c0_i32, %arg0, %c0_i32_0 : i32, i32, i32
  }
  func.func @transform_3(%arg0: i32) -> (i32, i32, i32) {
    %c0_i32 = arith.constant 0 : i32
    %c0_i32_0 = arith.constant 0 : i32
    %c0_i32_1 = arith.constant 0 : i32
    return %c0_i32, %arg0, %c0_i32_0 : i32, i32, i32
  }
  func.func @transform_4(%arg0: i32) -> (i32, i32, i32) {
    %c0_i32 = arith.constant 0 : i32
    %c0_i32_0 = arith.constant 0 : i32
    %c0_i32_1 = arith.constant 0 : i32
    return %c0_i32, %arg0, %c0_i32_0 : i32, i32, i32
  }
  func.func @transform_5(%arg0: i32) -> (i32, i32, i32) {
    %c0_i32 = arith.constant 0 : i32
    %c0_i32_0 = arith.constant 0 : i32
    %c0_i32_1 = arith.constant 0 : i32
    return %c0_i32, %arg0, %c0_i32_0 : i32, i32, i32
  }
  func.func @transform_6(%arg0: i32) -> (i32, i32) {
    %c0_i32 = arith.constant 0 : i32
    %c0_i32_0 = arith.constant 0 : i32
    return %arg0, %c0_i32 : i32, i32
  }
  func.func @transform_7(%arg0: i32) -> (i32, i32) {
    %c0_i32 = arith.constant 0 : i32
    %c0_i32_0 = arith.constant 0 : i32
    return %arg0, %c0_i32 : i32, i32
  }
  func.func @transform_8(%arg0: i32) -> (i32, i32, i32) {
    %c0_i32 = arith.constant 0 : i32
    %c0_i32_0 = arith.constant 0 : i32
    %c0_i32_1 = arith.constant 0 : i32
    return %c0_i32, %c0_i32_0, %arg0 : i32, i32, i32
  }
  func.func @transform_9(%arg0: i32) -> (i32, i32) {
    %c0_i32 = arith.constant 0 : i32
    %c0_i32_0 = arith.constant 0 : i32
    %c0_i32_1 = arith.constant 0 : i32
    return %c0_i32, %c0_i32_0 : i32, i32
  }
  func.func @transform_10(%arg0: i32) -> (i32, i32) {
    %c0_i32 = arith.constant 0 : i32
    %c0_i32_0 = arith.constant 0 : i32
    %c0_i32_1 = arith.constant 0 : i32
    return %c0_i32, %c0_i32_0 : i32, i32
  }
}

module attributes {stable_mosaic.version = 14 : i64} {
  func.func @body(%arg0: memref<2x128xf32, #tpu.memory_space<vmem>>, %arg1: memref<128x128xf32, #tpu.memory_space<vmem>>, %arg2: memref<1x128xf32, #tpu.memory_space<vmem>>, %arg3: memref<128x128xf32, #tpu.memory_space<vmem>>, %arg4: memref<1x128xf32, #tpu.memory_space<vmem>>, %arg5: memref<1x128xf32, #tpu.memory_space<vmem>>) attributes {dimension_semantics = [], scalar_prefetch = 0 : i64, scratch_operands = 0 : i64, tpu.core_type = #tpu.core_type<tc>} {
    %get3A = arith.constant 0 : index
    %get3A_0 = arith.constant 0 : index
    %get3A_1 = vector.load %arg0[%get3A, %get3A_0] : memref<2x128xf32, #tpu.memory_space<vmem>>, vector<2x128xf32>
    %slice3A = vector.extract_strided_slice %get3A_1 {offsets = [0, 0], sizes = [1, 128], strides = [1, 1]} : vector<2x128xf32> to vector<1x128xf32>
    %slice3A_2 = vector.extract_strided_slice %get3A_1 {offsets = [1, 0], sizes = [1, 128], strides = [1, 1]} : vector<2x128xf32> to vector<1x128xf32>
    %add3A = arith.addf %slice3A, %slice3A_2 : vector<1x128xf32>
    %mul3A = arith.constant 5.000000e-05 : f32
    %mul3A_3 = vector.broadcast %mul3A : f32 to vector<1x128xf32>
    %mul3A_4 = arith.mulf %add3A, %mul3A_3 : vector<1x128xf32>
    %get3A_5 = arith.constant 0 : index
    %get3A_6 = arith.constant 0 : index
    %get3A_7 = vector.load %arg1[%get3A_5, %get3A_6] : memref<128x128xf32, #tpu.memory_space<vmem>>, vector<128x128xf32>
    %dot_general3A = arith.constant dense<0.000000e+00> : vector<1x128xf32>
    %dot_general3A_8 = tpu.matmul %mul3A_4, %get3A_7, %dot_general3A {dimension_numbers = #tpu.dot_dimension_numbers<[1], [0], [0], [1], [0, 0, 1, 1], [], []>, transpose_lhs_hint = false} : vector<1x128xf32>, vector<128x128xf32>, vector<1x128xf32> -> vector<1x128xf32>
    %get3A_9 = arith.constant 0 : index
    %get3A_10 = arith.constant 0 : index
    %get3A_11 = vector.load %arg2[%get3A_9, %get3A_10] : memref<1x128xf32, #tpu.memory_space<vmem>>, vector<1x128xf32>
    %add3A_12 = arith.addf %dot_general3A_8, %get3A_11 : vector<1x128xf32>
    %get3A_13 = arith.constant 0 : index
    %get3A_14 = arith.constant 0 : index
    %get3A_15 = vector.load %arg3[%get3A_13, %get3A_14] : memref<128x128xf32, #tpu.memory_space<vmem>>, vector<128x128xf32>
    %dot_general3A_16 = arith.constant dense<0.000000e+00> : vector<1x128xf32>
    %dot_general3A_17 = tpu.matmul %add3A_12, %get3A_15, %dot_general3A_16 {dimension_numbers = #tpu.dot_dimension_numbers<[1], [0], [0], [1], [0, 0, 1, 1], [], []>, transpose_lhs_hint = false} : vector<1x128xf32>, vector<128x128xf32>, vector<1x128xf32> -> vector<1x128xf32>
    %get3A_18 = arith.constant 0 : index
    %get3A_19 = arith.constant 0 : index
    %get3A_20 = vector.load %arg4[%get3A_18, %get3A_19] : memref<1x128xf32, #tpu.memory_space<vmem>>, vector<1x128xf32>
    %add3A_21 = arith.addf %dot_general3A_17, %get3A_20 : vector<1x128xf32>
    %swap3A = arith.constant 0 : index
    %swap3A_22 = arith.constant 0 : index
    %swap3A_23 = vector.load %arg5[%swap3A, %swap3A_22] : memref<1x128xf32, #tpu.memory_space<vmem>>, vector<1x128xf32>
    tpu.vector_store %arg5[%swap3A, %swap3A_22], %add3A_21 {strides = array<i32>} : memref<1x128xf32, #tpu.memory_space<vmem>>, vector<1x128xf32>,
    return
  }
}

</mosaic_0001>

<sc_bundles>
// kernel: kernel.12.cloned.1.call-start
scs
__scs_entry_jumppad:
0x0: {  	(pc) =	sbr.rel $0x88, $3  }
0x1: {  	(tag) =	ssettag $0x0;
	lr =	simm.s32 $0x1  }
0x2: {  	[smem:$0x3F95] =	sst lr;
	_ =	strace $0xD0000000  }
0x3: {  	_ = 	snop  }
0x4: {  	_ = 	snop  }
0x5: {  	_ = 	snop  }
0x6: {  	_ = 	snop  }
0x7: {  	_ = 	snop  }
__scs_overlays_trampoline_lowered:
0x8: {  	[smem:$0x3FA4] =	sst s0  }
0x9: {  	[smem:$0x3FA5] =	sst s1  }
0xa: {  	[smem:$0x3FA6] =	sst s2  }
0xb: {  	[smem:$0x3FA7] =	sst s3  }
0xc: {  	[smem:$0x3FA8] =	sst s4  }
0xd: {  	[smem:$0x3FA9] =	sst s5  }
0xe: {  	[smem:$0x3FAA] =	sst s6  }
0xf: {  	[smem:$0x3FAB] =	sst s7  }
0x10: {  	[smem:$0x3FAC] =	sst s8  }
0x11: {  	[smem:$0x3FAD] =	sst s9;
	s0 =	simm.s32 @!p0 $0x0  }
0x12: {  	s1 =	sld [smem:$0x3F93];
	s0 =	simm.s32 @p0 $0x1  }
0x13: {  	[smem:$0x3FAE] =	sst s0;
	s0 =	simm.s32 @!p1 $0x0  }
0x14: {  	s2 =	sld [smem:$0x3F92];
	s0 =	simm.s32 @p1 $0x1  }
0x15: {  	[smem:$0x3FAF] =	sst s0;
	s0 =	simm.s32 @!p2 $0x0  }
0x16: {  	s3 =	sld [smem:$0x3FDB];
	s0 =	simm.s32 @p2 $0x1  }
0x17: {  	s4 =	simm.s32 $0x1BF5;
	[smem:$0x3FB1] =	sst s0  }
0x18: {  	s0 =	sld [smem:$0x3F94];
	_ =	swait.ge [sflag:s4], $0x0  }
0x19: {  	s7 =	sld [smem:$0x3F95]  }
0x1a: {  	s8 =	sadd.s32 $0xFFFFE003, lr  }
0x1b: {  	s9 =	sadd.s32 $0xFFFFFEF7, lr;
	s5 =	simm.s32 $0xFFFFFFFF;
	p2 =	slt.u32 s8, $0xFFFFF086  }
0x1c: {  	p1 =	slt.u32 s9, $0xF7A;
	s5 =	simm.s32 @!p2 $0x0  }
0x1d: {  	s5 =	simm.s32 @p1 $0x1;
	p0 =	seq.s32 s7, s2  }
0x1e: {  	s7 =	smul.u32 @!p0 $0xF7A, s2;
	p2 =	seq.s32 @!p0 s5, $0x0  }
0x1f: {  	s9 =	smul.u32 $0xF7A, s1;
	s8 =	simm.s32 @!p0 $0x1BF5;
	p2 =	por !p2, p0  }
0x20: {  	[sflag:s8] =	ssyncset.s32 @!p0 $0xFFFFF086;
	s6 =	sadd.s32 @!p0 s3, s7;
	s7 =	simm.s32 @!p0 $0x108  }
0x21: {  	s3 =	sadd.s32 s3, s9;
	s6 =	sadd.s32 @!p0 $0x88, s6;
	s7 =	simm.s32 @p2 $0x1082  }
0x22: {  	[simem:s7], [sflag:s8] =	dma.local @!p0 [hbm:s6], $0xF7A  }
0x23: {  	s9 =	sor.u32 $0xD0000000, s2;
	s6 =	simm.s32 $0x108;
	_ =	swait.ge @!p0 [sflag:s8], $0x0  }
0x24: {  	s3 =	sadd.s32 $0x88, s3;
	s6 =	simm.s32 @!p1 $0x1082;
	[sflag:s4] =	ssyncset.s32 $0xFFFFF086  }
0x25: {  	[simem:s6], [sflag:s4] =	dma.local [hbm:s3], $0xF7A  }
0x26: {  	[smem:$0x3F95] =	sst s1;
	(tag) =	ssettag s2;
	_ =	strace s9  }
0x27: {  	s1 =	sld [smem:$0x3FA5]  }
0x28: {  	s2 =	sld [smem:$0x3FA6]  }
0x29: {  	s4 =	sld [smem:$0x3FA8]  }
0x2a: {  	p0 =	seq.s32 s5, $0x0;
	s5 =	sld [smem:$0x3FA9]  }
0x2b: {  	s6 =	sld [smem:$0x3FAA]  }
0x2c: {  	s7 =	sld [smem:$0x3FAB]  }
0x2d: {  	s3 =	simm.s32 $0x108;
	s8 =	sld [smem:$0x3FAC]  }
0x2e: {  	s3 =	simm.s32 @!p0 $0x1082;
	s9 =	sld [smem:$0x3FAD]  }
0x2f: {  	lr =	sadd.s32 s0, s3;
	s0 =	sld [smem:$0x3FA4]  }
0x30: {  	s3 =	sld [smem:$0x3FA7]  }
0x31: {  	[smem:$0x3FB0] =	sst s10  }
0x32: {  	s10 =	sld [smem:$0x3FAE];
	_ =	sdelay $0x3  }
0x33: {  	p0 =	seq.s32 s10, $0x1;
	s10 =	sld [smem:$0x3FB0];
	_ =	sdelay $0x3  }
0x34: {  	[smem:$0x3FB0] =	sst s10  }
0x35: {  	s10 =	sld [smem:$0x3FAF];
	_ =	sdelay $0x3  }
0x36: {  	p1 =	seq.s32 s10, $0x1;
	s10 =	sld [smem:$0x3FB0];
	_ =	sdelay $0x3  }
0x37: {  	[smem:$0x3FB0] =	sst s10  }
0x38: {  	s10 =	sld [smem:$0x3FB1]  }
0x39: {  	_ = 	snop;
	(pc) =	sbr.ind lr, $3  }
0x3a: {  	_ = 	snop  }
0x3b: {  	_ = 	snop  }
0x3c: {  	p2 =	seq.s32 s10, $0x1;
	s10 =	sld [smem:$0x3FB0]  }
0x3d: {  	_ =	shalt  }
0x3e: {  	_ =	shalt  }
0x3f: {  	_ =	shalt  }
0x40: {  	_ =	shalt  }
0x41: {  	_ =	shalt  }
0x42: {  	_ =	shalt  }
0x43: {  	_ =	shalt  }
0x44: {  	_ =	shalt  }
0x45: {  	_ =	shalt  }
0x46: {  	_ =	shalt  }
0x47: {  	_ =	shalt  }
0x48: {  	_ =	shalt  }
0x49: {  	_ =	shalt  }
0x4a: {  	_ =	shalt  }
0x4b: {  	_ =	shalt  }
0x4c: {  	_ =	shalt  }
0x4d: {  	_ =	shalt  }
0x4e: {  	_ =	shalt  }
0x4f: {  	_ =	shalt  }
0x50: {  	_ =	shalt  }
0x51: {  	_ =	shalt  }
0x52: {  	_ =	shalt  }
0x53: {  	_ =	shalt  }
0x54: {  	_ =	shalt  }
0x55: {  	_ =	shalt  }
0x56: {  	_ =	shalt  }
0x57: {  	_ =	shalt  }
0x58: {  	_ =	shalt  }
0x59: {  	_ =	shalt  }
0x5a: {  	_ =	shalt  }
0x5b: {  	_ =	shalt  }
0x5c: {  	_ =	shalt  }
0x5d: {  	_ =	shalt  }
0x5e: {  	_ =	shalt  }
0x5f: {  	_ =	shalt  }
0x60: {  	_ =	shalt  }
0x61: {  	_ =	shalt  }
0x62: {  	_ =	shalt  }
0x63: {  	_ =	shalt  }
0x64: {  	_ =	shalt  }
0x65: {  	_ =	shalt  }
0x66: {  	_ =	shalt  }
0x67: {  	_ =	shalt  }
0x68: {  	_ =	shalt  }
0x69: {  	_ =	shalt  }
0x6a: {  	_ =	shalt  }
0x6b: {  	_ =	shalt  }
0x6c: {  	_ =	shalt  }
0x6d: {  	_ =	shalt  }
0x6e: {  	_ =	shalt  }
0x6f: {  	_ =	shalt  }
0x70: {  	_ =	shalt  }
0x71: {  	_ =	shalt  }
0x72: {  	_ =	shalt  }
0x73: {  	_ =	shalt  }
0x74: {  	_ =	shalt  }
0x75: {  	_ =	shalt  }
0x76: {  	_ =	shalt  }
0x77: {  	_ =	shalt  }
0x78: {  	_ =	shalt  }
0x79: {  	_ =	shalt  }
0x7a: {  	_ =	shalt  }
0x7b: {  	_ =	shalt  }
0x7c: {  	_ =	shalt  }
0x7d: {  	_ =	shalt  }
0x7e: {  	_ =	shalt  }
0x7f: {  	_ =	shalt  }
0x80: {  	_ =	shalt  }
0x81: {  	_ =	shalt  }
0x82: {  	_ =	shalt  }
0x83: {  	_ =	shalt  }
0x84: {  	_ =	shalt  }
0x85: {  	_ =	shalt  }
0x86: {  	_ =	shalt  }
0x87: {  	_ =	shalt  }
.Lfunc_end0:
.L_simem_size_0:
called_computation.1_lowered:
.L_overlay_start_0:
0x88: {  	s2 =	sld [smem:$0x3FD9]  }
0x89: {  	s3 =	sld [smem:$0x3FFE];
	_ =	sdelay $0x1  }
0x8a: {  	s1 =	srdreg.scid  }
0x8b: {  	s0 =	sand.u32 $0x1, s1  }
0x8c: {  	s16 =	sshll.u32 s0, $0xA;
	s2 =	sadd.s32 s3, s2  }
0x8d: {  	s2 =	sadd.s32 s2, s16  }
0x8e: {  	[smem:$0x3FBC] =	sst s2  }
0x8f: {  	_ = 	snop  }
0x90: {  	(tm) =	ssettm $0x1  }
0x91: {  	s17 =	sld [smem:$0x3FFB];
	_ =	sdelay $0x3  }
0x92: {  	_ =	strace s17  }
0x93: {  	s2 =	sld [smem:$0x3FFC];
	_ =	sdelay $0x3  }
0x94: {  	_ =	strace s2  }
0x95: {  	s2 =	sld [smem:$0x3FFD];
	_ =	sdelay $0x3  }
0x96: {  	_ =	strace s2  }
0x97: {  	_ =	strace $0x8FFFFFFF  }
0x98: {  	s18 =	sld [smem:$0x3FDB];
	_ =	sdelay $0x1  }
0x99: {  	s19 =	simm.s32 $_scs_section_size  }
0x9a: {  	s4 =	simm.s32 $_size__tile_overlayer_lowered;
	s5 =	simm.s32 $_tile_overlayer_lowered  }
0x9b: {  	s22 =	simm.s32 $0x1BFF;
	s21 =	sshll.u32 s5, $0x1;
	s2 =	sadd.s32 s19, s18  }
0x9c: {  	s6 =	simm.s32 $0x0;
	s20 =	sshll.u32 s4, $0x1;
	s4 =	sadd.s32 s21, s2  }
0x9d: {  	[timem:s6], [sflag:s22] =	dma.local [hbm:s4], s20  }
0x9e: {  	_ =	swait.ge [sflag:s22], s20  }
0x9f: {  	s3 =	ssub.s32 $0x0, s20;
	[sflag:s22] =	ssyncset.done $0x0  }
0xa0: {  	[sflag:s22] =	ssyncadd.s32 s3;
	_ =	sdelay $0x1  }
0xa1: {  	s23 =	simm.s32 $0x1B8B  }
0xa2: {  	_ =	swait.ge [sflag:s23], $0x1  }
0xa3: {  	[sflag:s23] =	ssyncset.done $0x0  }
0xa4: {  	s25 =	simm.s32 $0x1B8E;
	s24 =	sld [smem:$0x3FFE];
	[sflag:s23] =	ssyncadd.s32 $0xFFFFFFFF  }
0xa5: {  	s26 =	simm.s32 $execute0_lowered;
	[smem:$0x3FD2] =	sst s25  }
0xa6: {  	s4 =	sshll.u32 s26, $0x1;
	_ =	strace $0x80000049;
	[dreg:$0x1] =	wrdreg $0xFFFFFFFF  }
0xa7: {  	s28 =	simm.s32 $_size_execute0_lowered;
	s2 =	sadd.s32 s2, s4;
	[dreg:$0x0] =	wrdreg $0x0  }
0xa8: {  	s4 =	sshll.u32 s28, $0x1;
	[dreg:$0x2] =	wrdreg s2  }
0xa9: {  	[dreg:$0x3] =	wrdreg s4  }
0xaa: {  	[dreg:$0x4] =	wrdreg $0xC0  }
0xab: {  	_ =	task [dreg:s6], $0x5FFFF  }
0xac: {  	[dreg:$0x1] =	wrdreg $0xFFFFFFFF  }
0xad: {  	[dreg:$0x0] =	wrdreg $0x60  }
0xae: {  	[dreg:$0x2] =	wrdreg s24  }
0xaf: {  	[dreg:$0x3] =	wrdreg $0xC0000  }
0xb0: {  	[dreg:$0x4] =	wrdreg $0x9  }
0xb1: {  	_ =	task.clear_ibuf [dreg:s6], $0x5FFFF;
	_ =	strace $0x90000049  }
0xb2: {  	s29 =	simm.s32 $0x9;
	_ =	strace $0x8000004B  }
0xb3: {  	_ =	swait.ge [sflag:s29], $0x1  }
0xb4: {  	[sflag:s29] =	ssyncadd.s32 $0xFFFFFFFF  }
0xb5: {  	_ =	strace $0x9000004B  }
0xb6: {  	_ =	sfence  }
0xb7: {  	s30 =	sld [smem:$0x0];
	_ =	sdelay $0x2  }
0xb8: {  	s31 =	sshll.u32 s1, $0xD;
	s1 =	sshrl.u32 s1, $0x2  }
0xb9: {  	s3 =	sand.u32 $0x4000, s31;
	s1 =	sadd.s32 s1, s30  }
0xba: {  	s0 =	sor.u32 s3, s0;
	s1 =	sshll.u32 s1, $0x11  }
0xbb: {  	s0 =	sor.u32 s1, s0  }
0xbc: {  	s0 =	sadd.s32 $0x8F2B, s0  }
0xbd: {  	[sflag:s0] =	ssyncadd.remote.s32 $0x1  }
0xbe: {  	_ =	sfence.sel $0xFFFF  }
0xbf: {  	[dreg:$0x0] =	wrdreg $0xFFFFFFFF;
	(pc) =	sbr.abs _section_cstart, $3  }
0xc0: {  	[dreg:$0x1] =	wrdreg $0xFFFFFFFF  }
0xc1: {  	_ =	task.clear_ibuf [dreg:s6], $0x2FFFF;
	_ =	strace $0x9FFFFFFF  }
0xc2: {  	(tm) =	ssettm $0x7FFFFFFF  }
0xc3: {  	_ =	shalt  }
tec
execute0_lowered:
.L_overlay_start_1:
0x0: {  	(tag) =	ssettag $0x1  }
0x1: {  	s13 =	stileid.u32  }
0x2: {  	s0 =	rddreg [dreg:$0x0];
	s7 =	smul.u32 $0x5000, s13  }
0x3: {  	s2 =	srdreg.scid;
	s9 =	smul.u32 $0x14000, s13  }
0x4: {  	s1 =	rddreg [dreg:$0x1];
	s11 =	smul.u32 $0x2800, s13  }
0x5: {  	s3 =	simm.s32 $0x0;
	s2 =	sand.u32 $0x1, s2;
	s13 =	smul.u32 $0x28000, s13  }
0x6: {  	s29 =	simm.s32 $0x1B000;
	s30 =	simm.s32 $0x1D800;
	s6 =	smul.u32 $0x500, s2  }
0x7: {  	s31 =	simm.s32 $0x0;
	[smem:$0x7FF] =	sst s3;
	s5 =	smul.u32 $0x50000, s2  }
0x8: {  	s4 =	sadd.s32 $0x5F800, s0;
	s22 =	sadd.s32 $0x18E00, s0;
	s8 =	smul.u32 $0x140000, s2  }
0x9: {  	_ =	strace $0x8000004A;
	s10 =	smul.u32 $0x28000, s2;
	s23 =	ssub.s32 $0x2, s2  }
0xa: {  	[dreg:$0x3] =	wrdreg s22;
	p0 =	sne.s32 s2, $0x0;
	s12 =	sshrl.u32 s23, $0x1  }
0xb: {  	s25 =	sshrl.u32 s9, $0x1;
	s26 =	sshrl.u32 s13, $0x2;
	s7 =	sadd.s32 s7, s5  }
0xc: {  	s5 =	sadd.s32 $0x4B800, s0;
	s20 =	sadd.s32 s6, s0;
	s6 =	sadd.s32 $0x37400, s0  }
0xd: {  	s8 =	sadd.s32 s9, s8;
	s10 =	sadd.s32 s11, s10;
	s22 =	ssub.s32 s23, s12  }
0xe: {  	s14 =	sadd.s32 s26, s1;
	s23 =	simm.s32 $0x1;
	s26 =	simm.s32 $0x80  }
0xf: {  	s7 =	sshrl.u32 s7, $0x3;
	s8 =	sshrl.u32 s8, $0x4;
	s10 =	sshrl.u32 s10, $0x3  }
0x10: {  	s11 =	sadd.s32 $0x2000, s14;
	s12 =	sadd.s32 $0x4000, s14;
	s13 =	sadd.s32 $0x6000, s14  }
0x11: {  	s14 =	sadd.s32 $0x8000, s14;
	s20 =	sadd.s32 $0x19400, s20;
	s22 =	smax.u32 s22, $0x1  }
0x12: {  	s19 =	sadd.s32 s7, s0;
	s18 =	sadd.s32 s8, s0;
	s0 =	sadd.s32 s10, s0  }
0x13: {  	s10 =	sadd.s32 s25, s1;
	s25 =	simm.s32 $0xA000;
	s24 =	sadd.s32 $0x23400, s19  }
0x14: {  	s28 =	sadd.s32 $0x37800, s19;
	s15 =	sadd.s32 $0xEB800, s18;
	s16 =	sadd.s32 $0xC3800, s18  }
0x15: {  	s17 =	sadd.s32 $0x9B800, s18;
	s18 =	sadd.s32 $0x73800, s18;
	[dreg:$0x4] =	wrdreg s24  }
0x16: {  	s19 =	sadd.s32 $0x4E00, s19;
	s21 =	sadd.s32 $0x113800, s0;
	[dreg:$0x5] =	wrdreg s28  }
.LBB2_1:
0x17: {  	s0 =	rddreg [dreg:$0x4]  }
0x18: {  	[tilespmem:s3], [sflag:$0x1] =	stream.linear.gather [hbm4b:s0+s3], $0x5000, $0x38;
	v63 =	vld [tilespmem:$0x0]  }
0x19: {  	_ =	swait.ge [sflag:s23], $0x5000  }
0x1a: {  	[sflag:s23] =	ssyncset.done $0x0  }
0x1b: {  	s2 =	simm.s32 $0x5000;
	s28 =	rddreg [dreg:$0x5];
	[sflag:s23] =	ssyncadd.s32 $0xFFFFB000  }
0x1c: {  	[tilespmem:s2], [sflag:$0x1] =	stream.linear.gather [hbm4b:s28+s3], $0x5000, $0x38;
	v63 =	vld [tilespmem:$0x0]  }
0x1d: {  	_ =	swait.ge [sflag:s23], $0x5000  }
0x1e: {  	[sflag:s23] =	ssyncset.done $0x0  }
0x1f: {  	[sflag:s23] =	ssyncadd.s32 $0xFFFFB000  }
0x20: {  	[tilespmem:s25], [sflag:$0x1] =	stream.linear.gather [hbm4b:s6+s3], $0x2000, $0x38;
	v63 =	vld [tilespmem:$0x0]  }
0x21: {  	_ =	swait.ge [sflag:s23], $0x2000  }
0x22: {  	[sflag:s23] =	ssyncset.done $0x0  }
0x23: {  	[sflag:s23] =	ssyncadd.s32 $0xFFFFE000  }
0x24: {  	[spmem:s10] =	stream.linear.scatter [tilespmem:s25], [sflag:$0x1], $0x2000, $0x38;
	v63 =	vld [tilespmem:$0x0]  }
0x25: {  	_ =	swait.ge [sflag:s23], $0x2000  }
0x26: {  	[sflag:s23] =	ssyncset.done $0x0  }
0x27: {  	[sflag:s23] =	ssyncadd.s32 $0xFFFFE000  }
0x28: {  	[spmem:s11] =	stream.linear.scatter [tilespmem:s25], [sflag:$0x1], $0x2000, $0x38;
	v63 =	vld [tilespmem:$0x0]  }
0x29: {  	_ =	swait.ge [sflag:s23], $0x2000  }
0x2a: {  	[sflag:s23] =	ssyncset.done $0x0  }
0x2b: {  	[sflag:s23] =	ssyncadd.s32 $0xFFFFE000  }
0x2c: {  	[spmem:s12] =	stream.linear.scatter [tilespmem:s25], [sflag:$0x1], $0x2000, $0x38;
	v63 =	vld [tilespmem:$0x0]  }
0x2d: {  	_ =	swait.ge [sflag:s23], $0x2000  }
0x2e: {  	[sflag:s23] =	ssyncset.done $0x0  }
0x2f: {  	[sflag:s23] =	ssyncadd.s32 $0xFFFFE000  }
0x30: {  	[spmem:s13] =	stream.linear.scatter [tilespmem:s25], [sflag:$0x1], $0x2000, $0x38;
	v63 =	vld [tilespmem:$0x0]  }
0x31: {  	_ =	swait.ge [sflag:s23], $0x2000  }
0x32: {  	[sflag:s23] =	ssyncset.done $0x0  }
0x33: {  	[sflag:s23] =	ssyncadd.s32 $0xFFFFE000  }
0x34: {  	[spmem:s14] =	stream.linear.scatter [tilespmem:s25], [sflag:$0x1], $0x2000, $0x38;
	v63 =	vld [tilespmem:$0x0]  }
.Ltmp0:
0x35: {  	_ =	swait.ge [sflag:s23], $0x2000;
	(pc) =	sbr.rel @p0 .LBB2_5-.Ltmp0, $4  }
0x36: {  	[sflag:s23] =	ssyncset.done $0x0  }
0x37: {  	[sflag:s23] =	ssyncadd.s32 $0xFFFFE000  }
0x38: {  	[bflag:$0x0] =	sbarrier.arrive $0xFFFF  }
0x39: {  	s0 =	simm.s32 $0x0  }
0x3a: {  	[tilespmem:s25], [sflag:$0x1] =	stream.indirect.gather [hbm4b:s4+s26], $0x40, s0, s26, $0xb8;
	v63 =	vld [tilespmem:$0x0]  }
0x3b: {  	_ =	swait.ge [sflag:s23], $0x2000  }
0x3c: {  	[sflag:s23] =	ssyncset.done $0x0  }
0x3d: {  	s28 =	simm.s32 $0x5000;
	[sflag:s23] =	ssyncadd.s32 $0xFFFFE000  }
0x3e: {  	[spmem:s1] =	stream.indirect.scatter.add.bf16 [tilespmem:s25], [sflag:$0x1], $0x40, s28, s26, $0xb8;
	v63 =	vld [tilespmem:$0x0]  }
0x3f: {  	_ =	swait.ge [sflag:s23], $0x2000  }
0x40: {  	s0 =	simm.s32 $0x200;
	s2 =	simm.s32 $0x400;
	[sflag:s23] =	ssyncset.done $0x0  }
.LBB2_3:
0x41: {  	s24 =	sshra.s32 s0, $0x2  }
0x42: {  	[sflag:s23] =	ssyncadd.s32 $0xFFFFE000;
	s0 =	smov.u32 s2;
	s28 =	sadd.s32 $0x200, s2  }
0x43: {  	[tilespmem:s25], [sflag:$0x1] =	stream.indirect.gather [hbm4b:s4+s26], $0x40, s24, s26, $0xb8;
	v63 =	vld [tilespmem:$0x0]  }
0x44: {  	p1 =	seq.s32 s2, $0x4E00;
	_ =	swait.ge [sflag:s23], $0x2000  }
.Ltmp1:
0x45: {  	[sflag:s23] =	ssyncset.done $0x0;
	(pc) =	sbr.rel @!p1 .LBB2_3-.Ltmp1, $4  }
0x46: {  	s2 =	sadd.s32 $0x5000, s24;
	[sflag:s23] =	ssyncadd.s32 $0xFFFFE000  }
0x47: {  	[spmem:s1] =	stream.indirect.scatter.add.bf16 [tilespmem:s25], [sflag:$0x1], $0x40, s2, s26, $0xb8;
	v63 =	vld [tilespmem:$0x0]  }
0x48: {  	_ =	swait.ge [sflag:s23], $0x2000  }
0x49: {  	s2 =	smov.u32 s28;
	[sflag:s23] =	ssyncset.done $0x0  }
0x4a: {  	s0 =	sshra.s32 s0, $0x2;
	[sflag:s23] =	ssyncadd.s32 $0xFFFFE000  }
0x4b: {  	[tilespmem:s25], [sflag:$0x1] =	stream.indirect.gather [hbm4b:s4+s26], $0x40, s0, s26, $0xb8;
	v63 =	vld [tilespmem:$0x0]  }
0x4c: {  	_ =	swait.ge [sflag:s23], $0x2000  }
0x4d: {  	[sflag:s23] =	ssyncset.done $0x0  }
.Ltmp2:
0x4e: {  	s0 =	sadd.s32 $0x5000, s0;
	[sflag:s23] =	ssyncadd.s32 $0xFFFFE000;
	(pc) =	sbr.rel .LBB2_8-.Ltmp2, $4  }
0x4f: {  	[spmem:s1] =	stream.indirect.scatter.add.bf16 [tilespmem:s25], [sflag:$0x1], $0x40, s0, s26, $0xb8;
	v63 =	vld [tilespmem:$0x0]  }
0x50: {  	_ =	swait.ge [sflag:s23], $0x2000  }
0x51: {  	[sflag:s23] =	ssyncset.done $0x0  }
0x52: {  	[sflag:s23] =	ssyncadd.s32 $0xFFFFE000  }
.LBB2_5:
0x53: {  	[tilespmem:s25], [sflag:$0x1] =	stream.indirect.gather [hbm4b:s5+s26], $0x40, s0, s26, $0xb8;
	v63 =	vld [tilespmem:$0x0]  }
0x54: {  	_ =	swait.ge [sflag:s23], $0x2000  }
0x55: {  	[sflag:s23] =	ssyncset.done $0x0  }
0x56: {  	s28 =	simm.s32 $0x5000;
	[sflag:s23] =	ssyncadd.s32 $0xFFFFE000  }
0x57: {  	[spmem:s1] =	stream.indirect.scatter.add.bf16 [tilespmem:s25], [sflag:$0x1], $0x40, s28, s26, $0xb8;
	v63 =	vld [tilespmem:$0x0]  }
0x58: {  	_ =	swait.ge [sflag:s23], $0x2000  }
0x59: {  	s0 =	simm.s32 $0x200;
	s2 =	simm.s32 $0x400;
	[sflag:s23] =	ssyncset.done $0x0  }
.LBB2_6:
0x5a: {  	s24 =	sshra.s32 s0, $0x2  }
0x5b: {  	[sflag:s23] =	ssyncadd.s32 $0xFFFFE000;
	s0 =	smov.u32 s2;
	s28 =	sadd.s32 $0x200, s2  }
0x5c: {  	[tilespmem:s25], [sflag:$0x1] =	stream.indirect.gather [hbm4b:s5+s26], $0x40, s24, s26, $0xb8;
	v63 =	vld [tilespmem:$0x0]  }
0x5d: {  	p1 =	sne.s32 s2, $0x4E00;
	_ =	swait.ge [sflag:s23], $0x2000  }
.Ltmp3:
0x5e: {  	[sflag:s23] =	ssyncset.done $0x0;
	(pc) =	sbr.rel @p1 .LBB2_6-.Ltmp3, $4  }
0x5f: {  	s2 =	sadd.s32 $0x5000, s24;
	[sflag:s23] =	ssyncadd.s32 $0xFFFFE000  }
0x60: {  	[spmem:s1] =	stream.indirect.scatter.add.bf16 [tilespmem:s25], [sflag:$0x1], $0x40, s2, s26, $0xb8;
	v63 =	vld [tilespmem:$0x0]  }
0x61: {  	_ =	swait.ge [sflag:s23], $0x2000  }
0x62: {  	s2 =	smov.u32 s28;
	[sflag:s23] =	ssyncset.done $0x0  }
0x63: {  	s0 =	sshra.s32 s0, $0x2;
	[sflag:s23] =	ssyncadd.s32 $0xFFFFE000  }
0x64: {  	[tilespmem:s25], [sflag:$0x1] =	stream.indirect.gather [hbm4b:s5+s26], $0x40, s0, s26, $0xb8;
	v63 =	vld [tilespmem:$0x0]  }
0x65: {  	_ =	swait.ge [sflag:s23], $0x2000  }
0x66: {  	[sflag:s23] =	ssyncset.done $0x0  }
0x67: {  	s0 =	sadd.s32 $0x5000, s0;
	[sflag:s23] =	ssyncadd.s32 $0xFFFFE000  }
0x68: {  	[spmem:s1] =	stream.indirect.scatter.add.bf16 [tilespmem:s25], [sflag:$0x1], $0x40, s0, s26, $0xb8;
	v63 =	vld [tilespmem:$0x0]  }
0x69: {  	_ =	swait.ge [sflag:s23], $0x2000  }
0x6a: {  	[sflag:s23] =	ssyncset.done $0x0  }
0x6b: {  	[sflag:s23] =	ssyncadd.s32 $0xFFFFE000  }
.LBB2_8:
0x6c: {  	s0 =	stileid.u32  }
0x6d: {  	s0 =	sshll.u32 s0, $0x6  }
0x6e: {  	[bflag:$0x0] =	sbarrier.arrive $0xFFFF;
	s24 =	sshrl.u32 s10, $0x3;
	s0 =	sor.u32 $0x1C01, s0  }
0x6f: {  	[hbm:s15], [sflag:s0] =	dma.local [spmem:s24], $0x1400  }
0x70: {  	_ =	swait.ge [sflag:s23], $0x1400  }
0x71: {  	[sflag:s23] =	ssyncset.done $0x0  }
0x72: {  	s2 =	simm.s32 $0x0;
	[sflag:s23] =	ssyncadd.s32 $0xFFFFEC00  }
0x73: {  	[tilespmem:s25], [sflag:$0x1] =	stream.linear.gather [hbm4b:s6+s2], $0x2000, $0x38;
	v63 =	vld [tilespmem:$0x0]  }
0x74: {  	_ =	swait.ge [sflag:s23], $0x2000  }
0x75: {  	[sflag:s23] =	ssyncset.done $0x0  }
0x76: {  	[sflag:s23] =	ssyncadd.s32 $0xFFFFE000  }
0x77: {  	[spmem:s10] =	stream.linear.scatter [tilespmem:s25], [sflag:$0x1], $0x2000, $0x38;
	v63 =	vld [tilespmem:$0x0]  }
0x78: {  	_ =	swait.ge [sflag:s23], $0x2000  }
0x79: {  	[sflag:s23] =	ssyncset.done $0x0  }
0x7a: {  	[sflag:s23] =	ssyncadd.s32 $0xFFFFE000  }
0x7b: {  	[spmem:s11] =	stream.linear.scatter [tilespmem:s25], [sflag:$0x1], $0x2000, $0x38;
	v63 =	vld [tilespmem:$0x0]  }
0x7c: {  	_ =	swait.ge [sflag:s23], $0x2000  }
0x7d: {  	[sflag:s23] =	ssyncset.done $0x0  }
0x7e: {  	[sflag:s23] =	ssyncadd.s32 $0xFFFFE000  }
0x7f: {  	[spmem:s12] =	stream.linear.scatter [tilespmem:s25], [sflag:$0x1], $0x2000, $0x38;
	v63 =	vld [tilespmem:$0x0]  }
0x80: {  	_ =	swait.ge [sflag:s23], $0x2000  }
0x81: {  	[sflag:s23] =	ssyncset.done $0x0  }
0x82: {  	[sflag:s23] =	ssyncadd.s32 $0xFFFFE000  }
0x83: {  	[spmem:s13] =	stream.linear.scatter [tilespmem:s25], [sflag:$0x1], $0x2000, $0x38;
	v63 =	vld [tilespmem:$0x0]  }
0x84: {  	_ =	swait.ge [sflag:s23], $0x2000  }
0x85: {  	[sflag:s23] =	ssyncset.done $0x0  }
0x86: {  	[sflag:s23] =	ssyncadd.s32 $0xFFFFE000  }
0x87: {  	[spmem:s14] =	stream.linear.scatter [tilespmem:s25], [sflag:$0x1], $0x2000, $0x38;
	v63 =	vld [tilespmem:$0x0]  }
.Ltmp4:
0x88: {  	_ =	swait.ge [sflag:s23], $0x2000;
	(pc) =	sbr.rel @p0 .LBB2_12-.Ltmp4, $4  }
0x89: {  	[sflag:s23] =	ssyncset.done $0x0  }
0x8a: {  	[sflag:s23] =	ssyncadd.s32 $0xFFFFE000  }
0x8b: {  	[bflag:$0x0] =	sbarrier.arrive $0xFFFF  }
0x8c: {  	s2 =	simm.s32 $0x1400  }
0x8d: {  	[tilespmem:s25], [sflag:$0x1] =	stream.indirect.gather [hbm4b:s4+s26], $0x40, s2, s26, $0xb8;
	v63 =	vld [tilespmem:$0x0]  }
0x8e: {  	_ =	swait.ge [sflag:s23], $0x2000  }
0x8f: {  	[sflag:s23] =	ssyncset.done $0x0  }
0x90: {  	s9 =	simm.s32 $0x6400;
	[sflag:s23] =	ssyncadd.s32 $0xFFFFE000  }
0x91: {  	[spmem:s1] =	stream.indirect.scatter.add.bf16 [tilespmem:s25], [sflag:$0x1], $0x40, s9, s26, $0xb8;
	v63 =	vld [tilespmem:$0x0]  }
0x92: {  	_ =	swait.ge [sflag:s23], $0x2000  }
0x93: {  	s2 =	simm.s32 $0x400;
	s28 =	simm.s32 $0x80;
	[sflag:s23] =	ssyncset.done $0x0  }
.LBB2_10:
0x94: {  	s7 =	sadd.s32 $0x1400, s28  }
0x95: {  	[sflag:s23] =	ssyncadd.s32 $0xFFFFE000;
	s8 =	smov.u32 s2;
	s9 =	sadd.s32 $0x200, s2  }
0x96: {  	[tilespmem:s25], [sflag:$0x1] =	stream.indirect.gather [hbm4b:s4+s26], $0x40, s7, s26, $0xb8;
	v63 =	vld [tilespmem:$0x0]  }
0x97: {  	p1 =	seq.s32 s2, $0x4E00;
	_ =	swait.ge [sflag:s23], $0x2000  }
.Ltmp5:
0x98: {  	[sflag:s23] =	ssyncset.done $0x0;
	(pc) =	sbr.rel @!p1 .LBB2_10-.Ltmp5, $4  }
0x99: {  	s2 =	sadd.s32 $0x6400, s28;
	[sflag:s23] =	ssyncadd.s32 $0xFFFFE000  }
0x9a: {  	[spmem:s1] =	stream.indirect.scatter.add.bf16 [tilespmem:s25], [sflag:$0x1], $0x40, s2, s26, $0xb8;
	v63 =	vld [tilespmem:$0x0]  }
0x9b: {  	_ =	swait.ge [sflag:s23], $0x2000  }
0x9c: {  	s28 =	sshra.s32 s8, $0x2;
	s2 =	smov.u32 s9;
	[sflag:s23] =	ssyncset.done $0x0  }
0x9d: {  	s2 =	sadd.s32 $0x1400, s28;
	[sflag:s23] =	ssyncadd.s32 $0xFFFFE000  }
0x9e: {  	[tilespmem:s25], [sflag:$0x1] =	stream.indirect.gather [hbm4b:s4+s26], $0x40, s2, s26, $0xb8;
	v63 =	vld [tilespmem:$0x0]  }
0x9f: {  	_ =	swait.ge [sflag:s23], $0x2000  }
0xa0: {  	[sflag:s23] =	ssyncset.done $0x0  }
.Ltmp6:
0xa1: {  	s28 =	sadd.s32 $0x6400, s28;
	[sflag:s23] =	ssyncadd.s32 $0xFFFFE000;
	(pc) =	sbr.rel .LBB2_15-.Ltmp6, $4  }
0xa2: {  	[spmem:s1] =	stream.indirect.scatter.add.bf16 [tilespmem:s25], [sflag:$0x1], $0x40, s28, s26, $0xb8;
	v63 =	vld [tilespmem:$0x0]  }
0xa3: {  	_ =	swait.ge [sflag:s23], $0x2000  }
0xa4: {  	[sflag:s23] =	ssyncset.done $0x0  }
0xa5: {  	[sflag:s23] =	ssyncadd.s32 $0xFFFFE000  }
.LBB2_12:
0xa6: {  	[tilespmem:s25], [sflag:$0x1] =	stream.indirect.gather [hbm4b:s5+s26], $0x40, s2, s26, $0xb8;
	v63 =	vld [tilespmem:$0x0]  }
0xa7: {  	_ =	swait.ge [sflag:s23], $0x2000  }
0xa8: {  	[sflag:s23] =	ssyncset.done $0x0  }
0xa9: {  	s9 =	simm.s32 $0x6400;
	[sflag:s23] =	ssyncadd.s32 $0xFFFFE000  }
0xaa: {  	[spmem:s1] =	stream.indirect.scatter.add.bf16 [tilespmem:s25], [sflag:$0x1], $0x40, s9, s26, $0xb8;
	v63 =	vld [tilespmem:$0x0]  }
0xab: {  	_ =	swait.ge [sflag:s23], $0x2000  }
0xac: {  	s2 =	simm.s32 $0x400;
	s28 =	simm.s32 $0x80;
	[sflag:s23] =	ssyncset.done $0x0  }
.LBB2_13:
0xad: {  	s7 =	sadd.s32 $0x1400, s28  }
0xae: {  	[sflag:s23] =	ssyncadd.s32 $0xFFFFE000;
	s8 =	smov.u32 s2;
	s9 =	sadd.s32 $0x200, s2  }
0xaf: {  	[tilespmem:s25], [sflag:$0x1] =	stream.indirect.gather [hbm4b:s5+s26], $0x40, s7, s26, $0xb8;
	v63 =	vld [tilespmem:$0x0]  }
0xb0: {  	p1 =	sne.s32 s2, $0x4E00;
	_ =	swait.ge [sflag:s23], $0x2000  }
.Ltmp7:
0xb1: {  	[sflag:s23] =	ssyncset.done $0x0;
	(pc) =	sbr.rel @p1 .LBB2_13-.Ltmp7, $4  }
0xb2: {  	s2 =	sadd.s32 $0x6400, s28;
	[sflag:s23] =	ssyncadd.s32 $0xFFFFE000  }
0xb3: {  	[spmem:s1] =	stream.indirect.scatter.add.bf16 [tilespmem:s25], [sflag:$0x1], $0x40, s2, s26, $0xb8;
	v63 =	vld [tilespmem:$0x0]  }
0xb4: {  	_ =	swait.ge [sflag:s23], $0x2000  }
0xb5: {  	s28 =	sshra.s32 s8, $0x2;
	s2 =	smov.u32 s9;
	[sflag:s23] =	ssyncset.done $0x0  }
0xb6: {  	s2 =	sadd.s32 $0x1400, s28;
	[sflag:s23] =	ssyncadd.s32 $0xFFFFE000  }
0xb7: {  	[tilespmem:s25], [sflag:$0x1] =	stream.indirect.gather [hbm4b:s5+s26], $0x40, s2, s26, $0xb8;
	v63 =	vld [tilespmem:$0x0]  }
0xb8: {  	_ =	swait.ge [sflag:s23], $0x2000  }
0xb9: {  	[sflag:s23] =	ssyncset.done $0x0  }
0xba: {  	s28 =	sadd.s32 $0x6400, s28;
	[sflag:s23] =	ssyncadd.s32 $0xFFFFE000  }
0xbb: {  	[spmem:s1] =	stream.indirect.scatter.add.bf16 [tilespmem:s25], [sflag:$0x1], $0x40, s28, s26, $0xb8;
	v63 =	vld [tilespmem:$0x0]  }
0xbc: {  	_ =	swait.ge [sflag:s23], $0x2000  }
0xbd: {  	[sflag:s23] =	ssyncset.done $0x0  }
0xbe: {  	[sflag:s23] =	ssyncadd.s32 $0xFFFFE000  }
.LBB2_15:
0xbf: {  	[bflag:$0x0] =	sbarrier.arrive $0xFFFF  }
0xc0: {  	[hbm:s16], [sflag:s0] =	dma.local [spmem:s24], $0x1400  }
0xc1: {  	_ =	swait.ge [sflag:s23], $0x1400  }
0xc2: {  	[sflag:s23] =	ssyncset.done $0x0  }
0xc3: {  	s2 =	simm.s32 $0x0;
	[sflag:s23] =	ssyncadd.s32 $0xFFFFEC00  }
0xc4: {  	[tilespmem:s25], [sflag:$0x1] =	stream.linear.gather [hbm4b:s6+s2], $0x2000, $0x38;
	v63 =	vld [tilespmem:$0x0]  }
0xc5: {  	_ =	swait.ge [sflag:s23], $0x2000  }
0xc6: {  	[sflag:s23] =	ssyncset.done $0x0  }
0xc7: {  	[sflag:s23] =	ssyncadd.s32 $0xFFFFE000  }
0xc8: {  	[spmem:s10] =	stream.linear.scatter [tilespmem:s25], [sflag:$0x1], $0x2000, $0x38;
	v63 =	vld [tilespmem:$0x0]  }
0xc9: {  	_ =	swait.ge [sflag:s23], $0x2000  }
0xca: {  	[sflag:s23] =	ssyncset.done $0x0  }
0xcb: {  	[sflag:s23] =	ssyncadd.s32 $0xFFFFE000  }
0xcc: {  	[spmem:s11] =	stream.linear.scatter [tilespmem:s25], [sflag:$0x1], $0x2000, $0x38;
	v63 =	vld [tilespmem:$0x0]  }
0xcd: {  	_ =	swait.ge [sflag:s23], $0x2000  }
0xce: {  	[sflag:s23] =	ssyncset.done $0x0  }
0xcf: {  	[sflag:s23] =	ssyncadd.s32 $0xFFFFE000  }
0xd0: {  	[spmem:s12] =	stream.linear.scatter [tilespmem:s25], [sflag:$0x1], $0x2000, $0x38;
	v63 =	vld [tilespmem:$0x0]  }
0xd1: {  	_ =	swait.ge [sflag:s23], $0x2000  }
0xd2: {  	[sflag:s23] =	ssyncset.done $0x0  }
0xd3: {  	[sflag:s23] =	ssyncadd.s32 $0xFFFFE000  }
0xd4: {  	[spmem:s13] =	stream.linear.scatter [tilespmem:s25], [sflag:$0x1], $0x2000, $0x38;
	v63 =	vld [tilespmem:$0x0]  }
0xd5: {  	_ =	swait.ge [sflag:s23], $0x2000  }
0xd6: {  	[sflag:s23] =	ssyncset.done $0x0  }
0xd7: {  	[sflag:s23] =	ssyncadd.s32 $0xFFFFE000  }
0xd8: {  	[spmem:s14] =	stream.linear.scatter [tilespmem:s25], [sflag:$0x1], $0x2000, $0x38;
	v63 =	vld [tilespmem:$0x0]  }
.Ltmp8:
0xd9: {  	_ =	swait.ge [sflag:s23], $0x2000;
	(pc) =	sbr.rel @p0 .LBB2_19-.Ltmp8, $4  }
0xda: {  	[sflag:s23] =	ssyncset.done $0x0  }
0xdb: {  	[sflag:s23] =	ssyncadd.s32 $0xFFFFE000  }
0xdc: {  	[bflag:$0x0] =	sbarrier.arrive $0xFFFF  }
0xdd: {  	s2 =	simm.s32 $0x2800  }
0xde: {  	[tilespmem:s25], [sflag:$0x1] =	stream.indirect.gather [hbm4b:s4+s26], $0x40, s2, s26, $0xb8;
	v63 =	vld [tilespmem:$0x0]  }
0xdf: {  	_ =	swait.ge [sflag:s23], $0x2000  }
0xe0: {  	[sflag:s23] =	ssyncset.done $0x0  }
0xe1: {  	s9 =	simm.s32 $0x7800;
	[sflag:s23] =	ssyncadd.s32 $0xFFFFE000  }
0xe2: {  	[spmem:s1] =	stream.indirect.scatter.add.bf16 [tilespmem:s25], [sflag:$0x1], $0x40, s9, s26, $0xb8;
	v63 =	vld [tilespmem:$0x0]  }
0xe3: {  	_ =	swait.ge [sflag:s23], $0x2000  }
0xe4: {  	s2 =	simm.s32 $0x400;
	s28 =	simm.s32 $0x80;
	[sflag:s23] =	ssyncset.done $0x0  }
.LBB2_17:
0xe5: {  	s7 =	sadd.s32 $0x2800, s28  }
0xe6: {  	[sflag:s23] =	ssyncadd.s32 $0xFFFFE000;
	s8 =	smov.u32 s2;
	s9 =	sadd.s32 $0x200, s2  }
0xe7: {  	[tilespmem:s25], [sflag:$0x1] =	stream.indirect.gather [hbm4b:s4+s26], $0x40, s7, s26, $0xb8;
	v63 =	vld [tilespmem:$0x0]  }
0xe8: {  	p1 =	seq.s32 s2, $0x4E00;
	_ =	swait.ge [sflag:s23], $0x2000  }
.Ltmp9:
0xe9: {  	[sflag:s23] =	ssyncset.done $0x0;
	(pc) =	sbr.rel @!p1 .LBB2_17-.Ltmp9, $4  }
0xea: {  	s2 =	sadd.s32 $0x7800, s28;
	[sflag:s23] =	ssyncadd.s32 $0xFFFFE000  }
0xeb: {  	[spmem:s1] =	stream.indirect.scatter.add.bf16 [tilespmem:s25], [sflag:$0x1], $0x40, s2, s26, $0xb8;
	v63 =	vld [tilespmem:$0x0]  }
0xec: {  	_ =	swait.ge [sflag:s23], $0x2000  }
0xed: {  	s28 =	sshra.s32 s8, $0x2;
	s2 =	smov.u32 s9;
	[sflag:s23] =	ssyncset.done $0x0  }
0xee: {  	s2 =	sadd.s32 $0x2800, s28;
	[sflag:s23] =	ssyncadd.s32 $0xFFFFE000  }
0xef: {  	[tilespmem:s25], [sflag:$0x1] =	stream.indirect.gather [hbm4b:s4+s26], $0x40, s2, s26, $0xb8;
	v63 =	vld [tilespmem:$0x0]  }
0xf0: {  	_ =	swait.ge [sflag:s23], $0x2000  }
0xf1: {  	[sflag:s23] =	ssyncset.done $0x0  }
.Ltmp10:
0xf2: {  	s28 =	sadd.s32 $0x7800, s28;
	[sflag:s23] =	ssyncadd.s32 $0xFFFFE000;
	(pc) =	sbr.rel .LBB2_22-.Ltmp10, $4  }
0xf3: {  	[spmem:s1] =	stream.indirect.scatter.add.bf16 [tilespmem:s25], [sflag:$0x1], $0x40, s28, s26, $0xb8;
	v63 =	vld [tilespmem:$0x0]  }
0xf4: {  	_ =	swait.ge [sflag:s23], $0x2000  }
0xf5: {  	[sflag:s23] =	ssyncset.done $0x0  }
0xf6: {  	[sflag:s23] =	ssyncadd.s32 $0xFFFFE000  }
.LBB2_19:
0xf7: {  	[tilespmem:s25], [sflag:$0x1] =	stream.indirect.gather [hbm4b:s5+s26], $0x40, s2, s26, $0xb8;
	v63 =	vld [tilespmem:$0x0]  }
0xf8: {  	_ =	swait.ge [sflag:s23], $0x2000  }
0xf9: {  	[sflag:s23] =	ssyncset.done $0x0  }
0xfa: {  	s9 =	simm.s32 $0x7800;
	[sflag:s23] =	ssyncadd.s32 $0xFFFFE000  }
0xfb: {  	[spmem:s1] =	stream.indirect.scatter.add.bf16 [tilespmem:s25], [sflag:$0x1], $0x40, s9, s26, $0xb8;
	v63 =	vld [tilespmem:$0x0]  }
0xfc: {  	_ =	swait.ge [sflag:s23], $0x2000  }
0xfd: {  	s2 =	simm.s32 $0x400;
	s28 =	simm.s32 $0x80;
	[sflag:s23] =	ssyncset.done $0x0  }
.LBB2_20:
0xfe: {  	s7 =	sadd.s32 $0x2800, s28  }
0xff: {  	[sflag:s23] =	ssyncadd.s32 $0xFFFFE000;
	s8 =	smov.u32 s2;
	s9 =	sadd.s32 $0x200, s2  }
0x100: {  	[tilespmem:s25], [sflag:$0x1] =	stream.indirect.gather [hbm4b:s5+s26], $0x40, s7, s26, $0xb8;
	v63 =	vld [tilespmem:$0x0]  }
0x101: {  	p1 =	sne.s32 s2, $0x4E00;
	_ =	swait.ge [sflag:s23], $0x2000  }
.Ltmp11:
0x102: {  	[sflag:s23] =	ssyncset.done $0x0;
	(pc) =	sbr.rel @p1 .LBB2_20-.Ltmp11, $4  }
0x103: {  	s2 =	sadd.s32 $0x7800, s28;
	[sflag:s23] =	ssyncadd.s32 $0xFFFFE000  }
0x104: {  	[spmem:s1] =	stream.indirect.scatter.add.bf16 [tilespmem:s25], [sflag:$0x1], $0x40, s2, s26, $0xb8;
	v63 =	vld [tilespmem:$0x0]  }
0x105: {  	_ =	swait.ge [sflag:s23], $0x2000  }
0x106: {  	s28 =	sshra.s32 s8, $0x2;
	s2 =	smov.u32 s9;
	[sflag:s23] =	ssyncset.done $0x0  }
0x107: {  	s2 =	sadd.s32 $0x2800, s28;
	[sflag:s23] =	ssyncadd.s32 $0xFFFFE000  }
0x108: {  	[tilespmem:s25], [sflag:$0x1] =	stream.indirect.gather [hbm4b:s5+s26], $0x40, s2, s26, $0xb8;
	v63 =	vld [tilespmem:$0x0]  }
0x109: {  	_ =	swait.ge [sflag:s23], $0x2000  }
0x10a: {  	[sflag:s23] =	ssyncset.done $0x0  }
0x10b: {  	s28 =	sadd.s32 $0x7800, s28;
	[sflag:s23] =	ssyncadd.s32 $0xFFFFE000  }
0x10c: {  	[spmem:s1] =	stream.indirect.scatter.add.bf16 [tilespmem:s25], [sflag:$0x1], $0x40, s28, s26, $0xb8;
	v63 =	vld [tilespmem:$0x0]  }
0x10d: {  	_ =	swait.ge [sflag:s23], $0x2000  }
0x10e: {  	[sflag:s23] =	ssyncset.done $0x0  }
0x10f: {  	[sflag:s23] =	ssyncadd.s32 $0xFFFFE000  }
.LBB2_22:
0x110: {  	[bflag:$0x0] =	sbarrier.arrive $0xFFFF  }
0x111: {  	[hbm:s17], [sflag:s0] =	dma.local [spmem:s24], $0x1400  }
0x112: {  	_ =	swait.ge [sflag:s23], $0x1400  }
0x113: {  	[sflag:s23] =	ssyncset.done $0x0  }
0x114: {  	s2 =	simm.s32 $0x0;
	[sflag:s23] =	ssyncadd.s32 $0xFFFFEC00  }
0x115: {  	[tilespmem:s25], [sflag:$0x1] =	stream.linear.gather [hbm4b:s6+s2], $0x2000, $0x38;
	v63 =	vld [tilespmem:$0x0]  }
0x116: {  	_ =	swait.ge [sflag:s23], $0x2000  }
0x117: {  	[sflag:s23] =	ssyncset.done $0x0  }
0x118: {  	[sflag:s23] =	ssyncadd.s32 $0xFFFFE000  }
0x119: {  	[spmem:s10] =	stream.linear.scatter [tilespmem:s25], [sflag:$0x1], $0x2000, $0x38;
	v63 =	vld [tilespmem:$0x0]  }
0x11a: {  	_ =	swait.ge [sflag:s23], $0x2000  }
0x11b: {  	[sflag:s23] =	ssyncset.done $0x0  }
0x11c: {  	[sflag:s23] =	ssyncadd.s32 $0xFFFFE000  }
0x11d: {  	[spmem:s11] =	stream.linear.scatter [tilespmem:s25], [sflag:$0x1], $0x2000, $0x38;
	v63 =	vld [tilespmem:$0x0]  }
0x11e: {  	_ =	swait.ge [sflag:s23], $0x2000  }
0x11f: {  	[sflag:s23] =	ssyncset.done $0x0  }
0x120: {  	[sflag:s23] =	ssyncadd.s32 $0xFFFFE000  }
0x121: {  	[spmem:s12] =	stream.linear.scatter [tilespmem:s25], [sflag:$0x1], $0x2000, $0x38;
	v63 =	vld [tilespmem:$0x0]  }
0x122: {  	_ =	swait.ge [sflag:s23], $0x2000  }
0x123: {  	[sflag:s23] =	ssyncset.done $0x0  }
0x124: {  	[sflag:s23] =	ssyncadd.s32 $0xFFFFE000  }
0x125: {  	[spmem:s13] =	stream.linear.scatter [tilespmem:s25], [sflag:$0x1], $0x2000, $0x38;
	v63 =	vld [tilespmem:$0x0]  }
0x126: {  	_ =	swait.ge [sflag:s23], $0x2000  }
0x127: {  	[sflag:s23] =	ssyncset.done $0x0  }
0x128: {  	[sflag:s23] =	ssyncadd.s32 $0xFFFFE000  }
0x129: {  	[spmem:s14] =	stream.linear.scatter [tilespmem:s25], [sflag:$0x1], $0x2000, $0x38;
	v63 =	vld [tilespmem:$0x0]  }
.Ltmp12:
0x12a: {  	_ =	swait.ge [sflag:s23], $0x2000;
	(pc) =	sbr.rel @p0 .LBB2_26-.Ltmp12, $4  }
0x12b: {  	[sflag:s23] =	ssyncset.done $0x0  }
0x12c: {  	[sflag:s23] =	ssyncadd.s32 $0xFFFFE000  }
0x12d: {  	[bflag:$0x0] =	sbarrier.arrive $0xFFFF  }
0x12e: {  	s2 =	simm.s32 $0x3C00  }
0x12f: {  	[tilespmem:s25], [sflag:$0x1] =	stream.indirect.gather [hbm4b:s4+s26], $0x40, s2, s26, $0xb8;
	v63 =	vld [tilespmem:$0x0]  }
0x130: {  	_ =	swait.ge [sflag:s23], $0x2000  }
0x131: {  	[sflag:s23] =	ssyncset.done $0x0  }
0x132: {  	s9 =	simm.s32 $0x8C00;
	[sflag:s23] =	ssyncadd.s32 $0xFFFFE000  }
0x133: {  	[spmem:s1] =	stream.indirect.scatter.add.bf16 [tilespmem:s25], [sflag:$0x1], $0x40, s9, s26, $0xb8;
	v63 =	vld [tilespmem:$0x0]  }
0x134: {  	_ =	swait.ge [sflag:s23], $0x2000  }
0x135: {  	s2 =	simm.s32 $0x400;
	s28 =	simm.s32 $0x80;
	[sflag:s23] =	ssyncset.done $0x0  }
.LBB2_24:
0x136: {  	s7 =	sadd.s32 $0x3C00, s28  }
0x137: {  	[sflag:s23] =	ssyncadd.s32 $0xFFFFE000;
	s8 =	smov.u32 s2;
	s9 =	sadd.s32 $0x200, s2  }
0x138: {  	[tilespmem:s25], [sflag:$0x1] =	stream.indirect.gather [hbm4b:s4+s26], $0x40, s7, s26, $0xb8;
	v63 =	vld [tilespmem:$0x0]  }
0x139: {  	p1 =	seq.s32 s2, $0x4E00;
	_ =	swait.ge [sflag:s23], $0x2000  }
.Ltmp13:
0x13a: {  	[sflag:s23] =	ssyncset.done $0x0;
	(pc) =	sbr.rel @!p1 .LBB2_24-.Ltmp13, $4  }
0x13b: {  	s2 =	sadd.s32 $0x8C00, s28;
	[sflag:s23] =	ssyncadd.s32 $0xFFFFE000  }
0x13c: {  	[spmem:s1] =	stream.indirect.scatter.add.bf16 [tilespmem:s25], [sflag:$0x1], $0x40, s2, s26, $0xb8;
	v63 =	vld [tilespmem:$0x0]  }
0x13d: {  	_ =	swait.ge [sflag:s23], $0x2000  }
0x13e: {  	s28 =	sshra.s32 s8, $0x2;
	s2 =	smov.u32 s9;
	[sflag:s23] =	ssyncset.done $0x0  }
0x13f: {  	s2 =	sadd.s32 $0x3C00, s28;
	[sflag:s23] =	ssyncadd.s32 $0xFFFFE000  }
0x140: {  	[tilespmem:s25], [sflag:$0x1] =	stream.indirect.gather [hbm4b:s4+s26], $0x40, s2, s26, $0xb8;
	v63 =	vld [tilespmem:$0x0]  }
0x141: {  	_ =	swait.ge [sflag:s23], $0x2000  }
0x142: {  	[sflag:s23] =	ssyncset.done $0x0  }
.Ltmp14:
0x143: {  	s28 =	sadd.s32 $0x8C00, s28;
	[sflag:s23] =	ssyncadd.s32 $0xFFFFE000;
	(pc) =	sbr.rel .LBB2_29-.Ltmp14, $4  }
0x144: {  	[spmem:s1] =	stream.indirect.scatter.add.bf16 [tilespmem:s25], [sflag:$0x1], $0x40, s28, s26, $0xb8;
	v63 =	vld [tilespmem:$0x0]  }
0x145: {  	_ =	swait.ge [sflag:s23], $0x2000  }
0x146: {  	[sflag:s23] =	ssyncset.done $0x0  }
0x147: {  	[sflag:s23] =	ssyncadd.s32 $0xFFFFE000  }
.LBB2_26:
0x148: {  	[tilespmem:s25], [sflag:$0x1] =	stream.indirect.gather [hbm4b:s5+s26], $0x40, s2, s26, $0xb8;
	v63 =	vld [tilespmem:$0x0]  }
0x149: {  	_ =	swait.ge [sflag:s23], $0x2000  }
0x14a: {  	[sflag:s23] =	ssyncset.done $0x0  }
0x14b: {  	s9 =	simm.s32 $0x8C00;
	[sflag:s23] =	ssyncadd.s32 $0xFFFFE000  }
0x14c: {  	[spmem:s1] =	stream.indirect.scatter.add.bf16 [tilespmem:s25], [sflag:$0x1], $0x40, s9, s26, $0xb8;
	v63 =	vld [tilespmem:$0x0]  }
0x14d: {  	_ =	swait.ge [sflag:s23], $0x2000  }
0x14e: {  	s2 =	simm.s32 $0x400;
	s28 =	simm.s32 $0x80;
	[sflag:s23] =	ssyncset.done $0x0  }
.LBB2_27:
0x14f: {  	s7 =	sadd.s32 $0x3C00, s28  }
0x150: {  	[sflag:s23] =	ssyncadd.s32 $0xFFFFE000;
	s8 =	smov.u32 s2;
	s9 =	sadd.s32 $0x200, s2  }
0x151: {  	[tilespmem:s25], [sflag:$0x1] =	stream.indirect.gather [hbm4b:s5+s26], $0x40, s7, s26, $0xb8;
	v63 =	vld [tilespmem:$0x0]  }
0x152: {  	p1 =	sne.s32 s2, $0x4E00;
	_ =	swait.ge [sflag:s23], $0x2000  }
.Ltmp15:
0x153: {  	[sflag:s23] =	ssyncset.done $0x0;
	(pc) =	sbr.rel @p1 .LBB2_27-.Ltmp15, $4  }
0x154: {  	s2 =	sadd.s32 $0x8C00, s28;
	[sflag:s23] =	ssyncadd.s32 $0xFFFFE000  }
0x155: {  	[spmem:s1] =	stream.indirect.scatter.add.bf16 [tilespmem:s25], [sflag:$0x1], $0x40, s2, s26, $0xb8;
	v63 =	vld [tilespmem:$0x0]  }
0x156: {  	_ =	swait.ge [sflag:s23], $0x2000  }
0x157: {  	s28 =	sshra.s32 s8, $0x2;
	s2 =	smov.u32 s9;
	[sflag:s23] =	ssyncset.done $0x0  }
0x158: {  	s2 =	sadd.s32 $0x3C00, s28;
	[sflag:s23] =	ssyncadd.s32 $0xFFFFE000  }
0x159: {  	[tilespmem:s25], [sflag:$0x1] =	stream.indirect.gather [hbm4b:s5+s26], $0x40, s2, s26, $0xb8;
	v63 =	vld [tilespmem:$0x0]  }
0x15a: {  	_ =	swait.ge [sflag:s23], $0x2000  }
0x15b: {  	[sflag:s23] =	ssyncset.done $0x0  }
0x15c: {  	s28 =	sadd.s32 $0x8C00, s28;
	[sflag:s23] =	ssyncadd.s32 $0xFFFFE000  }
0x15d: {  	[spmem:s1] =	stream.indirect.scatter.add.bf16 [tilespmem:s25], [sflag:$0x1], $0x40, s28, s26, $0xb8;
	v63 =	vld [tilespmem:$0x0]  }
0x15e: {  	_ =	swait.ge [sflag:s23], $0x2000  }
0x15f: {  	[sflag:s23] =	ssyncset.done $0x0  }
0x160: {  	[sflag:s23] =	ssyncadd.s32 $0xFFFFE000  }
.LBB2_29:
0x161: {  	[bflag:$0x0] =	sbarrier.arrive $0xFFFF  }
0x162: {  	[hbm:s18], [sflag:s0] =	dma.local [spmem:s24], $0x1400  }
0x163: {  	_ =	swait.ge [sflag:s23], $0x1400  }
0x164: {  	[sflag:s23] =	ssyncset.done $0x0  }
0x165: {  	s9 =	simm.s32 $0x16000;
	[sflag:s23] =	ssyncadd.s32 $0xFFFFEC00  }
0x166: {  	[tilespmem:s9], [sflag:$0x1] =	stream.linear.gather [hbm4b:s19+s3], $0x5000, $0x38;
	v63 =	vld [tilespmem:$0x0]  }
0x167: {  	_ =	swait.ge [sflag:s23], $0x5000  }
0x168: {  	[sflag:s23] =	ssyncset.done $0x0  }
0x169: {  	[sflag:s23] =	ssyncadd.s32 $0xFFFFB000  }
0x16a: {  	[tilespmem:s29], [sflag:$0x1] =	stream.linear.gather [hbm4b:s20+s3], $0x2800, $0x38;
	v63 =	vld [tilespmem:$0x0]  }
0x16b: {  	_ =	swait.ge [sflag:s23], $0x2800  }
0x16c: {  	[sflag:s23] =	ssyncset.done $0x0  }
0x16d: {  	s24 =	rddreg [dreg:$0x3];
	[sflag:s23] =	ssyncadd.s32 $0xFFFFD800  }
0x16e: {  	[tilespmem:s30], [sflag:$0x1] =	stream.linear.gather [hbm4b:s24+s3], $0x2800, $0x38;
	v63 =	vld [tilespmem:$0x0]  }
0x16f: {  	_ =	swait.ge [sflag:s23], $0x2800  }
0x170: {  	s28 =	simm.s32 $0x20;
	[sflag:s23] =	ssyncset.done $0x0  }
0x171: {  	s0 =	simm.s32 $0xFFFFFFFC;
	s24 =	simm.s32 $0x16020;
	[sflag:s23] =	ssyncadd.s32 $0xFFFFD800  }
.LBB2_30:
0x172: {  	v0 =	vld [tilespmem:s24+$0xFFFFFFE0];
	_ =	sdelay $0x4  }
0x173: {  	v1 =	vld [tilespmem:s28+$0xFFFFFFE0];
	_ =	sdelay $0x2  }
0x174: {  	v0 =	vld.idx.msk [tilespmem:v0+s29+$0x0], $0xffff;
	_ =	sdelay $0x4  }
0x175: {  	[tilespmem:v1+s30+$0x0] =	vst.idx.add.f32.msk $0xffff, v0  }
0x176: {  	v0 =	vld [tilespmem:s24+$0xFFFFFFF0];
	_ =	sdelay $0x4  }
0x177: {  	v1 =	vld [tilespmem:s28+$0xFFFFFFF0];
	_ =	sdelay $0x2  }
0x178: {  	v0 =	vld.idx.msk [tilespmem:v0+s29+$0x0], $0xffff;
	_ =	sdelay $0x4  }
0x179: {  	[tilespmem:v1+s30+$0x0] =	vst.idx.add.f32.msk $0xffff, v0  }
0x17a: {  	v0 =	vld [tilespmem:s24+$0x0];
	_ =	sdelay $0x4  }
0x17b: {  	v1 =	vld [tilespmem:s28+$0x0];
	_ =	sdelay $0x2  }
0x17c: {  	v0 =	vld.idx.msk [tilespmem:v0+s29+$0x0], $0xffff;
	_ =	sdelay $0x4  }
0x17d: {  	[tilespmem:v1+s30+$0x0] =	vst.idx.add.f32.msk $0xffff, v0  }
0x17e: {  	v0 =	vld [tilespmem:s24+$0x10];
	_ =	sdelay $0x4  }
0x17f: {  	v1 =	vld [tilespmem:s28+$0x10];
	_ =	sdelay $0x1  }
0x180: {  	s0 =	sadd.s32 $0x4, s0  }
0x181: {  	p1 =	slt.u32 s0, $0x4FC;
	v0 =	vld.idx.msk [tilespmem:v0+s29+$0x0], $0xffff  }
.Ltmp16:
0x182: {  	_ = 	snop;
	(pc) =	sbr.rel @p1 .LBB2_30-.Ltmp16, $2  }
0x183: {  	_ =	sdelay $0x2  }
0x184: {  	s24 =	sadd.s32 $0x40, s24;
	s28 =	sadd.s32 $0x40, s28;
	[tilespmem:v1+s30+$0x0] =	vst.idx.add.f32.msk $0xffff, v0  }
0x185: {  	s31 =	sadd.s32 $0x1, s31  }
0x186: {  	p1 =	sne.s32 s31, s22  }
.Ltmp17:
0x187: {  	_ = 	snop;
	(pc) =	sbr.rel @p1 .LBB2_1-.Ltmp17, $4  }
0x188: {  	[hbm4b:s21+s3] =	stream.linear.scatter [tilespmem:s30], [sflag:$0x1], $0x2800, $0x38;
	v63 =	vld [tilespmem:$0x0]  }
0x189: {  	_ =	swait.ge [sflag:s23], $0x2800  }
0x18a: {  	[sflag:s23] =	ssyncset.done $0x0  }
0x18b: {  	[sflag:s23] =	ssyncadd.s32 $0xFFFFD800  }
0x18c: {  	_ =	sfence.sel $0x180000  }
0x18d: {  	[bflag:$0x0] =	sbarrier.arrive $0xFFFF  }
0x18e: {  	_ =	strace $0x9000004A  }
0x18f: {  	s0 =	stileid.u32;
	[bflag:$0x2] =	sbarrier.arrive $0xFFFF  }
0x190: {  	p0 =	sne.s32 s0, $0x0;
	s0 =	rddreg [dreg:$0x2]  }
0x191: {  	s0 =	sadd.s32 @!p0 $0x100000, s0  }
0x192: {  	[sflag:s0] =	ssyncadd.tile.s32 @!p0 $0x1;
	_ =	shalt  }
.Lfunc_end2:
_tile_overlayer_lowered:
.L_overlay_start_2:
0x193: {  	(tag) =	ssettag $0x2  }
0x194: {  	s0 =	rddreg [dreg:$0x0];
	s2 =	stileid.u32  }
0x195: {  	s1 =	rddreg [dreg:$0x1];
	p0 =	sne.s32 s2, $0x0  }
0x196: {  	s3 =	rddreg [dreg:$0x2];
	[bflag:$0x3] =	sbarrier.arrive $0xFFFF;
	s2 =	simm.s32 @!p0 $0x1C01  }
0x197: {  	[timem:s3], [sflag:s2] =	dma.local @!p0 [hbm:s0], s1  }
0x198: {  	s0 =	simm.s32 @!p0 $0x1  }
0x199: {  	_ =	swait.ge @!p0 [sflag:s0], s1  }
0x19a: {  	s1 =	ssub.s32 @!p0 $0x0, s1;
	[sflag:s0] =	ssyncset.done @!p0 $0x0  }
0x19b: {  	[sflag:s0] =	ssyncadd.s32 @!p0 s1  }
0x19c: {  	[bflag:$0x3] =	sbarrier.arrive $0xFFFF  }
0x19d: {  	_ =	shalt  }

// kernel: kernel.15.cloned.1.call-start
scs
__scs_entry_jumppad:
0x0: {  	(pc) =	sbr.rel $0x88, $3  }
0x1: {  	(tag) =	ssettag $0x0;
	lr =	simm.s32 $0x1  }
0x2: {  	[smem:$0x3F95] =	sst lr;
	_ =	strace $0xD0000000  }
0x3: {  	_ = 	snop  }
0x4: {  	_ = 	snop  }
0x5: {  	_ = 	snop  }
0x6: {  	_ = 	snop  }
0x7: {  	_ = 	snop  }
__scs_overlays_trampoline_lowered:
0x8: {  	[smem:$0x3FA4] =	sst s0  }
0x9: {  	[smem:$0x3FA5] =	sst s1  }
0xa: {  	[smem:$0x3FA6] =	sst s2  }
0xb: {  	[smem:$0x3FA7] =	sst s3  }
0xc: {  	[smem:$0x3FA8] =	sst s4  }
0xd: {  	[smem:$0x3FA9] =	sst s5  }
0xe: {  	[smem:$0x3FAA] =	sst s6  }
0xf: {  	[smem:$0x3FAB] =	sst s7  }
0x10: {  	[smem:$0x3FAC] =	sst s8  }
0x11: {  	[smem:$0x3FAD] =	sst s9;
	s0 =	simm.s32 @!p0 $0x0  }
0x12: {  	s1 =	sld [smem:$0x3F93];
	s0 =	simm.s32 @p0 $0x1  }
0x13: {  	[smem:$0x3FAE] =	sst s0;
	s0 =	simm.s32 @!p1 $0x0  }
0x14: {  	s2 =	sld [smem:$0x3F92];
	s0 =	simm.s32 @p1 $0x1  }
0x15: {  	[smem:$0x3FAF] =	sst s0;
	s0 =	simm.s32 @!p2 $0x0  }
0x16: {  	s3 =	sld [smem:$0x3FDB];
	s0 =	simm.s32 @p2 $0x1  }
0x17: {  	s4 =	simm.s32 $0x1BF5;
	[smem:$0x3FB1] =	sst s0  }
0x18: {  	s0 =	sld [smem:$0x3F94];
	_ =	swait.ge [sflag:s4], $0x0  }
0x19: {  	s7 =	sld [smem:$0x3F95]  }
0x1a: {  	s8 =	sadd.s32 $0xFFFFE003, lr  }
0x1b: {  	s9 =	sadd.s32 $0xFFFFFEF7, lr;
	s5 =	simm.s32 $0xFFFFFFFF;
	p2 =	slt.u32 s8, $0xFFFFF086  }
0x1c: {  	p1 =	slt.u32 s9, $0xF7A;
	s5 =	simm.s32 @!p2 $0x0  }
0x1d: {  	s5 =	simm.s32 @p1 $0x1;
	p0 =	seq.s32 s7, s2  }
0x1e: {  	s7 =	smul.u32 @!p0 $0xF7A, s2;
	p2 =	seq.s32 @!p0 s5, $0x0  }
0x1f: {  	s9 =	smul.u32 $0xF7A, s1;
	s8 =	simm.s32 @!p0 $0x1BF5;
	p2 =	por !p2, p0  }
0x20: {  	[sflag:s8] =	ssyncset.s32 @!p0 $0xFFFFF086;
	s6 =	sadd.s32 @!p0 s3, s7;
	s7 =	simm.s32 @!p0 $0x108  }
0x21: {  	s3 =	sadd.s32 s3, s9;
	s6 =	sadd.s32 @!p0 $0x88, s6;
	s7 =	simm.s32 @p2 $0x1082  }
0x22: {  	[simem:s7], [sflag:s8] =	dma.local @!p0 [hbm:s6], $0xF7A  }
0x23: {  	s9 =	sor.u32 $0xD0000000, s2;
	s6 =	simm.s32 $0x108;
	_ =	swait.ge @!p0 [sflag:s8], $0x0  }
0x24: {  	s3 =	sadd.s32 $0x88, s3;
	s6 =	simm.s32 @!p1 $0x1082;
	[sflag:s4] =	ssyncset.s32 $0xFFFFF086  }
0x25: {  	[simem:s6], [sflag:s4] =	dma.local [hbm:s3], $0xF7A  }
0x26: {  	[smem:$0x3F95] =	sst s1;
	(tag) =	ssettag s2;
	_ =	strace s9  }
0x27: {  	s1 =	sld [smem:$0x3FA5]  }
0x28: {  	s2 =	sld [smem:$0x3FA6]  }
0x29: {  	s4 =	sld [smem:$0x3FA8]  }
0x2a: {  	p0 =	seq.s32 s5, $0x0;
	s5 =	sld [smem:$0x3FA9]  }
0x2b: {  	s6 =	sld [smem:$0x3FAA]  }
0x2c: {  	s7 =	sld [smem:$0x3FAB]  }
0x2d: {  	s3 =	simm.s32 $0x108;
	s8 =	sld [smem:$0x3FAC]  }
0x2e: {  	s3 =	simm.s32 @!p0 $0x1082;
	s9 =	sld [smem:$0x3FAD]  }
0x2f: {  	lr =	sadd.s32 s0, s3;
	s0 =	sld [smem:$0x3FA4]  }
0x30: {  	s3 =	sld [smem:$0x3FA7]  }
0x31: {  	[smem:$0x3FB0] =	sst s10  }
0x32: {  	s10 =	sld [smem:$0x3FAE];
	_ =	sdelay $0x3  }
0x33: {  	p0 =	seq.s32 s10, $0x1;
	s10 =	sld [smem:$0x3FB0];
	_ =	sdelay $0x3  }
0x34: {  	[smem:$0x3FB0] =	sst s10  }
0x35: {  	s10 =	sld [smem:$0x3FAF];
	_ =	sdelay $0x3  }
0x36: {  	p1 =	seq.s32 s10, $0x1;
	s10 =	sld [smem:$0x3FB0];
	_ =	sdelay $0x3  }
0x37: {  	[smem:$0x3FB0] =	sst s10  }
0x38: {  	s10 =	sld [smem:$0x3FB1]  }
0x39: {  	_ = 	snop;
	(pc) =	sbr.ind lr, $3  }
0x3a: {  	_ = 	snop  }
0x3b: {  	_ = 	snop  }
0x3c: {  	p2 =	seq.s32 s10, $0x1;
	s10 =	sld [smem:$0x3FB0]  }
0x3d: {  	_ =	shalt  }
0x3e: {  	_ =	shalt  }
0x3f: {  	_ =	shalt  }
0x40: {  	_ =	shalt  }
0x41: {  	_ =	shalt  }
0x42: {  	_ =	shalt  }
0x43: {  	_ =	shalt  }
0x44: {  	_ =	shalt  }
0x45: {  	_ =	shalt  }
0x46: {  	_ =	shalt  }
0x47: {  	_ =	shalt  }
0x48: {  	_ =	shalt  }
0x49: {  	_ =	shalt  }
0x4a: {  	_ =	shalt  }
0x4b: {  	_ =	shalt  }
0x4c: {  	_ =	shalt  }
0x4d: {  	_ =	shalt  }
0x4e: {  	_ =	shalt  }
0x4f: {  	_ =	shalt  }
0x50: {  	_ =	shalt  }
0x51: {  	_ =	shalt  }
0x52: {  	_ =	shalt  }
0x53: {  	_ =	shalt  }
0x54: {  	_ =	shalt  }
0x55: {  	_ =	shalt  }
0x56: {  	_ =	shalt  }
0x57: {  	_ =	shalt  }
0x58: {  	_ =	shalt  }
0x59: {  	_ =	shalt  }
0x5a: {  	_ =	shalt  }
0x5b: {  	_ =	shalt  }
0x5c: {  	_ =	shalt  }
0x5d: {  	_ =	shalt  }
0x5e: {  	_ =	shalt  }
0x5f: {  	_ =	shalt  }
0x60: {  	_ =	shalt  }
0x61: {  	_ =	shalt  }
0x62: {  	_ =	shalt  }
0x63: {  	_ =	shalt  }
0x64: {  	_ =	shalt  }
0x65: {  	_ =	shalt  }
0x66: {  	_ =	shalt  }
0x67: {  	_ =	shalt  }
0x68: {  	_ =	shalt  }
0x69: {  	_ =	shalt  }
0x6a: {  	_ =	shalt  }
0x6b: {  	_ =	shalt  }
0x6c: {  	_ =	shalt  }
0x6d: {  	_ =	shalt  }
0x6e: {  	_ =	shalt  }
0x6f: {  	_ =	shalt  }
0x70: {  	_ =	shalt  }
0x71: {  	_ =	shalt  }
0x72: {  	_ =	shalt  }
0x73: {  	_ =	shalt  }
0x74: {  	_ =	shalt  }
0x75: {  	_ =	shalt  }
0x76: {  	_ =	shalt  }
0x77: {  	_ =	shalt  }
0x78: {  	_ =	shalt  }
0x79: {  	_ =	shalt  }
0x7a: {  	_ =	shalt  }
0x7b: {  	_ =	shalt  }
0x7c: {  	_ =	shalt  }
0x7d: {  	_ =	shalt  }
0x7e: {  	_ =	shalt  }
0x7f: {  	_ =	shalt  }
0x80: {  	_ =	shalt  }
0x81: {  	_ =	shalt  }
0x82: {  	_ =	shalt  }
0x83: {  	_ =	shalt  }
0x84: {  	_ =	shalt  }
0x85: {  	_ =	shalt  }
0x86: {  	_ =	shalt  }
0x87: {  	_ =	shalt  }
.Lfunc_end0:
.L_simem_size_0:
called_computation.2_lowered:
.L_overlay_start_0:
0x88: {  	s2 =	sld [smem:$0x3FD9]  }
0x89: {  	s3 =	sld [smem:$0x3FFE];
	_ =	sdelay $0x1  }
0x8a: {  	s1 =	srdreg.scid  }
0x8b: {  	s0 =	sand.u32 $0x1, s1  }
0x8c: {  	s16 =	sshll.u32 s0, $0xA;
	s2 =	sadd.s32 s3, s2  }
0x8d: {  	s2 =	sadd.s32 s2, s16  }
0x8e: {  	[smem:$0x3FBC] =	sst s2  }
0x8f: {  	_ = 	snop  }
0x90: {  	(tm) =	ssettm $0x1  }
0x91: {  	s17 =	sld [smem:$0x3FFB];
	_ =	sdelay $0x3  }
0x92: {  	_ =	strace s17  }
0x93: {  	s2 =	sld [smem:$0x3FFC];
	_ =	sdelay $0x3  }
0x94: {  	_ =	strace s2  }
0x95: {  	s2 =	sld [smem:$0x3FFD];
	_ =	sdelay $0x3  }
0x96: {  	_ =	strace s2  }
0x97: {  	_ =	strace $0x8FFFFFFF  }
0x98: {  	s18 =	sld [smem:$0x3FDB];
	_ =	sdelay $0x1  }
0x99: {  	s19 =	simm.s32 $_scs_section_size  }
0x9a: {  	s4 =	simm.s32 $_size__tile_overlayer_lowered;
	s5 =	simm.s32 $_tile_overlayer_lowered  }
0x9b: {  	s22 =	simm.s32 $0x1BFF;
	s21 =	sshll.u32 s5, $0x1;
	s2 =	sadd.s32 s19, s18  }
0x9c: {  	s6 =	simm.s32 $0x0;
	s20 =	sshll.u32 s4, $0x1;
	s4 =	sadd.s32 s21, s2  }
0x9d: {  	[timem:s6], [sflag:s22] =	dma.local [hbm:s4], s20  }
0x9e: {  	_ =	swait.ge [sflag:s22], s20  }
0x9f: {  	s3 =	ssub.s32 $0x0, s20;
	[sflag:s22] =	ssyncset.done $0x0  }
0xa0: {  	[sflag:s22] =	ssyncadd.s32 s3;
	_ =	sdelay $0x1  }
0xa1: {  	s23 =	simm.s32 $0x1B8B  }
0xa2: {  	_ =	swait.ge [sflag:s23], $0x1  }
0xa3: {  	[sflag:s23] =	ssyncset.done $0x0  }
0xa4: {  	s25 =	simm.s32 $0x1B8E;
	s24 =	sld [smem:$0x3FFE];
	[sflag:s23] =	ssyncadd.s32 $0xFFFFFFFF  }
0xa5: {  	s26 =	simm.s32 $execute0_lowered;
	[smem:$0x3FD2] =	sst s25  }
0xa6: {  	s4 =	sshll.u32 s26, $0x1;
	_ =	strace $0x8000004C;
	[dreg:$0x1] =	wrdreg $0xFFFFFFFF  }
0xa7: {  	s28 =	simm.s32 $_size_execute0_lowered;
	s2 =	sadd.s32 s2, s4;
	[dreg:$0x0] =	wrdreg $0x0  }
0xa8: {  	s4 =	sshll.u32 s28, $0x1;
	[dreg:$0x2] =	wrdreg s2  }
0xa9: {  	[dreg:$0x3] =	wrdreg s4  }
0xaa: {  	[dreg:$0x4] =	wrdreg $0xC0  }
0xab: {  	_ =	task [dreg:s6], $0x5FFFF  }
0xac: {  	[dreg:$0x1] =	wrdreg $0xFFFFFFFF  }
0xad: {  	[dreg:$0x0] =	wrdreg $0x60  }
0xae: {  	[dreg:$0x2] =	wrdreg s24  }
0xaf: {  	[dreg:$0x3] =	wrdreg $0xC0000  }
0xb0: {  	[dreg:$0x4] =	wrdreg $0x9  }
0xb1: {  	_ =	task.clear_ibuf [dreg:s6], $0x5FFFF;
	_ =	strace $0x9000004C  }
0xb2: {  	s29 =	simm.s32 $0x9;
	_ =	strace $0x8000004E  }
0xb3: {  	_ =	swait.ge [sflag:s29], $0x1  }
0xb4: {  	[sflag:s29] =	ssyncadd.s32 $0xFFFFFFFF  }
0xb5: {  	_ =	strace $0x9000004E  }
0xb6: {  	_ =	sfence  }
0xb7: {  	s30 =	sld [smem:$0x0];
	_ =	sdelay $0x2  }
0xb8: {  	s31 =	sshll.u32 s1, $0xD;
	s1 =	sshrl.u32 s1, $0x2  }
0xb9: {  	s3 =	sand.u32 $0x4000, s31;
	s1 =	sadd.s32 s1, s30  }
0xba: {  	s0 =	sor.u32 s3, s0;
	s1 =	sshll.u32 s1, $0x11  }
0xbb: {  	s0 =	sor.u32 s1, s0  }
0xbc: {  	s0 =	sadd.s32 $0x8F2B, s0  }
0xbd: {  	[sflag:s0] =	ssyncadd.remote.s32 $0x1  }
0xbe: {  	_ =	sfence.sel $0xFFFF  }
0xbf: {  	[dreg:$0x0] =	wrdreg $0xFFFFFFFF;
	(pc) =	sbr.abs _section_cstart, $3  }
0xc0: {  	[dreg:$0x1] =	wrdreg $0xFFFFFFFF  }
0xc1: {  	_ =	task.clear_ibuf [dreg:s6], $0x2FFFF;
	_ =	strace $0x9FFFFFFF  }
0xc2: {  	(tm) =	ssettm $0x7FFFFFFF  }
0xc3: {  	_ =	shalt  }
tec
execute0_lowered:
.L_overlay_start_1:
0x0: {  	(tag) =	ssettag $0x1  }
0x1: {  	s7 =	rddreg [dreg:$0x0]  }
0x2: {  	s0 =	srdreg.scid;
	s1 =	stileid.u32  }
0x3: {  	s2 =	rddreg [dreg:$0x1];
	s3 =	simm.s32 $0x0;
	s5 =	smul.u32 $0x5000, s1  }
0x4: {  	s20 =	simm.s32 $0x5000;
	s21 =	simm.s32 $0xA000;
	s8 =	smul.u32 $0x14000, s1  }
0x5: {  	s22 =	simm.s32 $0x80;
	s19 =	sand.u32 $0x1, s0;
	s13 =	smul.u32 $0x28000, s1  }
0x6: {  	s23 =	simm.s32 $0x0;
	[smem:$0x7FF] =	sst s3;
	s4 =	smul.u32 $0x50000, s19  }
0x7: {  	s0 =	rddreg [dreg:$0x2];
	_ =	strace $0x8000004D;
	s9 =	smul.u32 $0x140000, s19  }
0x8: {  	s29 =	ssub.s32 $0x2, s19;
	p0 =	sne.s32 s19, $0x0;
	s19 =	simm.s32 $0x1  }
0x9: {  	s12 =	sshrl.u32 s29, $0x1;
	s30 =	sshrl.u32 s8, $0x1;
	s31 =	sshrl.u32 s13, $0x2  }
0xa: {  	s6 =	sadd.s32 s5, s4;
	s4 =	sadd.s32 $0x4B800, s7;
	s5 =	sadd.s32 $0x4E00, s7  }
0xb: {  	s28 =	sadd.s32 s8, s9;
	s18 =	ssub.s32 s29, s12;
	s9 =	sadd.s32 s30, s2  }
0xc: {  	s13 =	sadd.s32 s31, s2;
	s6 =	sshrl.u32 s6, $0x3;
	s11 =	sshrl.u32 s28, $0x4  }
.Ltmp0:
0xd: {  	s12 =	sadd.s32 $0x6000, s13;
	s18 =	smax.u32 s18, $0x1;
	(pc) =	sbr.rel .LBB2_1-.Ltmp0, $4  }
0xe: {  	s10 =	sadd.s32 s6, s7;
	s6 =	sadd.s32 $0x37400, s7;
	s17 =	sadd.s32 s11, s7  }
0xf: {  	s11 =	sadd.s32 $0x4000, s13;
	s7 =	sadd.s32 $0x23400, s10;
	s8 =	sadd.s32 $0x37800, s10  }
0x10: {  	s10 =	sadd.s32 $0x2000, s13;
	s13 =	sadd.s32 $0x8000, s13;
	s14 =	sadd.s32 $0xAF800, s17  }
0x11: {  	s15 =	sadd.s32 $0x87800, s17;
	s16 =	sadd.s32 $0x5F800, s17;
	s17 =	sadd.s32 $0xD7800, s17  }
.LBB2_28:
0x12: {  	s28 =	sadd.s32 $0x3C00, s26;
	[sflag:s19] =	ssyncadd.s32 $0xFFFFE000  }
0x13: {  	[tilespmem:s21], [sflag:$0x1] =	stream.indirect.gather [hbm4b:s5+s22], $0x40, s28, s22, $0xb8;
	[tilespmem:$0x16000] =	vst v63  }
0x14: {  	_ =	swait.ge [sflag:s19], $0x2000  }
0x15: {  	[sflag:s19] =	ssyncset.done $0x0  }
0x16: {  	s31 =	sadd.s32 $0x8C00, s26;
	[sflag:s19] =	ssyncadd.s32 $0xFFFFE000  }
0x17: {  	[spmem:s2] =	stream.indirect.scatter.add.bf16 [tilespmem:s21], [sflag:$0x1], $0x40, s31, s22, $0xb8;
	[tilespmem:$0x16000] =	vst v63  }
0x18: {  	_ =	swait.ge [sflag:s19], $0x2000  }
0x19: {  	[sflag:s19] =	ssyncset.done $0x0  }
0x1a: {  	[sflag:s19] =	ssyncadd.s32 $0xFFFFE000  }
.LBB2_29:
0x1b: {  	s23 =	sadd.s32 $0x1, s23  }
0x1c: {  	p1 =	sne.s32 s23, s18  }
.Ltmp1:
0x1d: {  	[bflag:$0x0] =	sbarrier.arrive $0xFFFF;
	(pc) =	sbr.rel @!p1 .LBB2_30-.Ltmp1, $4  }
0x1e: {  	[hbm:s17], [sflag:s24] =	dma.local [spmem:s25], $0x1400  }
0x1f: {  	_ =	swait.ge [sflag:s19], $0x1400  }
0x20: {  	[sflag:s19] =	ssyncset.done $0x0  }
0x21: {  	[sflag:s19] =	ssyncadd.s32 $0xFFFFEC00  }
.LBB2_1:
0x22: {  	[tilespmem:s3], [sflag:$0x1] =	stream.linear.gather [hbm4b:s7+s3], $0x5000, $0x38;
	[tilespmem:$0x16000] =	vst v63  }
0x23: {  	_ =	swait.ge [sflag:s19], $0x5000  }
0x24: {  	[sflag:s19] =	ssyncset.done $0x0  }
0x25: {  	[sflag:s19] =	ssyncadd.s32 $0xFFFFB000  }
0x26: {  	[tilespmem:s20], [sflag:$0x1] =	stream.linear.gather [hbm4b:s8+s3], $0x5000, $0x38;
	[tilespmem:$0x16000] =	vst v63  }
0x27: {  	_ =	swait.ge [sflag:s19], $0x5000  }
0x28: {  	[sflag:s19] =	ssyncset.done $0x0  }
0x29: {  	[sflag:s19] =	ssyncadd.s32 $0xFFFFB000  }
0x2a: {  	[tilespmem:s21], [sflag:$0x1] =	stream.linear.gather [hbm4b:s6+s3], $0x2000, $0x38;
	[tilespmem:$0x16000] =	vst v63  }
0x2b: {  	_ =	swait.ge [sflag:s19], $0x2000  }
0x2c: {  	[sflag:s19] =	ssyncset.done $0x0  }
0x2d: {  	[sflag:s19] =	ssyncadd.s32 $0xFFFFE000  }
0x2e: {  	[spmem:s9] =	stream.linear.scatter [tilespmem:s21], [sflag:$0x1], $0x2000, $0x38;
	[tilespmem:$0x16000] =	vst v63  }
0x2f: {  	_ =	swait.ge [sflag:s19], $0x2000  }
0x30: {  	[sflag:s19] =	ssyncset.done $0x0  }
0x31: {  	[sflag:s19] =	ssyncadd.s32 $0xFFFFE000  }
0x32: {  	[spmem:s10] =	stream.linear.scatter [tilespmem:s21], [sflag:$0x1], $0x2000, $0x38;
	[tilespmem:$0x16000] =	vst v63  }
0x33: {  	_ =	swait.ge [sflag:s19], $0x2000  }
0x34: {  	[sflag:s19] =	ssyncset.done $0x0  }
0x35: {  	[sflag:s19] =	ssyncadd.s32 $0xFFFFE000  }
0x36: {  	[spmem:s11] =	stream.linear.scatter [tilespmem:s21], [sflag:$0x1], $0x2000, $0x38;
	[tilespmem:$0x16000] =	vst v63  }
0x37: {  	_ =	swait.ge [sflag:s19], $0x2000  }
0x38: {  	[sflag:s19] =	ssyncset.done $0x0  }
0x39: {  	[sflag:s19] =	ssyncadd.s32 $0xFFFFE000  }
0x3a: {  	[spmem:s12] =	stream.linear.scatter [tilespmem:s21], [sflag:$0x1], $0x2000, $0x38;
	[tilespmem:$0x16000] =	vst v63  }
0x3b: {  	_ =	swait.ge [sflag:s19], $0x2000  }
0x3c: {  	[sflag:s19] =	ssyncset.done $0x0  }
0x3d: {  	[sflag:s19] =	ssyncadd.s32 $0xFFFFE000  }
0x3e: {  	[spmem:s13] =	stream.linear.scatter [tilespmem:s21], [sflag:$0x1], $0x2000, $0x38;
	[tilespmem:$0x16000] =	vst v63  }
.Ltmp2:
0x3f: {  	_ =	swait.ge [sflag:s19], $0x2000;
	(pc) =	sbr.rel @p0 .LBB2_5-.Ltmp2, $4  }
0x40: {  	[sflag:s19] =	ssyncset.done $0x0  }
0x41: {  	[sflag:s19] =	ssyncadd.s32 $0xFFFFE000  }
0x42: {  	[bflag:$0x0] =	sbarrier.arrive $0xFFFF  }
0x43: {  	s24 =	simm.s32 $0x0  }
0x44: {  	[tilespmem:s21], [sflag:$0x1] =	stream.indirect.gather [hbm4b:s4+s22], $0x40, s24, s22, $0xb8;
	[tilespmem:$0x16000] =	vst v63  }
0x45: {  	_ =	swait.ge [sflag:s19], $0x2000  }
0x46: {  	[sflag:s19] =	ssyncset.done $0x0  }
0x47: {  	s31 =	simm.s32 $0x5000;
	[sflag:s19] =	ssyncadd.s32 $0xFFFFE000  }
0x48: {  	[spmem:s2] =	stream.indirect.scatter.add.bf16 [tilespmem:s21], [sflag:$0x1], $0x40, s31, s22, $0xb8;
	[tilespmem:$0x16000] =	vst v63  }
0x49: {  	_ =	swait.ge [sflag:s19], $0x2000  }
0x4a: {  	s24 =	simm.s32 $0x200;
	s25 =	simm.s32 $0x400;
	[sflag:s19] =	ssyncset.done $0x0  }
.LBB2_3:
0x4b: {  	s26 =	sshra.s32 s24, $0x2  }
0x4c: {  	[sflag:s19] =	ssyncadd.s32 $0xFFFFE000;
	s24 =	smov.u32 s25;
	s28 =	sadd.s32 $0x200, s25  }
0x4d: {  	[tilespmem:s21], [sflag:$0x1] =	stream.indirect.gather [hbm4b:s4+s22], $0x40, s26, s22, $0xb8;
	[tilespmem:$0x16000] =	vst v63  }
0x4e: {  	p1 =	seq.s32 s25, $0x4E00;
	_ =	swait.ge [sflag:s19], $0x2000  }
.Ltmp3:
0x4f: {  	[sflag:s19] =	ssyncset.done $0x0;
	(pc) =	sbr.rel @!p1 .LBB2_3-.Ltmp3, $4  }
0x50: {  	s25 =	sadd.s32 $0x5000, s26;
	[sflag:s19] =	ssyncadd.s32 $0xFFFFE000  }
0x51: {  	[spmem:s2] =	stream.indirect.scatter.add.bf16 [tilespmem:s21], [sflag:$0x1], $0x40, s25, s22, $0xb8;
	[tilespmem:$0x16000] =	vst v63  }
0x52: {  	_ =	swait.ge [sflag:s19], $0x2000  }
0x53: {  	s25 =	smov.u32 s28;
	[sflag:s19] =	ssyncset.done $0x0  }
0x54: {  	s24 =	sshra.s32 s24, $0x2;
	[sflag:s19] =	ssyncadd.s32 $0xFFFFE000  }
0x55: {  	[tilespmem:s21], [sflag:$0x1] =	stream.indirect.gather [hbm4b:s4+s22], $0x40, s24, s22, $0xb8;
	[tilespmem:$0x16000] =	vst v63  }
0x56: {  	_ =	swait.ge [sflag:s19], $0x2000  }
0x57: {  	[sflag:s19] =	ssyncset.done $0x0  }
.Ltmp4:
0x58: {  	s24 =	sadd.s32 $0x5000, s24;
	[sflag:s19] =	ssyncadd.s32 $0xFFFFE000;
	(pc) =	sbr.rel .LBB2_8-.Ltmp4, $4  }
0x59: {  	[spmem:s2] =	stream.indirect.scatter.add.bf16 [tilespmem:s21], [sflag:$0x1], $0x40, s24, s22, $0xb8;
	[tilespmem:$0x16000] =	vst v63  }
0x5a: {  	_ =	swait.ge [sflag:s19], $0x2000  }
0x5b: {  	[sflag:s19] =	ssyncset.done $0x0  }
0x5c: {  	[sflag:s19] =	ssyncadd.s32 $0xFFFFE000  }
.LBB2_5:
0x5d: {  	[tilespmem:s21], [sflag:$0x1] =	stream.indirect.gather [hbm4b:s5+s22], $0x40, s24, s22, $0xb8;
	[tilespmem:$0x16000] =	vst v63  }
0x5e: {  	_ =	swait.ge [sflag:s19], $0x2000  }
0x5f: {  	[sflag:s19] =	ssyncset.done $0x0  }
0x60: {  	s31 =	simm.s32 $0x5000;
	[sflag:s19] =	ssyncadd.s32 $0xFFFFE000  }
0x61: {  	[spmem:s2] =	stream.indirect.scatter.add.bf16 [tilespmem:s21], [sflag:$0x1], $0x40, s31, s22, $0xb8;
	[tilespmem:$0x16000] =	vst v63  }
0x62: {  	_ =	swait.ge [sflag:s19], $0x2000  }
0x63: {  	s24 =	simm.s32 $0x200;
	s25 =	simm.s32 $0x400;
	[sflag:s19] =	ssyncset.done $0x0  }
.LBB2_6:
0x64: {  	s26 =	sshra.s32 s24, $0x2  }
0x65: {  	[sflag:s19] =	ssyncadd.s32 $0xFFFFE000;
	s24 =	smov.u32 s25;
	s28 =	sadd.s32 $0x200, s25  }
0x66: {  	[tilespmem:s21], [sflag:$0x1] =	stream.indirect.gather [hbm4b:s5+s22], $0x40, s26, s22, $0xb8;
	[tilespmem:$0x16000] =	vst v63  }
0x67: {  	p1 =	sne.s32 s25, $0x4E00;
	_ =	swait.ge [sflag:s19], $0x2000  }
.Ltmp5:
0x68: {  	[sflag:s19] =	ssyncset.done $0x0;
	(pc) =	sbr.rel @p1 .LBB2_6-.Ltmp5, $4  }
0x69: {  	s25 =	sadd.s32 $0x5000, s26;
	[sflag:s19] =	ssyncadd.s32 $0xFFFFE000  }
0x6a: {  	[spmem:s2] =	stream.indirect.scatter.add.bf16 [tilespmem:s21], [sflag:$0x1], $0x40, s25, s22, $0xb8;
	[tilespmem:$0x16000] =	vst v63  }
0x6b: {  	_ =	swait.ge [sflag:s19], $0x2000  }
0x6c: {  	s25 =	smov.u32 s28;
	[sflag:s19] =	ssyncset.done $0x0  }
0x6d: {  	s24 =	sshra.s32 s24, $0x2;
	[sflag:s19] =	ssyncadd.s32 $0xFFFFE000  }
0x6e: {  	[tilespmem:s21], [sflag:$0x1] =	stream.indirect.gather [hbm4b:s5+s22], $0x40, s24, s22, $0xb8;
	[tilespmem:$0x16000] =	vst v63  }
0x6f: {  	_ =	swait.ge [sflag:s19], $0x2000  }
0x70: {  	[sflag:s19] =	ssyncset.done $0x0  }
0x71: {  	s24 =	sadd.s32 $0x5000, s24;
	[sflag:s19] =	ssyncadd.s32 $0xFFFFE000  }
0x72: {  	[spmem:s2] =	stream.indirect.scatter.add.bf16 [tilespmem:s21], [sflag:$0x1], $0x40, s24, s22, $0xb8;
	[tilespmem:$0x16000] =	vst v63  }
0x73: {  	_ =	swait.ge [sflag:s19], $0x2000  }
0x74: {  	[sflag:s19] =	ssyncset.done $0x0  }
0x75: {  	[sflag:s19] =	ssyncadd.s32 $0xFFFFE000  }
.LBB2_8:
0x76: {  	s24 =	sshll.u32 s1, $0x6  }
0x77: {  	[bflag:$0x0] =	sbarrier.arrive $0xFFFF;
	s25 =	sshrl.u32 s9, $0x3;
	s24 =	sor.u32 $0x1C01, s24  }
0x78: {  	[hbm:s14], [sflag:s24] =	dma.local [spmem:s25], $0x1400  }
0x79: {  	_ =	swait.ge [sflag:s19], $0x1400  }
0x7a: {  	[sflag:s19] =	ssyncset.done $0x0  }
0x7b: {  	s26 =	simm.s32 $0x0;
	[sflag:s19] =	ssyncadd.s32 $0xFFFFEC00  }
0x7c: {  	[tilespmem:s21], [sflag:$0x1] =	stream.linear.gather [hbm4b:s6+s26], $0x2000, $0x38;
	[tilespmem:$0x16000] =	vst v63  }
0x7d: {  	_ =	swait.ge [sflag:s19], $0x2000  }
0x7e: {  	[sflag:s19] =	ssyncset.done $0x0  }
0x7f: {  	[sflag:s19] =	ssyncadd.s32 $0xFFFFE000  }
0x80: {  	[spmem:s9] =	stream.linear.scatter [tilespmem:s21], [sflag:$0x1], $0x2000, $0x38;
	[tilespmem:$0x16000] =	vst v63  }
0x81: {  	_ =	swait.ge [sflag:s19], $0x2000  }
0x82: {  	[sflag:s19] =	ssyncset.done $0x0  }
0x83: {  	[sflag:s19] =	ssyncadd.s32 $0xFFFFE000  }
0x84: {  	[spmem:s10] =	stream.linear.scatter [tilespmem:s21], [sflag:$0x1], $0x2000, $0x38;
	[tilespmem:$0x16000] =	vst v63  }
0x85: {  	_ =	swait.ge [sflag:s19], $0x2000  }
0x86: {  	[sflag:s19] =	ssyncset.done $0x0  }
0x87: {  	[sflag:s19] =	ssyncadd.s32 $0xFFFFE000  }
0x88: {  	[spmem:s11] =	stream.linear.scatter [tilespmem:s21], [sflag:$0x1], $0x2000, $0x38;
	[tilespmem:$0x16000] =	vst v63  }
0x89: {  	_ =	swait.ge [sflag:s19], $0x2000  }
0x8a: {  	[sflag:s19] =	ssyncset.done $0x0  }
0x8b: {  	[sflag:s19] =	ssyncadd.s32 $0xFFFFE000  }
0x8c: {  	[spmem:s12] =	stream.linear.scatter [tilespmem:s21], [sflag:$0x1], $0x2000, $0x38;
	[tilespmem:$0x16000] =	vst v63  }
0x8d: {  	_ =	swait.ge [sflag:s19], $0x2000  }
0x8e: {  	[sflag:s19] =	ssyncset.done $0x0  }
0x8f: {  	[sflag:s19] =	ssyncadd.s32 $0xFFFFE000  }
0x90: {  	[spmem:s13] =	stream.linear.scatter [tilespmem:s21], [sflag:$0x1], $0x2000, $0x38;
	[tilespmem:$0x16000] =	vst v63  }
.Ltmp6:
0x91: {  	_ =	swait.ge [sflag:s19], $0x2000;
	(pc) =	sbr.rel @p0 .LBB2_12-.Ltmp6, $4  }
0x92: {  	[sflag:s19] =	ssyncset.done $0x0  }
0x93: {  	[sflag:s19] =	ssyncadd.s32 $0xFFFFE000  }
0x94: {  	[bflag:$0x0] =	sbarrier.arrive $0xFFFF  }
0x95: {  	s26 =	simm.s32 $0x1400  }
0x96: {  	[tilespmem:s21], [sflag:$0x1] =	stream.indirect.gather [hbm4b:s4+s22], $0x40, s26, s22, $0xb8;
	[tilespmem:$0x16000] =	vst v63  }
0x97: {  	_ =	swait.ge [sflag:s19], $0x2000  }
0x98: {  	[sflag:s19] =	ssyncset.done $0x0  }
0x99: {  	s31 =	simm.s32 $0x6400;
	[sflag:s19] =	ssyncadd.s32 $0xFFFFE000  }
0x9a: {  	[spmem:s2] =	stream.indirect.scatter.add.bf16 [tilespmem:s21], [sflag:$0x1], $0x40, s31, s22, $0xb8;
	[tilespmem:$0x16000] =	vst v63  }
0x9b: {  	_ =	swait.ge [sflag:s19], $0x2000  }
0x9c: {  	s28 =	simm.s32 $0x400;
	s26 =	simm.s32 $0x80;
	[sflag:s19] =	ssyncset.done $0x0  }
.LBB2_10:
0x9d: {  	s29 =	sadd.s32 $0x1400, s26  }
0x9e: {  	[sflag:s19] =	ssyncadd.s32 $0xFFFFE000;
	s30 =	smov.u32 s28;
	s31 =	sadd.s32 $0x200, s28  }
0x9f: {  	[tilespmem:s21], [sflag:$0x1] =	stream.indirect.gather [hbm4b:s4+s22], $0x40, s29, s22, $0xb8;
	[tilespmem:$0x16000] =	vst v63  }
0xa0: {  	p1 =	seq.s32 s28, $0x4E00;
	_ =	swait.ge [sflag:s19], $0x2000  }
.Ltmp7:
0xa1: {  	[sflag:s19] =	ssyncset.done $0x0;
	(pc) =	sbr.rel @!p1 .LBB2_10-.Ltmp7, $4  }
0xa2: {  	s26 =	sadd.s32 $0x6400, s26;
	[sflag:s19] =	ssyncadd.s32 $0xFFFFE000  }
0xa3: {  	[spmem:s2] =	stream.indirect.scatter.add.bf16 [tilespmem:s21], [sflag:$0x1], $0x40, s26, s22, $0xb8;
	[tilespmem:$0x16000] =	vst v63  }
0xa4: {  	_ =	swait.ge [sflag:s19], $0x2000  }
0xa5: {  	s28 =	smov.u32 s31;
	s26 =	sshra.s32 s30, $0x2;
	[sflag:s19] =	ssyncset.done $0x0  }
0xa6: {  	s28 =	sadd.s32 $0x1400, s26;
	[sflag:s19] =	ssyncadd.s32 $0xFFFFE000  }
0xa7: {  	[tilespmem:s21], [sflag:$0x1] =	stream.indirect.gather [hbm4b:s4+s22], $0x40, s28, s22, $0xb8;
	[tilespmem:$0x16000] =	vst v63  }
0xa8: {  	_ =	swait.ge [sflag:s19], $0x2000  }
0xa9: {  	[sflag:s19] =	ssyncset.done $0x0  }
.Ltmp8:
0xaa: {  	s31 =	sadd.s32 $0x6400, s26;
	[sflag:s19] =	ssyncadd.s32 $0xFFFFE000;
	(pc) =	sbr.rel .LBB2_15-.Ltmp8, $4  }
0xab: {  	[spmem:s2] =	stream.indirect.scatter.add.bf16 [tilespmem:s21], [sflag:$0x1], $0x40, s31, s22, $0xb8;
	[tilespmem:$0x16000] =	vst v63  }
0xac: {  	_ =	swait.ge [sflag:s19], $0x2000  }
0xad: {  	[sflag:s19] =	ssyncset.done $0x0  }
0xae: {  	[sflag:s19] =	ssyncadd.s32 $0xFFFFE000  }
.LBB2_12:
0xaf: {  	[tilespmem:s21], [sflag:$0x1] =	stream.indirect.gather [hbm4b:s5+s22], $0x40, s26, s22, $0xb8;
	[tilespmem:$0x16000] =	vst v63  }
0xb0: {  	_ =	swait.ge [sflag:s19], $0x2000  }
0xb1: {  	[sflag:s19] =	ssyncset.done $0x0  }
0xb2: {  	s31 =	simm.s32 $0x6400;
	[sflag:s19] =	ssyncadd.s32 $0xFFFFE000  }
0xb3: {  	[spmem:s2] =	stream.indirect.scatter.add.bf16 [tilespmem:s21], [sflag:$0x1], $0x40, s31, s22, $0xb8;
	[tilespmem:$0x16000] =	vst v63  }
0xb4: {  	_ =	swait.ge [sflag:s19], $0x2000  }
0xb5: {  	s28 =	simm.s32 $0x400;
	s26 =	simm.s32 $0x80;
	[sflag:s19] =	ssyncset.done $0x0  }
.LBB2_13:
0xb6: {  	s29 =	sadd.s32 $0x1400, s26  }
0xb7: {  	[sflag:s19] =	ssyncadd.s32 $0xFFFFE000;
	s30 =	smov.u32 s28;
	s31 =	sadd.s32 $0x200, s28  }
0xb8: {  	[tilespmem:s21], [sflag:$0x1] =	stream.indirect.gather [hbm4b:s5+s22], $0x40, s29, s22, $0xb8;
	[tilespmem:$0x16000] =	vst v63  }
0xb9: {  	p1 =	sne.s32 s28, $0x4E00;
	_ =	swait.ge [sflag:s19], $0x2000  }
.Ltmp9:
0xba: {  	[sflag:s19] =	ssyncset.done $0x0;
	(pc) =	sbr.rel @p1 .LBB2_13-.Ltmp9, $4  }
0xbb: {  	s26 =	sadd.s32 $0x6400, s26;
	[sflag:s19] =	ssyncadd.s32 $0xFFFFE000  }
0xbc: {  	[spmem:s2] =	stream.indirect.scatter.add.bf16 [tilespmem:s21], [sflag:$0x1], $0x40, s26, s22, $0xb8;
	[tilespmem:$0x16000] =	vst v63  }
0xbd: {  	_ =	swait.ge [sflag:s19], $0x2000  }
0xbe: {  	s28 =	smov.u32 s31;
	s26 =	sshra.s32 s30, $0x2;
	[sflag:s19] =	ssyncset.done $0x0  }
0xbf: {  	s28 =	sadd.s32 $0x1400, s26;
	[sflag:s19] =	ssyncadd.s32 $0xFFFFE000  }
0xc0: {  	[tilespmem:s21], [sflag:$0x1] =	stream.indirect.gather [hbm4b:s5+s22], $0x40, s28, s22, $0xb8;
	[tilespmem:$0x16000] =	vst v63  }
0xc1: {  	_ =	swait.ge [sflag:s19], $0x2000  }
0xc2: {  	[sflag:s19] =	ssyncset.done $0x0  }
0xc3: {  	s31 =	sadd.s32 $0x6400, s26;
	[sflag:s19] =	ssyncadd.s32 $0xFFFFE000  }
0xc4: {  	[spmem:s2] =	stream.indirect.scatter.add.bf16 [tilespmem:s21], [sflag:$0x1], $0x40, s31, s22, $0xb8;
	[tilespmem:$0x16000] =	vst v63  }
0xc5: {  	_ =	swait.ge [sflag:s19], $0x2000  }
0xc6: {  	[sflag:s19] =	ssyncset.done $0x0  }
0xc7: {  	[sflag:s19] =	ssyncadd.s32 $0xFFFFE000  }
.LBB2_15:
0xc8: {  	[bflag:$0x0] =	sbarrier.arrive $0xFFFF  }
0xc9: {  	[hbm:s15], [sflag:s24] =	dma.local [spmem:s25], $0x1400  }
0xca: {  	_ =	swait.ge [sflag:s19], $0x1400  }
0xcb: {  	[sflag:s19] =	ssyncset.done $0x0  }
0xcc: {  	s26 =	simm.s32 $0x0;
	[sflag:s19] =	ssyncadd.s32 $0xFFFFEC00  }
0xcd: {  	[tilespmem:s21], [sflag:$0x1] =	stream.linear.gather [hbm4b:s6+s26], $0x2000, $0x38;
	[tilespmem:$0x16000] =	vst v63  }
0xce: {  	_ =	swait.ge [sflag:s19], $0x2000  }
0xcf: {  	[sflag:s19] =	ssyncset.done $0x0  }
0xd0: {  	[sflag:s19] =	ssyncadd.s32 $0xFFFFE000  }
0xd1: {  	[spmem:s9] =	stream.linear.scatter [tilespmem:s21], [sflag:$0x1], $0x2000, $0x38;
	[tilespmem:$0x16000] =	vst v63  }
0xd2: {  	_ =	swait.ge [sflag:s19], $0x2000  }
0xd3: {  	[sflag:s19] =	ssyncset.done $0x0  }
0xd4: {  	[sflag:s19] =	ssyncadd.s32 $0xFFFFE000  }
0xd5: {  	[spmem:s10] =	stream.linear.scatter [tilespmem:s21], [sflag:$0x1], $0x2000, $0x38;
	[tilespmem:$0x16000] =	vst v63  }
0xd6: {  	_ =	swait.ge [sflag:s19], $0x2000  }
0xd7: {  	[sflag:s19] =	ssyncset.done $0x0  }
0xd8: {  	[sflag:s19] =	ssyncadd.s32 $0xFFFFE000  }
0xd9: {  	[spmem:s11] =	stream.linear.scatter [tilespmem:s21], [sflag:$0x1], $0x2000, $0x38;
	[tilespmem:$0x16000] =	vst v63  }
0xda: {  	_ =	swait.ge [sflag:s19], $0x2000  }
0xdb: {  	[sflag:s19] =	ssyncset.done $0x0  }
0xdc: {  	[sflag:s19] =	ssyncadd.s32 $0xFFFFE000  }
0xdd: {  	[spmem:s12] =	stream.linear.scatter [tilespmem:s21], [sflag:$0x1], $0x2000, $0x38;
	[tilespmem:$0x16000] =	vst v63  }
0xde: {  	_ =	swait.ge [sflag:s19], $0x2000  }
0xdf: {  	[sflag:s19] =	ssyncset.done $0x0  }
0xe0: {  	[sflag:s19] =	ssyncadd.s32 $0xFFFFE000  }
0xe1: {  	[spmem:s13] =	stream.linear.scatter [tilespmem:s21], [sflag:$0x1], $0x2000, $0x38;
	[tilespmem:$0x16000] =	vst v63  }
.Ltmp10:
0xe2: {  	_ =	swait.ge [sflag:s19], $0x2000;
	(pc) =	sbr.rel @p0 .LBB2_19-.Ltmp10, $4  }
0xe3: {  	[sflag:s19] =	ssyncset.done $0x0  }
0xe4: {  	[sflag:s19] =	ssyncadd.s32 $0xFFFFE000  }
0xe5: {  	[bflag:$0x0] =	sbarrier.arrive $0xFFFF  }
0xe6: {  	s26 =	simm.s32 $0x2800  }
0xe7: {  	[tilespmem:s21], [sflag:$0x1] =	stream.indirect.gather [hbm4b:s4+s22], $0x40, s26, s22, $0xb8;
	[tilespmem:$0x16000] =	vst v63  }
0xe8: {  	_ =	swait.ge [sflag:s19], $0x2000  }
0xe9: {  	[sflag:s19] =	ssyncset.done $0x0  }
0xea: {  	s31 =	simm.s32 $0x7800;
	[sflag:s19] =	ssyncadd.s32 $0xFFFFE000  }
0xeb: {  	[spmem:s2] =	stream.indirect.scatter.add.bf16 [tilespmem:s21], [sflag:$0x1], $0x40, s31, s22, $0xb8;
	[tilespmem:$0x16000] =	vst v63  }
0xec: {  	_ =	swait.ge [sflag:s19], $0x2000  }
0xed: {  	s28 =	simm.s32 $0x400;
	s26 =	simm.s32 $0x80;
	[sflag:s19] =	ssyncset.done $0x0  }
.LBB2_17:
0xee: {  	s29 =	sadd.s32 $0x2800, s26  }
0xef: {  	[sflag:s19] =	ssyncadd.s32 $0xFFFFE000;
	s30 =	smov.u32 s28;
	s31 =	sadd.s32 $0x200, s28  }
0xf0: {  	[tilespmem:s21], [sflag:$0x1] =	stream.indirect.gather [hbm4b:s4+s22], $0x40, s29, s22, $0xb8;
	[tilespmem:$0x16000] =	vst v63  }
0xf1: {  	p1 =	seq.s32 s28, $0x4E00;
	_ =	swait.ge [sflag:s19], $0x2000  }
.Ltmp11:
0xf2: {  	[sflag:s19] =	ssyncset.done $0x0;
	(pc) =	sbr.rel @!p1 .LBB2_17-.Ltmp11, $4  }
0xf3: {  	s26 =	sadd.s32 $0x7800, s26;
	[sflag:s19] =	ssyncadd.s32 $0xFFFFE000  }
0xf4: {  	[spmem:s2] =	stream.indirect.scatter.add.bf16 [tilespmem:s21], [sflag:$0x1], $0x40, s26, s22, $0xb8;
	[tilespmem:$0x16000] =	vst v63  }
0xf5: {  	_ =	swait.ge [sflag:s19], $0x2000  }
0xf6: {  	s28 =	smov.u32 s31;
	s26 =	sshra.s32 s30, $0x2;
	[sflag:s19] =	ssyncset.done $0x0  }
0xf7: {  	s28 =	sadd.s32 $0x2800, s26;
	[sflag:s19] =	ssyncadd.s32 $0xFFFFE000  }
0xf8: {  	[tilespmem:s21], [sflag:$0x1] =	stream.indirect.gather [hbm4b:s4+s22], $0x40, s28, s22, $0xb8;
	[tilespmem:$0x16000] =	vst v63  }
0xf9: {  	_ =	swait.ge [sflag:s19], $0x2000  }
0xfa: {  	[sflag:s19] =	ssyncset.done $0x0  }
.Ltmp12:
0xfb: {  	s31 =	sadd.s32 $0x7800, s26;
	[sflag:s19] =	ssyncadd.s32 $0xFFFFE000;
	(pc) =	sbr.rel .LBB2_22-.Ltmp12, $4  }
0xfc: {  	[spmem:s2] =	stream.indirect.scatter.add.bf16 [tilespmem:s21], [sflag:$0x1], $0x40, s31, s22, $0xb8;
	[tilespmem:$0x16000] =	vst v63  }
0xfd: {  	_ =	swait.ge [sflag:s19], $0x2000  }
0xfe: {  	[sflag:s19] =	ssyncset.done $0x0  }
0xff: {  	[sflag:s19] =	ssyncadd.s32 $0xFFFFE000  }
.LBB2_19:
0x100: {  	[tilespmem:s21], [sflag:$0x1] =	stream.indirect.gather [hbm4b:s5+s22], $0x40, s26, s22, $0xb8;
	[tilespmem:$0x16000] =	vst v63  }
0x101: {  	_ =	swait.ge [sflag:s19], $0x2000  }
0x102: {  	[sflag:s19] =	ssyncset.done $0x0  }
0x103: {  	s31 =	simm.s32 $0x7800;
	[sflag:s19] =	ssyncadd.s32 $0xFFFFE000  }
0x104: {  	[spmem:s2] =	stream.indirect.scatter.add.bf16 [tilespmem:s21], [sflag:$0x1], $0x40, s31, s22, $0xb8;
	[tilespmem:$0x16000] =	vst v63  }
0x105: {  	_ =	swait.ge [sflag:s19], $0x2000  }
0x106: {  	s28 =	simm.s32 $0x400;
	s26 =	simm.s32 $0x80;
	[sflag:s19] =	ssyncset.done $0x0  }
.LBB2_20:
0x107: {  	s29 =	sadd.s32 $0x2800, s26  }
0x108: {  	[sflag:s19] =	ssyncadd.s32 $0xFFFFE000;
	s30 =	smov.u32 s28;
	s31 =	sadd.s32 $0x200, s28  }
0x109: {  	[tilespmem:s21], [sflag:$0x1] =	stream.indirect.gather [hbm4b:s5+s22], $0x40, s29, s22, $0xb8;
	[tilespmem:$0x16000] =	vst v63  }
0x10a: {  	p1 =	sne.s32 s28, $0x4E00;
	_ =	swait.ge [sflag:s19], $0x2000  }
.Ltmp13:
0x10b: {  	[sflag:s19] =	ssyncset.done $0x0;
	(pc) =	sbr.rel @p1 .LBB2_20-.Ltmp13, $4  }
0x10c: {  	s26 =	sadd.s32 $0x7800, s26;
	[sflag:s19] =	ssyncadd.s32 $0xFFFFE000  }
0x10d: {  	[spmem:s2] =	stream.indirect.scatter.add.bf16 [tilespmem:s21], [sflag:$0x1], $0x40, s26, s22, $0xb8;
	[tilespmem:$0x16000] =	vst v63  }
0x10e: {  	_ =	swait.ge [sflag:s19], $0x2000  }
0x10f: {  	s28 =	smov.u32 s31;
	s26 =	sshra.s32 s30, $0x2;
	[sflag:s19] =	ssyncset.done $0x0  }
0x110: {  	s28 =	sadd.s32 $0x2800, s26;
	[sflag:s19] =	ssyncadd.s32 $0xFFFFE000  }
0x111: {  	[tilespmem:s21], [sflag:$0x1] =	stream.indirect.gather [hbm4b:s5+s22], $0x40, s28, s22, $0xb8;
	[tilespmem:$0x16000] =	vst v63  }
0x112: {  	_ =	swait.ge [sflag:s19], $0x2000  }
0x113: {  	[sflag:s19] =	ssyncset.done $0x0  }
0x114: {  	s31 =	sadd.s32 $0x7800, s26;
	[sflag:s19] =	ssyncadd.s32 $0xFFFFE000  }
0x115: {  	[spmem:s2] =	stream.indirect.scatter.add.bf16 [tilespmem:s21], [sflag:$0x1], $0x40, s31, s22, $0xb8;
	[tilespmem:$0x16000] =	vst v63  }
0x116: {  	_ =	swait.ge [sflag:s19], $0x2000  }
0x117: {  	[sflag:s19] =	ssyncset.done $0x0  }
0x118: {  	[sflag:s19] =	ssyncadd.s32 $0xFFFFE000  }
.LBB2_22:
0x119: {  	[bflag:$0x0] =	sbarrier.arrive $0xFFFF  }
0x11a: {  	[hbm:s16], [sflag:s24] =	dma.local [spmem:s25], $0x1400  }
0x11b: {  	_ =	swait.ge [sflag:s19], $0x1400  }
0x11c: {  	[sflag:s19] =	ssyncset.done $0x0  }
0x11d: {  	s26 =	simm.s32 $0x0;
	[sflag:s19] =	ssyncadd.s32 $0xFFFFEC00  }
0x11e: {  	[tilespmem:s21], [sflag:$0x1] =	stream.linear.gather [hbm4b:s6+s26], $0x2000, $0x38;
	[tilespmem:$0x16000] =	vst v63  }
0x11f: {  	_ =	swait.ge [sflag:s19], $0x2000  }
0x120: {  	[sflag:s19] =	ssyncset.done $0x0  }
0x121: {  	[sflag:s19] =	ssyncadd.s32 $0xFFFFE000  }
0x122: {  	[spmem:s9] =	stream.linear.scatter [tilespmem:s21], [sflag:$0x1], $0x2000, $0x38;
	[tilespmem:$0x16000] =	vst v63  }
0x123: {  	_ =	swait.ge [sflag:s19], $0x2000  }
0x124: {  	[sflag:s19] =	ssyncset.done $0x0  }
0x125: {  	[sflag:s19] =	ssyncadd.s32 $0xFFFFE000  }
0x126: {  	[spmem:s10] =	stream.linear.scatter [tilespmem:s21], [sflag:$0x1], $0x2000, $0x38;
	[tilespmem:$0x16000] =	vst v63  }
0x127: {  	_ =	swait.ge [sflag:s19], $0x2000  }
0x128: {  	[sflag:s19] =	ssyncset.done $0x0  }
0x129: {  	[sflag:s19] =	ssyncadd.s32 $0xFFFFE000  }
0x12a: {  	[spmem:s11] =	stream.linear.scatter [tilespmem:s21], [sflag:$0x1], $0x2000, $0x38;
	[tilespmem:$0x16000] =	vst v63  }
0x12b: {  	_ =	swait.ge [sflag:s19], $0x2000  }
0x12c: {  	[sflag:s19] =	ssyncset.done $0x0  }
0x12d: {  	[sflag:s19] =	ssyncadd.s32 $0xFFFFE000  }
0x12e: {  	[spmem:s12] =	stream.linear.scatter [tilespmem:s21], [sflag:$0x1], $0x2000, $0x38;
	[tilespmem:$0x16000] =	vst v63  }
0x12f: {  	_ =	swait.ge [sflag:s19], $0x2000  }
0x130: {  	[sflag:s19] =	ssyncset.done $0x0  }
0x131: {  	[sflag:s19] =	ssyncadd.s32 $0xFFFFE000  }
0x132: {  	[spmem:s13] =	stream.linear.scatter [tilespmem:s21], [sflag:$0x1], $0x2000, $0x38;
	[tilespmem:$0x16000] =	vst v63  }
.Ltmp14:
0x133: {  	_ =	swait.ge [sflag:s19], $0x2000;
	(pc) =	sbr.rel @p0 .LBB2_26-.Ltmp14, $4  }
0x134: {  	[sflag:s19] =	ssyncset.done $0x0  }
0x135: {  	[sflag:s19] =	ssyncadd.s32 $0xFFFFE000  }
0x136: {  	[bflag:$0x0] =	sbarrier.arrive $0xFFFF  }
0x137: {  	s26 =	simm.s32 $0x3C00  }
0x138: {  	[tilespmem:s21], [sflag:$0x1] =	stream.indirect.gather [hbm4b:s4+s22], $0x40, s26, s22, $0xb8;
	[tilespmem:$0x16000] =	vst v63  }
0x139: {  	_ =	swait.ge [sflag:s19], $0x2000  }
0x13a: {  	[sflag:s19] =	ssyncset.done $0x0  }
0x13b: {  	s31 =	simm.s32 $0x8C00;
	[sflag:s19] =	ssyncadd.s32 $0xFFFFE000  }
0x13c: {  	[spmem:s2] =	stream.indirect.scatter.add.bf16 [tilespmem:s21], [sflag:$0x1], $0x40, s31, s22, $0xb8;
	[tilespmem:$0x16000] =	vst v63  }
0x13d: {  	_ =	swait.ge [sflag:s19], $0x2000  }
0x13e: {  	s28 =	simm.s32 $0x400;
	s26 =	simm.s32 $0x80;
	[sflag:s19] =	ssyncset.done $0x0  }
.LBB2_24:
0x13f: {  	s29 =	sadd.s32 $0x3C00, s26  }
0x140: {  	[sflag:s19] =	ssyncadd.s32 $0xFFFFE000;
	s30 =	smov.u32 s28;
	s31 =	sadd.s32 $0x200, s28  }
0x141: {  	[tilespmem:s21], [sflag:$0x1] =	stream.indirect.gather [hbm4b:s4+s22], $0x40, s29, s22, $0xb8;
	[tilespmem:$0x16000] =	vst v63  }
0x142: {  	p1 =	seq.s32 s28, $0x4E00;
	_ =	swait.ge [sflag:s19], $0x2000  }
.Ltmp15:
0x143: {  	[sflag:s19] =	ssyncset.done $0x0;
	(pc) =	sbr.rel @!p1 .LBB2_24-.Ltmp15, $4  }
0x144: {  	s26 =	sadd.s32 $0x8C00, s26;
	[sflag:s19] =	ssyncadd.s32 $0xFFFFE000  }
0x145: {  	[spmem:s2] =	stream.indirect.scatter.add.bf16 [tilespmem:s21], [sflag:$0x1], $0x40, s26, s22, $0xb8;
	[tilespmem:$0x16000] =	vst v63  }
0x146: {  	_ =	swait.ge [sflag:s19], $0x2000  }
0x147: {  	s28 =	smov.u32 s31;
	s26 =	sshra.s32 s30, $0x2;
	[sflag:s19] =	ssyncset.done $0x0  }
0x148: {  	s28 =	sadd.s32 $0x3C00, s26;
	[sflag:s19] =	ssyncadd.s32 $0xFFFFE000  }
0x149: {  	[tilespmem:s21], [sflag:$0x1] =	stream.indirect.gather [hbm4b:s4+s22], $0x40, s28, s22, $0xb8;
	[tilespmem:$0x16000] =	vst v63  }
0x14a: {  	_ =	swait.ge [sflag:s19], $0x2000  }
0x14b: {  	[sflag:s19] =	ssyncset.done $0x0  }
.Ltmp16:
0x14c: {  	s31 =	sadd.s32 $0x8C00, s26;
	[sflag:s19] =	ssyncadd.s32 $0xFFFFE000;
	(pc) =	sbr.rel .LBB2_29-.Ltmp16, $4  }
0x14d: {  	[spmem:s2] =	stream.indirect.scatter.add.bf16 [tilespmem:s21], [sflag:$0x1], $0x40, s31, s22, $0xb8;
	[tilespmem:$0x16000] =	vst v63  }
0x14e: {  	_ =	swait.ge [sflag:s19], $0x2000  }
0x14f: {  	[sflag:s19] =	ssyncset.done $0x0  }
0x150: {  	[sflag:s19] =	ssyncadd.s32 $0xFFFFE000  }
.LBB2_26:
0x151: {  	[tilespmem:s21], [sflag:$0x1] =	stream.indirect.gather [hbm4b:s5+s22], $0x40, s26, s22, $0xb8;
	[tilespmem:$0x16000] =	vst v63  }
0x152: {  	_ =	swait.ge [sflag:s19], $0x2000  }
0x153: {  	[sflag:s19] =	ssyncset.done $0x0  }
0x154: {  	s31 =	simm.s32 $0x8C00;
	[sflag:s19] =	ssyncadd.s32 $0xFFFFE000  }
0x155: {  	[spmem:s2] =	stream.indirect.scatter.add.bf16 [tilespmem:s21], [sflag:$0x1], $0x40, s31, s22, $0xb8;
	[tilespmem:$0x16000] =	vst v63  }
0x156: {  	_ =	swait.ge [sflag:s19], $0x2000  }
0x157: {  	s28 =	simm.s32 $0x400;
	s26 =	simm.s32 $0x80;
	[sflag:s19] =	ssyncset.done $0x0  }
.LBB2_27:
0x158: {  	s29 =	sadd.s32 $0x3C00, s26  }
0x159: {  	[sflag:s19] =	ssyncadd.s32 $0xFFFFE000;
	s30 =	smov.u32 s28;
	s31 =	sadd.s32 $0x200, s28  }
0x15a: {  	[tilespmem:s21], [sflag:$0x1] =	stream.indirect.gather [hbm4b:s5+s22], $0x40, s29, s22, $0xb8;
	[tilespmem:$0x16000] =	vst v63  }
0x15b: {  	p1 =	sne.s32 s28, $0x4E00;
	_ =	swait.ge [sflag:s19], $0x2000  }
.Ltmp17:
0x15c: {  	[sflag:s19] =	ssyncset.done $0x0;
	(pc) =	sbr.rel @p1 .LBB2_27-.Ltmp17, $4  }
0x15d: {  	s26 =	sadd.s32 $0x8C00, s26;
	[sflag:s19] =	ssyncadd.s32 $0xFFFFE000  }
0x15e: {  	[spmem:s2] =	stream.indirect.scatter.add.bf16 [tilespmem:s21], [sflag:$0x1], $0x40, s26, s22, $0xb8;
	[tilespmem:$0x16000] =	vst v63  }
0x15f: {  	_ =	swait.ge [sflag:s19], $0x2000  }
0x160: {  	s28 =	smov.u32 s31;
	s26 =	sshra.s32 s30, $0x2;
	[sflag:s19] =	ssyncset.done $0x0  }
.Ltmp18:
0x161: {  	_ = 	snop;
	(pc) =	sbr.rel .LBB2_28-.Ltmp18, $1  }
0x162: {  	_ =	sdelay $0x3  }
.LBB2_30:
0x163: {  	_ =	sfence.sel $0x180000  }
0x164: {  	[bflag:$0x0] =	sbarrier.arrive $0xFFFF  }
0x165: {  	p0 =	sne.s32 s1, $0x0;
	_ =	strace $0x9000004D  }
0x166: {  	s0 =	sadd.s32 @!p0 $0x100000, s0;
	[bflag:$0x2] =	sbarrier.arrive $0xFFFF  }
0x167: {  	[sflag:s0] =	ssyncadd.tile.s32 @!p0 $0x1;
	_ =	shalt  }
.Lfunc_end2:
_tile_overlayer_lowered:
.L_overlay_start_2:
0x168: {  	(tag) =	ssettag $0x2  }
0x169: {  	s0 =	rddreg [dreg:$0x0];
	s2 =	stileid.u32  }
0x16a: {  	s1 =	rddreg [dreg:$0x1];
	p0 =	sne.s32 s2, $0x0  }
0x16b: {  	s3 =	rddreg [dreg:$0x2];
	[bflag:$0x3] =	sbarrier.arrive $0xFFFF;
	s2 =	simm.s32 @!p0 $0x1C01  }
0x16c: {  	[timem:s3], [sflag:s2] =	dma.local @!p0 [hbm:s0], s1  }
0x16d: {  	s0 =	simm.s32 @!p0 $0x1  }
0x16e: {  	_ =	swait.ge @!p0 [sflag:s0], s1  }
0x16f: {  	s1 =	ssub.s32 @!p0 $0x0, s1;
	[sflag:s0] =	ssyncset.done @!p0 $0x0  }
0x170: {  	[sflag:s0] =	ssyncadd.s32 @!p0 s1  }
0x171: {  	[bflag:$0x3] =	sbarrier.arrive $0xFFFF  }
0x172: {  	_ =	shalt  }

// kernel: kernel.9.cloned.1.call-start
scs
__scs_entry_jumppad:
0x0: {  	(pc) =	sbr.rel $0x88, $3  }
0x1: {  	(tag) =	ssettag $0x0;
	lr =	simm.s32 $0x1  }
0x2: {  	[smem:$0x3F95] =	sst lr;
	_ =	strace $0xD0000000  }
0x3: {  	_ = 	snop  }
0x4: {  	_ = 	snop  }
0x5: {  	_ = 	snop  }
0x6: {  	_ = 	snop  }
0x7: {  	_ = 	snop  }
__scs_overlays_trampoline_lowered:
0x8: {  	[smem:$0x3FA4] =	sst s0  }
0x9: {  	[smem:$0x3FA5] =	sst s1  }
0xa: {  	[smem:$0x3FA6] =	sst s2  }
0xb: {  	[smem:$0x3FA7] =	sst s3  }
0xc: {  	[smem:$0x3FA8] =	sst s4  }
0xd: {  	[smem:$0x3FA9] =	sst s5  }
0xe: {  	[smem:$0x3FAA] =	sst s6  }
0xf: {  	[smem:$0x3FAB] =	sst s7  }
0x10: {  	[smem:$0x3FAC] =	sst s8  }
0x11: {  	[smem:$0x3FAD] =	sst s9;
	s0 =	simm.s32 @!p0 $0x0  }
0x12: {  	s1 =	sld [smem:$0x3F93];
	s0 =	simm.s32 @p0 $0x1  }
0x13: {  	[smem:$0x3FAE] =	sst s0;
	s0 =	simm.s32 @!p1 $0x0  }
0x14: {  	s2 =	sld [smem:$0x3F92];
	s0 =	simm.s32 @p1 $0x1  }
0x15: {  	[smem:$0x3FAF] =	sst s0;
	s0 =	simm.s32 @!p2 $0x0  }
0x16: {  	s3 =	sld [smem:$0x3FDB];
	s0 =	simm.s32 @p2 $0x1  }
0x17: {  	s4 =	simm.s32 $0x1BF5;
	[smem:$0x3FB1] =	sst s0  }
0x18: {  	s0 =	sld [smem:$0x3F94];
	_ =	swait.ge [sflag:s4], $0x0  }
0x19: {  	s7 =	sld [smem:$0x3F95]  }
0x1a: {  	s8 =	sadd.s32 $0xFFFFE003, lr  }
0x1b: {  	s9 =	sadd.s32 $0xFFFFFEF7, lr;
	s5 =	simm.s32 $0xFFFFFFFF;
	p2 =	slt.u32 s8, $0xFFFFF086  }
0x1c: {  	p1 =	slt.u32 s9, $0xF7A;
	s5 =	simm.s32 @!p2 $0x0  }
0x1d: {  	s5 =	simm.s32 @p1 $0x1;
	p0 =	seq.s32 s7, s2  }
0x1e: {  	s7 =	smul.u32 @!p0 $0xF7A, s2;
	p2 =	seq.s32 @!p0 s5, $0x0  }
0x1f: {  	s9 =	smul.u32 $0xF7A, s1;
	s8 =	simm.s32 @!p0 $0x1BF5;
	p2 =	por !p2, p0  }
0x20: {  	[sflag:s8] =	ssyncset.s32 @!p0 $0xFFFFF086;
	s6 =	sadd.s32 @!p0 s3, s7;
	s7 =	simm.s32 @!p0 $0x108  }
0x21: {  	s3 =	sadd.s32 s3, s9;
	s6 =	sadd.s32 @!p0 $0x88, s6;
	s7 =	simm.s32 @p2 $0x1082  }
0x22: {  	[simem:s7], [sflag:s8] =	dma.local @!p0 [hbm:s6], $0xF7A  }
0x23: {  	s9 =	sor.u32 $0xD0000000, s2;
	s6 =	simm.s32 $0x108;
	_ =	swait.ge @!p0 [sflag:s8], $0x0  }
0x24: {  	s3 =	sadd.s32 $0x88, s3;
	s6 =	simm.s32 @!p1 $0x1082;
	[sflag:s4] =	ssyncset.s32 $0xFFFFF086  }
0x25: {  	[simem:s6], [sflag:s4] =	dma.local [hbm:s3], $0xF7A  }
0x26: {  	[smem:$0x3F95] =	sst s1;
	(tag) =	ssettag s2;
	_ =	strace s9  }
0x27: {  	s1 =	sld [smem:$0x3FA5]  }
0x28: {  	s2 =	sld [smem:$0x3FA6]  }
0x29: {  	s4 =	sld [smem:$0x3FA8]  }
0x2a: {  	p0 =	seq.s32 s5, $0x0;
	s5 =	sld [smem:$0x3FA9]  }
0x2b: {  	s6 =	sld [smem:$0x3FAA]  }
0x2c: {  	s7 =	sld [smem:$0x3FAB]  }
0x2d: {  	s3 =	simm.s32 $0x108;
	s8 =	sld [smem:$0x3FAC]  }
0x2e: {  	s3 =	simm.s32 @!p0 $0x1082;
	s9 =	sld [smem:$0x3FAD]  }
0x2f: {  	lr =	sadd.s32 s0, s3;
	s0 =	sld [smem:$0x3FA4]  }
0x30: {  	s3 =	sld [smem:$0x3FA7]  }
0x31: {  	[smem:$0x3FB0] =	sst s10  }
0x32: {  	s10 =	sld [smem:$0x3FAE];
	_ =	sdelay $0x3  }
0x33: {  	p0 =	seq.s32 s10, $0x1;
	s10 =	sld [smem:$0x3FB0];
	_ =	sdelay $0x3  }
0x34: {  	[smem:$0x3FB0] =	sst s10  }
0x35: {  	s10 =	sld [smem:$0x3FAF];
	_ =	sdelay $0x3  }
0x36: {  	p1 =	seq.s32 s10, $0x1;
	s10 =	sld [smem:$0x3FB0];
	_ =	sdelay $0x3  }
0x37: {  	[smem:$0x3FB0] =	sst s10  }
0x38: {  	s10 =	sld [smem:$0x3FB1]  }
0x39: {  	_ = 	snop;
	(pc) =	sbr.ind lr, $3  }
0x3a: {  	_ = 	snop  }
0x3b: {  	_ = 	snop  }
0x3c: {  	p2 =	seq.s32 s10, $0x1;
	s10 =	sld [smem:$0x3FB0]  }
0x3d: {  	_ =	shalt  }
0x3e: {  	_ =	shalt  }
0x3f: {  	_ =	shalt  }
0x40: {  	_ =	shalt  }
0x41: {  	_ =	shalt  }
0x42: {  	_ =	shalt  }
0x43: {  	_ =	shalt  }
0x44: {  	_ =	shalt  }
0x45: {  	_ =	shalt  }
0x46: {  	_ =	shalt  }
0x47: {  	_ =	shalt  }
0x48: {  	_ =	shalt  }
0x49: {  	_ =	shalt  }
0x4a: {  	_ =	shalt  }
0x4b: {  	_ =	shalt  }
0x4c: {  	_ =	shalt  }
0x4d: {  	_ =	shalt  }
0x4e: {  	_ =	shalt  }
0x4f: {  	_ =	shalt  }
0x50: {  	_ =	shalt  }
0x51: {  	_ =	shalt  }
0x52: {  	_ =	shalt  }
0x53: {  	_ =	shalt  }
0x54: {  	_ =	shalt  }
0x55: {  	_ =	shalt  }
0x56: {  	_ =	shalt  }
0x57: {  	_ =	shalt  }
0x58: {  	_ =	shalt  }
0x59: {  	_ =	shalt  }
0x5a: {  	_ =	shalt  }
0x5b: {  	_ =	shalt  }
0x5c: {  	_ =	shalt  }
0x5d: {  	_ =	shalt  }
0x5e: {  	_ =	shalt  }
0x5f: {  	_ =	shalt  }
0x60: {  	_ =	shalt  }
0x61: {  	_ =	shalt  }
0x62: {  	_ =	shalt  }
0x63: {  	_ =	shalt  }
0x64: {  	_ =	shalt  }
0x65: {  	_ =	shalt  }
0x66: {  	_ =	shalt  }
0x67: {  	_ =	shalt  }
0x68: {  	_ =	shalt  }
0x69: {  	_ =	shalt  }
0x6a: {  	_ =	shalt  }
0x6b: {  	_ =	shalt  }
0x6c: {  	_ =	shalt  }
0x6d: {  	_ =	shalt  }
0x6e: {  	_ =	shalt  }
0x6f: {  	_ =	shalt  }
0x70: {  	_ =	shalt  }
0x71: {  	_ =	shalt  }
0x72: {  	_ =	shalt  }
0x73: {  	_ =	shalt  }
0x74: {  	_ =	shalt  }
0x75: {  	_ =	shalt  }
0x76: {  	_ =	shalt  }
0x77: {  	_ =	shalt  }
0x78: {  	_ =	shalt  }
0x79: {  	_ =	shalt  }
0x7a: {  	_ =	shalt  }
0x7b: {  	_ =	shalt  }
0x7c: {  	_ =	shalt  }
0x7d: {  	_ =	shalt  }
0x7e: {  	_ =	shalt  }
0x7f: {  	_ =	shalt  }
0x80: {  	_ =	shalt  }
0x81: {  	_ =	shalt  }
0x82: {  	_ =	shalt  }
0x83: {  	_ =	shalt  }
0x84: {  	_ =	shalt  }
0x85: {  	_ =	shalt  }
0x86: {  	_ =	shalt  }
0x87: {  	_ =	shalt  }
.Lfunc_end0:
.L_simem_size_0:
called_computation_lowered:
.L_overlay_start_0:
0x88: {  	s2 =	sld [smem:$0x3FD9]  }
0x89: {  	s3 =	sld [smem:$0x3FFE];
	_ =	sdelay $0x1  }
0x8a: {  	s1 =	srdreg.scid  }
0x8b: {  	s0 =	sand.u32 $0x1, s1  }
0x8c: {  	s16 =	sshll.u32 s0, $0xA;
	s2 =	sadd.s32 s3, s2  }
0x8d: {  	s2 =	sadd.s32 s2, s16  }
0x8e: {  	[smem:$0x3FBC] =	sst s2  }
0x8f: {  	_ = 	snop  }
0x90: {  	(tm) =	ssettm $0x1  }
0x91: {  	s17 =	sld [smem:$0x3FFB];
	_ =	sdelay $0x3  }
0x92: {  	_ =	strace s17  }
0x93: {  	s2 =	sld [smem:$0x3FFC];
	_ =	sdelay $0x3  }
0x94: {  	_ =	strace s2  }
0x95: {  	s2 =	sld [smem:$0x3FFD];
	_ =	sdelay $0x3  }
0x96: {  	_ =	strace s2  }
0x97: {  	_ =	strace $0x8FFFFFFF  }
0x98: {  	s18 =	sld [smem:$0x3FDB];
	_ =	sdelay $0x1  }
0x99: {  	s19 =	simm.s32 $_scs_section_size  }
0x9a: {  	s4 =	simm.s32 $_size__tile_overlayer_lowered;
	s5 =	simm.s32 $_tile_overlayer_lowered  }
0x9b: {  	s22 =	simm.s32 $0x1BFF;
	s21 =	sshll.u32 s5, $0x1;
	s2 =	sadd.s32 s19, s18  }
0x9c: {  	s6 =	simm.s32 $0x0;
	s20 =	sshll.u32 s4, $0x1;
	s4 =	sadd.s32 s21, s2  }
0x9d: {  	[timem:s6], [sflag:s22] =	dma.local [hbm:s4], s20  }
0x9e: {  	_ =	swait.ge [sflag:s22], s20  }
0x9f: {  	s3 =	ssub.s32 $0x0, s20;
	[sflag:s22] =	ssyncset.done $0x0  }
0xa0: {  	[sflag:s22] =	ssyncadd.s32 s3;
	_ =	sdelay $0x1  }
0xa1: {  	s23 =	simm.s32 $0x1B8B  }
0xa2: {  	_ =	swait.ge [sflag:s23], $0x1  }
0xa3: {  	[sflag:s23] =	ssyncset.done $0x0  }
0xa4: {  	s25 =	simm.s32 $0x1B8E;
	s24 =	sld [smem:$0x3FFE];
	[sflag:s23] =	ssyncadd.s32 $0xFFFFFFFF  }
0xa5: {  	s26 =	simm.s32 $execute0_lowered;
	[smem:$0x3FD2] =	sst s25  }
0xa6: {  	s4 =	sshll.u32 s26, $0x1;
	_ =	strace $0x80000046;
	[dreg:$0x1] =	wrdreg $0xFFFFFFFF  }
0xa7: {  	s28 =	simm.s32 $_size_execute0_lowered;
	s2 =	sadd.s32 s2, s4;
	[dreg:$0x0] =	wrdreg $0x0  }
0xa8: {  	s4 =	sshll.u32 s28, $0x1;
	[dreg:$0x2] =	wrdreg s2  }
0xa9: {  	[dreg:$0x3] =	wrdreg s4  }
0xaa: {  	[dreg:$0x4] =	wrdreg $0xC0  }
0xab: {  	_ =	task [dreg:s6], $0x5FFFF  }
0xac: {  	[dreg:$0x1] =	wrdreg $0xFFFFFFFF  }
0xad: {  	[dreg:$0x0] =	wrdreg $0x60  }
0xae: {  	[dreg:$0x2] =	wrdreg s24  }
0xaf: {  	[dreg:$0x3] =	wrdreg $0x9  }
0xb0: {  	_ =	task.clear_ibuf [dreg:s6], $0x4FFFF;
	_ =	strace $0x90000046  }
0xb1: {  	s29 =	simm.s32 $0x9;
	_ =	strace $0x80000048  }
0xb2: {  	_ =	swait.ge [sflag:s29], $0x1  }
0xb3: {  	[sflag:s29] =	ssyncadd.s32 $0xFFFFFFFF  }
0xb4: {  	_ =	strace $0x90000048  }
0xb5: {  	_ =	sfence  }
0xb6: {  	s30 =	sld [smem:$0x0];
	_ =	sdelay $0x2  }
0xb7: {  	s31 =	sshll.u32 s1, $0xD;
	s1 =	sshrl.u32 s1, $0x2  }
0xb8: {  	s3 =	sand.u32 $0x4000, s31;
	s1 =	sadd.s32 s1, s30  }
0xb9: {  	s0 =	sor.u32 s3, s0;
	s1 =	sshll.u32 s1, $0x11  }
0xba: {  	s0 =	sor.u32 s1, s0  }
0xbb: {  	s0 =	sadd.s32 $0x8F2B, s0  }
0xbc: {  	[sflag:s0] =	ssyncadd.remote.s32 $0x1  }
0xbd: {  	_ =	sfence.sel $0xFFFF  }
0xbe: {  	[dreg:$0x0] =	wrdreg $0xFFFFFFFF;
	(pc) =	sbr.abs _section_cstart, $3  }
0xbf: {  	[dreg:$0x1] =	wrdreg $0xFFFFFFFF  }
0xc0: {  	_ =	task.clear_ibuf [dreg:s6], $0x2FFFF;
	_ =	strace $0x9FFFFFFF  }
0xc1: {  	(tm) =	ssettm $0x7FFFFFFF  }
tec
execute0_lowered:
.L_overlay_start_1:
0x0: {  	(tag) =	ssettag $0x1  }
0x1: {  	s0 =	srdreg.scid  }
0x2: {  	s5 =	rddreg [dreg:$0x0];
	s3 =	sand.u32 $0x1, s0  }
0x3: {  	s0 =	stileid.u32;
	s4 =	smul.u32 $0x50000, s3  }
0x4: {  	s1 =	rddreg [dreg:$0x1];
	s6 =	smul.u32 $0x5000, s0  }
0x5: {  	s2 =	simm.s32 $0x0;
	s9 =	simm.s32 $0x0;
	s7 =	smul.u32 $0x28000, s3  }
0x6: {  	[smem:$0x7FF] =	sst s2;
	s8 =	smul.u32 $0x2800, s0;
	s29 =	ssub.s32 $0x2, s3  }
0x7: {  	_ =	strace $0x80000047;
	s3 =	sadd.s32 $0x18E00, s5;
	s30 =	sshrl.u32 s29, $0x1  }
0x8: {  	s4 =	sadd.s32 s6, s4;
	s28 =	sadd.s32 s8, s7;
	s31 =	ssub.s32 s29, s30  }
0x9: {  	s7 =	simm.s32 $0x1;
	s4 =	sshrl.u32 s4, $0x3;
	s6 =	sshrl.u32 s28, $0x3  }
0xa: {  	s8 =	simm.s32 $0x5000;
	s4 =	sadd.s32 s4, s5;
	s5 =	sadd.s32 s6, s5  }
0xb: {  	v0 =	vimm.f32 $1.000000000e+00;
	s6 =	smax.u32 s31, $0x1;
	s4 =	sadd.s32 $0x4E00, s4;
	s5 =	sadd.s32 $0x19400, s5  }
.LBB2_1:
0xc: {  	[tilespmem:s2], [sflag:$0x1] =	stream.linear.gather [hbm4b:s4+s2], $0x5000, $0x38;
	[tilespmem:$0x7800] =	vst v63  }
0xd: {  	_ =	swait.ge [sflag:s7], $0x5000  }
0xe: {  	[sflag:s7] =	ssyncset.done $0x0  }
0xf: {  	[sflag:s7] =	ssyncadd.s32 $0xFFFFB000  }
0x10: {  	[tilespmem:s8], [sflag:$0x1] =	stream.linear.gather [hbm4b:s3+s2], $0x2800, $0x38;
	[tilespmem:$0x7800] =	vst v63  }
0x11: {  	_ =	swait.ge [sflag:s7], $0x2800  }
0x12: {  	[sflag:s7] =	ssyncset.done $0x0  }
0x13: {  	s10 =	simm.s32 $0xFFFFFFFC;
	s11 =	simm.s32 $0x20;
	[sflag:s7] =	ssyncadd.s32 $0xFFFFD800  }
.LBB2_2:
0x14: {  	v1 =	vld [tilespmem:s11+$0xFFFFFFE0];
	_ =	sdelay $0x7  }
0x15: {  	[tilespmem:v1+s8+$0x0] =	vst.idx.add.f32.msk $0xffff, v0  }
0x16: {  	v1 =	vld [tilespmem:s11+$0xFFFFFFF0];
	_ =	sdelay $0x7  }
0x17: {  	[tilespmem:v1+s8+$0x0] =	vst.idx.add.f32.msk $0xffff, v0  }
0x18: {  	v1 =	vld [tilespmem:s11+$0x0];
	_ =	sdelay $0x7  }
0x19: {  	[tilespmem:v1+s8+$0x0] =	vst.idx.add.f32.msk $0xffff, v0  }
0x1a: {  	v1 =	vld [tilespmem:s11+$0x10];
	_ =	sdelay $0x1  }
0x1b: {  	s10 =	sadd.s32 $0x4, s10  }
0x1c: {  	p0 =	slt.u32 s10, $0x4FC  }
.Ltmp0:
0x1d: {  	_ = 	snop;
	(pc) =	sbr.rel @p0 .LBB2_2-.Ltmp0, $2  }
0x1e: {  	_ =	sdelay $0x2  }
0x1f: {  	s11 =	sadd.s32 $0x40, s11;
	[tilespmem:v1+s8+$0x0] =	vst.idx.add.f32.msk $0xffff, v0  }
0x20: {  	s9 =	sadd.s32 $0x1, s9  }
0x21: {  	p0 =	sne.s32 s9, s6  }
.Ltmp1:
0x22: {  	_ = 	snop;
	(pc) =	sbr.rel @p0 .LBB2_1-.Ltmp1, $4  }
0x23: {  	[hbm4b:s5+s2] =	stream.linear.scatter [tilespmem:s8], [sflag:$0x1], $0x2800, $0x38;
	[tilespmem:$0x7800] =	vst v63  }
0x24: {  	_ =	swait.ge [sflag:s7], $0x2800  }
0x25: {  	[sflag:s7] =	ssyncset.done $0x0  }
0x26: {  	[sflag:s7] =	ssyncadd.s32 $0xFFFFD800  }
0x27: {  	_ =	sfence.sel $0x180000  }
0x28: {  	[bflag:$0x0] =	sbarrier.arrive $0xFFFF  }
0x29: {  	p0 =	sne.s32 s0, $0x0;
	_ =	strace $0x90000047  }
0x2a: {  	s0 =	sadd.s32 @!p0 $0x100000, s1;
	[bflag:$0x2] =	sbarrier.arrive $0xFFFF  }
0x2b: {  	[sflag:s0] =	ssyncadd.tile.s32 @!p0 $0x1;
	_ =	shalt  }
.Lfunc_end2:
_tile_overlayer_lowered:
.L_overlay_start_2:
0x2c: {  	(tag) =	ssettag $0x2  }
0x2d: {  	s0 =	rddreg [dreg:$0x0];
	s2 =	stileid.u32  }
0x2e: {  	s1 =	rddreg [dreg:$0x1];
	p0 =	sne.s32 s2, $0x0  }
0x2f: {  	s3 =	rddreg [dreg:$0x2];
	[bflag:$0x3] =	sbarrier.arrive $0xFFFF;
	s2 =	simm.s32 @!p0 $0x1C01  }
0x30: {  	[timem:s3], [sflag:s2] =	dma.local @!p0 [hbm:s0], s1  }
0x31: {  	s0 =	simm.s32 @!p0 $0x1  }
0x32: {  	_ =	swait.ge @!p0 [sflag:s0], s1  }
0x33: {  	s1 =	ssub.s32 @!p0 $0x0, s1;
	[sflag:s0] =	ssyncset.done @!p0 $0x0  }
0x34: {  	[sflag:s0] =	ssyncadd.s32 @!p0 s1  }
0x35: {  	[bflag:$0x3] =	sbarrier.arrive $0xFFFF  }
0x36: {  	_ =	shalt  }

</sc_bundles>
